<compile_context>
chip_gen: v7x
topology: tpu7x:2x2x1
jax: 0.10.2.dev20260603
libtpu: 0.0.44.dev20260713+nightly
codegen_flags: <defaults>
</compile_context>

<pallas_src>
import functools
import math

import jax
import jax.numpy as jnp
from jax import lax
from jax.experimental import pallas as pl
from jax.experimental.pallas import tpu as pltpu
from jax.experimental.pallas import tpu_sc as plsc

D_MODEL = 128
SCALE = math.sqrt(float(D_MODEL))


def kernel(x, table):
    B0, B1 = x.shape
    V, D = table.shape
    info = plsc.get_sparse_core_info()
    NC, NS, L = info.num_cores, info.num_subcores, info.num_lanes
    NW = NC * NS
    CH = B0 // NW
    NJ = B1
    assert CH * NW == B0 and D % L == 0 and CH <= 128
    assert NJ >= 8 and (NJ - 2) % 4 == 0

    xt = jnp.transpose(x).astype(jnp.int32)
    mesh = plsc.VectorSubcoreMesh(core_axis_name="c", subcore_axis_name="s")

    @functools.partial(
        pl.kernel,
        mesh=mesh,
        out_type=jax.ShapeDtypeStruct((B1, B0, D), jnp.float32),
        scratch_types=[
            pltpu.VMEM((NJ, CH), jnp.int32),
            pltpu.VMEM((4, CH, D), jnp.float32),
            pltpu.SemaphoreType.DMA,
            pltpu.SemaphoreType.DMA,
            pltpu.SemaphoreType.DMA,
            pltpu.SemaphoreType.DMA,
            pltpu.SemaphoreType.DMA,
            pltpu.SemaphoreType.DMA,
            pltpu.SemaphoreType.DMA,
            pltpu.SemaphoreType.DMA,
        ],
    )
    def emb_kernel(xt_hbm, table_hbm, out_hbm, idx_v, rows,
                   g0, g1, g2, g3, s0, s1, s2, s3):
        c = lax.axis_index("c")
        s = lax.axis_index("s")
        wid = s * NC + c
        col0 = wid * CH
        pltpu.sync_copy(xt_hbm.at[:, pl.ds(col0, CH)], idx_v)
        sem_g = (g0, g1, g2, g3)
        sem_s = (s0, s1, s2, s3)

        def g_copy(jj, b):
            return pltpu.make_async_copy(
                table_hbm.at[idx_v.at[jj]], rows.at[b], sem_g[b])

        def s_copy(jj, b):
            return pltpu.make_async_copy(
                rows.at[b], out_hbm.at[jj, pl.ds(col0, CH)], sem_s[b])

        def scale(b):
            @plsc.parallel_loop(0, CH, unroll=4)
            def _(r):
                for t in range(D // 16):
                    sl = pl.ds(t * 16, 16)
                    rows[b, r, sl] = rows[b, r, sl] * SCALE

        g_copy(0, 0).start()
        g_copy(1, 1).start()
        g_copy(0, 0).wait()
        g_copy(2, 2).start()
        scale(0)
        s_copy(0, 0).start()
        g_copy(1, 1).wait()
        g_copy(3, 3).start()
        scale(1)
        s_copy(1, 1).start()

        def quad(p, carry):
            k0 = 4 * p + 2
            for i in range(4):
                k = k0 + i
                s_copy(k - 2, i).wait()
                g_copy(k + 2, i).start()
                g_copy(k, (2 + i) % 4).wait()
                scale((2 + i) % 4)
                s_copy(k, (2 + i) % 4).start()
            return carry
        lax.fori_loop(0, (NJ - 6) // 4, quad, 0)

        for k in (NJ - 4, NJ - 3):
            b = k % 4
            s_copy(k - 2, (k + 2) % 4).wait()
            g_copy(k + 2, (k + 2) % 4).start()
            g_copy(k, b).wait()
            scale(b)
            s_copy(k, b).start()
        for k in (NJ - 2, NJ - 1):
            b = k % 4
            s_copy(k - 2, (k - 2) % 4).wait()
            g_copy(k, b).wait()
            scale(b)
            s_copy(k, b).start()
        s_copy(NJ - 2, (NJ - 2) % 4).wait()
        s_copy(NJ - 1, (NJ - 1) % 4).wait()

    out_t = emb_kernel(xt, table)
    return jnp.transpose(out_t, (1, 0, 2))

# --- scband reference (transcript-rebuilt; emitter-appended) ---
"""Pipeline reference for scband-token-embedding-88029649699670 (READ-ONLY COPY).

The authoritative reference and input builder live on the scoring server;
editing this copy changes nothing except your own understanding.
"""

import jax, jax.numpy as jnp
import numpy as np
import math

VOCAB = 100000
D_MODEL = 128
PADDING_IDX = 0

def setup_inputs(seed: int = 0) -> dict:
    key = jax.random.key(seed)
    k1, k2 = jax.random.split(key)
    x = jax.random.randint(k1, (4096, 50), 0, VOCAB, dtype=jnp.int64 if jax.config.jax_enable_x64 else jnp.int32)
    table = 0.02 * jax.random.normal(k2, (VOCAB, D_MODEL), dtype=jnp.float32)
    table = table.at[PADDING_IDX].set(0.0)
    return {"x": x, "table": table}

def reference(x, table):
    emb = jnp.take(table, x, axis=0)
    return emb * math.sqrt(D_MODEL)

if __name__ == "__main__":
    import jax
    _d = setup_inputs()
    print(jax.jit(kernel)(*tuple(_d.values())))

</pallas_src>

<mosaic_0001>
#map = affine_map<(d0, d1) -> (0, 0)>
#map1 = affine_map<(d0, d1) -> (0, 0, 0)>
module attributes {stable_mosaic.version = 14 : i64} {
  func.func @emb_kernel(%arg0: i32, %arg1: i32, %arg2: memref<50x4096xi32, #tpu.memory_space<hbm>>, %arg3: memref<100000x128xf32, #tpu.memory_space<hbm>>, %arg4: memref<50x4096x128xf32, #tpu.memory_space<hbm>>, %arg5: memref<50x128xi32, #tpu.memory_space<vmem>>, %arg6: memref<4x128x128xf32, #tpu.memory_space<vmem>>, %arg7: memref<!tpu.dma_semaphore, #tpu.memory_space<semaphore_mem>>, %arg8: memref<!tpu.dma_semaphore, #tpu.memory_space<semaphore_mem>>, %arg9: memref<!tpu.dma_semaphore, #tpu.memory_space<semaphore_mem>>, %arg10: memref<!tpu.dma_semaphore, #tpu.memory_space<semaphore_mem>>, %arg11: memref<!tpu.dma_semaphore, #tpu.memory_space<semaphore_mem>>, %arg12: memref<!tpu.dma_semaphore, #tpu.memory_space<semaphore_mem>>, %arg13: memref<!tpu.dma_semaphore, #tpu.memory_space<semaphore_mem>>, %arg14: memref<!tpu.dma_semaphore, #tpu.memory_space<semaphore_mem>>) attributes {dimension_semantics = [#tpu.dimension_semantics<core_parallel>, #tpu.dimension_semantics<subcore_parallel>], iteration_bounds = array<i64: 2, 16>, scalar_prefetch = 0 : i64, scratch_operands = 10 : i64, tpu.core_type = #tpu.core_type<sc_vector_subcore>, window_params = [{transform_indices = #map}, {transform_indices = #map}, {transform_indices = #map1}]} {
    %mul3A = arith.constant 2 : i32
    %mul3A_0 = arith.muli %arg1, %mul3A : i32
    %add3A = arith.addi %mul3A_0, %arg0 : i32
    %mul3A_1 = arith.constant 128 : i32
    %mul3A_2 = arith.muli %add3A, %mul3A_1 : i32
    "tpu.region"() ({
      %run_scoped3A = tpu.sem_alloc : memref<!tpu.dma_semaphore, #tpu.memory_space<semaphore_mem>>
      %dma_start3A_359 = arith.constant 0 : i32
      %dma_start3A_360 = tpu.memref_slice %arg2[%dma_start3A_359, %mul3A_2] : memref<50x4096xi32, #tpu.memory_space<hbm>> -> memref<50x128xi32, #tpu.memory_space<hbm>>
      %dma_start3A_361 = arith.constant 0 : i32
      %dma_start3A_362 = tpu.memref_slice %arg2[%dma_start3A_361, %mul3A_2] : memref<50x4096xi32, #tpu.memory_space<hbm>> -> memref<50x128xi32, #tpu.memory_space<hbm>>
      tpu.enqueue_dma source(%dma_start3A_362 : memref<50x128xi32, #tpu.memory_space<hbm>>) target(%arg5 : memref<50x128xi32, #tpu.memory_space<vmem>>) target_semaphore(%run_scoped3A : memref<!tpu.dma_semaphore, #tpu.memory_space<semaphore_mem>>)
      %dma_wait3A_363 = arith.constant 0 : i32
      %dma_wait3A_364 = tpu.memref_slice %arg2[%dma_wait3A_363, %mul3A_2] : memref<50x4096xi32, #tpu.memory_space<hbm>> -> memref<50x128xi32, #tpu.memory_space<hbm>>
      %dma_wait3A_365 = arith.constant 0 : i32
      %dma_wait3A_366 = tpu.memref_slice %arg2[%dma_wait3A_365, %mul3A_2] : memref<50x4096xi32, #tpu.memory_space<hbm>> -> memref<50x128xi32, #tpu.memory_space<hbm>>
      tpu.wait_dma2 semaphore(%run_scoped3A : memref<!tpu.dma_semaphore, #tpu.memory_space<semaphore_mem>>) src(%dma_wait3A_366 : memref<50x128xi32, #tpu.memory_space<hbm>>) dst(%arg5 : memref<50x128xi32, #tpu.memory_space<vmem>>)
      tpu.yield
    }) : () -> ()
    %dma_start3A = arith.constant 0 : i32
    %dma_start3A_3 = arith.constant 0 : i32
    %dma_start3A_4 = arith.constant 0 : i32
    %dma_start3A_5 = arith.constant 0 : i32
    %dma_start3A_6 = tpu.memref_slice %arg6[%dma_start3A_3, %dma_start3A_4, %dma_start3A_5] : memref<4x128x128xf32, #tpu.memory_space<vmem>> -> memref<1x128x128xf32, #tpu.memory_space<vmem>>
    %dma_start3A_7 = tpu.memref_squeeze %dma_start3A_6 : memref<1x128x128xf32, #tpu.memory_space<vmem>> -> memref<128x128xf32, #tpu.memory_space<vmem>>
    %dma_start3A_8 = arith.constant 0 : i32
    %dma_start3A_9 = tpu.memref_slice %arg5[%dma_start3A, %dma_start3A_8] : memref<50x128xi32, #tpu.memory_space<vmem>> -> memref<1x128xi32, #tpu.memory_space<vmem>>
    %dma_start3A_10 = tpu.memref_squeeze %dma_start3A_9 : memref<1x128xi32, #tpu.memory_space<vmem>> -> memref<128xi32, #tpu.memory_space<vmem>>
    %dma_start3A_11 = arith.constant 0 : i32
    %dma_start3A_12 = arith.constant 0 : i32
    %dma_start3A_13 = tpu.memref_slice %arg3[%dma_start3A_11, %dma_start3A_12] : memref<100000x128xf32, #tpu.memory_space<hbm>> -> memref<100000x128xf32, #tpu.memory_space<hbm>>
    tpu.enqueue_indirect_dma source(%dma_start3A_13 : memref<100000x128xf32, #tpu.memory_space<hbm>>) target(%dma_start3A_7 : memref<128x128xf32, #tpu.memory_space<vmem>>) offsets(%dma_start3A_10 : memref<128xi32, #tpu.memory_space<vmem>>) semaphore(%arg7 : memref<!tpu.dma_semaphore, #tpu.memory_space<semaphore_mem>>)
    %dma_start3A_14 = arith.constant 1 : i32
    %dma_start3A_15 = arith.constant 1 : i32
    %dma_start3A_16 = arith.constant 0 : i32
    %dma_start3A_17 = arith.constant 0 : i32
    %dma_start3A_18 = tpu.memref_slice %arg6[%dma_start3A_15, %dma_start3A_16, %dma_start3A_17] : memref<4x128x128xf32, #tpu.memory_space<vmem>> -> memref<1x128x128xf32, #tpu.memory_space<vmem>>
    %dma_start3A_19 = tpu.memref_squeeze %dma_start3A_18 : memref<1x128x128xf32, #tpu.memory_space<vmem>> -> memref<128x128xf32, #tpu.memory_space<vmem>>
    %dma_start3A_20 = arith.constant 0 : i32
    %dma_start3A_21 = tpu.memref_slice %arg5[%dma_start3A_14, %dma_start3A_20] : memref<50x128xi32, #tpu.memory_space<vmem>> -> memref<1x128xi32, #tpu.memory_space<vmem>>
    %dma_start3A_22 = tpu.memref_squeeze %dma_start3A_21 : memref<1x128xi32, #tpu.memory_space<vmem>> -> memref<128xi32, #tpu.memory_space<vmem>>
    %dma_start3A_23 = arith.constant 0 : i32
    %dma_start3A_24 = arith.constant 0 : i32
    %dma_start3A_25 = tpu.memref_slice %arg3[%dma_start3A_23, %dma_start3A_24] : memref<100000x128xf32, #tpu.memory_space<hbm>> -> memref<100000x128xf32, #tpu.memory_space<hbm>>
    tpu.enqueue_indirect_dma source(%dma_start3A_25 : memref<100000x128xf32, #tpu.memory_space<hbm>>) target(%dma_start3A_19 : memref<128x128xf32, #tpu.memory_space<vmem>>) offsets(%dma_start3A_22 : memref<128xi32, #tpu.memory_space<vmem>>) semaphore(%arg8 : memref<!tpu.dma_semaphore, #tpu.memory_space<semaphore_mem>>)
    %dma_wait3A = arith.constant 0 : i32
    %dma_wait3A_26 = arith.constant 0 : i32
    %dma_wait3A_27 = arith.constant 0 : i32
    %dma_wait3A_28 = arith.constant 0 : i32
    %dma_wait3A_29 = tpu.memref_slice %arg6[%dma_wait3A_26, %dma_wait3A_27, %dma_wait3A_28] : memref<4x128x128xf32, #tpu.memory_space<vmem>> -> memref<1x128x128xf32, #tpu.memory_space<vmem>>
    %dma_wait3A_30 = tpu.memref_squeeze %dma_wait3A_29 : memref<1x128x128xf32, #tpu.memory_space<vmem>> -> memref<128x128xf32, #tpu.memory_space<vmem>>
    %dma_wait3A_31 = arith.constant 0 : i32
    %dma_wait3A_32 = tpu.memref_slice %arg5[%dma_wait3A, %dma_wait3A_31] : memref<50x128xi32, #tpu.memory_space<vmem>> -> memref<1x128xi32, #tpu.memory_space<vmem>>
    %dma_wait3A_33 = tpu.memref_squeeze %dma_wait3A_32 : memref<1x128xi32, #tpu.memory_space<vmem>> -> memref<128xi32, #tpu.memory_space<vmem>>
    %dma_wait3A_34 = arith.constant 0 : i32
    %dma_wait3A_35 = arith.constant 0 : i32
    %dma_wait3A_36 = tpu.memref_slice %arg3[%dma_wait3A_34, %dma_wait3A_35] : memref<100000x128xf32, #tpu.memory_space<hbm>> -> memref<100000x128xf32, #tpu.memory_space<hbm>>
    tpu.wait_indirect_dma semaphore(%arg7 : memref<!tpu.dma_semaphore, #tpu.memory_space<semaphore_mem>>) src(%dma_wait3A_36 : memref<100000x128xf32, #tpu.memory_space<hbm>>) dst(%dma_wait3A_30 : memref<128x128xf32, #tpu.memory_space<vmem>>)
    %dma_start3A_37 = arith.constant 2 : i32
    %dma_start3A_38 = arith.constant 2 : i32
    %dma_start3A_39 = arith.constant 0 : i32
    %dma_start3A_40 = arith.constant 0 : i32
    %dma_start3A_41 = tpu.memref_slice %arg6[%dma_start3A_38, %dma_start3A_39, %dma_start3A_40] : memref<4x128x128xf32, #tpu.memory_space<vmem>> -> memref<1x128x128xf32, #tpu.memory_space<vmem>>
    %dma_start3A_42 = tpu.memref_squeeze %dma_start3A_41 : memref<1x128x128xf32, #tpu.memory_space<vmem>> -> memref<128x128xf32, #tpu.memory_space<vmem>>
    %dma_start3A_43 = arith.constant 0 : i32
    %dma_start3A_44 = tpu.memref_slice %arg5[%dma_start3A_37, %dma_start3A_43] : memref<50x128xi32, #tpu.memory_space<vmem>> -> memref<1x128xi32, #tpu.memory_space<vmem>>
    %dma_start3A_45 = tpu.memref_squeeze %dma_start3A_44 : memref<1x128xi32, #tpu.memory_space<vmem>> -> memref<128xi32, #tpu.memory_space<vmem>>
    %dma_start3A_46 = arith.constant 0 : i32
    %dma_start3A_47 = arith.constant 0 : i32
    %dma_start3A_48 = tpu.memref_slice %arg3[%dma_start3A_46, %dma_start3A_47] : memref<100000x128xf32, #tpu.memory_space<hbm>> -> memref<100000x128xf32, #tpu.memory_space<hbm>>
    tpu.enqueue_indirect_dma source(%dma_start3A_48 : memref<100000x128xf32, #tpu.memory_space<hbm>>) target(%dma_start3A_42 : memref<128x128xf32, #tpu.memory_space<vmem>>) offsets(%dma_start3A_45 : memref<128xi32, #tpu.memory_space<vmem>>) semaphore(%arg9 : memref<!tpu.dma_semaphore, #tpu.memory_space<semaphore_mem>>)
    %parallel_loop3A = arith.constant 0 : i32
    %parallel_loop3A_49 = arith.constant 128 : i32
    %parallel_loop3A_50 = arith.constant 1 : i32
    scf.for %parallel_loop3A_359 = %parallel_loop3A to %parallel_loop3A_49 step %parallel_loop3A_50  : i32 {
      %parallel_loop3A_360 = arith.constant 0 : i32
      %parallel_loop3A_361 = arith.index_cast %parallel_loop3A_360 : i32 to index
      %parallel_loop3A_362 = arith.index_cast %parallel_loop3A_359 : i32 to index
      %parallel_loop3A_363 = arith.constant 0 : index
      %parallel_loop3A_364 = tpu.vector_load %arg6[%parallel_loop3A_361, %parallel_loop3A_362, %parallel_loop3A_363] {strides = array<i32>} : memref<4x128x128xf32, #tpu.memory_space<vmem>>, vector<1x1x16xf32>,
      %parallel_loop3A_365 = vector.shape_cast %parallel_loop3A_364 : vector<1x1x16xf32> to vector<16xf32>
      %parallel_loop3A_366 = arith.constant 11.3137083 : f32
      %parallel_loop3A_367 = vector.broadcast %parallel_loop3A_366 : f32 to vector<16xf32>
      %parallel_loop3A_368 = arith.mulf %parallel_loop3A_365, %parallel_loop3A_367 : vector<16xf32>
      %parallel_loop3A_369 = arith.constant 0 : i32
      %parallel_loop3A_370 = arith.index_cast %parallel_loop3A_369 : i32 to index
      %parallel_loop3A_371 = arith.index_cast %parallel_loop3A_359 : i32 to index
      %parallel_loop3A_372 = arith.constant 0 : index
      %parallel_loop3A_373 = tpu.vector_load %arg6[%parallel_loop3A_370, %parallel_loop3A_371, %parallel_loop3A_372] {strides = array<i32>} : memref<4x128x128xf32, #tpu.memory_space<vmem>>, vector<1x1x16xf32>,
      %parallel_loop3A_374 = vector.shape_cast %parallel_loop3A_373 : vector<1x1x16xf32> to vector<16xf32>
      %parallel_loop3A_375 = vector.shape_cast %parallel_loop3A_368 : vector<16xf32> to vector<1x1x16xf32>
      tpu.vector_store %arg6[%parallel_loop3A_370, %parallel_loop3A_371, %parallel_loop3A_372], %parallel_loop3A_375 {strides = array<i32>} : memref<4x128x128xf32, #tpu.memory_space<vmem>>, vector<1x1x16xf32>,
      %parallel_loop3A_376 = arith.constant 0 : i32
      %parallel_loop3A_377 = arith.index_cast %parallel_loop3A_376 : i32 to index
      %parallel_loop3A_378 = arith.index_cast %parallel_loop3A_359 : i32 to index
      %parallel_loop3A_379 = arith.constant 16 : index
      %parallel_loop3A_380 = tpu.vector_load %arg6[%parallel_loop3A_377, %parallel_loop3A_378, %parallel_loop3A_379] {strides = array<i32>} : memref<4x128x128xf32, #tpu.memory_space<vmem>>, vector<1x1x16xf32>,
      %parallel_loop3A_381 = vector.shape_cast %parallel_loop3A_380 : vector<1x1x16xf32> to vector<16xf32>
      %parallel_loop3A_382 = arith.constant 11.3137083 : f32
      %parallel_loop3A_383 = vector.broadcast %parallel_loop3A_382 : f32 to vector<16xf32>
      %parallel_loop3A_384 = arith.mulf %parallel_loop3A_381, %parallel_loop3A_383 : vector<16xf32>
      %parallel_loop3A_385 = arith.constant 0 : i32
      %parallel_loop3A_386 = arith.index_cast %parallel_loop3A_385 : i32 to index
      %parallel_loop3A_387 = arith.index_cast %parallel_loop3A_359 : i32 to index
      %parallel_loop3A_388 = arith.constant 16 : index
      %parallel_loop3A_389 = tpu.vector_load %arg6[%parallel_loop3A_386, %parallel_loop3A_387, %parallel_loop3A_388] {strides = array<i32>} : memref<4x128x128xf32, #tpu.memory_space<vmem>>, vector<1x1x16xf32>,
      %parallel_loop3A_390 = vector.shape_cast %parallel_loop3A_389 : vector<1x1x16xf32> to vector<16xf32>
      %parallel_loop3A_391 = vector.shape_cast %parallel_loop3A_384 : vector<16xf32> to vector<1x1x16xf32>
      tpu.vector_store %arg6[%parallel_loop3A_386, %parallel_loop3A_387, %parallel_loop3A_388], %parallel_loop3A_391 {strides = array<i32>} : memref<4x128x128xf32, #tpu.memory_space<vmem>>, vector<1x1x16xf32>,
      %parallel_loop3A_392 = arith.constant 0 : i32
      %parallel_loop3A_393 = arith.index_cast %parallel_loop3A_392 : i32 to index
      %parallel_loop3A_394 = arith.index_cast %parallel_loop3A_359 : i32 to index
      %parallel_loop3A_395 = arith.constant 32 : index
      %parallel_loop3A_396 = tpu.vector_load %arg6[%parallel_loop3A_393, %parallel_loop3A_394, %parallel_loop3A_395] {strides = array<i32>} : memref<4x128x128xf32, #tpu.memory_space<vmem>>, vector<1x1x16xf32>,
      %parallel_loop3A_397 = vector.shape_cast %parallel_loop3A_396 : vector<1x1x16xf32> to vector<16xf32>
      %parallel_loop3A_398 = arith.constant 11.3137083 : f32
      %parallel_loop3A_399 = vector.broadcast %parallel_loop3A_398 : f32 to vector<16xf32>
      %parallel_loop3A_400 = arith.mulf %parallel_loop3A_397, %parallel_loop3A_399 : vector<16xf32>
      %parallel_loop3A_401 = arith.constant 0 : i32
      %parallel_loop3A_402 = arith.index_cast %parallel_loop3A_401 : i32 to index
      %parallel_loop3A_403 = arith.index_cast %parallel_loop3A_359 : i32 to index
      %parallel_loop3A_404 = arith.constant 32 : index
      %parallel_loop3A_405 = tpu.vector_load %arg6[%parallel_loop3A_402, %parallel_loop3A_403, %parallel_loop3A_404] {strides = array<i32>} : memref<4x128x128xf32, #tpu.memory_space<vmem>>, vector<1x1x16xf32>,
      %parallel_loop3A_406 = vector.shape_cast %parallel_loop3A_405 : vector<1x1x16xf32> to vector<16xf32>
      %parallel_loop3A_407 = vector.shape_cast %parallel_loop3A_400 : vector<16xf32> to vector<1x1x16xf32>
      tpu.vector_store %arg6[%parallel_loop3A_402, %parallel_loop3A_403, %parallel_loop3A_404], %parallel_loop3A_407 {strides = array<i32>} : memref<4x128x128xf32, #tpu.memory_space<vmem>>, vector<1x1x16xf32>,
      %parallel_loop3A_408 = arith.constant 0 : i32
      %parallel_loop3A_409 = arith.index_cast %parallel_loop3A_408 : i32 to index
      %parallel_loop3A_410 = arith.index_cast %parallel_loop3A_359 : i32 to index
      %parallel_loop3A_411 = arith.constant 48 : index
      %parallel_loop3A_412 = tpu.vector_load %arg6[%parallel_loop3A_409, %parallel_loop3A_410, %parallel_loop3A_411] {strides = array<i32>} : memref<4x128x128xf32, #tpu.memory_space<vmem>>, vector<1x1x16xf32>,
      %parallel_loop3A_413 = vector.shape_cast %parallel_loop3A_412 : vector<1x1x16xf32> to vector<16xf32>
      %parallel_loop3A_414 = arith.constant 11.3137083 : f32
      %parallel_loop3A_415 = vector.broadcast %parallel_loop3A_414 : f32 to vector<16xf32>
      %parallel_loop3A_416 = arith.mulf %parallel_loop3A_413, %parallel_loop3A_415 : vector<16xf32>
      %parallel_loop3A_417 = arith.constant 0 : i32
      %parallel_loop3A_418 = arith.index_cast %parallel_loop3A_417 : i32 to index
      %parallel_loop3A_419 = arith.index_cast %parallel_loop3A_359 : i32 to index
      %parallel_loop3A_420 = arith.constant 48 : index
      %parallel_loop3A_421 = tpu.vector_load %arg6[%parallel_loop3A_418, %parallel_loop3A_419, %parallel_loop3A_420] {strides = array<i32>} : memref<4x128x128xf32, #tpu.memory_space<vmem>>, vector<1x1x16xf32>,
      %parallel_loop3A_422 = vector.shape_cast %parallel_loop3A_421 : vector<1x1x16xf32> to vector<16xf32>
      %parallel_loop3A_423 = vector.shape_cast %parallel_loop3A_416 : vector<16xf32> to vector<1x1x16xf32>
      tpu.vector_store %arg6[%parallel_loop3A_418, %parallel_loop3A_419, %parallel_loop3A_420], %parallel_loop3A_423 {strides = array<i32>} : memref<4x128x128xf32, #tpu.memory_space<vmem>>, vector<1x1x16xf32>,
      %parallel_loop3A_424 = arith.constant 0 : i32
      %parallel_loop3A_425 = arith.index_cast %parallel_loop3A_424 : i32 to index
      %parallel_loop3A_426 = arith.index_cast %parallel_loop3A_359 : i32 to index
      %parallel_loop3A_427 = arith.constant 64 : index
      %parallel_loop3A_428 = tpu.vector_load %arg6[%parallel_loop3A_425, %parallel_loop3A_426, %parallel_loop3A_427] {strides = array<i32>} : memref<4x128x128xf32, #tpu.memory_space<vmem>>, vector<1x1x16xf32>,
      %parallel_loop3A_429 = vector.shape_cast %parallel_loop3A_428 : vector<1x1x16xf32> to vector<16xf32>
      %parallel_loop3A_430 = arith.constant 11.3137083 : f32
      %parallel_loop3A_431 = vector.broadcast %parallel_loop3A_430 : f32 to vector<16xf32>
      %parallel_loop3A_432 = arith.mulf %parallel_loop3A_429, %parallel_loop3A_431 : vector<16xf32>
      %parallel_loop3A_433 = arith.constant 0 : i32
      %parallel_loop3A_434 = arith.index_cast %parallel_loop3A_433 : i32 to index
      %parallel_loop3A_435 = arith.index_cast %parallel_loop3A_359 : i32 to index
      %parallel_loop3A_436 = arith.constant 64 : index
      %parallel_loop3A_437 = tpu.vector_load %arg6[%parallel_loop3A_434, %parallel_loop3A_435, %parallel_loop3A_436] {strides = array<i32>} : memref<4x128x128xf32, #tpu.memory_space<vmem>>, vector<1x1x16xf32>,
      %parallel_loop3A_438 = vector.shape_cast %parallel_loop3A_437 : vector<1x1x16xf32> to vector<16xf32>
      %parallel_loop3A_439 = vector.shape_cast %parallel_loop3A_432 : vector<16xf32> to vector<1x1x16xf32>
      tpu.vector_store %arg6[%parallel_loop3A_434, %parallel_loop3A_435, %parallel_loop3A_436], %parallel_loop3A_439 {strides = array<i32>} : memref<4x128x128xf32, #tpu.memory_space<vmem>>, vector<1x1x16xf32>,
      %parallel_loop3A_440 = arith.constant 0 : i32
      %parallel_loop3A_441 = arith.index_cast %parallel_loop3A_440 : i32 to index
      %parallel_loop3A_442 = arith.index_cast %parallel_loop3A_359 : i32 to index
      %parallel_loop3A_443 = arith.constant 80 : index
      %parallel_loop3A_444 = tpu.vector_load %arg6[%parallel_loop3A_441, %parallel_loop3A_442, %parallel_loop3A_443] {strides = array<i32>} : memref<4x128x128xf32, #tpu.memory_space<vmem>>, vector<1x1x16xf32>,
      %parallel_loop3A_445 = vector.shape_cast %parallel_loop3A_444 : vector<1x1x16xf32> to vector<16xf32>
      %parallel_loop3A_446 = arith.constant 11.3137083 : f32
      %parallel_loop3A_447 = vector.broadcast %parallel_loop3A_446 : f32 to vector<16xf32>
      %parallel_loop3A_448 = arith.mulf %parallel_loop3A_445, %parallel_loop3A_447 : vector<16xf32>
      %parallel_loop3A_449 = arith.constant 0 : i32
      %parallel_loop3A_450 = arith.index_cast %parallel_loop3A_449 : i32 to index
      %parallel_loop3A_451 = arith.index_cast %parallel_loop3A_359 : i32 to index
      %parallel_loop3A_452 = arith.constant 80 : index
      %parallel_loop3A_453 = tpu.vector_load %arg6[%parallel_loop3A_450, %parallel_loop3A_451, %parallel_loop3A_452] {strides = array<i32>} : memref<4x128x128xf32, #tpu.memory_space<vmem>>, vector<1x1x16xf32>,
      %parallel_loop3A_454 = vector.shape_cast %parallel_loop3A_453 : vector<1x1x16xf32> to vector<16xf32>
      %parallel_loop3A_455 = vector.shape_cast %parallel_loop3A_448 : vector<16xf32> to vector<1x1x16xf32>
      tpu.vector_store %arg6[%parallel_loop3A_450, %parallel_loop3A_451, %parallel_loop3A_452], %parallel_loop3A_455 {strides = array<i32>} : memref<4x128x128xf32, #tpu.memory_space<vmem>>, vector<1x1x16xf32>,
      %parallel_loop3A_456 = arith.constant 0 : i32
      %parallel_loop3A_457 = arith.index_cast %parallel_loop3A_456 : i32 to index
      %parallel_loop3A_458 = arith.index_cast %parallel_loop3A_359 : i32 to index
      %parallel_loop3A_459 = arith.constant 96 : index
      %parallel_loop3A_460 = tpu.vector_load %arg6[%parallel_loop3A_457, %parallel_loop3A_458, %parallel_loop3A_459] {strides = array<i32>} : memref<4x128x128xf32, #tpu.memory_space<vmem>>, vector<1x1x16xf32>,
      %parallel_loop3A_461 = vector.shape_cast %parallel_loop3A_460 : vector<1x1x16xf32> to vector<16xf32>
      %parallel_loop3A_462 = arith.constant 11.3137083 : f32
      %parallel_loop3A_463 = vector.broadcast %parallel_loop3A_462 : f32 to vector<16xf32>
      %parallel_loop3A_464 = arith.mulf %parallel_loop3A_461, %parallel_loop3A_463 : vector<16xf32>
      %parallel_loop3A_465 = arith.constant 0 : i32
      %parallel_loop3A_466 = arith.index_cast %parallel_loop3A_465 : i32 to index
      %parallel_loop3A_467 = arith.index_cast %parallel_loop3A_359 : i32 to index
      %parallel_loop3A_468 = arith.constant 96 : index
      %parallel_loop3A_469 = tpu.vector_load %arg6[%parallel_loop3A_466, %parallel_loop3A_467, %parallel_loop3A_468] {strides = array<i32>} : memref<4x128x128xf32, #tpu.memory_space<vmem>>, vector<1x1x16xf32>,
      %parallel_loop3A_470 = vector.shape_cast %parallel_loop3A_469 : vector<1x1x16xf32> to vector<16xf32>
      %parallel_loop3A_471 = vector.shape_cast %parallel_loop3A_464 : vector<16xf32> to vector<1x1x16xf32>
      tpu.vector_store %arg6[%parallel_loop3A_466, %parallel_loop3A_467, %parallel_loop3A_468], %parallel_loop3A_471 {strides = array<i32>} : memref<4x128x128xf32, #tpu.memory_space<vmem>>, vector<1x1x16xf32>,
      %parallel_loop3A_472 = arith.constant 0 : i32
      %parallel_loop3A_473 = arith.index_cast %parallel_loop3A_472 : i32 to index
      %parallel_loop3A_474 = arith.index_cast %parallel_loop3A_359 : i32 to index
      %parallel_loop3A_475 = arith.constant 112 : index
      %parallel_loop3A_476 = tpu.vector_load %arg6[%parallel_loop3A_473, %parallel_loop3A_474, %parallel_loop3A_475] {strides = array<i32>} : memref<4x128x128xf32, #tpu.memory_space<vmem>>, vector<1x1x16xf32>,
      %parallel_loop3A_477 = vector.shape_cast %parallel_loop3A_476 : vector<1x1x16xf32> to vector<16xf32>
      %parallel_loop3A_478 = arith.constant 11.3137083 : f32
      %parallel_loop3A_479 = vector.broadcast %parallel_loop3A_478 : f32 to vector<16xf32>
      %parallel_loop3A_480 = arith.mulf %parallel_loop3A_477, %parallel_loop3A_479 : vector<16xf32>
      %parallel_loop3A_481 = arith.constant 0 : i32
      %parallel_loop3A_482 = arith.index_cast %parallel_loop3A_481 : i32 to index
      %parallel_loop3A_483 = arith.index_cast %parallel_loop3A_359 : i32 to index
      %parallel_loop3A_484 = arith.constant 112 : index
      %parallel_loop3A_485 = tpu.vector_load %arg6[%parallel_loop3A_482, %parallel_loop3A_483, %parallel_loop3A_484] {strides = array<i32>} : memref<4x128x128xf32, #tpu.memory_space<vmem>>, vector<1x1x16xf32>,
      %parallel_loop3A_486 = vector.shape_cast %parallel_loop3A_485 : vector<1x1x16xf32> to vector<16xf32>
      %parallel_loop3A_487 = vector.shape_cast %parallel_loop3A_480 : vector<16xf32> to vector<1x1x16xf32>
      tpu.vector_store %arg6[%parallel_loop3A_482, %parallel_loop3A_483, %parallel_loop3A_484], %parallel_loop3A_487 {strides = array<i32>} : memref<4x128x128xf32, #tpu.memory_space<vmem>>, vector<1x1x16xf32>,
    } {sc.loop_unroll_factor = 4 : i64, sc.parallel_access}
    %dma_start3A_51 = arith.constant 0 : i32
    %dma_start3A_52 = arith.constant 0 : i32
    %dma_start3A_53 = arith.constant 0 : i32
    %dma_start3A_54 = arith.constant 0 : i32
    %dma_start3A_55 = tpu.memref_slice %arg6[%dma_start3A_51, %dma_start3A_53, %dma_start3A_54] : memref<4x128x128xf32, #tpu.memory_space<vmem>> -> memref<1x128x128xf32, #tpu.memory_space<vmem>>
    %dma_start3A_56 = tpu.memref_squeeze %dma_start3A_55 : memref<1x128x128xf32, #tpu.memory_space<vmem>> -> memref<128x128xf32, #tpu.memory_space<vmem>>
    %dma_start3A_57 = arith.constant 0 : i32
    %dma_start3A_58 = tpu.memref_slice %arg4[%dma_start3A_52, %mul3A_2, %dma_start3A_57] : memref<50x4096x128xf32, #tpu.memory_space<hbm>> -> memref<1x128x128xf32, #tpu.memory_space<hbm>>
    %dma_start3A_59 = tpu.memref_squeeze %dma_start3A_58 : memref<1x128x128xf32, #tpu.memory_space<hbm>> -> memref<128x128xf32, #tpu.memory_space<hbm>>
    %dma_start3A_60 = arith.constant 0 : i32
    %dma_start3A_61 = tpu.memref_slice %arg4[%dma_start3A_52, %mul3A_2, %dma_start3A_60] : memref<50x4096x128xf32, #tpu.memory_space<hbm>> -> memref<1x128x128xf32, #tpu.memory_space<hbm>>
    %dma_start3A_62 = tpu.memref_squeeze %dma_start3A_61 : memref<1x128x128xf32, #tpu.memory_space<hbm>> -> memref<128x128xf32, #tpu.memory_space<hbm>>
    %dma_start3A_63 = arith.constant 0 : i32
    %dma_start3A_64 = arith.constant 0 : i32
    %dma_start3A_65 = tpu.memref_slice %arg6[%dma_start3A_51, %dma_start3A_63, %dma_start3A_64] : memref<4x128x128xf32, #tpu.memory_space<vmem>> -> memref<1x128x128xf32, #tpu.memory_space<vmem>>
    %dma_start3A_66 = tpu.memref_squeeze %dma_start3A_65 : memref<1x128x128xf32, #tpu.memory_space<vmem>> -> memref<128x128xf32, #tpu.memory_space<vmem>>
    tpu.enqueue_dma source(%dma_start3A_66 : memref<128x128xf32, #tpu.memory_space<vmem>>) target(%dma_start3A_62 : memref<128x128xf32, #tpu.memory_space<hbm>>) target_semaphore(%arg11 : memref<!tpu.dma_semaphore, #tpu.memory_space<semaphore_mem>>)
    %dma_wait3A_67 = arith.constant 1 : i32
    %dma_wait3A_68 = arith.constant 1 : i32
    %dma_wait3A_69 = arith.constant 0 : i32
    %dma_wait3A_70 = arith.constant 0 : i32
    %dma_wait3A_71 = tpu.memref_slice %arg6[%dma_wait3A_68, %dma_wait3A_69, %dma_wait3A_70] : memref<4x128x128xf32, #tpu.memory_space<vmem>> -> memref<1x128x128xf32, #tpu.memory_space<vmem>>
    %dma_wait3A_72 = tpu.memref_squeeze %dma_wait3A_71 : memref<1x128x128xf32, #tpu.memory_space<vmem>> -> memref<128x128xf32, #tpu.memory_space<vmem>>
    %dma_wait3A_73 = arith.constant 0 : i32
    %dma_wait3A_74 = tpu.memref_slice %arg5[%dma_wait3A_67, %dma_wait3A_73] : memref<50x128xi32, #tpu.memory_space<vmem>> -> memref<1x128xi32, #tpu.memory_space<vmem>>
    %dma_wait3A_75 = tpu.memref_squeeze %dma_wait3A_74 : memref<1x128xi32, #tpu.memory_space<vmem>> -> memref<128xi32, #tpu.memory_space<vmem>>
    %dma_wait3A_76 = arith.constant 0 : i32
    %dma_wait3A_77 = arith.constant 0 : i32
    %dma_wait3A_78 = tpu.memref_slice %arg3[%dma_wait3A_76, %dma_wait3A_77] : memref<100000x128xf32, #tpu.memory_space<hbm>> -> memref<100000x128xf32, #tpu.memory_space<hbm>>
    tpu.wait_indirect_dma semaphore(%arg8 : memref<!tpu.dma_semaphore, #tpu.memory_space<semaphore_mem>>) src(%dma_wait3A_78 : memref<100000x128xf32, #tpu.memory_space<hbm>>) dst(%dma_wait3A_72 : memref<128x128xf32, #tpu.memory_space<vmem>>)
    %dma_start3A_79 = arith.constant 3 : i32
    %dma_start3A_80 = arith.constant 3 : i32
    %dma_start3A_81 = arith.constant 0 : i32
    %dma_start3A_82 = arith.constant 0 : i32
    %dma_start3A_83 = tpu.memref_slice %arg6[%dma_start3A_80, %dma_start3A_81, %dma_start3A_82] : memref<4x128x128xf32, #tpu.memory_space<vmem>> -> memref<1x128x128xf32, #tpu.memory_space<vmem>>
    %dma_start3A_84 = tpu.memref_squeeze %dma_start3A_83 : memref<1x128x128xf32, #tpu.memory_space<vmem>> -> memref<128x128xf32, #tpu.memory_space<vmem>>
    %dma_start3A_85 = arith.constant 0 : i32
    %dma_start3A_86 = tpu.memref_slice %arg5[%dma_start3A_79, %dma_start3A_85] : memref<50x128xi32, #tpu.memory_space<vmem>> -> memref<1x128xi32, #tpu.memory_space<vmem>>
    %dma_start3A_87 = tpu.memref_squeeze %dma_start3A_86 : memref<1x128xi32, #tpu.memory_space<vmem>> -> memref<128xi32, #tpu.memory_space<vmem>>
    %dma_start3A_88 = arith.constant 0 : i32
    %dma_start3A_89 = arith.constant 0 : i32
    %dma_start3A_90 = tpu.memref_slice %arg3[%dma_start3A_88, %dma_start3A_89] : memref<100000x128xf32, #tpu.memory_space<hbm>> -> memref<100000x128xf32, #tpu.memory_space<hbm>>
    tpu.enqueue_indirect_dma source(%dma_start3A_90 : memref<100000x128xf32, #tpu.memory_space<hbm>>) target(%dma_start3A_84 : memref<128x128xf32, #tpu.memory_space<vmem>>) offsets(%dma_start3A_87 : memref<128xi32, #tpu.memory_space<vmem>>) semaphore(%arg10 : memref<!tpu.dma_semaphore, #tpu.memory_space<semaphore_mem>>)
    %parallel_loop3A_91 = arith.constant 0 : i32
    %parallel_loop3A_92 = arith.constant 128 : i32
    %parallel_loop3A_93 = arith.constant 1 : i32
    scf.for %parallel_loop3A_359 = %parallel_loop3A_91 to %parallel_loop3A_92 step %parallel_loop3A_93  : i32 {
      %parallel_loop3A_360 = arith.constant 1 : i32
      %parallel_loop3A_361 = arith.index_cast %parallel_loop3A_360 : i32 to index
      %parallel_loop3A_362 = arith.index_cast %parallel_loop3A_359 : i32 to index
      %parallel_loop3A_363 = arith.constant 0 : index
      %parallel_loop3A_364 = tpu.vector_load %arg6[%parallel_loop3A_361, %parallel_loop3A_362, %parallel_loop3A_363] {strides = array<i32>} : memref<4x128x128xf32, #tpu.memory_space<vmem>>, vector<1x1x16xf32>,
      %parallel_loop3A_365 = vector.shape_cast %parallel_loop3A_364 : vector<1x1x16xf32> to vector<16xf32>
      %parallel_loop3A_366 = arith.constant 11.3137083 : f32
      %parallel_loop3A_367 = vector.broadcast %parallel_loop3A_366 : f32 to vector<16xf32>
      %parallel_loop3A_368 = arith.mulf %parallel_loop3A_365, %parallel_loop3A_367 : vector<16xf32>
      %parallel_loop3A_369 = arith.constant 1 : i32
      %parallel_loop3A_370 = arith.index_cast %parallel_loop3A_369 : i32 to index
      %parallel_loop3A_371 = arith.index_cast %parallel_loop3A_359 : i32 to index
      %parallel_loop3A_372 = arith.constant 0 : index
      %parallel_loop3A_373 = tpu.vector_load %arg6[%parallel_loop3A_370, %parallel_loop3A_371, %parallel_loop3A_372] {strides = array<i32>} : memref<4x128x128xf32, #tpu.memory_space<vmem>>, vector<1x1x16xf32>,
      %parallel_loop3A_374 = vector.shape_cast %parallel_loop3A_373 : vector<1x1x16xf32> to vector<16xf32>
      %parallel_loop3A_375 = vector.shape_cast %parallel_loop3A_368 : vector<16xf32> to vector<1x1x16xf32>
      tpu.vector_store %arg6[%parallel_loop3A_370, %parallel_loop3A_371, %parallel_loop3A_372], %parallel_loop3A_375 {strides = array<i32>} : memref<4x128x128xf32, #tpu.memory_space<vmem>>, vector<1x1x16xf32>,
      %parallel_loop3A_376 = arith.constant 1 : i32
      %parallel_loop3A_377 = arith.index_cast %parallel_loop3A_376 : i32 to index
      %parallel_loop3A_378 = arith.index_cast %parallel_loop3A_359 : i32 to index
      %parallel_loop3A_379 = arith.constant 16 : index
      %parallel_loop3A_380 = tpu.vector_load %arg6[%parallel_loop3A_377, %parallel_loop3A_378, %parallel_loop3A_379] {strides = array<i32>} : memref<4x128x128xf32, #tpu.memory_space<vmem>>, vector<1x1x16xf32>,
      %parallel_loop3A_381 = vector.shape_cast %parallel_loop3A_380 : vector<1x1x16xf32> to vector<16xf32>
      %parallel_loop3A_382 = arith.constant 11.3137083 : f32
      %parallel_loop3A_383 = vector.broadcast %parallel_loop3A_382 : f32 to vector<16xf32>
      %parallel_loop3A_384 = arith.mulf %parallel_loop3A_381, %parallel_loop3A_383 : vector<16xf32>
      %parallel_loop3A_385 = arith.constant 1 : i32
      %parallel_loop3A_386 = arith.index_cast %parallel_loop3A_385 : i32 to index
      %parallel_loop3A_387 = arith.index_cast %parallel_loop3A_359 : i32 to index
      %parallel_loop3A_388 = arith.constant 16 : index
      %parallel_loop3A_389 = tpu.vector_load %arg6[%parallel_loop3A_386, %parallel_loop3A_387, %parallel_loop3A_388] {strides = array<i32>} : memref<4x128x128xf32, #tpu.memory_space<vmem>>, vector<1x1x16xf32>,
      %parallel_loop3A_390 = vector.shape_cast %parallel_loop3A_389 : vector<1x1x16xf32> to vector<16xf32>
      %parallel_loop3A_391 = vector.shape_cast %parallel_loop3A_384 : vector<16xf32> to vector<1x1x16xf32>
      tpu.vector_store %arg6[%parallel_loop3A_386, %parallel_loop3A_387, %parallel_loop3A_388], %parallel_loop3A_391 {strides = array<i32>} : memref<4x128x128xf32, #tpu.memory_space<vmem>>, vector<1x1x16xf32>,
      %parallel_loop3A_392 = arith.constant 1 : i32
      %parallel_loop3A_393 = arith.index_cast %parallel_loop3A_392 : i32 to index
      %parallel_loop3A_394 = arith.index_cast %parallel_loop3A_359 : i32 to index
      %parallel_loop3A_395 = arith.constant 32 : index
      %parallel_loop3A_396 = tpu.vector_load %arg6[%parallel_loop3A_393, %parallel_loop3A_394, %parallel_loop3A_395] {strides = array<i32>} : memref<4x128x128xf32, #tpu.memory_space<vmem>>, vector<1x1x16xf32>,
      %parallel_loop3A_397 = vector.shape_cast %parallel_loop3A_396 : vector<1x1x16xf32> to vector<16xf32>
      %parallel_loop3A_398 = arith.constant 11.3137083 : f32
      %parallel_loop3A_399 = vector.broadcast %parallel_loop3A_398 : f32 to vector<16xf32>
      %parallel_loop3A_400 = arith.mulf %parallel_loop3A_397, %parallel_loop3A_399 : vector<16xf32>
      %parallel_loop3A_401 = arith.constant 1 : i32
      %parallel_loop3A_402 = arith.index_cast %parallel_loop3A_401 : i32 to index
      %parallel_loop3A_403 = arith.index_cast %parallel_loop3A_359 : i32 to index
      %parallel_loop3A_404 = arith.constant 32 : index
      %parallel_loop3A_405 = tpu.vector_load %arg6[%parallel_loop3A_402, %parallel_loop3A_403, %parallel_loop3A_404] {strides = array<i32>} : memref<4x128x128xf32, #tpu.memory_space<vmem>>, vector<1x1x16xf32>,
      %parallel_loop3A_406 = vector.shape_cast %parallel_loop3A_405 : vector<1x1x16xf32> to vector<16xf32>
      %parallel_loop3A_407 = vector.shape_cast %parallel_loop3A_400 : vector<16xf32> to vector<1x1x16xf32>
      tpu.vector_store %arg6[%parallel_loop3A_402, %parallel_loop3A_403, %parallel_loop3A_404], %parallel_loop3A_407 {strides = array<i32>} : memref<4x128x128xf32, #tpu.memory_space<vmem>>, vector<1x1x16xf32>,
      %parallel_loop3A_408 = arith.constant 1 : i32
      %parallel_loop3A_409 = arith.index_cast %parallel_loop3A_408 : i32 to index
      %parallel_loop3A_410 = arith.index_cast %parallel_loop3A_359 : i32 to index
      %parallel_loop3A_411 = arith.constant 48 : index
      %parallel_loop3A_412 = tpu.vector_load %arg6[%parallel_loop3A_409, %parallel_loop3A_410, %parallel_loop3A_411] {strides = array<i32>} : memref<4x128x128xf32, #tpu.memory_space<vmem>>, vector<1x1x16xf32>,
      %parallel_loop3A_413 = vector.shape_cast %parallel_loop3A_412 : vector<1x1x16xf32> to vector<16xf32>
      %parallel_loop3A_414 = arith.constant 11.3137083 : f32
      %parallel_loop3A_415 = vector.broadcast %parallel_loop3A_414 : f32 to vector<16xf32>
      %parallel_loop3A_416 = arith.mulf %parallel_loop3A_413, %parallel_loop3A_415 : vector<16xf32>
      %parallel_loop3A_417 = arith.constant 1 : i32
      %parallel_loop3A_418 = arith.index_cast %parallel_loop3A_417 : i32 to index
      %parallel_loop3A_419 = arith.index_cast %parallel_loop3A_359 : i32 to index
      %parallel_loop3A_420 = arith.constant 48 : index
      %parallel_loop3A_421 = tpu.vector_load %arg6[%parallel_loop3A_418, %parallel_loop3A_419, %parallel_loop3A_420] {strides = array<i32>} : memref<4x128x128xf32, #tpu.memory_space<vmem>>, vector<1x1x16xf32>,
      %parallel_loop3A_422 = vector.shape_cast %parallel_loop3A_421 : vector<1x1x16xf32> to vector<16xf32>
      %parallel_loop3A_423 = vector.shape_cast %parallel_loop3A_416 : vector<16xf32> to vector<1x1x16xf32>
      tpu.vector_store %arg6[%parallel_loop3A_418, %parallel_loop3A_419, %parallel_loop3A_420], %parallel_loop3A_423 {strides = array<i32>} : memref<4x128x128xf32, #tpu.memory_space<vmem>>, vector<1x1x16xf32>,
      %parallel_loop3A_424 = arith.constant 1 : i32
      %parallel_loop3A_425 = arith.index_cast %parallel_loop3A_424 : i32 to index
      %parallel_loop3A_426 = arith.index_cast %parallel_loop3A_359 : i32 to index
      %parallel_loop3A_427 = arith.constant 64 : index
      %parallel_loop3A_428 = tpu.vector_load %arg6[%parallel_loop3A_425, %parallel_loop3A_426, %parallel_loop3A_427] {strides = array<i32>} : memref<4x128x128xf32, #tpu.memory_space<vmem>>, vector<1x1x16xf32>,
      %parallel_loop3A_429 = vector.shape_cast %parallel_loop3A_428 : vector<1x1x16xf32> to vector<16xf32>
      %parallel_loop3A_430 = arith.constant 11.3137083 : f32
      %parallel_loop3A_431 = vector.broadcast %parallel_loop3A_430 : f32 to vector<16xf32>
      %parallel_loop3A_432 = arith.mulf %parallel_loop3A_429, %parallel_loop3A_431 : vector<16xf32>
      %parallel_loop3A_433 = arith.constant 1 : i32
      %parallel_loop3A_434 = arith.index_cast %parallel_loop3A_433 : i32 to index
      %parallel_loop3A_435 = arith.index_cast %parallel_loop3A_359 : i32 to index
      %parallel_loop3A_436 = arith.constant 64 : index
      %parallel_loop3A_437 = tpu.vector_load %arg6[%parallel_loop3A_434, %parallel_loop3A_435, %parallel_loop3A_436] {strides = array<i32>} : memref<4x128x128xf32, #tpu.memory_space<vmem>>, vector<1x1x16xf32>,
      %parallel_loop3A_438 = vector.shape_cast %parallel_loop3A_437 : vector<1x1x16xf32> to vector<16xf32>
      %parallel_loop3A_439 = vector.shape_cast %parallel_loop3A_432 : vector<16xf32> to vector<1x1x16xf32>
      tpu.vector_store %arg6[%parallel_loop3A_434, %parallel_loop3A_435, %parallel_loop3A_436], %parallel_loop3A_439 {strides = array<i32>} : memref<4x128x128xf32, #tpu.memory_space<vmem>>, vector<1x1x16xf32>,
      %parallel_loop3A_440 = arith.constant 1 : i32
      %parallel_loop3A_441 = arith.index_cast %parallel_loop3A_440 : i32 to index
      %parallel_loop3A_442 = arith.index_cast %parallel_loop3A_359 : i32 to index
      %parallel_loop3A_443 = arith.constant 80 : index
      %parallel_loop3A_444 = tpu.vector_load %arg6[%parallel_loop3A_441, %parallel_loop3A_442, %parallel_loop3A_443] {strides = array<i32>} : memref<4x128x128xf32, #tpu.memory_space<vmem>>, vector<1x1x16xf32>,
      %parallel_loop3A_445 = vector.shape_cast %parallel_loop3A_444 : vector<1x1x16xf32> to vector<16xf32>
      %parallel_loop3A_446 = arith.constant 11.3137083 : f32
      %parallel_loop3A_447 = vector.broadcast %parallel_loop3A_446 : f32 to vector<16xf32>
      %parallel_loop3A_448 = arith.mulf %parallel_loop3A_445, %parallel_loop3A_447 : vector<16xf32>
      %parallel_loop3A_449 = arith.constant 1 : i32
      %parallel_loop3A_450 = arith.index_cast %parallel_loop3A_449 : i32 to index
      %parallel_loop3A_451 = arith.index_cast %parallel_loop3A_359 : i32 to index
      %parallel_loop3A_452 = arith.constant 80 : index
      %parallel_loop3A_453 = tpu.vector_load %arg6[%parallel_loop3A_450, %parallel_loop3A_451, %parallel_loop3A_452] {strides = array<i32>} : memref<4x128x128xf32, #tpu.memory_space<vmem>>, vector<1x1x16xf32>,
      %parallel_loop3A_454 = vector.shape_cast %parallel_loop3A_453 : vector<1x1x16xf32> to vector<16xf32>
      %parallel_loop3A_455 = vector.shape_cast %parallel_loop3A_448 : vector<16xf32> to vector<1x1x16xf32>
      tpu.vector_store %arg6[%parallel_loop3A_450, %parallel_loop3A_451, %parallel_loop3A_452], %parallel_loop3A_455 {strides = array<i32>} : memref<4x128x128xf32, #tpu.memory_space<vmem>>, vector<1x1x16xf32>,
      %parallel_loop3A_456 = arith.constant 1 : i32
      %parallel_loop3A_457 = arith.index_cast %parallel_loop3A_456 : i32 to index
      %parallel_loop3A_458 = arith.index_cast %parallel_loop3A_359 : i32 to index
      %parallel_loop3A_459 = arith.constant 96 : index
      %parallel_loop3A_460 = tpu.vector_load %arg6[%parallel_loop3A_457, %parallel_loop3A_458, %parallel_loop3A_459] {strides = array<i32>} : memref<4x128x128xf32, #tpu.memory_space<vmem>>, vector<1x1x16xf32>,
      %parallel_loop3A_461 = vector.shape_cast %parallel_loop3A_460 : vector<1x1x16xf32> to vector<16xf32>
      %parallel_loop3A_462 = arith.constant 11.3137083 : f32
      %parallel_loop3A_463 = vector.broadcast %parallel_loop3A_462 : f32 to vector<16xf32>
      %parallel_loop3A_464 = arith.mulf %parallel_loop3A_461, %parallel_loop3A_463 : vector<16xf32>
      %parallel_loop3A_465 = arith.constant 1 : i32
      %parallel_loop3A_466 = arith.index_cast %parallel_loop3A_465 : i32 to index
      %parallel_loop3A_467 = arith.index_cast %parallel_loop3A_359 : i32 to index
      %parallel_loop3A_468 = arith.constant 96 : index
      %parallel_loop3A_469 = tpu.vector_load %arg6[%parallel_loop3A_466, %parallel_loop3A_467, %parallel_loop3A_468] {strides = array<i32>} : memref<4x128x128xf32, #tpu.memory_space<vmem>>, vector<1x1x16xf32>,
      %parallel_loop3A_470 = vector.shape_cast %parallel_loop3A_469 : vector<1x1x16xf32> to vector<16xf32>
      %parallel_loop3A_471 = vector.shape_cast %parallel_loop3A_464 : vector<16xf32> to vector<1x1x16xf32>
      tpu.vector_store %arg6[%parallel_loop3A_466, %parallel_loop3A_467, %parallel_loop3A_468], %parallel_loop3A_471 {strides = array<i32>} : memref<4x128x128xf32, #tpu.memory_space<vmem>>, vector<1x1x16xf32>,
      %parallel_loop3A_472 = arith.constant 1 : i32
      %parallel_loop3A_473 = arith.index_cast %parallel_loop3A_472 : i32 to index
      %parallel_loop3A_474 = arith.index_cast %parallel_loop3A_359 : i32 to index
      %parallel_loop3A_475 = arith.constant 112 : index
      %parallel_loop3A_476 = tpu.vector_load %arg6[%parallel_loop3A_473, %parallel_loop3A_474, %parallel_loop3A_475] {strides = array<i32>} : memref<4x128x128xf32, #tpu.memory_space<vmem>>, vector<1x1x16xf32>,
      %parallel_loop3A_477 = vector.shape_cast %parallel_loop3A_476 : vector<1x1x16xf32> to vector<16xf32>
      %parallel_loop3A_478 = arith.constant 11.3137083 : f32
      %parallel_loop3A_479 = vector.broadcast %parallel_loop3A_478 : f32 to vector<16xf32>
      %parallel_loop3A_480 = arith.mulf %parallel_loop3A_477, %parallel_loop3A_479 : vector<16xf32>
      %parallel_loop3A_481 = arith.constant 1 : i32
      %parallel_loop3A_482 = arith.index_cast %parallel_loop3A_481 : i32 to index
      %parallel_loop3A_483 = arith.index_cast %parallel_loop3A_359 : i32 to index
      %parallel_loop3A_484 = arith.constant 112 : index
      %parallel_loop3A_485 = tpu.vector_load %arg6[%parallel_loop3A_482, %parallel_loop3A_483, %parallel_loop3A_484] {strides = array<i32>} : memref<4x128x128xf32, #tpu.memory_space<vmem>>, vector<1x1x16xf32>,
      %parallel_loop3A_486 = vector.shape_cast %parallel_loop3A_485 : vector<1x1x16xf32> to vector<16xf32>
      %parallel_loop3A_487 = vector.shape_cast %parallel_loop3A_480 : vector<16xf32> to vector<1x1x16xf32>
      tpu.vector_store %arg6[%parallel_loop3A_482, %parallel_loop3A_483, %parallel_loop3A_484], %parallel_loop3A_487 {strides = array<i32>} : memref<4x128x128xf32, #tpu.memory_space<vmem>>, vector<1x1x16xf32>,
    } {sc.loop_unroll_factor = 4 : i64, sc.parallel_access}
    %dma_start3A_94 = arith.constant 1 : i32
    %dma_start3A_95 = arith.constant 1 : i32
    %dma_start3A_96 = arith.constant 0 : i32
    %dma_start3A_97 = arith.constant 0 : i32
    %dma_start3A_98 = tpu.memref_slice %arg6[%dma_start3A_94, %dma_start3A_96, %dma_start3A_97] : memref<4x128x128xf32, #tpu.memory_space<vmem>> -> memref<1x128x128xf32, #tpu.memory_space<vmem>>
    %dma_start3A_99 = tpu.memref_squeeze %dma_start3A_98 : memref<1x128x128xf32, #tpu.memory_space<vmem>> -> memref<128x128xf32, #tpu.memory_space<vmem>>
    %dma_start3A_100 = arith.constant 0 : i32
    %dma_start3A_101 = tpu.memref_slice %arg4[%dma_start3A_95, %mul3A_2, %dma_start3A_100] : memref<50x4096x128xf32, #tpu.memory_space<hbm>> -> memref<1x128x128xf32, #tpu.memory_space<hbm>>
    %dma_start3A_102 = tpu.memref_squeeze %dma_start3A_101 : memref<1x128x128xf32, #tpu.memory_space<hbm>> -> memref<128x128xf32, #tpu.memory_space<hbm>>
    %dma_start3A_103 = arith.constant 0 : i32
    %dma_start3A_104 = tpu.memref_slice %arg4[%dma_start3A_95, %mul3A_2, %dma_start3A_103] : memref<50x4096x128xf32, #tpu.memory_space<hbm>> -> memref<1x128x128xf32, #tpu.memory_space<hbm>>
    %dma_start3A_105 = tpu.memref_squeeze %dma_start3A_104 : memref<1x128x128xf32, #tpu.memory_space<hbm>> -> memref<128x128xf32, #tpu.memory_space<hbm>>
    %dma_start3A_106 = arith.constant 0 : i32
    %dma_start3A_107 = arith.constant 0 : i32
    %dma_start3A_108 = tpu.memref_slice %arg6[%dma_start3A_94, %dma_start3A_106, %dma_start3A_107] : memref<4x128x128xf32, #tpu.memory_space<vmem>> -> memref<1x128x128xf32, #tpu.memory_space<vmem>>
    %dma_start3A_109 = tpu.memref_squeeze %dma_start3A_108 : memref<1x128x128xf32, #tpu.memory_space<vmem>> -> memref<128x128xf32, #tpu.memory_space<vmem>>
    tpu.enqueue_dma source(%dma_start3A_109 : memref<128x128xf32, #tpu.memory_space<vmem>>) target(%dma_start3A_105 : memref<128x128xf32, #tpu.memory_space<hbm>>) target_semaphore(%arg12 : memref<!tpu.dma_semaphore, #tpu.memory_space<semaphore_mem>>)
    %scan3A = arith.constant 0 : i32
    %scan3A_110 = arith.constant 0 : i32
    %scan3A_111 = arith.constant 11 : i32
    %scan3A_112 = arith.addi %scan3A_110, %scan3A_111 : i32
    %scan3A_113 = arith.constant 1 : i32
    scf.for %scan3A_359 = %scan3A_110 to %scan3A_112 step %scan3A_113  : i32 {
      %mul3A_360 = arith.constant 4 : i32
      %mul3A_361 = arith.muli %mul3A_360, %scan3A_359 : i32
      %add3A_362 = arith.constant 2 : i32
      %add3A_363 = arith.addi %mul3A_361, %add3A_362 : i32
      %add3A_364 = arith.constant 0 : i32
      %add3A_365 = arith.addi %add3A_363, %add3A_364 : i32
      %sub3A = arith.constant 2 : i32
      %sub3A_366 = arith.subi %add3A_365, %sub3A : i32
      %dma_wait3A_367 = arith.constant 0 : i32
      %dma_wait3A_368 = arith.constant 0 : i32
      %dma_wait3A_369 = arith.constant 0 : i32
      %dma_wait3A_370 = tpu.memref_slice %arg6[%dma_wait3A_367, %dma_wait3A_368, %dma_wait3A_369] : memref<4x128x128xf32, #tpu.memory_space<vmem>> -> memref<1x128x128xf32, #tpu.memory_space<vmem>>
      %dma_wait3A_371 = tpu.memref_squeeze %dma_wait3A_370 : memref<1x128x128xf32, #tpu.memory_space<vmem>> -> memref<128x128xf32, #tpu.memory_space<vmem>>
      %dma_wait3A_372 = arith.constant 0 : i32
      %dma_wait3A_373 = tpu.memref_slice %arg4[%sub3A_366, %mul3A_2, %dma_wait3A_372] : memref<50x4096x128xf32, #tpu.memory_space<hbm>> -> memref<1x128x128xf32, #tpu.memory_space<hbm>>
      %dma_wait3A_374 = tpu.memref_squeeze %dma_wait3A_373 : memref<1x128x128xf32, #tpu.memory_space<hbm>> -> memref<128x128xf32, #tpu.memory_space<hbm>>
      %dma_wait3A_375 = arith.constant 0 : i32
      %dma_wait3A_376 = tpu.memref_slice %arg4[%sub3A_366, %mul3A_2, %dma_wait3A_375] : memref<50x4096x128xf32, #tpu.memory_space<hbm>> -> memref<1x128x128xf32, #tpu.memory_space<hbm>>
      %dma_wait3A_377 = tpu.memref_squeeze %dma_wait3A_376 : memref<1x128x128xf32, #tpu.memory_space<hbm>> -> memref<128x128xf32, #tpu.memory_space<hbm>>
      %dma_wait3A_378 = arith.constant 0 : i32
      %dma_wait3A_379 = arith.constant 0 : i32
      %dma_wait3A_380 = tpu.memref_slice %arg6[%dma_wait3A_367, %dma_wait3A_378, %dma_wait3A_379] : memref<4x128x128xf32, #tpu.memory_space<vmem>> -> memref<1x128x128xf32, #tpu.memory_space<vmem>>
      %dma_wait3A_381 = tpu.memref_squeeze %dma_wait3A_380 : memref<1x128x128xf32, #tpu.memory_space<vmem>> -> memref<128x128xf32, #tpu.memory_space<vmem>>
      tpu.wait_dma2 semaphore(%arg11 : memref<!tpu.dma_semaphore, #tpu.memory_space<semaphore_mem>>) src(%dma_wait3A_381 : memref<128x128xf32, #tpu.memory_space<vmem>>) dst(%dma_wait3A_377 : memref<128x128xf32, #tpu.memory_space<hbm>>)
      %add3A_382 = arith.constant 2 : i32
      %add3A_383 = arith.addi %add3A_365, %add3A_382 : i32
      %dma_start3A_384 = arith.constant 0 : i32
      %dma_start3A_385 = arith.constant 0 : i32
      %dma_start3A_386 = arith.constant 0 : i32
      %dma_start3A_387 = tpu.memref_slice %arg6[%dma_start3A_384, %dma_start3A_385, %dma_start3A_386] : memref<4x128x128xf32, #tpu.memory_space<vmem>> -> memref<1x128x128xf32, #tpu.memory_space<vmem>>
      %dma_start3A_388 = tpu.memref_squeeze %dma_start3A_387 : memref<1x128x128xf32, #tpu.memory_space<vmem>> -> memref<128x128xf32, #tpu.memory_space<vmem>>
      %dma_start3A_389 = arith.constant 0 : i32
      %dma_start3A_390 = tpu.memref_slice %arg5[%add3A_383, %dma_start3A_389] : memref<50x128xi32, #tpu.memory_space<vmem>> -> memref<1x128xi32, #tpu.memory_space<vmem>>
      %dma_start3A_391 = tpu.memref_squeeze %dma_start3A_390 : memref<1x128xi32, #tpu.memory_space<vmem>> -> memref<128xi32, #tpu.memory_space<vmem>>
      %dma_start3A_392 = arith.constant 0 : i32
      %dma_start3A_393 = arith.constant 0 : i32
      %dma_start3A_394 = tpu.memref_slice %arg3[%dma_start3A_392, %dma_start3A_393] : memref<100000x128xf32, #tpu.memory_space<hbm>> -> memref<100000x128xf32, #tpu.memory_space<hbm>>
      tpu.enqueue_indirect_dma source(%dma_start3A_394 : memref<100000x128xf32, #tpu.memory_space<hbm>>) target(%dma_start3A_388 : memref<128x128xf32, #tpu.memory_space<vmem>>) offsets(%dma_start3A_391 : memref<128xi32, #tpu.memory_space<vmem>>) semaphore(%arg7 : memref<!tpu.dma_semaphore, #tpu.memory_space<semaphore_mem>>)
      %dma_wait3A_395 = arith.constant 2 : i32
      %dma_wait3A_396 = arith.constant 0 : i32
      %dma_wait3A_397 = arith.constant 0 : i32
      %dma_wait3A_398 = tpu.memref_slice %arg6[%dma_wait3A_395, %dma_wait3A_396, %dma_wait3A_397] : memref<4x128x128xf32, #tpu.memory_space<vmem>> -> memref<1x128x128xf32, #tpu.memory_space<vmem>>
      %dma_wait3A_399 = tpu.memref_squeeze %dma_wait3A_398 : memref<1x128x128xf32, #tpu.memory_space<vmem>> -> memref<128x128xf32, #tpu.memory_space<vmem>>
      %dma_wait3A_400 = arith.constant 0 : i32
      %dma_wait3A_401 = tpu.memref_slice %arg5[%add3A_365, %dma_wait3A_400] : memref<50x128xi32, #tpu.memory_space<vmem>> -> memref<1x128xi32, #tpu.memory_space<vmem>>
      %dma_wait3A_402 = tpu.memref_squeeze %dma_wait3A_401 : memref<1x128xi32, #tpu.memory_space<vmem>> -> memref<128xi32, #tpu.memory_space<vmem>>
      %dma_wait3A_403 = arith.constant 0 : i32
      %dma_wait3A_404 = arith.constant 0 : i32
      %dma_wait3A_405 = tpu.memref_slice %arg3[%dma_wait3A_403, %dma_wait3A_404] : memref<100000x128xf32, #tpu.memory_space<hbm>> -> memref<100000x128xf32, #tpu.memory_space<hbm>>
      tpu.wait_indirect_dma semaphore(%arg9 : memref<!tpu.dma_semaphore, #tpu.memory_space<semaphore_mem>>) src(%dma_wait3A_405 : memref<100000x128xf32, #tpu.memory_space<hbm>>) dst(%dma_wait3A_399 : memref<128x128xf32, #tpu.memory_space<vmem>>)
      %parallel_loop3A_406 = arith.constant 0 : i32
      %parallel_loop3A_407 = arith.constant 128 : i32
      %parallel_loop3A_408 = arith.constant 1 : i32
      scf.for %parallel_loop3A_607 = %parallel_loop3A_406 to %parallel_loop3A_407 step %parallel_loop3A_408  : i32 {
        %parallel_loop3A_608 = arith.constant 2 : i32
        %parallel_loop3A_609 = arith.index_cast %parallel_loop3A_608 : i32 to index
        %parallel_loop3A_610 = arith.index_cast %parallel_loop3A_607 : i32 to index
        %parallel_loop3A_611 = arith.constant 0 : index
        %parallel_loop3A_612 = tpu.vector_load %arg6[%parallel_loop3A_609, %parallel_loop3A_610, %parallel_loop3A_611] {strides = array<i32>} : memref<4x128x128xf32, #tpu.memory_space<vmem>>, vector<1x1x16xf32>,
        %parallel_loop3A_613 = vector.shape_cast %parallel_loop3A_612 : vector<1x1x16xf32> to vector<16xf32>
        %parallel_loop3A_614 = arith.constant 11.3137083 : f32
        %parallel_loop3A_615 = vector.broadcast %parallel_loop3A_614 : f32 to vector<16xf32>
        %parallel_loop3A_616 = arith.mulf %parallel_loop3A_613, %parallel_loop3A_615 : vector<16xf32>
        %parallel_loop3A_617 = arith.constant 2 : i32
        %parallel_loop3A_618 = arith.index_cast %parallel_loop3A_617 : i32 to index
        %parallel_loop3A_619 = arith.index_cast %parallel_loop3A_607 : i32 to index
        %parallel_loop3A_620 = arith.constant 0 : index
        %parallel_loop3A_621 = tpu.vector_load %arg6[%parallel_loop3A_618, %parallel_loop3A_619, %parallel_loop3A_620] {strides = array<i32>} : memref<4x128x128xf32, #tpu.memory_space<vmem>>, vector<1x1x16xf32>,
        %parallel_loop3A_622 = vector.shape_cast %parallel_loop3A_621 : vector<1x1x16xf32> to vector<16xf32>
        %parallel_loop3A_623 = vector.shape_cast %parallel_loop3A_616 : vector<16xf32> to vector<1x1x16xf32>
        tpu.vector_store %arg6[%parallel_loop3A_618, %parallel_loop3A_619, %parallel_loop3A_620], %parallel_loop3A_623 {strides = array<i32>} : memref<4x128x128xf32, #tpu.memory_space<vmem>>, vector<1x1x16xf32>,
        %parallel_loop3A_624 = arith.constant 2 : i32
        %parallel_loop3A_625 = arith.index_cast %parallel_loop3A_624 : i32 to index
        %parallel_loop3A_626 = arith.index_cast %parallel_loop3A_607 : i32 to index
        %parallel_loop3A_627 = arith.constant 16 : index
        %parallel_loop3A_628 = tpu.vector_load %arg6[%parallel_loop3A_625, %parallel_loop3A_626, %parallel_loop3A_627] {strides = array<i32>} : memref<4x128x128xf32, #tpu.memory_space<vmem>>, vector<1x1x16xf32>,
        %parallel_loop3A_629 = vector.shape_cast %parallel_loop3A_628 : vector<1x1x16xf32> to vector<16xf32>
        %parallel_loop3A_630 = arith.constant 11.3137083 : f32
        %parallel_loop3A_631 = vector.broadcast %parallel_loop3A_630 : f32 to vector<16xf32>
        %parallel_loop3A_632 = arith.mulf %parallel_loop3A_629, %parallel_loop3A_631 : vector<16xf32>
        %parallel_loop3A_633 = arith.constant 2 : i32
        %parallel_loop3A_634 = arith.index_cast %parallel_loop3A_633 : i32 to index
        %parallel_loop3A_635 = arith.index_cast %parallel_loop3A_607 : i32 to index
        %parallel_loop3A_636 = arith.constant 16 : index
        %parallel_loop3A_637 = tpu.vector_load %arg6[%parallel_loop3A_634, %parallel_loop3A_635, %parallel_loop3A_636] {strides = array<i32>} : memref<4x128x128xf32, #tpu.memory_space<vmem>>, vector<1x1x16xf32>,
        %parallel_loop3A_638 = vector.shape_cast %parallel_loop3A_637 : vector<1x1x16xf32> to vector<16xf32>
        %parallel_loop3A_639 = vector.shape_cast %parallel_loop3A_632 : vector<16xf32> to vector<1x1x16xf32>
        tpu.vector_store %arg6[%parallel_loop3A_634, %parallel_loop3A_635, %parallel_loop3A_636], %parallel_loop3A_639 {strides = array<i32>} : memref<4x128x128xf32, #tpu.memory_space<vmem>>, vector<1x1x16xf32>,
        %parallel_loop3A_640 = arith.constant 2 : i32
        %parallel_loop3A_641 = arith.index_cast %parallel_loop3A_640 : i32 to index
        %parallel_loop3A_642 = arith.index_cast %parallel_loop3A_607 : i32 to index
        %parallel_loop3A_643 = arith.constant 32 : index
        %parallel_loop3A_644 = tpu.vector_load %arg6[%parallel_loop3A_641, %parallel_loop3A_642, %parallel_loop3A_643] {strides = array<i32>} : memref<4x128x128xf32, #tpu.memory_space<vmem>>, vector<1x1x16xf32>,
        %parallel_loop3A_645 = vector.shape_cast %parallel_loop3A_644 : vector<1x1x16xf32> to vector<16xf32>
        %parallel_loop3A_646 = arith.constant 11.3137083 : f32
        %parallel_loop3A_647 = vector.broadcast %parallel_loop3A_646 : f32 to vector<16xf32>
        %parallel_loop3A_648 = arith.mulf %parallel_loop3A_645, %parallel_loop3A_647 : vector<16xf32>
        %parallel_loop3A_649 = arith.constant 2 : i32
        %parallel_loop3A_650 = arith.index_cast %parallel_loop3A_649 : i32 to index
        %parallel_loop3A_651 = arith.index_cast %parallel_loop3A_607 : i32 to index
        %parallel_loop3A_652 = arith.constant 32 : index
        %parallel_loop3A_653 = tpu.vector_load %arg6[%parallel_loop3A_650, %parallel_loop3A_651, %parallel_loop3A_652] {strides = array<i32>} : memref<4x128x128xf32, #tpu.memory_space<vmem>>, vector<1x1x16xf32>,
        %parallel_loop3A_654 = vector.shape_cast %parallel_loop3A_653 : vector<1x1x16xf32> to vector<16xf32>
        %parallel_loop3A_655 = vector.shape_cast %parallel_loop3A_648 : vector<16xf32> to vector<1x1x16xf32>
        tpu.vector_store %arg6[%parallel_loop3A_650, %parallel_loop3A_651, %parallel_loop3A_652], %parallel_loop3A_655 {strides = array<i32>} : memref<4x128x128xf32, #tpu.memory_space<vmem>>, vector<1x1x16xf32>,
        %parallel_loop3A_656 = arith.constant 2 : i32
        %parallel_loop3A_657 = arith.index_cast %parallel_loop3A_656 : i32 to index
        %parallel_loop3A_658 = arith.index_cast %parallel_loop3A_607 : i32 to index
        %parallel_loop3A_659 = arith.constant 48 : index
        %parallel_loop3A_660 = tpu.vector_load %arg6[%parallel_loop3A_657, %parallel_loop3A_658, %parallel_loop3A_659] {strides = array<i32>} : memref<4x128x128xf32, #tpu.memory_space<vmem>>, vector<1x1x16xf32>,
        %parallel_loop3A_661 = vector.shape_cast %parallel_loop3A_660 : vector<1x1x16xf32> to vector<16xf32>
        %parallel_loop3A_662 = arith.constant 11.3137083 : f32
        %parallel_loop3A_663 = vector.broadcast %parallel_loop3A_662 : f32 to vector<16xf32>
        %parallel_loop3A_664 = arith.mulf %parallel_loop3A_661, %parallel_loop3A_663 : vector<16xf32>
        %parallel_loop3A_665 = arith.constant 2 : i32
        %parallel_loop3A_666 = arith.index_cast %parallel_loop3A_665 : i32 to index
        %parallel_loop3A_667 = arith.index_cast %parallel_loop3A_607 : i32 to index
        %parallel_loop3A_668 = arith.constant 48 : index
        %parallel_loop3A_669 = tpu.vector_load %arg6[%parallel_loop3A_666, %parallel_loop3A_667, %parallel_loop3A_668] {strides = array<i32>} : memref<4x128x128xf32, #tpu.memory_space<vmem>>, vector<1x1x16xf32>,
        %parallel_loop3A_670 = vector.shape_cast %parallel_loop3A_669 : vector<1x1x16xf32> to vector<16xf32>
        %parallel_loop3A_671 = vector.shape_cast %parallel_loop3A_664 : vector<16xf32> to vector<1x1x16xf32>
        tpu.vector_store %arg6[%parallel_loop3A_666, %parallel_loop3A_667, %parallel_loop3A_668], %parallel_loop3A_671 {strides = array<i32>} : memref<4x128x128xf32, #tpu.memory_space<vmem>>, vector<1x1x16xf32>,
        %parallel_loop3A_672 = arith.constant 2 : i32
        %parallel_loop3A_673 = arith.index_cast %parallel_loop3A_672 : i32 to index
        %parallel_loop3A_674 = arith.index_cast %parallel_loop3A_607 : i32 to index
        %parallel_loop3A_675 = arith.constant 64 : index
        %parallel_loop3A_676 = tpu.vector_load %arg6[%parallel_loop3A_673, %parallel_loop3A_674, %parallel_loop3A_675] {strides = array<i32>} : memref<4x128x128xf32, #tpu.memory_space<vmem>>, vector<1x1x16xf32>,
        %parallel_loop3A_677 = vector.shape_cast %parallel_loop3A_676 : vector<1x1x16xf32> to vector<16xf32>
        %parallel_loop3A_678 = arith.constant 11.3137083 : f32
        %parallel_loop3A_679 = vector.broadcast %parallel_loop3A_678 : f32 to vector<16xf32>
        %parallel_loop3A_680 = arith.mulf %parallel_loop3A_677, %parallel_loop3A_679 : vector<16xf32>
        %parallel_loop3A_681 = arith.constant 2 : i32
        %parallel_loop3A_682 = arith.index_cast %parallel_loop3A_681 : i32 to index
        %parallel_loop3A_683 = arith.index_cast %parallel_loop3A_607 : i32 to index
        %parallel_loop3A_684 = arith.constant 64 : index
        %parallel_loop3A_685 = tpu.vector_load %arg6[%parallel_loop3A_682, %parallel_loop3A_683, %parallel_loop3A_684] {strides = array<i32>} : memref<4x128x128xf32, #tpu.memory_space<vmem>>, vector<1x1x16xf32>,
        %parallel_loop3A_686 = vector.shape_cast %parallel_loop3A_685 : vector<1x1x16xf32> to vector<16xf32>
        %parallel_loop3A_687 = vector.shape_cast %parallel_loop3A_680 : vector<16xf32> to vector<1x1x16xf32>
        tpu.vector_store %arg6[%parallel_loop3A_682, %parallel_loop3A_683, %parallel_loop3A_684], %parallel_loop3A_687 {strides = array<i32>} : memref<4x128x128xf32, #tpu.memory_space<vmem>>, vector<1x1x16xf32>,
        %parallel_loop3A_688 = arith.constant 2 : i32
        %parallel_loop3A_689 = arith.index_cast %parallel_loop3A_688 : i32 to index
        %parallel_loop3A_690 = arith.index_cast %parallel_loop3A_607 : i32 to index
        %parallel_loop3A_691 = arith.constant 80 : index
        %parallel_loop3A_692 = tpu.vector_load %arg6[%parallel_loop3A_689, %parallel_loop3A_690, %parallel_loop3A_691] {strides = array<i32>} : memref<4x128x128xf32, #tpu.memory_space<vmem>>, vector<1x1x16xf32>,
        %parallel_loop3A_693 = vector.shape_cast %parallel_loop3A_692 : vector<1x1x16xf32> to vector<16xf32>
        %parallel_loop3A_694 = arith.constant 11.3137083 : f32
        %parallel_loop3A_695 = vector.broadcast %parallel_loop3A_694 : f32 to vector<16xf32>
        %parallel_loop3A_696 = arith.mulf %parallel_loop3A_693, %parallel_loop3A_695 : vector<16xf32>
        %parallel_loop3A_697 = arith.constant 2 : i32
        %parallel_loop3A_698 = arith.index_cast %parallel_loop3A_697 : i32 to index
        %parallel_loop3A_699 = arith.index_cast %parallel_loop3A_607 : i32 to index
        %parallel_loop3A_700 = arith.constant 80 : index
        %parallel_loop3A_701 = tpu.vector_load %arg6[%parallel_loop3A_698, %parallel_loop3A_699, %parallel_loop3A_700] {strides = array<i32>} : memref<4x128x128xf32, #tpu.memory_space<vmem>>, vector<1x1x16xf32>,
        %parallel_loop3A_702 = vector.shape_cast %parallel_loop3A_701 : vector<1x1x16xf32> to vector<16xf32>
        %parallel_loop3A_703 = vector.shape_cast %parallel_loop3A_696 : vector<16xf32> to vector<1x1x16xf32>
        tpu.vector_store %arg6[%parallel_loop3A_698, %parallel_loop3A_699, %parallel_loop3A_700], %parallel_loop3A_703 {strides = array<i32>} : memref<4x128x128xf32, #tpu.memory_space<vmem>>, vector<1x1x16xf32>,
        %parallel_loop3A_704 = arith.constant 2 : i32
        %parallel_loop3A_705 = arith.index_cast %parallel_loop3A_704 : i32 to index
        %parallel_loop3A_706 = arith.index_cast %parallel_loop3A_607 : i32 to index
        %parallel_loop3A_707 = arith.constant 96 : index
        %parallel_loop3A_708 = tpu.vector_load %arg6[%parallel_loop3A_705, %parallel_loop3A_706, %parallel_loop3A_707] {strides = array<i32>} : memref<4x128x128xf32, #tpu.memory_space<vmem>>, vector<1x1x16xf32>,
        %parallel_loop3A_709 = vector.shape_cast %parallel_loop3A_708 : vector<1x1x16xf32> to vector<16xf32>
        %parallel_loop3A_710 = arith.constant 11.3137083 : f32
        %parallel_loop3A_711 = vector.broadcast %parallel_loop3A_710 : f32 to vector<16xf32>
        %parallel_loop3A_712 = arith.mulf %parallel_loop3A_709, %parallel_loop3A_711 : vector<16xf32>
        %parallel_loop3A_713 = arith.constant 2 : i32
        %parallel_loop3A_714 = arith.index_cast %parallel_loop3A_713 : i32 to index
        %parallel_loop3A_715 = arith.index_cast %parallel_loop3A_607 : i32 to index
        %parallel_loop3A_716 = arith.constant 96 : index
        %parallel_loop3A_717 = tpu.vector_load %arg6[%parallel_loop3A_714, %parallel_loop3A_715, %parallel_loop3A_716] {strides = array<i32>} : memref<4x128x128xf32, #tpu.memory_space<vmem>>, vector<1x1x16xf32>,
        %parallel_loop3A_718 = vector.shape_cast %parallel_loop3A_717 : vector<1x1x16xf32> to vector<16xf32>
        %parallel_loop3A_719 = vector.shape_cast %parallel_loop3A_712 : vector<16xf32> to vector<1x1x16xf32>
        tpu.vector_store %arg6[%parallel_loop3A_714, %parallel_loop3A_715, %parallel_loop3A_716], %parallel_loop3A_719 {strides = array<i32>} : memref<4x128x128xf32, #tpu.memory_space<vmem>>, vector<1x1x16xf32>,
        %parallel_loop3A_720 = arith.constant 2 : i32
        %parallel_loop3A_721 = arith.index_cast %parallel_loop3A_720 : i32 to index
        %parallel_loop3A_722 = arith.index_cast %parallel_loop3A_607 : i32 to index
        %parallel_loop3A_723 = arith.constant 112 : index
        %parallel_loop3A_724 = tpu.vector_load %arg6[%parallel_loop3A_721, %parallel_loop3A_722, %parallel_loop3A_723] {strides = array<i32>} : memref<4x128x128xf32, #tpu.memory_space<vmem>>, vector<1x1x16xf32>,
        %parallel_loop3A_725 = vector.shape_cast %parallel_loop3A_724 : vector<1x1x16xf32> to vector<16xf32>
        %parallel_loop3A_726 = arith.constant 11.3137083 : f32
        %parallel_loop3A_727 = vector.broadcast %parallel_loop3A_726 : f32 to vector<16xf32>
        %parallel_loop3A_728 = arith.mulf %parallel_loop3A_725, %parallel_loop3A_727 : vector<16xf32>
        %parallel_loop3A_729 = arith.constant 2 : i32
        %parallel_loop3A_730 = arith.index_cast %parallel_loop3A_729 : i32 to index
        %parallel_loop3A_731 = arith.index_cast %parallel_loop3A_607 : i32 to index
        %parallel_loop3A_732 = arith.constant 112 : index
        %parallel_loop3A_733 = tpu.vector_load %arg6[%parallel_loop3A_730, %parallel_loop3A_731, %parallel_loop3A_732] {strides = array<i32>} : memref<4x128x128xf32, #tpu.memory_space<vmem>>, vector<1x1x16xf32>,
        %parallel_loop3A_734 = vector.shape_cast %parallel_loop3A_733 : vector<1x1x16xf32> to vector<16xf32>
        %parallel_loop3A_735 = vector.shape_cast %parallel_loop3A_728 : vector<16xf32> to vector<1x1x16xf32>
        tpu.vector_store %arg6[%parallel_loop3A_730, %parallel_loop3A_731, %parallel_loop3A_732], %parallel_loop3A_735 {strides = array<i32>} : memref<4x128x128xf32, #tpu.memory_space<vmem>>, vector<1x1x16xf32>,
      } {sc.loop_unroll_factor = 4 : i64, sc.parallel_access}
      %dma_start3A_409 = arith.constant 2 : i32
      %dma_start3A_410 = arith.constant 0 : i32
      %dma_start3A_411 = arith.constant 0 : i32
      %dma_start3A_412 = tpu.memref_slice %arg6[%dma_start3A_409, %dma_start3A_410, %dma_start3A_411] : memref<4x128x128xf32, #tpu.memory_space<vmem>> -> memref<1x128x128xf32, #tpu.memory_space<vmem>>
      %dma_start3A_413 = tpu.memref_squeeze %dma_start3A_412 : memref<1x128x128xf32, #tpu.memory_space<vmem>> -> memref<128x128xf32, #tpu.memory_space<vmem>>
      %dma_start3A_414 = arith.constant 0 : i32
      %dma_start3A_415 = tpu.memref_slice %arg4[%add3A_365, %mul3A_2, %dma_start3A_414] : memref<50x4096x128xf32, #tpu.memory_space<hbm>> -> memref<1x128x128xf32, #tpu.memory_space<hbm>>
      %dma_start3A_416 = tpu.memref_squeeze %dma_start3A_415 : memref<1x128x128xf32, #tpu.memory_space<hbm>> -> memref<128x128xf32, #tpu.memory_space<hbm>>
      %dma_start3A_417 = arith.constant 0 : i32
      %dma_start3A_418 = tpu.memref_slice %arg4[%add3A_365, %mul3A_2, %dma_start3A_417] : memref<50x4096x128xf32, #tpu.memory_space<hbm>> -> memref<1x128x128xf32, #tpu.memory_space<hbm>>
      %dma_start3A_419 = tpu.memref_squeeze %dma_start3A_418 : memref<1x128x128xf32, #tpu.memory_space<hbm>> -> memref<128x128xf32, #tpu.memory_space<hbm>>
      %dma_start3A_420 = arith.constant 0 : i32
      %dma_start3A_421 = arith.constant 0 : i32
      %dma_start3A_422 = tpu.memref_slice %arg6[%dma_start3A_409, %dma_start3A_420, %dma_start3A_421] : memref<4x128x128xf32, #tpu.memory_space<vmem>> -> memref<1x128x128xf32, #tpu.memory_space<vmem>>
      %dma_start3A_423 = tpu.memref_squeeze %dma_start3A_422 : memref<1x128x128xf32, #tpu.memory_space<vmem>> -> memref<128x128xf32, #tpu.memory_space<vmem>>
      tpu.enqueue_dma source(%dma_start3A_423 : memref<128x128xf32, #tpu.memory_space<vmem>>) target(%dma_start3A_419 : memref<128x128xf32, #tpu.memory_space<hbm>>) target_semaphore(%arg13 : memref<!tpu.dma_semaphore, #tpu.memory_space<semaphore_mem>>)
      %add3A_424 = arith.constant 1 : i32
      %add3A_425 = arith.addi %add3A_363, %add3A_424 : i32
      %sub3A_426 = arith.constant 2 : i32
      %sub3A_427 = arith.subi %add3A_425, %sub3A_426 : i32
      %dma_wait3A_428 = arith.constant 1 : i32
      %dma_wait3A_429 = arith.constant 0 : i32
      %dma_wait3A_430 = arith.constant 0 : i32
      %dma_wait3A_431 = tpu.memref_slice %arg6[%dma_wait3A_428, %dma_wait3A_429, %dma_wait3A_430] : memref<4x128x128xf32, #tpu.memory_space<vmem>> -> memref<1x128x128xf32, #tpu.memory_space<vmem>>
      %dma_wait3A_432 = tpu.memref_squeeze %dma_wait3A_431 : memref<1x128x128xf32, #tpu.memory_space<vmem>> -> memref<128x128xf32, #tpu.memory_space<vmem>>
      %dma_wait3A_433 = arith.constant 0 : i32
      %dma_wait3A_434 = tpu.memref_slice %arg4[%sub3A_427, %mul3A_2, %dma_wait3A_433] : memref<50x4096x128xf32, #tpu.memory_space<hbm>> -> memref<1x128x128xf32, #tpu.memory_space<hbm>>
      %dma_wait3A_435 = tpu.memref_squeeze %dma_wait3A_434 : memref<1x128x128xf32, #tpu.memory_space<hbm>> -> memref<128x128xf32, #tpu.memory_space<hbm>>
      %dma_wait3A_436 = arith.constant 0 : i32
      %dma_wait3A_437 = tpu.memref_slice %arg4[%sub3A_427, %mul3A_2, %dma_wait3A_436] : memref<50x4096x128xf32, #tpu.memory_space<hbm>> -> memref<1x128x128xf32, #tpu.memory_space<hbm>>
      %dma_wait3A_438 = tpu.memref_squeeze %dma_wait3A_437 : memref<1x128x128xf32, #tpu.memory_space<hbm>> -> memref<128x128xf32, #tpu.memory_space<hbm>>
      %dma_wait3A_439 = arith.constant 0 : i32
      %dma_wait3A_440 = arith.constant 0 : i32
      %dma_wait3A_441 = tpu.memref_slice %arg6[%dma_wait3A_428, %dma_wait3A_439, %dma_wait3A_440] : memref<4x128x128xf32, #tpu.memory_space<vmem>> -> memref<1x128x128xf32, #tpu.memory_space<vmem>>
      %dma_wait3A_442 = tpu.memref_squeeze %dma_wait3A_441 : memref<1x128x128xf32, #tpu.memory_space<vmem>> -> memref<128x128xf32, #tpu.memory_space<vmem>>
      tpu.wait_dma2 semaphore(%arg12 : memref<!tpu.dma_semaphore, #tpu.memory_space<semaphore_mem>>) src(%dma_wait3A_442 : memref<128x128xf32, #tpu.memory_space<vmem>>) dst(%dma_wait3A_438 : memref<128x128xf32, #tpu.memory_space<hbm>>)
      %add3A_443 = arith.constant 2 : i32
      %add3A_444 = arith.addi %add3A_425, %add3A_443 : i32
      %dma_start3A_445 = arith.constant 1 : i32
      %dma_start3A_446 = arith.constant 0 : i32
      %dma_start3A_447 = arith.constant 0 : i32
      %dma_start3A_448 = tpu.memref_slice %arg6[%dma_start3A_445, %dma_start3A_446, %dma_start3A_447] : memref<4x128x128xf32, #tpu.memory_space<vmem>> -> memref<1x128x128xf32, #tpu.memory_space<vmem>>
      %dma_start3A_449 = tpu.memref_squeeze %dma_start3A_448 : memref<1x128x128xf32, #tpu.memory_space<vmem>> -> memref<128x128xf32, #tpu.memory_space<vmem>>
      %dma_start3A_450 = arith.constant 0 : i32
      %dma_start3A_451 = tpu.memref_slice %arg5[%add3A_444, %dma_start3A_450] : memref<50x128xi32, #tpu.memory_space<vmem>> -> memref<1x128xi32, #tpu.memory_space<vmem>>
      %dma_start3A_452 = tpu.memref_squeeze %dma_start3A_451 : memref<1x128xi32, #tpu.memory_space<vmem>> -> memref<128xi32, #tpu.memory_space<vmem>>
      %dma_start3A_453 = arith.constant 0 : i32
      %dma_start3A_454 = arith.constant 0 : i32
      %dma_start3A_455 = tpu.memref_slice %arg3[%dma_start3A_453, %dma_start3A_454] : memref<100000x128xf32, #tpu.memory_space<hbm>> -> memref<100000x128xf32, #tpu.memory_space<hbm>>
      tpu.enqueue_indirect_dma source(%dma_start3A_455 : memref<100000x128xf32, #tpu.memory_space<hbm>>) target(%dma_start3A_449 : memref<128x128xf32, #tpu.memory_space<vmem>>) offsets(%dma_start3A_452 : memref<128xi32, #tpu.memory_space<vmem>>) semaphore(%arg8 : memref<!tpu.dma_semaphore, #tpu.memory_space<semaphore_mem>>)
      %dma_wait3A_456 = arith.constant 3 : i32
      %dma_wait3A_457 = arith.constant 0 : i32
      %dma_wait3A_458 = arith.constant 0 : i32
      %dma_wait3A_459 = tpu.memref_slice %arg6[%dma_wait3A_456, %dma_wait3A_457, %dma_wait3A_458] : memref<4x128x128xf32, #tpu.memory_space<vmem>> -> memref<1x128x128xf32, #tpu.memory_space<vmem>>
      %dma_wait3A_460 = tpu.memref_squeeze %dma_wait3A_459 : memref<1x128x128xf32, #tpu.memory_space<vmem>> -> memref<128x128xf32, #tpu.memory_space<vmem>>
      %dma_wait3A_461 = arith.constant 0 : i32
      %dma_wait3A_462 = tpu.memref_slice %arg5[%add3A_425, %dma_wait3A_461] : memref<50x128xi32, #tpu.memory_space<vmem>> -> memref<1x128xi32, #tpu.memory_space<vmem>>
      %dma_wait3A_463 = tpu.memref_squeeze %dma_wait3A_462 : memref<1x128xi32, #tpu.memory_space<vmem>> -> memref<128xi32, #tpu.memory_space<vmem>>
      %dma_wait3A_464 = arith.constant 0 : i32
      %dma_wait3A_465 = arith.constant 0 : i32
      %dma_wait3A_466 = tpu.memref_slice %arg3[%dma_wait3A_464, %dma_wait3A_465] : memref<100000x128xf32, #tpu.memory_space<hbm>> -> memref<100000x128xf32, #tpu.memory_space<hbm>>
      tpu.wait_indirect_dma semaphore(%arg10 : memref<!tpu.dma_semaphore, #tpu.memory_space<semaphore_mem>>) src(%dma_wait3A_466 : memref<100000x128xf32, #tpu.memory_space<hbm>>) dst(%dma_wait3A_460 : memref<128x128xf32, #tpu.memory_space<vmem>>)
      %parallel_loop3A_467 = arith.constant 0 : i32
      %parallel_loop3A_468 = arith.constant 128 : i32
      %parallel_loop3A_469 = arith.constant 1 : i32
      scf.for %parallel_loop3A_607 = %parallel_loop3A_467 to %parallel_loop3A_468 step %parallel_loop3A_469  : i32 {
        %parallel_loop3A_608 = arith.constant 3 : i32
        %parallel_loop3A_609 = arith.index_cast %parallel_loop3A_608 : i32 to index
        %parallel_loop3A_610 = arith.index_cast %parallel_loop3A_607 : i32 to index
        %parallel_loop3A_611 = arith.constant 0 : index
        %parallel_loop3A_612 = tpu.vector_load %arg6[%parallel_loop3A_609, %parallel_loop3A_610, %parallel_loop3A_611] {strides = array<i32>} : memref<4x128x128xf32, #tpu.memory_space<vmem>>, vector<1x1x16xf32>,
        %parallel_loop3A_613 = vector.shape_cast %parallel_loop3A_612 : vector<1x1x16xf32> to vector<16xf32>
        %parallel_loop3A_614 = arith.constant 11.3137083 : f32
        %parallel_loop3A_615 = vector.broadcast %parallel_loop3A_614 : f32 to vector<16xf32>
        %parallel_loop3A_616 = arith.mulf %parallel_loop3A_613, %parallel_loop3A_615 : vector<16xf32>
        %parallel_loop3A_617 = arith.constant 3 : i32
        %parallel_loop3A_618 = arith.index_cast %parallel_loop3A_617 : i32 to index
        %parallel_loop3A_619 = arith.index_cast %parallel_loop3A_607 : i32 to index
        %parallel_loop3A_620 = arith.constant 0 : index
        %parallel_loop3A_621 = tpu.vector_load %arg6[%parallel_loop3A_618, %parallel_loop3A_619, %parallel_loop3A_620] {strides = array<i32>} : memref<4x128x128xf32, #tpu.memory_space<vmem>>, vector<1x1x16xf32>,
        %parallel_loop3A_622 = vector.shape_cast %parallel_loop3A_621 : vector<1x1x16xf32> to vector<16xf32>
        %parallel_loop3A_623 = vector.shape_cast %parallel_loop3A_616 : vector<16xf32> to vector<1x1x16xf32>
        tpu.vector_store %arg6[%parallel_loop3A_618, %parallel_loop3A_619, %parallel_loop3A_620], %parallel_loop3A_623 {strides = array<i32>} : memref<4x128x128xf32, #tpu.memory_space<vmem>>, vector<1x1x16xf32>,
        %parallel_loop3A_624 = arith.constant 3 : i32
        %parallel_loop3A_625 = arith.index_cast %parallel_loop3A_624 : i32 to index
        %parallel_loop3A_626 = arith.index_cast %parallel_loop3A_607 : i32 to index
        %parallel_loop3A_627 = arith.constant 16 : index
        %parallel_loop3A_628 = tpu.vector_load %arg6[%parallel_loop3A_625, %parallel_loop3A_626, %parallel_loop3A_627] {strides = array<i32>} : memref<4x128x128xf32, #tpu.memory_space<vmem>>, vector<1x1x16xf32>,
        %parallel_loop3A_629 = vector.shape_cast %parallel_loop3A_628 : vector<1x1x16xf32> to vector<16xf32>
        %parallel_loop3A_630 = arith.constant 11.3137083 : f32
        %parallel_loop3A_631 = vector.broadcast %parallel_loop3A_630 : f32 to vector<16xf32>
        %parallel_loop3A_632 = arith.mulf %parallel_loop3A_629, %parallel_loop3A_631 : vector<16xf32>
        %parallel_loop3A_633 = arith.constant 3 : i32
        %parallel_loop3A_634 = arith.index_cast %parallel_loop3A_633 : i32 to index
        %parallel_loop3A_635 = arith.index_cast %parallel_loop3A_607 : i32 to index
        %parallel_loop3A_636 = arith.constant 16 : index
        %parallel_loop3A_637 = tpu.vector_load %arg6[%parallel_loop3A_634, %parallel_loop3A_635, %parallel_loop3A_636] {strides = array<i32>} : memref<4x128x128xf32, #tpu.memory_space<vmem>>, vector<1x1x16xf32>,
        %parallel_loop3A_638 = vector.shape_cast %parallel_loop3A_637 : vector<1x1x16xf32> to vector<16xf32>
        %parallel_loop3A_639 = vector.shape_cast %parallel_loop3A_632 : vector<16xf32> to vector<1x1x16xf32>
        tpu.vector_store %arg6[%parallel_loop3A_634, %parallel_loop3A_635, %parallel_loop3A_636], %parallel_loop3A_639 {strides = array<i32>} : memref<4x128x128xf32, #tpu.memory_space<vmem>>, vector<1x1x16xf32>,
        %parallel_loop3A_640 = arith.constant 3 : i32
        %parallel_loop3A_641 = arith.index_cast %parallel_loop3A_640 : i32 to index
        %parallel_loop3A_642 = arith.index_cast %parallel_loop3A_607 : i32 to index
        %parallel_loop3A_643 = arith.constant 32 : index
        %parallel_loop3A_644 = tpu.vector_load %arg6[%parallel_loop3A_641, %parallel_loop3A_642, %parallel_loop3A_643] {strides = array<i32>} : memref<4x128x128xf32, #tpu.memory_space<vmem>>, vector<1x1x16xf32>,
        %parallel_loop3A_645 = vector.shape_cast %parallel_loop3A_644 : vector<1x1x16xf32> to vector<16xf32>
        %parallel_loop3A_646 = arith.constant 11.3137083 : f32
        %parallel_loop3A_647 = vector.broadcast %parallel_loop3A_646 : f32 to vector<16xf32>
        %parallel_loop3A_648 = arith.mulf %parallel_loop3A_645, %parallel_loop3A_647 : vector<16xf32>
        %parallel_loop3A_649 = arith.constant 3 : i32
        %parallel_loop3A_650 = arith.index_cast %parallel_loop3A_649 : i32 to index
        %parallel_loop3A_651 = arith.index_cast %parallel_loop3A_607 : i32 to index
        %parallel_loop3A_652 = arith.constant 32 : index
        %parallel_loop3A_653 = tpu.vector_load %arg6[%parallel_loop3A_650, %parallel_loop3A_651, %parallel_loop3A_652] {strides = array<i32>} : memref<4x128x128xf32, #tpu.memory_space<vmem>>, vector<1x1x16xf32>,
        %parallel_loop3A_654 = vector.shape_cast %parallel_loop3A_653 : vector<1x1x16xf32> to vector<16xf32>
        %parallel_loop3A_655 = vector.shape_cast %parallel_loop3A_648 : vector<16xf32> to vector<1x1x16xf32>
        tpu.vector_store %arg6[%parallel_loop3A_650, %parallel_loop3A_651, %parallel_loop3A_652], %parallel_loop3A_655 {strides = array<i32>} : memref<4x128x128xf32, #tpu.memory_space<vmem>>, vector<1x1x16xf32>,
        %parallel_loop3A_656 = arith.constant 3 : i32
        %parallel_loop3A_657 = arith.index_cast %parallel_loop3A_656 : i32 to index
        %parallel_loop3A_658 = arith.index_cast %parallel_loop3A_607 : i32 to index
        %parallel_loop3A_659 = arith.constant 48 : index
        %parallel_loop3A_660 = tpu.vector_load %arg6[%parallel_loop3A_657, %parallel_loop3A_658, %parallel_loop3A_659] {strides = array<i32>} : memref<4x128x128xf32, #tpu.memory_space<vmem>>, vector<1x1x16xf32>,
        %parallel_loop3A_661 = vector.shape_cast %parallel_loop3A_660 : vector<1x1x16xf32> to vector<16xf32>
        %parallel_loop3A_662 = arith.constant 11.3137083 : f32
        %parallel_loop3A_663 = vector.broadcast %parallel_loop3A_662 : f32 to vector<16xf32>
        %parallel_loop3A_664 = arith.mulf %parallel_loop3A_661, %parallel_loop3A_663 : vector<16xf32>
        %parallel_loop3A_665 = arith.constant 3 : i32
        %parallel_loop3A_666 = arith.index_cast %parallel_loop3A_665 : i32 to index
        %parallel_loop3A_667 = arith.index_cast %parallel_loop3A_607 : i32 to index
        %parallel_loop3A_668 = arith.constant 48 : index
        %parallel_loop3A_669 = tpu.vector_load %arg6[%parallel_loop3A_666, %parallel_loop3A_667, %parallel_loop3A_668] {strides = array<i32>} : memref<4x128x128xf32, #tpu.memory_space<vmem>>, vector<1x1x16xf32>,
        %parallel_loop3A_670 = vector.shape_cast %parallel_loop3A_669 : vector<1x1x16xf32> to vector<16xf32>
        %parallel_loop3A_671 = vector.shape_cast %parallel_loop3A_664 : vector<16xf32> to vector<1x1x16xf32>
        tpu.vector_store %arg6[%parallel_loop3A_666, %parallel_loop3A_667, %parallel_loop3A_668], %parallel_loop3A_671 {strides = array<i32>} : memref<4x128x128xf32, #tpu.memory_space<vmem>>, vector<1x1x16xf32>,
        %parallel_loop3A_672 = arith.constant 3 : i32
        %parallel_loop3A_673 = arith.index_cast %parallel_loop3A_672 : i32 to index
        %parallel_loop3A_674 = arith.index_cast %parallel_loop3A_607 : i32 to index
        %parallel_loop3A_675 = arith.constant 64 : index
        %parallel_loop3A_676 = tpu.vector_load %arg6[%parallel_loop3A_673, %parallel_loop3A_674, %parallel_loop3A_675] {strides = array<i32>} : memref<4x128x128xf32, #tpu.memory_space<vmem>>, vector<1x1x16xf32>,
        %parallel_loop3A_677 = vector.shape_cast %parallel_loop3A_676 : vector<1x1x16xf32> to vector<16xf32>
        %parallel_loop3A_678 = arith.constant 11.3137083 : f32
        %parallel_loop3A_679 = vector.broadcast %parallel_loop3A_678 : f32 to vector<16xf32>
        %parallel_loop3A_680 = arith.mulf %parallel_loop3A_677, %parallel_loop3A_679 : vector<16xf32>
        %parallel_loop3A_681 = arith.constant 3 : i32
        %parallel_loop3A_682 = arith.index_cast %parallel_loop3A_681 : i32 to index
        %parallel_loop3A_683 = arith.index_cast %parallel_loop3A_607 : i32 to index
        %parallel_loop3A_684 = arith.constant 64 : index
        %parallel_loop3A_685 = tpu.vector_load %arg6[%parallel_loop3A_682, %parallel_loop3A_683, %parallel_loop3A_684] {strides = array<i32>} : memref<4x128x128xf32, #tpu.memory_space<vmem>>, vector<1x1x16xf32>,
        %parallel_loop3A_686 = vector.shape_cast %parallel_loop3A_685 : vector<1x1x16xf32> to vector<16xf32>
        %parallel_loop3A_687 = vector.shape_cast %parallel_loop3A_680 : vector<16xf32> to vector<1x1x16xf32>
        tpu.vector_store %arg6[%parallel_loop3A_682, %parallel_loop3A_683, %parallel_loop3A_684], %parallel_loop3A_687 {strides = array<i32>} : memref<4x128x128xf32, #tpu.memory_space<vmem>>, vector<1x1x16xf32>,
        %parallel_loop3A_688 = arith.constant 3 : i32
        %parallel_loop3A_689 = arith.index_cast %parallel_loop3A_688 : i32 to index
        %parallel_loop3A_690 = arith.index_cast %parallel_loop3A_607 : i32 to index
        %parallel_loop3A_691 = arith.constant 80 : index
        %parallel_loop3A_692 = tpu.vector_load %arg6[%parallel_loop3A_689, %parallel_loop3A_690, %parallel_loop3A_691] {strides = array<i32>} : memref<4x128x128xf32, #tpu.memory_space<vmem>>, vector<1x1x16xf32>,
        %parallel_loop3A_693 = vector.shape_cast %parallel_loop3A_692 : vector<1x1x16xf32> to vector<16xf32>
        %parallel_loop3A_694 = arith.constant 11.3137083 : f32
        %parallel_loop3A_695 = vector.broadcast %parallel_loop3A_694 : f32 to vector<16xf32>
        %parallel_loop3A_696 = arith.mulf %parallel_loop3A_693, %parallel_loop3A_695 : vector<16xf32>
        %parallel_loop3A_697 = arith.constant 3 : i32
        %parallel_loop3A_698 = arith.index_cast %parallel_loop3A_697 : i32 to index
        %parallel_loop3A_699 = arith.index_cast %parallel_loop3A_607 : i32 to index
        %parallel_loop3A_700 = arith.constant 80 : index
        %parallel_loop3A_701 = tpu.vector_load %arg6[%parallel_loop3A_698, %parallel_loop3A_699, %parallel_loop3A_700] {strides = array<i32>} : memref<4x128x128xf32, #tpu.memory_space<vmem>>, vector<1x1x16xf32>,
        %parallel_loop3A_702 = vector.shape_cast %parallel_loop3A_701 : vector<1x1x16xf32> to vector<16xf32>
        %parallel_loop3A_703 = vector.shape_cast %parallel_loop3A_696 : vector<16xf32> to vector<1x1x16xf32>
        tpu.vector_store %arg6[%parallel_loop3A_698, %parallel_loop3A_699, %parallel_loop3A_700], %parallel_loop3A_703 {strides = array<i32>} : memref<4x128x128xf32, #tpu.memory_space<vmem>>, vector<1x1x16xf32>,
        %parallel_loop3A_704 = arith.constant 3 : i32
        %parallel_loop3A_705 = arith.index_cast %parallel_loop3A_704 : i32 to index
        %parallel_loop3A_706 = arith.index_cast %parallel_loop3A_607 : i32 to index
        %parallel_loop3A_707 = arith.constant 96 : index
        %parallel_loop3A_708 = tpu.vector_load %arg6[%parallel_loop3A_705, %parallel_loop3A_706, %parallel_loop3A_707] {strides = array<i32>} : memref<4x128x128xf32, #tpu.memory_space<vmem>>, vector<1x1x16xf32>,
        %parallel_loop3A_709 = vector.shape_cast %parallel_loop3A_708 : vector<1x1x16xf32> to vector<16xf32>
        %parallel_loop3A_710 = arith.constant 11.3137083 : f32
        %parallel_loop3A_711 = vector.broadcast %parallel_loop3A_710 : f32 to vector<16xf32>
        %parallel_loop3A_712 = arith.mulf %parallel_loop3A_709, %parallel_loop3A_711 : vector<16xf32>
        %parallel_loop3A_713 = arith.constant 3 : i32
        %parallel_loop3A_714 = arith.index_cast %parallel_loop3A_713 : i32 to index
        %parallel_loop3A_715 = arith.index_cast %parallel_loop3A_607 : i32 to index
        %parallel_loop3A_716 = arith.constant 96 : index
        %parallel_loop3A_717 = tpu.vector_load %arg6[%parallel_loop3A_714, %parallel_loop3A_715, %parallel_loop3A_716] {strides = array<i32>} : memref<4x128x128xf32, #tpu.memory_space<vmem>>, vector<1x1x16xf32>,
        %parallel_loop3A_718 = vector.shape_cast %parallel_loop3A_717 : vector<1x1x16xf32> to vector<16xf32>
        %parallel_loop3A_719 = vector.shape_cast %parallel_loop3A_712 : vector<16xf32> to vector<1x1x16xf32>
        tpu.vector_store %arg6[%parallel_loop3A_714, %parallel_loop3A_715, %parallel_loop3A_716], %parallel_loop3A_719 {strides = array<i32>} : memref<4x128x128xf32, #tpu.memory_space<vmem>>, vector<1x1x16xf32>,
        %parallel_loop3A_720 = arith.constant 3 : i32
        %parallel_loop3A_721 = arith.index_cast %parallel_loop3A_720 : i32 to index
        %parallel_loop3A_722 = arith.index_cast %parallel_loop3A_607 : i32 to index
        %parallel_loop3A_723 = arith.constant 112 : index
        %parallel_loop3A_724 = tpu.vector_load %arg6[%parallel_loop3A_721, %parallel_loop3A_722, %parallel_loop3A_723] {strides = array<i32>} : memref<4x128x128xf32, #tpu.memory_space<vmem>>, vector<1x1x16xf32>,
        %parallel_loop3A_725 = vector.shape_cast %parallel_loop3A_724 : vector<1x1x16xf32> to vector<16xf32>
        %parallel_loop3A_726 = arith.constant 11.3137083 : f32
        %parallel_loop3A_727 = vector.broadcast %parallel_loop3A_726 : f32 to vector<16xf32>
        %parallel_loop3A_728 = arith.mulf %parallel_loop3A_725, %parallel_loop3A_727 : vector<16xf32>
        %parallel_loop3A_729 = arith.constant 3 : i32
        %parallel_loop3A_730 = arith.index_cast %parallel_loop3A_729 : i32 to index
        %parallel_loop3A_731 = arith.index_cast %parallel_loop3A_607 : i32 to index
        %parallel_loop3A_732 = arith.constant 112 : index
        %parallel_loop3A_733 = tpu.vector_load %arg6[%parallel_loop3A_730, %parallel_loop3A_731, %parallel_loop3A_732] {strides = array<i32>} : memref<4x128x128xf32, #tpu.memory_space<vmem>>, vector<1x1x16xf32>,
        %parallel_loop3A_734 = vector.shape_cast %parallel_loop3A_733 : vector<1x1x16xf32> to vector<16xf32>
        %parallel_loop3A_735 = vector.shape_cast %parallel_loop3A_728 : vector<16xf32> to vector<1x1x16xf32>
        tpu.vector_store %arg6[%parallel_loop3A_730, %parallel_loop3A_731, %parallel_loop3A_732], %parallel_loop3A_735 {strides = array<i32>} : memref<4x128x128xf32, #tpu.memory_space<vmem>>, vector<1x1x16xf32>,
      } {sc.loop_unroll_factor = 4 : i64, sc.parallel_access}
      %dma_start3A_470 = arith.constant 3 : i32
      %dma_start3A_471 = arith.constant 0 : i32
      %dma_start3A_472 = arith.constant 0 : i32
      %dma_start3A_473 = tpu.memref_slice %arg6[%dma_start3A_470, %dma_start3A_471, %dma_start3A_472] : memref<4x128x128xf32, #tpu.memory_space<vmem>> -> memref<1x128x128xf32, #tpu.memory_space<vmem>>
      %dma_start3A_474 = tpu.memref_squeeze %dma_start3A_473 : memref<1x128x128xf32, #tpu.memory_space<vmem>> -> memref<128x128xf32, #tpu.memory_space<vmem>>
      %dma_start3A_475 = arith.constant 0 : i32
      %dma_start3A_476 = tpu.memref_slice %arg4[%add3A_425, %mul3A_2, %dma_start3A_475] : memref<50x4096x128xf32, #tpu.memory_space<hbm>> -> memref<1x128x128xf32, #tpu.memory_space<hbm>>
      %dma_start3A_477 = tpu.memref_squeeze %dma_start3A_476 : memref<1x128x128xf32, #tpu.memory_space<hbm>> -> memref<128x128xf32, #tpu.memory_space<hbm>>
      %dma_start3A_478 = arith.constant 0 : i32
      %dma_start3A_479 = tpu.memref_slice %arg4[%add3A_425, %mul3A_2, %dma_start3A_478] : memref<50x4096x128xf32, #tpu.memory_space<hbm>> -> memref<1x128x128xf32, #tpu.memory_space<hbm>>
      %dma_start3A_480 = tpu.memref_squeeze %dma_start3A_479 : memref<1x128x128xf32, #tpu.memory_space<hbm>> -> memref<128x128xf32, #tpu.memory_space<hbm>>
      %dma_start3A_481 = arith.constant 0 : i32
      %dma_start3A_482 = arith.constant 0 : i32
      %dma_start3A_483 = tpu.memref_slice %arg6[%dma_start3A_470, %dma_start3A_481, %dma_start3A_482] : memref<4x128x128xf32, #tpu.memory_space<vmem>> -> memref<1x128x128xf32, #tpu.memory_space<vmem>>
      %dma_start3A_484 = tpu.memref_squeeze %dma_start3A_483 : memref<1x128x128xf32, #tpu.memory_space<vmem>> -> memref<128x128xf32, #tpu.memory_space<vmem>>
      tpu.enqueue_dma source(%dma_start3A_484 : memref<128x128xf32, #tpu.memory_space<vmem>>) target(%dma_start3A_480 : memref<128x128xf32, #tpu.memory_space<hbm>>) target_semaphore(%arg14 : memref<!tpu.dma_semaphore, #tpu.memory_space<semaphore_mem>>)
      %add3A_485 = arith.constant 2 : i32
      %add3A_486 = arith.addi %add3A_363, %add3A_485 : i32
      %sub3A_487 = arith.constant 2 : i32
      %sub3A_488 = arith.subi %add3A_486, %sub3A_487 : i32
      %dma_wait3A_489 = arith.constant 2 : i32
      %dma_wait3A_490 = arith.constant 0 : i32
      %dma_wait3A_491 = arith.constant 0 : i32
      %dma_wait3A_492 = tpu.memref_slice %arg6[%dma_wait3A_489, %dma_wait3A_490, %dma_wait3A_491] : memref<4x128x128xf32, #tpu.memory_space<vmem>> -> memref<1x128x128xf32, #tpu.memory_space<vmem>>
      %dma_wait3A_493 = tpu.memref_squeeze %dma_wait3A_492 : memref<1x128x128xf32, #tpu.memory_space<vmem>> -> memref<128x128xf32, #tpu.memory_space<vmem>>
      %dma_wait3A_494 = arith.constant 0 : i32
      %dma_wait3A_495 = tpu.memref_slice %arg4[%sub3A_488, %mul3A_2, %dma_wait3A_494] : memref<50x4096x128xf32, #tpu.memory_space<hbm>> -> memref<1x128x128xf32, #tpu.memory_space<hbm>>
      %dma_wait3A_496 = tpu.memref_squeeze %dma_wait3A_495 : memref<1x128x128xf32, #tpu.memory_space<hbm>> -> memref<128x128xf32, #tpu.memory_space<hbm>>
      %dma_wait3A_497 = arith.constant 0 : i32
      %dma_wait3A_498 = tpu.memref_slice %arg4[%sub3A_488, %mul3A_2, %dma_wait3A_497] : memref<50x4096x128xf32, #tpu.memory_space<hbm>> -> memref<1x128x128xf32, #tpu.memory_space<hbm>>
      %dma_wait3A_499 = tpu.memref_squeeze %dma_wait3A_498 : memref<1x128x128xf32, #tpu.memory_space<hbm>> -> memref<128x128xf32, #tpu.memory_space<hbm>>
      %dma_wait3A_500 = arith.constant 0 : i32
      %dma_wait3A_501 = arith.constant 0 : i32
      %dma_wait3A_502 = tpu.memref_slice %arg6[%dma_wait3A_489, %dma_wait3A_500, %dma_wait3A_501] : memref<4x128x128xf32, #tpu.memory_space<vmem>> -> memref<1x128x128xf32, #tpu.memory_space<vmem>>
      %dma_wait3A_503 = tpu.memref_squeeze %dma_wait3A_502 : memref<1x128x128xf32, #tpu.memory_space<vmem>> -> memref<128x128xf32, #tpu.memory_space<vmem>>
      tpu.wait_dma2 semaphore(%arg13 : memref<!tpu.dma_semaphore, #tpu.memory_space<semaphore_mem>>) src(%dma_wait3A_503 : memref<128x128xf32, #tpu.memory_space<vmem>>) dst(%dma_wait3A_499 : memref<128x128xf32, #tpu.memory_space<hbm>>)
      %add3A_504 = arith.constant 2 : i32
      %add3A_505 = arith.addi %add3A_486, %add3A_504 : i32
      %dma_start3A_506 = arith.constant 2 : i32
      %dma_start3A_507 = arith.constant 0 : i32
      %dma_start3A_508 = arith.constant 0 : i32
      %dma_start3A_509 = tpu.memref_slice %arg6[%dma_start3A_506, %dma_start3A_507, %dma_start3A_508] : memref<4x128x128xf32, #tpu.memory_space<vmem>> -> memref<1x128x128xf32, #tpu.memory_space<vmem>>
      %dma_start3A_510 = tpu.memref_squeeze %dma_start3A_509 : memref<1x128x128xf32, #tpu.memory_space<vmem>> -> memref<128x128xf32, #tpu.memory_space<vmem>>
      %dma_start3A_511 = arith.constant 0 : i32
      %dma_start3A_512 = tpu.memref_slice %arg5[%add3A_505, %dma_start3A_511] : memref<50x128xi32, #tpu.memory_space<vmem>> -> memref<1x128xi32, #tpu.memory_space<vmem>>
      %dma_start3A_513 = tpu.memref_squeeze %dma_start3A_512 : memref<1x128xi32, #tpu.memory_space<vmem>> -> memref<128xi32, #tpu.memory_space<vmem>>
      %dma_start3A_514 = arith.constant 0 : i32
      %dma_start3A_515 = arith.constant 0 : i32
      %dma_start3A_516 = tpu.memref_slice %arg3[%dma_start3A_514, %dma_start3A_515] : memref<100000x128xf32, #tpu.memory_space<hbm>> -> memref<100000x128xf32, #tpu.memory_space<hbm>>
      tpu.enqueue_indirect_dma source(%dma_start3A_516 : memref<100000x128xf32, #tpu.memory_space<hbm>>) target(%dma_start3A_510 : memref<128x128xf32, #tpu.memory_space<vmem>>) offsets(%dma_start3A_513 : memref<128xi32, #tpu.memory_space<vmem>>) semaphore(%arg9 : memref<!tpu.dma_semaphore, #tpu.memory_space<semaphore_mem>>)
      %dma_wait3A_517 = arith.constant 0 : i32
      %dma_wait3A_518 = arith.constant 0 : i32
      %dma_wait3A_519 = arith.constant 0 : i32
      %dma_wait3A_520 = tpu.memref_slice %arg6[%dma_wait3A_517, %dma_wait3A_518, %dma_wait3A_519] : memref<4x128x128xf32, #tpu.memory_space<vmem>> -> memref<1x128x128xf32, #tpu.memory_space<vmem>>
      %dma_wait3A_521 = tpu.memref_squeeze %dma_wait3A_520 : memref<1x128x128xf32, #tpu.memory_space<vmem>> -> memref<128x128xf32, #tpu.memory_space<vmem>>
      %dma_wait3A_522 = arith.constant 0 : i32
      %dma_wait3A_523 = tpu.memref_slice %arg5[%add3A_486, %dma_wait3A_522] : memref<50x128xi32, #tpu.memory_space<vmem>> -> memref<1x128xi32, #tpu.memory_space<vmem>>
      %dma_wait3A_524 = tpu.memref_squeeze %dma_wait3A_523 : memref<1x128xi32, #tpu.memory_space<vmem>> -> memref<128xi32, #tpu.memory_space<vmem>>
      %dma_wait3A_525 = arith.constant 0 : i32
      %dma_wait3A_526 = arith.constant 0 : i32
      %dma_wait3A_527 = tpu.memref_slice %arg3[%dma_wait3A_525, %dma_wait3A_526] : memref<100000x128xf32, #tpu.memory_space<hbm>> -> memref<100000x128xf32, #tpu.memory_space<hbm>>
      tpu.wait_indirect_dma semaphore(%arg7 : memref<!tpu.dma_semaphore, #tpu.memory_space<semaphore_mem>>) src(%dma_wait3A_527 : memref<100000x128xf32, #tpu.memory_space<hbm>>) dst(%dma_wait3A_521 : memref<128x128xf32, #tpu.memory_space<vmem>>)
      %parallel_loop3A_528 = arith.constant 0 : i32
      %parallel_loop3A_529 = arith.constant 128 : i32
      %parallel_loop3A_530 = arith.constant 1 : i32
      scf.for %parallel_loop3A_607 = %parallel_loop3A_528 to %parallel_loop3A_529 step %parallel_loop3A_530  : i32 {
        %parallel_loop3A_608 = arith.constant 0 : i32
        %parallel_loop3A_609 = arith.index_cast %parallel_loop3A_608 : i32 to index
        %parallel_loop3A_610 = arith.index_cast %parallel_loop3A_607 : i32 to index
        %parallel_loop3A_611 = arith.constant 0 : index
        %parallel_loop3A_612 = tpu.vector_load %arg6[%parallel_loop3A_609, %parallel_loop3A_610, %parallel_loop3A_611] {strides = array<i32>} : memref<4x128x128xf32, #tpu.memory_space<vmem>>, vector<1x1x16xf32>,
        %parallel_loop3A_613 = vector.shape_cast %parallel_loop3A_612 : vector<1x1x16xf32> to vector<16xf32>
        %parallel_loop3A_614 = arith.constant 11.3137083 : f32
        %parallel_loop3A_615 = vector.broadcast %parallel_loop3A_614 : f32 to vector<16xf32>
        %parallel_loop3A_616 = arith.mulf %parallel_loop3A_613, %parallel_loop3A_615 : vector<16xf32>
        %parallel_loop3A_617 = arith.constant 0 : i32
        %parallel_loop3A_618 = arith.index_cast %parallel_loop3A_617 : i32 to index
        %parallel_loop3A_619 = arith.index_cast %parallel_loop3A_607 : i32 to index
        %parallel_loop3A_620 = arith.constant 0 : index
        %parallel_loop3A_621 = tpu.vector_load %arg6[%parallel_loop3A_618, %parallel_loop3A_619, %parallel_loop3A_620] {strides = array<i32>} : memref<4x128x128xf32, #tpu.memory_space<vmem>>, vector<1x1x16xf32>,
        %parallel_loop3A_622 = vector.shape_cast %parallel_loop3A_621 : vector<1x1x16xf32> to vector<16xf32>
        %parallel_loop3A_623 = vector.shape_cast %parallel_loop3A_616 : vector<16xf32> to vector<1x1x16xf32>
        tpu.vector_store %arg6[%parallel_loop3A_618, %parallel_loop3A_619, %parallel_loop3A_620], %parallel_loop3A_623 {strides = array<i32>} : memref<4x128x128xf32, #tpu.memory_space<vmem>>, vector<1x1x16xf32>,
        %parallel_loop3A_624 = arith.constant 0 : i32
        %parallel_loop3A_625 = arith.index_cast %parallel_loop3A_624 : i32 to index
        %parallel_loop3A_626 = arith.index_cast %parallel_loop3A_607 : i32 to index
        %parallel_loop3A_627 = arith.constant 16 : index
        %parallel_loop3A_628 = tpu.vector_load %arg6[%parallel_loop3A_625, %parallel_loop3A_626, %parallel_loop3A_627] {strides = array<i32>} : memref<4x128x128xf32, #tpu.memory_space<vmem>>, vector<1x1x16xf32>,
        %parallel_loop3A_629 = vector.shape_cast %parallel_loop3A_628 : vector<1x1x16xf32> to vector<16xf32>
        %parallel_loop3A_630 = arith.constant 11.3137083 : f32
        %parallel_loop3A_631 = vector.broadcast %parallel_loop3A_630 : f32 to vector<16xf32>
        %parallel_loop3A_632 = arith.mulf %parallel_loop3A_629, %parallel_loop3A_631 : vector<16xf32>
        %parallel_loop3A_633 = arith.constant 0 : i32
        %parallel_loop3A_634 = arith.index_cast %parallel_loop3A_633 : i32 to index
        %parallel_loop3A_635 = arith.index_cast %parallel_loop3A_607 : i32 to index
        %parallel_loop3A_636 = arith.constant 16 : index
        %parallel_loop3A_637 = tpu.vector_load %arg6[%parallel_loop3A_634, %parallel_loop3A_635, %parallel_loop3A_636] {strides = array<i32>} : memref<4x128x128xf32, #tpu.memory_space<vmem>>, vector<1x1x16xf32>,
        %parallel_loop3A_638 = vector.shape_cast %parallel_loop3A_637 : vector<1x1x16xf32> to vector<16xf32>
        %parallel_loop3A_639 = vector.shape_cast %parallel_loop3A_632 : vector<16xf32> to vector<1x1x16xf32>
        tpu.vector_store %arg6[%parallel_loop3A_634, %parallel_loop3A_635, %parallel_loop3A_636], %parallel_loop3A_639 {strides = array<i32>} : memref<4x128x128xf32, #tpu.memory_space<vmem>>, vector<1x1x16xf32>,
        %parallel_loop3A_640 = arith.constant 0 : i32
        %parallel_loop3A_641 = arith.index_cast %parallel_loop3A_640 : i32 to index
        %parallel_loop3A_642 = arith.index_cast %parallel_loop3A_607 : i32 to index
        %parallel_loop3A_643 = arith.constant 32 : index
        %parallel_loop3A_644 = tpu.vector_load %arg6[%parallel_loop3A_641, %parallel_loop3A_642, %parallel_loop3A_643] {strides = array<i32>} : memref<4x128x128xf32, #tpu.memory_space<vmem>>, vector<1x1x16xf32>,
        %parallel_loop3A_645 = vector.shape_cast %parallel_loop3A_644 : vector<1x1x16xf32> to vector<16xf32>
        %parallel_loop3A_646 = arith.constant 11.3137083 : f32
        %parallel_loop3A_647 = vector.broadcast %parallel_loop3A_646 : f32 to vector<16xf32>
        %parallel_loop3A_648 = arith.mulf %parallel_loop3A_645, %parallel_loop3A_647 : vector<16xf32>
        %parallel_loop3A_649 = arith.constant 0 : i32
        %parallel_loop3A_650 = arith.index_cast %parallel_loop3A_649 : i32 to index
        %parallel_loop3A_651 = arith.index_cast %parallel_loop3A_607 : i32 to index
        %parallel_loop3A_652 = arith.constant 32 : index
        %parallel_loop3A_653 = tpu.vector_load %arg6[%parallel_loop3A_650, %parallel_loop3A_651, %parallel_loop3A_652] {strides = array<i32>} : memref<4x128x128xf32, #tpu.memory_space<vmem>>, vector<1x1x16xf32>,
        %parallel_loop3A_654 = vector.shape_cast %parallel_loop3A_653 : vector<1x1x16xf32> to vector<16xf32>
        %parallel_loop3A_655 = vector.shape_cast %parallel_loop3A_648 : vector<16xf32> to vector<1x1x16xf32>
        tpu.vector_store %arg6[%parallel_loop3A_650, %parallel_loop3A_651, %parallel_loop3A_652], %parallel_loop3A_655 {strides = array<i32>} : memref<4x128x128xf32, #tpu.memory_space<vmem>>, vector<1x1x16xf32>,
        %parallel_loop3A_656 = arith.constant 0 : i32
        %parallel_loop3A_657 = arith.index_cast %parallel_loop3A_656 : i32 to index
        %parallel_loop3A_658 = arith.index_cast %parallel_loop3A_607 : i32 to index
        %parallel_loop3A_659 = arith.constant 48 : index
        %parallel_loop3A_660 = tpu.vector_load %arg6[%parallel_loop3A_657, %parallel_loop3A_658, %parallel_loop3A_659] {strides = array<i32>} : memref<4x128x128xf32, #tpu.memory_space<vmem>>, vector<1x1x16xf32>,
        %parallel_loop3A_661 = vector.shape_cast %parallel_loop3A_660 : vector<1x1x16xf32> to vector<16xf32>
        %parallel_loop3A_662 = arith.constant 11.3137083 : f32
        %parallel_loop3A_663 = vector.broadcast %parallel_loop3A_662 : f32 to vector<16xf32>
        %parallel_loop3A_664 = arith.mulf %parallel_loop3A_661, %parallel_loop3A_663 : vector<16xf32>
        %parallel_loop3A_665 = arith.constant 0 : i32
        %parallel_loop3A_666 = arith.index_cast %parallel_loop3A_665 : i32 to index
        %parallel_loop3A_667 = arith.index_cast %parallel_loop3A_607 : i32 to index
        %parallel_loop3A_668 = arith.constant 48 : index
        %parallel_loop3A_669 = tpu.vector_load %arg6[%parallel_loop3A_666, %parallel_loop3A_667, %parallel_loop3A_668] {strides = array<i32>} : memref<4x128x128xf32, #tpu.memory_space<vmem>>, vector<1x1x16xf32>,
        %parallel_loop3A_670 = vector.shape_cast %parallel_loop3A_669 : vector<1x1x16xf32> to vector<16xf32>
        %parallel_loop3A_671 = vector.shape_cast %parallel_loop3A_664 : vector<16xf32> to vector<1x1x16xf32>
        tpu.vector_store %arg6[%parallel_loop3A_666, %parallel_loop3A_667, %parallel_loop3A_668], %parallel_loop3A_671 {strides = array<i32>} : memref<4x128x128xf32, #tpu.memory_space<vmem>>, vector<1x1x16xf32>,
        %parallel_loop3A_672 = arith.constant 0 : i32
        %parallel_loop3A_673 = arith.index_cast %parallel_loop3A_672 : i32 to index
        %parallel_loop3A_674 = arith.index_cast %parallel_loop3A_607 : i32 to index
        %parallel_loop3A_675 = arith.constant 64 : index
        %parallel_loop3A_676 = tpu.vector_load %arg6[%parallel_loop3A_673, %parallel_loop3A_674, %parallel_loop3A_675] {strides = array<i32>} : memref<4x128x128xf32, #tpu.memory_space<vmem>>, vector<1x1x16xf32>,
        %parallel_loop3A_677 = vector.shape_cast %parallel_loop3A_676 : vector<1x1x16xf32> to vector<16xf32>
        %parallel_loop3A_678 = arith.constant 11.3137083 : f32
        %parallel_loop3A_679 = vector.broadcast %parallel_loop3A_678 : f32 to vector<16xf32>
        %parallel_loop3A_680 = arith.mulf %parallel_loop3A_677, %parallel_loop3A_679 : vector<16xf32>
        %parallel_loop3A_681 = arith.constant 0 : i32
        %parallel_loop3A_682 = arith.index_cast %parallel_loop3A_681 : i32 to index
        %parallel_loop3A_683 = arith.index_cast %parallel_loop3A_607 : i32 to index
        %parallel_loop3A_684 = arith.constant 64 : index
        %parallel_loop3A_685 = tpu.vector_load %arg6[%parallel_loop3A_682, %parallel_loop3A_683, %parallel_loop3A_684] {strides = array<i32>} : memref<4x128x128xf32, #tpu.memory_space<vmem>>, vector<1x1x16xf32>,
        %parallel_loop3A_686 = vector.shape_cast %parallel_loop3A_685 : vector<1x1x16xf32> to vector<16xf32>
        %parallel_loop3A_687 = vector.shape_cast %parallel_loop3A_680 : vector<16xf32> to vector<1x1x16xf32>
        tpu.vector_store %arg6[%parallel_loop3A_682, %parallel_loop3A_683, %parallel_loop3A_684], %parallel_loop3A_687 {strides = array<i32>} : memref<4x128x128xf32, #tpu.memory_space<vmem>>, vector<1x1x16xf32>,
        %parallel_loop3A_688 = arith.constant 0 : i32
        %parallel_loop3A_689 = arith.index_cast %parallel_loop3A_688 : i32 to index
        %parallel_loop3A_690 = arith.index_cast %parallel_loop3A_607 : i32 to index
        %parallel_loop3A_691 = arith.constant 80 : index
        %parallel_loop3A_692 = tpu.vector_load %arg6[%parallel_loop3A_689, %parallel_loop3A_690, %parallel_loop3A_691] {strides = array<i32>} : memref<4x128x128xf32, #tpu.memory_space<vmem>>, vector<1x1x16xf32>,
        %parallel_loop3A_693 = vector.shape_cast %parallel_loop3A_692 : vector<1x1x16xf32> to vector<16xf32>
        %parallel_loop3A_694 = arith.constant 11.3137083 : f32
        %parallel_loop3A_695 = vector.broadcast %parallel_loop3A_694 : f32 to vector<16xf32>
        %parallel_loop3A_696 = arith.mulf %parallel_loop3A_693, %parallel_loop3A_695 : vector<16xf32>
        %parallel_loop3A_697 = arith.constant 0 : i32
        %parallel_loop3A_698 = arith.index_cast %parallel_loop3A_697 : i32 to index
        %parallel_loop3A_699 = arith.index_cast %parallel_loop3A_607 : i32 to index
        %parallel_loop3A_700 = arith.constant 80 : index
        %parallel_loop3A_701 = tpu.vector_load %arg6[%parallel_loop3A_698, %parallel_loop3A_699, %parallel_loop3A_700] {strides = array<i32>} : memref<4x128x128xf32, #tpu.memory_space<vmem>>, vector<1x1x16xf32>,
        %parallel_loop3A_702 = vector.shape_cast %parallel_loop3A_701 : vector<1x1x16xf32> to vector<16xf32>
        %parallel_loop3A_703 = vector.shape_cast %parallel_loop3A_696 : vector<16xf32> to vector<1x1x16xf32>
        tpu.vector_store %arg6[%parallel_loop3A_698, %parallel_loop3A_699, %parallel_loop3A_700], %parallel_loop3A_703 {strides = array<i32>} : memref<4x128x128xf32, #tpu.memory_space<vmem>>, vector<1x1x16xf32>,
        %parallel_loop3A_704 = arith.constant 0 : i32
        %parallel_loop3A_705 = arith.index_cast %parallel_loop3A_704 : i32 to index
        %parallel_loop3A_706 = arith.index_cast %parallel_loop3A_607 : i32 to index
        %parallel_loop3A_707 = arith.constant 96 : index
        %parallel_loop3A_708 = tpu.vector_load %arg6[%parallel_loop3A_705, %parallel_loop3A_706, %parallel_loop3A_707] {strides = array<i32>} : memref<4x128x128xf32, #tpu.memory_space<vmem>>, vector<1x1x16xf32>,
        %parallel_loop3A_709 = vector.shape_cast %parallel_loop3A_708 : vector<1x1x16xf32> to vector<16xf32>
        %parallel_loop3A_710 = arith.constant 11.3137083 : f32
        %parallel_loop3A_711 = vector.broadcast %parallel_loop3A_710 : f32 to vector<16xf32>
        %parallel_loop3A_712 = arith.mulf %parallel_loop3A_709, %parallel_loop3A_711 : vector<16xf32>
        %parallel_loop3A_713 = arith.constant 0 : i32
        %parallel_loop3A_714 = arith.index_cast %parallel_loop3A_713 : i32 to index
        %parallel_loop3A_715 = arith.index_cast %parallel_loop3A_607 : i32 to index
        %parallel_loop3A_716 = arith.constant 96 : index
        %parallel_loop3A_717 = tpu.vector_load %arg6[%parallel_loop3A_714, %parallel_loop3A_715, %parallel_loop3A_716] {strides = array<i32>} : memref<4x128x128xf32, #tpu.memory_space<vmem>>, vector<1x1x16xf32>,
        %parallel_loop3A_718 = vector.shape_cast %parallel_loop3A_717 : vector<1x1x16xf32> to vector<16xf32>
        %parallel_loop3A_719 = vector.shape_cast %parallel_loop3A_712 : vector<16xf32> to vector<1x1x16xf32>
        tpu.vector_store %arg6[%parallel_loop3A_714, %parallel_loop3A_715, %parallel_loop3A_716], %parallel_loop3A_719 {strides = array<i32>} : memref<4x128x128xf32, #tpu.memory_space<vmem>>, vector<1x1x16xf32>,
        %parallel_loop3A_720 = arith.constant 0 : i32
        %parallel_loop3A_721 = arith.index_cast %parallel_loop3A_720 : i32 to index
        %parallel_loop3A_722 = arith.index_cast %parallel_loop3A_607 : i32 to index
        %parallel_loop3A_723 = arith.constant 112 : index
        %parallel_loop3A_724 = tpu.vector_load %arg6[%parallel_loop3A_721, %parallel_loop3A_722, %parallel_loop3A_723] {strides = array<i32>} : memref<4x128x128xf32, #tpu.memory_space<vmem>>, vector<1x1x16xf32>,
        %parallel_loop3A_725 = vector.shape_cast %parallel_loop3A_724 : vector<1x1x16xf32> to vector<16xf32>
        %parallel_loop3A_726 = arith.constant 11.3137083 : f32
        %parallel_loop3A_727 = vector.broadcast %parallel_loop3A_726 : f32 to vector<16xf32>
        %parallel_loop3A_728 = arith.mulf %parallel_loop3A_725, %parallel_loop3A_727 : vector<16xf32>
        %parallel_loop3A_729 = arith.constant 0 : i32
        %parallel_loop3A_730 = arith.index_cast %parallel_loop3A_729 : i32 to index
        %parallel_loop3A_731 = arith.index_cast %parallel_loop3A_607 : i32 to index
        %parallel_loop3A_732 = arith.constant 112 : index
        %parallel_loop3A_733 = tpu.vector_load %arg6[%parallel_loop3A_730, %parallel_loop3A_731, %parallel_loop3A_732] {strides = array<i32>} : memref<4x128x128xf32, #tpu.memory_space<vmem>>, vector<1x1x16xf32>,
        %parallel_loop3A_734 = vector.shape_cast %parallel_loop3A_733 : vector<1x1x16xf32> to vector<16xf32>
        %parallel_loop3A_735 = vector.shape_cast %parallel_loop3A_728 : vector<16xf32> to vector<1x1x16xf32>
        tpu.vector_store %arg6[%parallel_loop3A_730, %parallel_loop3A_731, %parallel_loop3A_732], %parallel_loop3A_735 {strides = array<i32>} : memref<4x128x128xf32, #tpu.memory_space<vmem>>, vector<1x1x16xf32>,
      } {sc.loop_unroll_factor = 4 : i64, sc.parallel_access}
      %dma_start3A_531 = arith.constant 0 : i32
      %dma_start3A_532 = arith.constant 0 : i32
      %dma_start3A_533 = arith.constant 0 : i32
      %dma_start3A_534 = tpu.memref_slice %arg6[%dma_start3A_531, %dma_start3A_532, %dma_start3A_533] : memref<4x128x128xf32, #tpu.memory_space<vmem>> -> memref<1x128x128xf32, #tpu.memory_space<vmem>>
      %dma_start3A_535 = tpu.memref_squeeze %dma_start3A_534 : memref<1x128x128xf32, #tpu.memory_space<vmem>> -> memref<128x128xf32, #tpu.memory_space<vmem>>
      %dma_start3A_536 = arith.constant 0 : i32
      %dma_start3A_537 = tpu.memref_slice %arg4[%add3A_486, %mul3A_2, %dma_start3A_536] : memref<50x4096x128xf32, #tpu.memory_space<hbm>> -> memref<1x128x128xf32, #tpu.memory_space<hbm>>
      %dma_start3A_538 = tpu.memref_squeeze %dma_start3A_537 : memref<1x128x128xf32, #tpu.memory_space<hbm>> -> memref<128x128xf32, #tpu.memory_space<hbm>>
      %dma_start3A_539 = arith.constant 0 : i32
      %dma_start3A_540 = tpu.memref_slice %arg4[%add3A_486, %mul3A_2, %dma_start3A_539] : memref<50x4096x128xf32, #tpu.memory_space<hbm>> -> memref<1x128x128xf32, #tpu.memory_space<hbm>>
      %dma_start3A_541 = tpu.memref_squeeze %dma_start3A_540 : memref<1x128x128xf32, #tpu.memory_space<hbm>> -> memref<128x128xf32, #tpu.memory_space<hbm>>
      %dma_start3A_542 = arith.constant 0 : i32
      %dma_start3A_543 = arith.constant 0 : i32
      %dma_start3A_544 = tpu.memref_slice %arg6[%dma_start3A_531, %dma_start3A_542, %dma_start3A_543] : memref<4x128x128xf32, #tpu.memory_space<vmem>> -> memref<1x128x128xf32, #tpu.memory_space<vmem>>
      %dma_start3A_545 = tpu.memref_squeeze %dma_start3A_544 : memref<1x128x128xf32, #tpu.memory_space<vmem>> -> memref<128x128xf32, #tpu.memory_space<vmem>>
      tpu.enqueue_dma source(%dma_start3A_545 : memref<128x128xf32, #tpu.memory_space<vmem>>) target(%dma_start3A_541 : memref<128x128xf32, #tpu.memory_space<hbm>>) target_semaphore(%arg11 : memref<!tpu.dma_semaphore, #tpu.memory_space<semaphore_mem>>)
      %add3A_546 = arith.constant 3 : i32
      %add3A_547 = arith.addi %add3A_363, %add3A_546 : i32
      %sub3A_548 = arith.constant 2 : i32
      %sub3A_549 = arith.subi %add3A_547, %sub3A_548 : i32
      %dma_wait3A_550 = arith.constant 3 : i32
      %dma_wait3A_551 = arith.constant 0 : i32
      %dma_wait3A_552 = arith.constant 0 : i32
      %dma_wait3A_553 = tpu.memref_slice %arg6[%dma_wait3A_550, %dma_wait3A_551, %dma_wait3A_552] : memref<4x128x128xf32, #tpu.memory_space<vmem>> -> memref<1x128x128xf32, #tpu.memory_space<vmem>>
      %dma_wait3A_554 = tpu.memref_squeeze %dma_wait3A_553 : memref<1x128x128xf32, #tpu.memory_space<vmem>> -> memref<128x128xf32, #tpu.memory_space<vmem>>
      %dma_wait3A_555 = arith.constant 0 : i32
      %dma_wait3A_556 = tpu.memref_slice %arg4[%sub3A_549, %mul3A_2, %dma_wait3A_555] : memref<50x4096x128xf32, #tpu.memory_space<hbm>> -> memref<1x128x128xf32, #tpu.memory_space<hbm>>
      %dma_wait3A_557 = tpu.memref_squeeze %dma_wait3A_556 : memref<1x128x128xf32, #tpu.memory_space<hbm>> -> memref<128x128xf32, #tpu.memory_space<hbm>>
      %dma_wait3A_558 = arith.constant 0 : i32
      %dma_wait3A_559 = tpu.memref_slice %arg4[%sub3A_549, %mul3A_2, %dma_wait3A_558] : memref<50x4096x128xf32, #tpu.memory_space<hbm>> -> memref<1x128x128xf32, #tpu.memory_space<hbm>>
      %dma_wait3A_560 = tpu.memref_squeeze %dma_wait3A_559 : memref<1x128x128xf32, #tpu.memory_space<hbm>> -> memref<128x128xf32, #tpu.memory_space<hbm>>
      %dma_wait3A_561 = arith.constant 0 : i32
      %dma_wait3A_562 = arith.constant 0 : i32
      %dma_wait3A_563 = tpu.memref_slice %arg6[%dma_wait3A_550, %dma_wait3A_561, %dma_wait3A_562] : memref<4x128x128xf32, #tpu.memory_space<vmem>> -> memref<1x128x128xf32, #tpu.memory_space<vmem>>
      %dma_wait3A_564 = tpu.memref_squeeze %dma_wait3A_563 : memref<1x128x128xf32, #tpu.memory_space<vmem>> -> memref<128x128xf32, #tpu.memory_space<vmem>>
      tpu.wait_dma2 semaphore(%arg14 : memref<!tpu.dma_semaphore, #tpu.memory_space<semaphore_mem>>) src(%dma_wait3A_564 : memref<128x128xf32, #tpu.memory_space<vmem>>) dst(%dma_wait3A_560 : memref<128x128xf32, #tpu.memory_space<hbm>>)
      %add3A_565 = arith.constant 2 : i32
      %add3A_566 = arith.addi %add3A_547, %add3A_565 : i32
      %dma_start3A_567 = arith.constant 3 : i32
      %dma_start3A_568 = arith.constant 0 : i32
      %dma_start3A_569 = arith.constant 0 : i32
      %dma_start3A_570 = tpu.memref_slice %arg6[%dma_start3A_567, %dma_start3A_568, %dma_start3A_569] : memref<4x128x128xf32, #tpu.memory_space<vmem>> -> memref<1x128x128xf32, #tpu.memory_space<vmem>>
      %dma_start3A_571 = tpu.memref_squeeze %dma_start3A_570 : memref<1x128x128xf32, #tpu.memory_space<vmem>> -> memref<128x128xf32, #tpu.memory_space<vmem>>
      %dma_start3A_572 = arith.constant 0 : i32
      %dma_start3A_573 = tpu.memref_slice %arg5[%add3A_566, %dma_start3A_572] : memref<50x128xi32, #tpu.memory_space<vmem>> -> memref<1x128xi32, #tpu.memory_space<vmem>>
      %dma_start3A_574 = tpu.memref_squeeze %dma_start3A_573 : memref<1x128xi32, #tpu.memory_space<vmem>> -> memref<128xi32, #tpu.memory_space<vmem>>
      %dma_start3A_575 = arith.constant 0 : i32
      %dma_start3A_576 = arith.constant 0 : i32
      %dma_start3A_577 = tpu.memref_slice %arg3[%dma_start3A_575, %dma_start3A_576] : memref<100000x128xf32, #tpu.memory_space<hbm>> -> memref<100000x128xf32, #tpu.memory_space<hbm>>
      tpu.enqueue_indirect_dma source(%dma_start3A_577 : memref<100000x128xf32, #tpu.memory_space<hbm>>) target(%dma_start3A_571 : memref<128x128xf32, #tpu.memory_space<vmem>>) offsets(%dma_start3A_574 : memref<128xi32, #tpu.memory_space<vmem>>) semaphore(%arg10 : memref<!tpu.dma_semaphore, #tpu.memory_space<semaphore_mem>>)
      %dma_wait3A_578 = arith.constant 1 : i32
      %dma_wait3A_579 = arith.constant 0 : i32
      %dma_wait3A_580 = arith.constant 0 : i32
      %dma_wait3A_581 = tpu.memref_slice %arg6[%dma_wait3A_578, %dma_wait3A_579, %dma_wait3A_580] : memref<4x128x128xf32, #tpu.memory_space<vmem>> -> memref<1x128x128xf32, #tpu.memory_space<vmem>>
      %dma_wait3A_582 = tpu.memref_squeeze %dma_wait3A_581 : memref<1x128x128xf32, #tpu.memory_space<vmem>> -> memref<128x128xf32, #tpu.memory_space<vmem>>
      %dma_wait3A_583 = arith.constant 0 : i32
      %dma_wait3A_584 = tpu.memref_slice %arg5[%add3A_547, %dma_wait3A_583] : memref<50x128xi32, #tpu.memory_space<vmem>> -> memref<1x128xi32, #tpu.memory_space<vmem>>
      %dma_wait3A_585 = tpu.memref_squeeze %dma_wait3A_584 : memref<1x128xi32, #tpu.memory_space<vmem>> -> memref<128xi32, #tpu.memory_space<vmem>>
      %dma_wait3A_586 = arith.constant 0 : i32
      %dma_wait3A_587 = arith.constant 0 : i32
      %dma_wait3A_588 = tpu.memref_slice %arg3[%dma_wait3A_586, %dma_wait3A_587] : memref<100000x128xf32, #tpu.memory_space<hbm>> -> memref<100000x128xf32, #tpu.memory_space<hbm>>
      tpu.wait_indirect_dma semaphore(%arg8 : memref<!tpu.dma_semaphore, #tpu.memory_space<semaphore_mem>>) src(%dma_wait3A_588 : memref<100000x128xf32, #tpu.memory_space<hbm>>) dst(%dma_wait3A_582 : memref<128x128xf32, #tpu.memory_space<vmem>>)
      %parallel_loop3A_589 = arith.constant 0 : i32
      %parallel_loop3A_590 = arith.constant 128 : i32
      %parallel_loop3A_591 = arith.constant 1 : i32
      scf.for %parallel_loop3A_607 = %parallel_loop3A_589 to %parallel_loop3A_590 step %parallel_loop3A_591  : i32 {
        %parallel_loop3A_608 = arith.constant 1 : i32
        %parallel_loop3A_609 = arith.index_cast %parallel_loop3A_608 : i32 to index
        %parallel_loop3A_610 = arith.index_cast %parallel_loop3A_607 : i32 to index
        %parallel_loop3A_611 = arith.constant 0 : index
        %parallel_loop3A_612 = tpu.vector_load %arg6[%parallel_loop3A_609, %parallel_loop3A_610, %parallel_loop3A_611] {strides = array<i32>} : memref<4x128x128xf32, #tpu.memory_space<vmem>>, vector<1x1x16xf32>,
        %parallel_loop3A_613 = vector.shape_cast %parallel_loop3A_612 : vector<1x1x16xf32> to vector<16xf32>
        %parallel_loop3A_614 = arith.constant 11.3137083 : f32
        %parallel_loop3A_615 = vector.broadcast %parallel_loop3A_614 : f32 to vector<16xf32>
        %parallel_loop3A_616 = arith.mulf %parallel_loop3A_613, %parallel_loop3A_615 : vector<16xf32>
        %parallel_loop3A_617 = arith.constant 1 : i32
        %parallel_loop3A_618 = arith.index_cast %parallel_loop3A_617 : i32 to index
        %parallel_loop3A_619 = arith.index_cast %parallel_loop3A_607 : i32 to index
        %parallel_loop3A_620 = arith.constant 0 : index
        %parallel_loop3A_621 = tpu.vector_load %arg6[%parallel_loop3A_618, %parallel_loop3A_619, %parallel_loop3A_620] {strides = array<i32>} : memref<4x128x128xf32, #tpu.memory_space<vmem>>, vector<1x1x16xf32>,
        %parallel_loop3A_622 = vector.shape_cast %parallel_loop3A_621 : vector<1x1x16xf32> to vector<16xf32>
        %parallel_loop3A_623 = vector.shape_cast %parallel_loop3A_616 : vector<16xf32> to vector<1x1x16xf32>
        tpu.vector_store %arg6[%parallel_loop3A_618, %parallel_loop3A_619, %parallel_loop3A_620], %parallel_loop3A_623 {strides = array<i32>} : memref<4x128x128xf32, #tpu.memory_space<vmem>>, vector<1x1x16xf32>,
        %parallel_loop3A_624 = arith.constant 1 : i32
        %parallel_loop3A_625 = arith.index_cast %parallel_loop3A_624 : i32 to index
        %parallel_loop3A_626 = arith.index_cast %parallel_loop3A_607 : i32 to index
        %parallel_loop3A_627 = arith.constant 16 : index
        %parallel_loop3A_628 = tpu.vector_load %arg6[%parallel_loop3A_625, %parallel_loop3A_626, %parallel_loop3A_627] {strides = array<i32>} : memref<4x128x128xf32, #tpu.memory_space<vmem>>, vector<1x1x16xf32>,
        %parallel_loop3A_629 = vector.shape_cast %parallel_loop3A_628 : vector<1x1x16xf32> to vector<16xf32>
        %parallel_loop3A_630 = arith.constant 11.3137083 : f32
        %parallel_loop3A_631 = vector.broadcast %parallel_loop3A_630 : f32 to vector<16xf32>
        %parallel_loop3A_632 = arith.mulf %parallel_loop3A_629, %parallel_loop3A_631 : vector<16xf32>
        %parallel_loop3A_633 = arith.constant 1 : i32
        %parallel_loop3A_634 = arith.index_cast %parallel_loop3A_633 : i32 to index
        %parallel_loop3A_635 = arith.index_cast %parallel_loop3A_607 : i32 to index
        %parallel_loop3A_636 = arith.constant 16 : index
        %parallel_loop3A_637 = tpu.vector_load %arg6[%parallel_loop3A_634, %parallel_loop3A_635, %parallel_loop3A_636] {strides = array<i32>} : memref<4x128x128xf32, #tpu.memory_space<vmem>>, vector<1x1x16xf32>,
        %parallel_loop3A_638 = vector.shape_cast %parallel_loop3A_637 : vector<1x1x16xf32> to vector<16xf32>
        %parallel_loop3A_639 = vector.shape_cast %parallel_loop3A_632 : vector<16xf32> to vector<1x1x16xf32>
        tpu.vector_store %arg6[%parallel_loop3A_634, %parallel_loop3A_635, %parallel_loop3A_636], %parallel_loop3A_639 {strides = array<i32>} : memref<4x128x128xf32, #tpu.memory_space<vmem>>, vector<1x1x16xf32>,
        %parallel_loop3A_640 = arith.constant 1 : i32
        %parallel_loop3A_641 = arith.index_cast %parallel_loop3A_640 : i32 to index
        %parallel_loop3A_642 = arith.index_cast %parallel_loop3A_607 : i32 to index
        %parallel_loop3A_643 = arith.constant 32 : index
        %parallel_loop3A_644 = tpu.vector_load %arg6[%parallel_loop3A_641, %parallel_loop3A_642, %parallel_loop3A_643] {strides = array<i32>} : memref<4x128x128xf32, #tpu.memory_space<vmem>>, vector<1x1x16xf32>,
        %parallel_loop3A_645 = vector.shape_cast %parallel_loop3A_644 : vector<1x1x16xf32> to vector<16xf32>
        %parallel_loop3A_646 = arith.constant 11.3137083 : f32
        %parallel_loop3A_647 = vector.broadcast %parallel_loop3A_646 : f32 to vector<16xf32>
        %parallel_loop3A_648 = arith.mulf %parallel_loop3A_645, %parallel_loop3A_647 : vector<16xf32>
        %parallel_loop3A_649 = arith.constant 1 : i32
        %parallel_loop3A_650 = arith.index_cast %parallel_loop3A_649 : i32 to index
        %parallel_loop3A_651 = arith.index_cast %parallel_loop3A_607 : i32 to index
        %parallel_loop3A_652 = arith.constant 32 : index
        %parallel_loop3A_653 = tpu.vector_load %arg6[%parallel_loop3A_650, %parallel_loop3A_651, %parallel_loop3A_652] {strides = array<i32>} : memref<4x128x128xf32, #tpu.memory_space<vmem>>, vector<1x1x16xf32>,
        %parallel_loop3A_654 = vector.shape_cast %parallel_loop3A_653 : vector<1x1x16xf32> to vector<16xf32>
        %parallel_loop3A_655 = vector.shape_cast %parallel_loop3A_648 : vector<16xf32> to vector<1x1x16xf32>
        tpu.vector_store %arg6[%parallel_loop3A_650, %parallel_loop3A_651, %parallel_loop3A_652], %parallel_loop3A_655 {strides = array<i32>} : memref<4x128x128xf32, #tpu.memory_space<vmem>>, vector<1x1x16xf32>,
        %parallel_loop3A_656 = arith.constant 1 : i32
        %parallel_loop3A_657 = arith.index_cast %parallel_loop3A_656 : i32 to index
        %parallel_loop3A_658 = arith.index_cast %parallel_loop3A_607 : i32 to index
        %parallel_loop3A_659 = arith.constant 48 : index
        %parallel_loop3A_660 = tpu.vector_load %arg6[%parallel_loop3A_657, %parallel_loop3A_658, %parallel_loop3A_659] {strides = array<i32>} : memref<4x128x128xf32, #tpu.memory_space<vmem>>, vector<1x1x16xf32>,
        %parallel_loop3A_661 = vector.shape_cast %parallel_loop3A_660 : vector<1x1x16xf32> to vector<16xf32>
        %parallel_loop3A_662 = arith.constant 11.3137083 : f32
        %parallel_loop3A_663 = vector.broadcast %parallel_loop3A_662 : f32 to vector<16xf32>
        %parallel_loop3A_664 = arith.mulf %parallel_loop3A_661, %parallel_loop3A_663 : vector<16xf32>
        %parallel_loop3A_665 = arith.constant 1 : i32
        %parallel_loop3A_666 = arith.index_cast %parallel_loop3A_665 : i32 to index
        %parallel_loop3A_667 = arith.index_cast %parallel_loop3A_607 : i32 to index
        %parallel_loop3A_668 = arith.constant 48 : index
        %parallel_loop3A_669 = tpu.vector_load %arg6[%parallel_loop3A_666, %parallel_loop3A_667, %parallel_loop3A_668] {strides = array<i32>} : memref<4x128x128xf32, #tpu.memory_space<vmem>>, vector<1x1x16xf32>,
        %parallel_loop3A_670 = vector.shape_cast %parallel_loop3A_669 : vector<1x1x16xf32> to vector<16xf32>
        %parallel_loop3A_671 = vector.shape_cast %parallel_loop3A_664 : vector<16xf32> to vector<1x1x16xf32>
        tpu.vector_store %arg6[%parallel_loop3A_666, %parallel_loop3A_667, %parallel_loop3A_668], %parallel_loop3A_671 {strides = array<i32>} : memref<4x128x128xf32, #tpu.memory_space<vmem>>, vector<1x1x16xf32>,
        %parallel_loop3A_672 = arith.constant 1 : i32
        %parallel_loop3A_673 = arith.index_cast %parallel_loop3A_672 : i32 to index
        %parallel_loop3A_674 = arith.index_cast %parallel_loop3A_607 : i32 to index
        %parallel_loop3A_675 = arith.constant 64 : index
        %parallel_loop3A_676 = tpu.vector_load %arg6[%parallel_loop3A_673, %parallel_loop3A_674, %parallel_loop3A_675] {strides = array<i32>} : memref<4x128x128xf32, #tpu.memory_space<vmem>>, vector<1x1x16xf32>,
        %parallel_loop3A_677 = vector.shape_cast %parallel_loop3A_676 : vector<1x1x16xf32> to vector<16xf32>
        %parallel_loop3A_678 = arith.constant 11.3137083 : f32
        %parallel_loop3A_679 = vector.broadcast %parallel_loop3A_678 : f32 to vector<16xf32>
        %parallel_loop3A_680 = arith.mulf %parallel_loop3A_677, %parallel_loop3A_679 : vector<16xf32>
        %parallel_loop3A_681 = arith.constant 1 : i32
        %parallel_loop3A_682 = arith.index_cast %parallel_loop3A_681 : i32 to index
        %parallel_loop3A_683 = arith.index_cast %parallel_loop3A_607 : i32 to index
        %parallel_loop3A_684 = arith.constant 64 : index
        %parallel_loop3A_685 = tpu.vector_load %arg6[%parallel_loop3A_682, %parallel_loop3A_683, %parallel_loop3A_684] {strides = array<i32>} : memref<4x128x128xf32, #tpu.memory_space<vmem>>, vector<1x1x16xf32>,
        %parallel_loop3A_686 = vector.shape_cast %parallel_loop3A_685 : vector<1x1x16xf32> to vector<16xf32>
        %parallel_loop3A_687 = vector.shape_cast %parallel_loop3A_680 : vector<16xf32> to vector<1x1x16xf32>
        tpu.vector_store %arg6[%parallel_loop3A_682, %parallel_loop3A_683, %parallel_loop3A_684], %parallel_loop3A_687 {strides = array<i32>} : memref<4x128x128xf32, #tpu.memory_space<vmem>>, vector<1x1x16xf32>,
        %parallel_loop3A_688 = arith.constant 1 : i32
        %parallel_loop3A_689 = arith.index_cast %parallel_loop3A_688 : i32 to index
        %parallel_loop3A_690 = arith.index_cast %parallel_loop3A_607 : i32 to index
        %parallel_loop3A_691 = arith.constant 80 : index
        %parallel_loop3A_692 = tpu.vector_load %arg6[%parallel_loop3A_689, %parallel_loop3A_690, %parallel_loop3A_691] {strides = array<i32>} : memref<4x128x128xf32, #tpu.memory_space<vmem>>, vector<1x1x16xf32>,
        %parallel_loop3A_693 = vector.shape_cast %parallel_loop3A_692 : vector<1x1x16xf32> to vector<16xf32>
        %parallel_loop3A_694 = arith.constant 11.3137083 : f32
        %parallel_loop3A_695 = vector.broadcast %parallel_loop3A_694 : f32 to vector<16xf32>
        %parallel_loop3A_696 = arith.mulf %parallel_loop3A_693, %parallel_loop3A_695 : vector<16xf32>
        %parallel_loop3A_697 = arith.constant 1 : i32
        %parallel_loop3A_698 = arith.index_cast %parallel_loop3A_697 : i32 to index
        %parallel_loop3A_699 = arith.index_cast %parallel_loop3A_607 : i32 to index
        %parallel_loop3A_700 = arith.constant 80 : index
        %parallel_loop3A_701 = tpu.vector_load %arg6[%parallel_loop3A_698, %parallel_loop3A_699, %parallel_loop3A_700] {strides = array<i32>} : memref<4x128x128xf32, #tpu.memory_space<vmem>>, vector<1x1x16xf32>,
        %parallel_loop3A_702 = vector.shape_cast %parallel_loop3A_701 : vector<1x1x16xf32> to vector<16xf32>
        %parallel_loop3A_703 = vector.shape_cast %parallel_loop3A_696 : vector<16xf32> to vector<1x1x16xf32>
        tpu.vector_store %arg6[%parallel_loop3A_698, %parallel_loop3A_699, %parallel_loop3A_700], %parallel_loop3A_703 {strides = array<i32>} : memref<4x128x128xf32, #tpu.memory_space<vmem>>, vector<1x1x16xf32>,
        %parallel_loop3A_704 = arith.constant 1 : i32
        %parallel_loop3A_705 = arith.index_cast %parallel_loop3A_704 : i32 to index
        %parallel_loop3A_706 = arith.index_cast %parallel_loop3A_607 : i32 to index
        %parallel_loop3A_707 = arith.constant 96 : index
        %parallel_loop3A_708 = tpu.vector_load %arg6[%parallel_loop3A_705, %parallel_loop3A_706, %parallel_loop3A_707] {strides = array<i32>} : memref<4x128x128xf32, #tpu.memory_space<vmem>>, vector<1x1x16xf32>,
        %parallel_loop3A_709 = vector.shape_cast %parallel_loop3A_708 : vector<1x1x16xf32> to vector<16xf32>
        %parallel_loop3A_710 = arith.constant 11.3137083 : f32
        %parallel_loop3A_711 = vector.broadcast %parallel_loop3A_710 : f32 to vector<16xf32>
        %parallel_loop3A_712 = arith.mulf %parallel_loop3A_709, %parallel_loop3A_711 : vector<16xf32>
        %parallel_loop3A_713 = arith.constant 1 : i32
        %parallel_loop3A_714 = arith.index_cast %parallel_loop3A_713 : i32 to index
        %parallel_loop3A_715 = arith.index_cast %parallel_loop3A_607 : i32 to index
        %parallel_loop3A_716 = arith.constant 96 : index
        %parallel_loop3A_717 = tpu.vector_load %arg6[%parallel_loop3A_714, %parallel_loop3A_715, %parallel_loop3A_716] {strides = array<i32>} : memref<4x128x128xf32, #tpu.memory_space<vmem>>, vector<1x1x16xf32>,
        %parallel_loop3A_718 = vector.shape_cast %parallel_loop3A_717 : vector<1x1x16xf32> to vector<16xf32>
        %parallel_loop3A_719 = vector.shape_cast %parallel_loop3A_712 : vector<16xf32> to vector<1x1x16xf32>
        tpu.vector_store %arg6[%parallel_loop3A_714, %parallel_loop3A_715, %parallel_loop3A_716], %parallel_loop3A_719 {strides = array<i32>} : memref<4x128x128xf32, #tpu.memory_space<vmem>>, vector<1x1x16xf32>,
        %parallel_loop3A_720 = arith.constant 1 : i32
        %parallel_loop3A_721 = arith.index_cast %parallel_loop3A_720 : i32 to index
        %parallel_loop3A_722 = arith.index_cast %parallel_loop3A_607 : i32 to index
        %parallel_loop3A_723 = arith.constant 112 : index
        %parallel_loop3A_724 = tpu.vector_load %arg6[%parallel_loop3A_721, %parallel_loop3A_722, %parallel_loop3A_723] {strides = array<i32>} : memref<4x128x128xf32, #tpu.memory_space<vmem>>, vector<1x1x16xf32>,
        %parallel_loop3A_725 = vector.shape_cast %parallel_loop3A_724 : vector<1x1x16xf32> to vector<16xf32>
        %parallel_loop3A_726 = arith.constant 11.3137083 : f32
        %parallel_loop3A_727 = vector.broadcast %parallel_loop3A_726 : f32 to vector<16xf32>
        %parallel_loop3A_728 = arith.mulf %parallel_loop3A_725, %parallel_loop3A_727 : vector<16xf32>
        %parallel_loop3A_729 = arith.constant 1 : i32
        %parallel_loop3A_730 = arith.index_cast %parallel_loop3A_729 : i32 to index
        %parallel_loop3A_731 = arith.index_cast %parallel_loop3A_607 : i32 to index
        %parallel_loop3A_732 = arith.constant 112 : index
        %parallel_loop3A_733 = tpu.vector_load %arg6[%parallel_loop3A_730, %parallel_loop3A_731, %parallel_loop3A_732] {strides = array<i32>} : memref<4x128x128xf32, #tpu.memory_space<vmem>>, vector<1x1x16xf32>,
        %parallel_loop3A_734 = vector.shape_cast %parallel_loop3A_733 : vector<1x1x16xf32> to vector<16xf32>
        %parallel_loop3A_735 = vector.shape_cast %parallel_loop3A_728 : vector<16xf32> to vector<1x1x16xf32>
        tpu.vector_store %arg6[%parallel_loop3A_730, %parallel_loop3A_731, %parallel_loop3A_732], %parallel_loop3A_735 {strides = array<i32>} : memref<4x128x128xf32, #tpu.memory_space<vmem>>, vector<1x1x16xf32>,
      } {sc.loop_unroll_factor = 4 : i64, sc.parallel_access}
      %dma_start3A_592 = arith.constant 1 : i32
      %dma_start3A_593 = arith.constant 0 : i32
      %dma_start3A_594 = arith.constant 0 : i32
      %dma_start3A_595 = tpu.memref_slice %arg6[%dma_start3A_592, %dma_start3A_593, %dma_start3A_594] : memref<4x128x128xf32, #tpu.memory_space<vmem>> -> memref<1x128x128xf32, #tpu.memory_space<vmem>>
      %dma_start3A_596 = tpu.memref_squeeze %dma_start3A_595 : memref<1x128x128xf32, #tpu.memory_space<vmem>> -> memref<128x128xf32, #tpu.memory_space<vmem>>
      %dma_start3A_597 = arith.constant 0 : i32
      %dma_start3A_598 = tpu.memref_slice %arg4[%add3A_547, %mul3A_2, %dma_start3A_597] : memref<50x4096x128xf32, #tpu.memory_space<hbm>> -> memref<1x128x128xf32, #tpu.memory_space<hbm>>
      %dma_start3A_599 = tpu.memref_squeeze %dma_start3A_598 : memref<1x128x128xf32, #tpu.memory_space<hbm>> -> memref<128x128xf32, #tpu.memory_space<hbm>>
      %dma_start3A_600 = arith.constant 0 : i32
      %dma_start3A_601 = tpu.memref_slice %arg4[%add3A_547, %mul3A_2, %dma_start3A_600] : memref<50x4096x128xf32, #tpu.memory_space<hbm>> -> memref<1x128x128xf32, #tpu.memory_space<hbm>>
      %dma_start3A_602 = tpu.memref_squeeze %dma_start3A_601 : memref<1x128x128xf32, #tpu.memory_space<hbm>> -> memref<128x128xf32, #tpu.memory_space<hbm>>
      %dma_start3A_603 = arith.constant 0 : i32
      %dma_start3A_604 = arith.constant 0 : i32
      %dma_start3A_605 = tpu.memref_slice %arg6[%dma_start3A_592, %dma_start3A_603, %dma_start3A_604] : memref<4x128x128xf32, #tpu.memory_space<vmem>> -> memref<1x128x128xf32, #tpu.memory_space<vmem>>
      %dma_start3A_606 = tpu.memref_squeeze %dma_start3A_605 : memref<1x128x128xf32, #tpu.memory_space<vmem>> -> memref<128x128xf32, #tpu.memory_space<vmem>>
      tpu.enqueue_dma source(%dma_start3A_606 : memref<128x128xf32, #tpu.memory_space<vmem>>) target(%dma_start3A_602 : memref<128x128xf32, #tpu.memory_space<hbm>>) target_semaphore(%arg12 : memref<!tpu.dma_semaphore, #tpu.memory_space<semaphore_mem>>)
    }
    %scan3A_114 = arith.constant 11 : i32
    %dma_wait3A_115 = arith.constant 0 : i32
    %dma_wait3A_116 = arith.constant 44 : i32
    %dma_wait3A_117 = arith.constant 0 : i32
    %dma_wait3A_118 = arith.constant 0 : i32
    %dma_wait3A_119 = tpu.memref_slice %arg6[%dma_wait3A_115, %dma_wait3A_117, %dma_wait3A_118] : memref<4x128x128xf32, #tpu.memory_space<vmem>> -> memref<1x128x128xf32, #tpu.memory_space<vmem>>
    %dma_wait3A_120 = tpu.memref_squeeze %dma_wait3A_119 : memref<1x128x128xf32, #tpu.memory_space<vmem>> -> memref<128x128xf32, #tpu.memory_space<vmem>>
    %dma_wait3A_121 = arith.constant 0 : i32
    %dma_wait3A_122 = tpu.memref_slice %arg4[%dma_wait3A_116, %mul3A_2, %dma_wait3A_121] : memref<50x4096x128xf32, #tpu.memory_space<hbm>> -> memref<1x128x128xf32, #tpu.memory_space<hbm>>
    %dma_wait3A_123 = tpu.memref_squeeze %dma_wait3A_122 : memref<1x128x128xf32, #tpu.memory_space<hbm>> -> memref<128x128xf32, #tpu.memory_space<hbm>>
    %dma_wait3A_124 = arith.constant 0 : i32
    %dma_wait3A_125 = tpu.memref_slice %arg4[%dma_wait3A_116, %mul3A_2, %dma_wait3A_124] : memref<50x4096x128xf32, #tpu.memory_space<hbm>> -> memref<1x128x128xf32, #tpu.memory_space<hbm>>
    %dma_wait3A_126 = tpu.memref_squeeze %dma_wait3A_125 : memref<1x128x128xf32, #tpu.memory_space<hbm>> -> memref<128x128xf32, #tpu.memory_space<hbm>>
    %dma_wait3A_127 = arith.constant 0 : i32
    %dma_wait3A_128 = arith.constant 0 : i32
    %dma_wait3A_129 = tpu.memref_slice %arg6[%dma_wait3A_115, %dma_wait3A_127, %dma_wait3A_128] : memref<4x128x128xf32, #tpu.memory_space<vmem>> -> memref<1x128x128xf32, #tpu.memory_space<vmem>>
    %dma_wait3A_130 = tpu.memref_squeeze %dma_wait3A_129 : memref<1x128x128xf32, #tpu.memory_space<vmem>> -> memref<128x128xf32, #tpu.memory_space<vmem>>
    tpu.wait_dma2 semaphore(%arg11 : memref<!tpu.dma_semaphore, #tpu.memory_space<semaphore_mem>>) src(%dma_wait3A_130 : memref<128x128xf32, #tpu.memory_space<vmem>>) dst(%dma_wait3A_126 : memref<128x128xf32, #tpu.memory_space<hbm>>)
    %dma_start3A_131 = arith.constant 48 : i32
    %dma_start3A_132 = arith.constant 0 : i32
    %dma_start3A_133 = arith.constant 0 : i32
    %dma_start3A_134 = arith.constant 0 : i32
    %dma_start3A_135 = tpu.memref_slice %arg6[%dma_start3A_132, %dma_start3A_133, %dma_start3A_134] : memref<4x128x128xf32, #tpu.memory_space<vmem>> -> memref<1x128x128xf32, #tpu.memory_space<vmem>>
    %dma_start3A_136 = tpu.memref_squeeze %dma_start3A_135 : memref<1x128x128xf32, #tpu.memory_space<vmem>> -> memref<128x128xf32, #tpu.memory_space<vmem>>
    %dma_start3A_137 = arith.constant 0 : i32
    %dma_start3A_138 = tpu.memref_slice %arg5[%dma_start3A_131, %dma_start3A_137] : memref<50x128xi32, #tpu.memory_space<vmem>> -> memref<1x128xi32, #tpu.memory_space<vmem>>
    %dma_start3A_139 = tpu.memref_squeeze %dma_start3A_138 : memref<1x128xi32, #tpu.memory_space<vmem>> -> memref<128xi32, #tpu.memory_space<vmem>>
    %dma_start3A_140 = arith.constant 0 : i32
    %dma_start3A_141 = arith.constant 0 : i32
    %dma_start3A_142 = tpu.memref_slice %arg3[%dma_start3A_140, %dma_start3A_141] : memref<100000x128xf32, #tpu.memory_space<hbm>> -> memref<100000x128xf32, #tpu.memory_space<hbm>>
    tpu.enqueue_indirect_dma source(%dma_start3A_142 : memref<100000x128xf32, #tpu.memory_space<hbm>>) target(%dma_start3A_136 : memref<128x128xf32, #tpu.memory_space<vmem>>) offsets(%dma_start3A_139 : memref<128xi32, #tpu.memory_space<vmem>>) semaphore(%arg7 : memref<!tpu.dma_semaphore, #tpu.memory_space<semaphore_mem>>)
    %dma_wait3A_143 = arith.constant 46 : i32
    %dma_wait3A_144 = arith.constant 2 : i32
    %dma_wait3A_145 = arith.constant 0 : i32
    %dma_wait3A_146 = arith.constant 0 : i32
    %dma_wait3A_147 = tpu.memref_slice %arg6[%dma_wait3A_144, %dma_wait3A_145, %dma_wait3A_146] : memref<4x128x128xf32, #tpu.memory_space<vmem>> -> memref<1x128x128xf32, #tpu.memory_space<vmem>>
    %dma_wait3A_148 = tpu.memref_squeeze %dma_wait3A_147 : memref<1x128x128xf32, #tpu.memory_space<vmem>> -> memref<128x128xf32, #tpu.memory_space<vmem>>
    %dma_wait3A_149 = arith.constant 0 : i32
    %dma_wait3A_150 = tpu.memref_slice %arg5[%dma_wait3A_143, %dma_wait3A_149] : memref<50x128xi32, #tpu.memory_space<vmem>> -> memref<1x128xi32, #tpu.memory_space<vmem>>
    %dma_wait3A_151 = tpu.memref_squeeze %dma_wait3A_150 : memref<1x128xi32, #tpu.memory_space<vmem>> -> memref<128xi32, #tpu.memory_space<vmem>>
    %dma_wait3A_152 = arith.constant 0 : i32
    %dma_wait3A_153 = arith.constant 0 : i32
    %dma_wait3A_154 = tpu.memref_slice %arg3[%dma_wait3A_152, %dma_wait3A_153] : memref<100000x128xf32, #tpu.memory_space<hbm>> -> memref<100000x128xf32, #tpu.memory_space<hbm>>
    tpu.wait_indirect_dma semaphore(%arg9 : memref<!tpu.dma_semaphore, #tpu.memory_space<semaphore_mem>>) src(%dma_wait3A_154 : memref<100000x128xf32, #tpu.memory_space<hbm>>) dst(%dma_wait3A_148 : memref<128x128xf32, #tpu.memory_space<vmem>>)
    %parallel_loop3A_155 = arith.constant 0 : i32
    %parallel_loop3A_156 = arith.constant 128 : i32
    %parallel_loop3A_157 = arith.constant 1 : i32
    scf.for %parallel_loop3A_359 = %parallel_loop3A_155 to %parallel_loop3A_156 step %parallel_loop3A_157  : i32 {
      %parallel_loop3A_360 = arith.constant 2 : i32
      %parallel_loop3A_361 = arith.index_cast %parallel_loop3A_360 : i32 to index
      %parallel_loop3A_362 = arith.index_cast %parallel_loop3A_359 : i32 to index
      %parallel_loop3A_363 = arith.constant 0 : index
      %parallel_loop3A_364 = tpu.vector_load %arg6[%parallel_loop3A_361, %parallel_loop3A_362, %parallel_loop3A_363] {strides = array<i32>} : memref<4x128x128xf32, #tpu.memory_space<vmem>>, vector<1x1x16xf32>,
      %parallel_loop3A_365 = vector.shape_cast %parallel_loop3A_364 : vector<1x1x16xf32> to vector<16xf32>
      %parallel_loop3A_366 = arith.constant 11.3137083 : f32
      %parallel_loop3A_367 = vector.broadcast %parallel_loop3A_366 : f32 to vector<16xf32>
      %parallel_loop3A_368 = arith.mulf %parallel_loop3A_365, %parallel_loop3A_367 : vector<16xf32>
      %parallel_loop3A_369 = arith.constant 2 : i32
      %parallel_loop3A_370 = arith.index_cast %parallel_loop3A_369 : i32 to index
      %parallel_loop3A_371 = arith.index_cast %parallel_loop3A_359 : i32 to index
      %parallel_loop3A_372 = arith.constant 0 : index
      %parallel_loop3A_373 = tpu.vector_load %arg6[%parallel_loop3A_370, %parallel_loop3A_371, %parallel_loop3A_372] {strides = array<i32>} : memref<4x128x128xf32, #tpu.memory_space<vmem>>, vector<1x1x16xf32>,
      %parallel_loop3A_374 = vector.shape_cast %parallel_loop3A_373 : vector<1x1x16xf32> to vector<16xf32>
      %parallel_loop3A_375 = vector.shape_cast %parallel_loop3A_368 : vector<16xf32> to vector<1x1x16xf32>
      tpu.vector_store %arg6[%parallel_loop3A_370, %parallel_loop3A_371, %parallel_loop3A_372], %parallel_loop3A_375 {strides = array<i32>} : memref<4x128x128xf32, #tpu.memory_space<vmem>>, vector<1x1x16xf32>,
      %parallel_loop3A_376 = arith.constant 2 : i32
      %parallel_loop3A_377 = arith.index_cast %parallel_loop3A_376 : i32 to index
      %parallel_loop3A_378 = arith.index_cast %parallel_loop3A_359 : i32 to index
      %parallel_loop3A_379 = arith.constant 16 : index
      %parallel_loop3A_380 = tpu.vector_load %arg6[%parallel_loop3A_377, %parallel_loop3A_378, %parallel_loop3A_379] {strides = array<i32>} : memref<4x128x128xf32, #tpu.memory_space<vmem>>, vector<1x1x16xf32>,
      %parallel_loop3A_381 = vector.shape_cast %parallel_loop3A_380 : vector<1x1x16xf32> to vector<16xf32>
      %parallel_loop3A_382 = arith.constant 11.3137083 : f32
      %parallel_loop3A_383 = vector.broadcast %parallel_loop3A_382 : f32 to vector<16xf32>
      %parallel_loop3A_384 = arith.mulf %parallel_loop3A_381, %parallel_loop3A_383 : vector<16xf32>
      %parallel_loop3A_385 = arith.constant 2 : i32
      %parallel_loop3A_386 = arith.index_cast %parallel_loop3A_385 : i32 to index
      %parallel_loop3A_387 = arith.index_cast %parallel_loop3A_359 : i32 to index
      %parallel_loop3A_388 = arith.constant 16 : index
      %parallel_loop3A_389 = tpu.vector_load %arg6[%parallel_loop3A_386, %parallel_loop3A_387, %parallel_loop3A_388] {strides = array<i32>} : memref<4x128x128xf32, #tpu.memory_space<vmem>>, vector<1x1x16xf32>,
      %parallel_loop3A_390 = vector.shape_cast %parallel_loop3A_389 : vector<1x1x16xf32> to vector<16xf32>
      %parallel_loop3A_391 = vector.shape_cast %parallel_loop3A_384 : vector<16xf32> to vector<1x1x16xf32>
      tpu.vector_store %arg6[%parallel_loop3A_386, %parallel_loop3A_387, %parallel_loop3A_388], %parallel_loop3A_391 {strides = array<i32>} : memref<4x128x128xf32, #tpu.memory_space<vmem>>, vector<1x1x16xf32>,
      %parallel_loop3A_392 = arith.constant 2 : i32
      %parallel_loop3A_393 = arith.index_cast %parallel_loop3A_392 : i32 to index
      %parallel_loop3A_394 = arith.index_cast %parallel_loop3A_359 : i32 to index
      %parallel_loop3A_395 = arith.constant 32 : index
      %parallel_loop3A_396 = tpu.vector_load %arg6[%parallel_loop3A_393, %parallel_loop3A_394, %parallel_loop3A_395] {strides = array<i32>} : memref<4x128x128xf32, #tpu.memory_space<vmem>>, vector<1x1x16xf32>,
      %parallel_loop3A_397 = vector.shape_cast %parallel_loop3A_396 : vector<1x1x16xf32> to vector<16xf32>
      %parallel_loop3A_398 = arith.constant 11.3137083 : f32
      %parallel_loop3A_399 = vector.broadcast %parallel_loop3A_398 : f32 to vector<16xf32>
      %parallel_loop3A_400 = arith.mulf %parallel_loop3A_397, %parallel_loop3A_399 : vector<16xf32>
      %parallel_loop3A_401 = arith.constant 2 : i32
      %parallel_loop3A_402 = arith.index_cast %parallel_loop3A_401 : i32 to index
      %parallel_loop3A_403 = arith.index_cast %parallel_loop3A_359 : i32 to index
      %parallel_loop3A_404 = arith.constant 32 : index
      %parallel_loop3A_405 = tpu.vector_load %arg6[%parallel_loop3A_402, %parallel_loop3A_403, %parallel_loop3A_404] {strides = array<i32>} : memref<4x128x128xf32, #tpu.memory_space<vmem>>, vector<1x1x16xf32>,
      %parallel_loop3A_406 = vector.shape_cast %parallel_loop3A_405 : vector<1x1x16xf32> to vector<16xf32>
      %parallel_loop3A_407 = vector.shape_cast %parallel_loop3A_400 : vector<16xf32> to vector<1x1x16xf32>
      tpu.vector_store %arg6[%parallel_loop3A_402, %parallel_loop3A_403, %parallel_loop3A_404], %parallel_loop3A_407 {strides = array<i32>} : memref<4x128x128xf32, #tpu.memory_space<vmem>>, vector<1x1x16xf32>,
      %parallel_loop3A_408 = arith.constant 2 : i32
      %parallel_loop3A_409 = arith.index_cast %parallel_loop3A_408 : i32 to index
      %parallel_loop3A_410 = arith.index_cast %parallel_loop3A_359 : i32 to index
      %parallel_loop3A_411 = arith.constant 48 : index
      %parallel_loop3A_412 = tpu.vector_load %arg6[%parallel_loop3A_409, %parallel_loop3A_410, %parallel_loop3A_411] {strides = array<i32>} : memref<4x128x128xf32, #tpu.memory_space<vmem>>, vector<1x1x16xf32>,
      %parallel_loop3A_413 = vector.shape_cast %parallel_loop3A_412 : vector<1x1x16xf32> to vector<16xf32>
      %parallel_loop3A_414 = arith.constant 11.3137083 : f32
      %parallel_loop3A_415 = vector.broadcast %parallel_loop3A_414 : f32 to vector<16xf32>
      %parallel_loop3A_416 = arith.mulf %parallel_loop3A_413, %parallel_loop3A_415 : vector<16xf32>
      %parallel_loop3A_417 = arith.constant 2 : i32
      %parallel_loop3A_418 = arith.index_cast %parallel_loop3A_417 : i32 to index
      %parallel_loop3A_419 = arith.index_cast %parallel_loop3A_359 : i32 to index
      %parallel_loop3A_420 = arith.constant 48 : index
      %parallel_loop3A_421 = tpu.vector_load %arg6[%parallel_loop3A_418, %parallel_loop3A_419, %parallel_loop3A_420] {strides = array<i32>} : memref<4x128x128xf32, #tpu.memory_space<vmem>>, vector<1x1x16xf32>,
      %parallel_loop3A_422 = vector.shape_cast %parallel_loop3A_421 : vector<1x1x16xf32> to vector<16xf32>
      %parallel_loop3A_423 = vector.shape_cast %parallel_loop3A_416 : vector<16xf32> to vector<1x1x16xf32>
      tpu.vector_store %arg6[%parallel_loop3A_418, %parallel_loop3A_419, %parallel_loop3A_420], %parallel_loop3A_423 {strides = array<i32>} : memref<4x128x128xf32, #tpu.memory_space<vmem>>, vector<1x1x16xf32>,
      %parallel_loop3A_424 = arith.constant 2 : i32
      %parallel_loop3A_425 = arith.index_cast %parallel_loop3A_424 : i32 to index
      %parallel_loop3A_426 = arith.index_cast %parallel_loop3A_359 : i32 to index
      %parallel_loop3A_427 = arith.constant 64 : index
      %parallel_loop3A_428 = tpu.vector_load %arg6[%parallel_loop3A_425, %parallel_loop3A_426, %parallel_loop3A_427] {strides = array<i32>} : memref<4x128x128xf32, #tpu.memory_space<vmem>>, vector<1x1x16xf32>,
      %parallel_loop3A_429 = vector.shape_cast %parallel_loop3A_428 : vector<1x1x16xf32> to vector<16xf32>
      %parallel_loop3A_430 = arith.constant 11.3137083 : f32
      %parallel_loop3A_431 = vector.broadcast %parallel_loop3A_430 : f32 to vector<16xf32>
      %parallel_loop3A_432 = arith.mulf %parallel_loop3A_429, %parallel_loop3A_431 : vector<16xf32>
      %parallel_loop3A_433 = arith.constant 2 : i32
      %parallel_loop3A_434 = arith.index_cast %parallel_loop3A_433 : i32 to index
      %parallel_loop3A_435 = arith.index_cast %parallel_loop3A_359 : i32 to index
      %parallel_loop3A_436 = arith.constant 64 : index
      %parallel_loop3A_437 = tpu.vector_load %arg6[%parallel_loop3A_434, %parallel_loop3A_435, %parallel_loop3A_436] {strides = array<i32>} : memref<4x128x128xf32, #tpu.memory_space<vmem>>, vector<1x1x16xf32>,
      %parallel_loop3A_438 = vector.shape_cast %parallel_loop3A_437 : vector<1x1x16xf32> to vector<16xf32>
      %parallel_loop3A_439 = vector.shape_cast %parallel_loop3A_432 : vector<16xf32> to vector<1x1x16xf32>
      tpu.vector_store %arg6[%parallel_loop3A_434, %parallel_loop3A_435, %parallel_loop3A_436], %parallel_loop3A_439 {strides = array<i32>} : memref<4x128x128xf32, #tpu.memory_space<vmem>>, vector<1x1x16xf32>,
      %parallel_loop3A_440 = arith.constant 2 : i32
      %parallel_loop3A_441 = arith.index_cast %parallel_loop3A_440 : i32 to index
      %parallel_loop3A_442 = arith.index_cast %parallel_loop3A_359 : i32 to index
      %parallel_loop3A_443 = arith.constant 80 : index
      %parallel_loop3A_444 = tpu.vector_load %arg6[%parallel_loop3A_441, %parallel_loop3A_442, %parallel_loop3A_443] {strides = array<i32>} : memref<4x128x128xf32, #tpu.memory_space<vmem>>, vector<1x1x16xf32>,
      %parallel_loop3A_445 = vector.shape_cast %parallel_loop3A_444 : vector<1x1x16xf32> to vector<16xf32>
      %parallel_loop3A_446 = arith.constant 11.3137083 : f32
      %parallel_loop3A_447 = vector.broadcast %parallel_loop3A_446 : f32 to vector<16xf32>
      %parallel_loop3A_448 = arith.mulf %parallel_loop3A_445, %parallel_loop3A_447 : vector<16xf32>
      %parallel_loop3A_449 = arith.constant 2 : i32
      %parallel_loop3A_450 = arith.index_cast %parallel_loop3A_449 : i32 to index
      %parallel_loop3A_451 = arith.index_cast %parallel_loop3A_359 : i32 to index
      %parallel_loop3A_452 = arith.constant 80 : index
      %parallel_loop3A_453 = tpu.vector_load %arg6[%parallel_loop3A_450, %parallel_loop3A_451, %parallel_loop3A_452] {strides = array<i32>} : memref<4x128x128xf32, #tpu.memory_space<vmem>>, vector<1x1x16xf32>,
      %parallel_loop3A_454 = vector.shape_cast %parallel_loop3A_453 : vector<1x1x16xf32> to vector<16xf32>
      %parallel_loop3A_455 = vector.shape_cast %parallel_loop3A_448 : vector<16xf32> to vector<1x1x16xf32>
      tpu.vector_store %arg6[%parallel_loop3A_450, %parallel_loop3A_451, %parallel_loop3A_452], %parallel_loop3A_455 {strides = array<i32>} : memref<4x128x128xf32, #tpu.memory_space<vmem>>, vector<1x1x16xf32>,
      %parallel_loop3A_456 = arith.constant 2 : i32
      %parallel_loop3A_457 = arith.index_cast %parallel_loop3A_456 : i32 to index
      %parallel_loop3A_458 = arith.index_cast %parallel_loop3A_359 : i32 to index
      %parallel_loop3A_459 = arith.constant 96 : index
      %parallel_loop3A_460 = tpu.vector_load %arg6[%parallel_loop3A_457, %parallel_loop3A_458, %parallel_loop3A_459] {strides = array<i32>} : memref<4x128x128xf32, #tpu.memory_space<vmem>>, vector<1x1x16xf32>,
      %parallel_loop3A_461 = vector.shape_cast %parallel_loop3A_460 : vector<1x1x16xf32> to vector<16xf32>
      %parallel_loop3A_462 = arith.constant 11.3137083 : f32
      %parallel_loop3A_463 = vector.broadcast %parallel_loop3A_462 : f32 to vector<16xf32>
      %parallel_loop3A_464 = arith.mulf %parallel_loop3A_461, %parallel_loop3A_463 : vector<16xf32>
      %parallel_loop3A_465 = arith.constant 2 : i32
      %parallel_loop3A_466 = arith.index_cast %parallel_loop3A_465 : i32 to index
      %parallel_loop3A_467 = arith.index_cast %parallel_loop3A_359 : i32 to index
      %parallel_loop3A_468 = arith.constant 96 : index
      %parallel_loop3A_469 = tpu.vector_load %arg6[%parallel_loop3A_466, %parallel_loop3A_467, %parallel_loop3A_468] {strides = array<i32>} : memref<4x128x128xf32, #tpu.memory_space<vmem>>, vector<1x1x16xf32>,
      %parallel_loop3A_470 = vector.shape_cast %parallel_loop3A_469 : vector<1x1x16xf32> to vector<16xf32>
      %parallel_loop3A_471 = vector.shape_cast %parallel_loop3A_464 : vector<16xf32> to vector<1x1x16xf32>
      tpu.vector_store %arg6[%parallel_loop3A_466, %parallel_loop3A_467, %parallel_loop3A_468], %parallel_loop3A_471 {strides = array<i32>} : memref<4x128x128xf32, #tpu.memory_space<vmem>>, vector<1x1x16xf32>,
      %parallel_loop3A_472 = arith.constant 2 : i32
      %parallel_loop3A_473 = arith.index_cast %parallel_loop3A_472 : i32 to index
      %parallel_loop3A_474 = arith.index_cast %parallel_loop3A_359 : i32 to index
      %parallel_loop3A_475 = arith.constant 112 : index
      %parallel_loop3A_476 = tpu.vector_load %arg6[%parallel_loop3A_473, %parallel_loop3A_474, %parallel_loop3A_475] {strides = array<i32>} : memref<4x128x128xf32, #tpu.memory_space<vmem>>, vector<1x1x16xf32>,
      %parallel_loop3A_477 = vector.shape_cast %parallel_loop3A_476 : vector<1x1x16xf32> to vector<16xf32>
      %parallel_loop3A_478 = arith.constant 11.3137083 : f32
      %parallel_loop3A_479 = vector.broadcast %parallel_loop3A_478 : f32 to vector<16xf32>
      %parallel_loop3A_480 = arith.mulf %parallel_loop3A_477, %parallel_loop3A_479 : vector<16xf32>
      %parallel_loop3A_481 = arith.constant 2 : i32
      %parallel_loop3A_482 = arith.index_cast %parallel_loop3A_481 : i32 to index
      %parallel_loop3A_483 = arith.index_cast %parallel_loop3A_359 : i32 to index
      %parallel_loop3A_484 = arith.constant 112 : index
      %parallel_loop3A_485 = tpu.vector_load %arg6[%parallel_loop3A_482, %parallel_loop3A_483, %parallel_loop3A_484] {strides = array<i32>} : memref<4x128x128xf32, #tpu.memory_space<vmem>>, vector<1x1x16xf32>,
      %parallel_loop3A_486 = vector.shape_cast %parallel_loop3A_485 : vector<1x1x16xf32> to vector<16xf32>
      %parallel_loop3A_487 = vector.shape_cast %parallel_loop3A_480 : vector<16xf32> to vector<1x1x16xf32>
      tpu.vector_store %arg6[%parallel_loop3A_482, %parallel_loop3A_483, %parallel_loop3A_484], %parallel_loop3A_487 {strides = array<i32>} : memref<4x128x128xf32, #tpu.memory_space<vmem>>, vector<1x1x16xf32>,
    } {sc.loop_unroll_factor = 4 : i64, sc.parallel_access}
    %dma_start3A_158 = arith.constant 2 : i32
    %dma_start3A_159 = arith.constant 46 : i32
    %dma_start3A_160 = arith.constant 0 : i32
    %dma_start3A_161 = arith.constant 0 : i32
    %dma_start3A_162 = tpu.memref_slice %arg6[%dma_start3A_158, %dma_start3A_160, %dma_start3A_161] : memref<4x128x128xf32, #tpu.memory_space<vmem>> -> memref<1x128x128xf32, #tpu.memory_space<vmem>>
    %dma_start3A_163 = tpu.memref_squeeze %dma_start3A_162 : memref<1x128x128xf32, #tpu.memory_space<vmem>> -> memref<128x128xf32, #tpu.memory_space<vmem>>
    %dma_start3A_164 = arith.constant 0 : i32
    %dma_start3A_165 = tpu.memref_slice %arg4[%dma_start3A_159, %mul3A_2, %dma_start3A_164] : memref<50x4096x128xf32, #tpu.memory_space<hbm>> -> memref<1x128x128xf32, #tpu.memory_space<hbm>>
    %dma_start3A_166 = tpu.memref_squeeze %dma_start3A_165 : memref<1x128x128xf32, #tpu.memory_space<hbm>> -> memref<128x128xf32, #tpu.memory_space<hbm>>
    %dma_start3A_167 = arith.constant 0 : i32
    %dma_start3A_168 = tpu.memref_slice %arg4[%dma_start3A_159, %mul3A_2, %dma_start3A_167] : memref<50x4096x128xf32, #tpu.memory_space<hbm>> -> memref<1x128x128xf32, #tpu.memory_space<hbm>>
    %dma_start3A_169 = tpu.memref_squeeze %dma_start3A_168 : memref<1x128x128xf32, #tpu.memory_space<hbm>> -> memref<128x128xf32, #tpu.memory_space<hbm>>
    %dma_start3A_170 = arith.constant 0 : i32
    %dma_start3A_171 = arith.constant 0 : i32
    %dma_start3A_172 = tpu.memref_slice %arg6[%dma_start3A_158, %dma_start3A_170, %dma_start3A_171] : memref<4x128x128xf32, #tpu.memory_space<vmem>> -> memref<1x128x128xf32, #tpu.memory_space<vmem>>
    %dma_start3A_173 = tpu.memref_squeeze %dma_start3A_172 : memref<1x128x128xf32, #tpu.memory_space<vmem>> -> memref<128x128xf32, #tpu.memory_space<vmem>>
    tpu.enqueue_dma source(%dma_start3A_173 : memref<128x128xf32, #tpu.memory_space<vmem>>) target(%dma_start3A_169 : memref<128x128xf32, #tpu.memory_space<hbm>>) target_semaphore(%arg13 : memref<!tpu.dma_semaphore, #tpu.memory_space<semaphore_mem>>)
    %dma_wait3A_174 = arith.constant 1 : i32
    %dma_wait3A_175 = arith.constant 45 : i32
    %dma_wait3A_176 = arith.constant 0 : i32
    %dma_wait3A_177 = arith.constant 0 : i32
    %dma_wait3A_178 = tpu.memref_slice %arg6[%dma_wait3A_174, %dma_wait3A_176, %dma_wait3A_177] : memref<4x128x128xf32, #tpu.memory_space<vmem>> -> memref<1x128x128xf32, #tpu.memory_space<vmem>>
    %dma_wait3A_179 = tpu.memref_squeeze %dma_wait3A_178 : memref<1x128x128xf32, #tpu.memory_space<vmem>> -> memref<128x128xf32, #tpu.memory_space<vmem>>
    %dma_wait3A_180 = arith.constant 0 : i32
    %dma_wait3A_181 = tpu.memref_slice %arg4[%dma_wait3A_175, %mul3A_2, %dma_wait3A_180] : memref<50x4096x128xf32, #tpu.memory_space<hbm>> -> memref<1x128x128xf32, #tpu.memory_space<hbm>>
    %dma_wait3A_182 = tpu.memref_squeeze %dma_wait3A_181 : memref<1x128x128xf32, #tpu.memory_space<hbm>> -> memref<128x128xf32, #tpu.memory_space<hbm>>
    %dma_wait3A_183 = arith.constant 0 : i32
    %dma_wait3A_184 = tpu.memref_slice %arg4[%dma_wait3A_175, %mul3A_2, %dma_wait3A_183] : memref<50x4096x128xf32, #tpu.memory_space<hbm>> -> memref<1x128x128xf32, #tpu.memory_space<hbm>>
    %dma_wait3A_185 = tpu.memref_squeeze %dma_wait3A_184 : memref<1x128x128xf32, #tpu.memory_space<hbm>> -> memref<128x128xf32, #tpu.memory_space<hbm>>
    %dma_wait3A_186 = arith.constant 0 : i32
    %dma_wait3A_187 = arith.constant 0 : i32
    %dma_wait3A_188 = tpu.memref_slice %arg6[%dma_wait3A_174, %dma_wait3A_186, %dma_wait3A_187] : memref<4x128x128xf32, #tpu.memory_space<vmem>> -> memref<1x128x128xf32, #tpu.memory_space<vmem>>
    %dma_wait3A_189 = tpu.memref_squeeze %dma_wait3A_188 : memref<1x128x128xf32, #tpu.memory_space<vmem>> -> memref<128x128xf32, #tpu.memory_space<vmem>>
    tpu.wait_dma2 semaphore(%arg12 : memref<!tpu.dma_semaphore, #tpu.memory_space<semaphore_mem>>) src(%dma_wait3A_189 : memref<128x128xf32, #tpu.memory_space<vmem>>) dst(%dma_wait3A_185 : memref<128x128xf32, #tpu.memory_space<hbm>>)
    %dma_start3A_190 = arith.constant 49 : i32
    %dma_start3A_191 = arith.constant 1 : i32
    %dma_start3A_192 = arith.constant 0 : i32
    %dma_start3A_193 = arith.constant 0 : i32
    %dma_start3A_194 = tpu.memref_slice %arg6[%dma_start3A_191, %dma_start3A_192, %dma_start3A_193] : memref<4x128x128xf32, #tpu.memory_space<vmem>> -> memref<1x128x128xf32, #tpu.memory_space<vmem>>
    %dma_start3A_195 = tpu.memref_squeeze %dma_start3A_194 : memref<1x128x128xf32, #tpu.memory_space<vmem>> -> memref<128x128xf32, #tpu.memory_space<vmem>>
    %dma_start3A_196 = arith.constant 0 : i32
    %dma_start3A_197 = tpu.memref_slice %arg5[%dma_start3A_190, %dma_start3A_196] : memref<50x128xi32, #tpu.memory_space<vmem>> -> memref<1x128xi32, #tpu.memory_space<vmem>>
    %dma_start3A_198 = tpu.memref_squeeze %dma_start3A_197 : memref<1x128xi32, #tpu.memory_space<vmem>> -> memref<128xi32, #tpu.memory_space<vmem>>
    %dma_start3A_199 = arith.constant 0 : i32
    %dma_start3A_200 = arith.constant 0 : i32
    %dma_start3A_201 = tpu.memref_slice %arg3[%dma_start3A_199, %dma_start3A_200] : memref<100000x128xf32, #tpu.memory_space<hbm>> -> memref<100000x128xf32, #tpu.memory_space<hbm>>
    tpu.enqueue_indirect_dma source(%dma_start3A_201 : memref<100000x128xf32, #tpu.memory_space<hbm>>) target(%dma_start3A_195 : memref<128x128xf32, #tpu.memory_space<vmem>>) offsets(%dma_start3A_198 : memref<128xi32, #tpu.memory_space<vmem>>) semaphore(%arg8 : memref<!tpu.dma_semaphore, #tpu.memory_space<semaphore_mem>>)
    %dma_wait3A_202 = arith.constant 47 : i32
    %dma_wait3A_203 = arith.constant 3 : i32
    %dma_wait3A_204 = arith.constant 0 : i32
    %dma_wait3A_205 = arith.constant 0 : i32
    %dma_wait3A_206 = tpu.memref_slice %arg6[%dma_wait3A_203, %dma_wait3A_204, %dma_wait3A_205] : memref<4x128x128xf32, #tpu.memory_space<vmem>> -> memref<1x128x128xf32, #tpu.memory_space<vmem>>
    %dma_wait3A_207 = tpu.memref_squeeze %dma_wait3A_206 : memref<1x128x128xf32, #tpu.memory_space<vmem>> -> memref<128x128xf32, #tpu.memory_space<vmem>>
    %dma_wait3A_208 = arith.constant 0 : i32
    %dma_wait3A_209 = tpu.memref_slice %arg5[%dma_wait3A_202, %dma_wait3A_208] : memref<50x128xi32, #tpu.memory_space<vmem>> -> memref<1x128xi32, #tpu.memory_space<vmem>>
    %dma_wait3A_210 = tpu.memref_squeeze %dma_wait3A_209 : memref<1x128xi32, #tpu.memory_space<vmem>> -> memref<128xi32, #tpu.memory_space<vmem>>
    %dma_wait3A_211 = arith.constant 0 : i32
    %dma_wait3A_212 = arith.constant 0 : i32
    %dma_wait3A_213 = tpu.memref_slice %arg3[%dma_wait3A_211, %dma_wait3A_212] : memref<100000x128xf32, #tpu.memory_space<hbm>> -> memref<100000x128xf32, #tpu.memory_space<hbm>>
    tpu.wait_indirect_dma semaphore(%arg10 : memref<!tpu.dma_semaphore, #tpu.memory_space<semaphore_mem>>) src(%dma_wait3A_213 : memref<100000x128xf32, #tpu.memory_space<hbm>>) dst(%dma_wait3A_207 : memref<128x128xf32, #tpu.memory_space<vmem>>)
    %parallel_loop3A_214 = arith.constant 0 : i32
    %parallel_loop3A_215 = arith.constant 128 : i32
    %parallel_loop3A_216 = arith.constant 1 : i32
    scf.for %parallel_loop3A_359 = %parallel_loop3A_214 to %parallel_loop3A_215 step %parallel_loop3A_216  : i32 {
      %parallel_loop3A_360 = arith.constant 3 : i32
      %parallel_loop3A_361 = arith.index_cast %parallel_loop3A_360 : i32 to index
      %parallel_loop3A_362 = arith.index_cast %parallel_loop3A_359 : i32 to index
      %parallel_loop3A_363 = arith.constant 0 : index
      %parallel_loop3A_364 = tpu.vector_load %arg6[%parallel_loop3A_361, %parallel_loop3A_362, %parallel_loop3A_363] {strides = array<i32>} : memref<4x128x128xf32, #tpu.memory_space<vmem>>, vector<1x1x16xf32>,
      %parallel_loop3A_365 = vector.shape_cast %parallel_loop3A_364 : vector<1x1x16xf32> to vector<16xf32>
      %parallel_loop3A_366 = arith.constant 11.3137083 : f32
      %parallel_loop3A_367 = vector.broadcast %parallel_loop3A_366 : f32 to vector<16xf32>
      %parallel_loop3A_368 = arith.mulf %parallel_loop3A_365, %parallel_loop3A_367 : vector<16xf32>
      %parallel_loop3A_369 = arith.constant 3 : i32
      %parallel_loop3A_370 = arith.index_cast %parallel_loop3A_369 : i32 to index
      %parallel_loop3A_371 = arith.index_cast %parallel_loop3A_359 : i32 to index
      %parallel_loop3A_372 = arith.constant 0 : index
      %parallel_loop3A_373 = tpu.vector_load %arg6[%parallel_loop3A_370, %parallel_loop3A_371, %parallel_loop3A_372] {strides = array<i32>} : memref<4x128x128xf32, #tpu.memory_space<vmem>>, vector<1x1x16xf32>,
      %parallel_loop3A_374 = vector.shape_cast %parallel_loop3A_373 : vector<1x1x16xf32> to vector<16xf32>
      %parallel_loop3A_375 = vector.shape_cast %parallel_loop3A_368 : vector<16xf32> to vector<1x1x16xf32>
      tpu.vector_store %arg6[%parallel_loop3A_370, %parallel_loop3A_371, %parallel_loop3A_372], %parallel_loop3A_375 {strides = array<i32>} : memref<4x128x128xf32, #tpu.memory_space<vmem>>, vector<1x1x16xf32>,
      %parallel_loop3A_376 = arith.constant 3 : i32
      %parallel_loop3A_377 = arith.index_cast %parallel_loop3A_376 : i32 to index
      %parallel_loop3A_378 = arith.index_cast %parallel_loop3A_359 : i32 to index
      %parallel_loop3A_379 = arith.constant 16 : index
      %parallel_loop3A_380 = tpu.vector_load %arg6[%parallel_loop3A_377, %parallel_loop3A_378, %parallel_loop3A_379] {strides = array<i32>} : memref<4x128x128xf32, #tpu.memory_space<vmem>>, vector<1x1x16xf32>,
      %parallel_loop3A_381 = vector.shape_cast %parallel_loop3A_380 : vector<1x1x16xf32> to vector<16xf32>
      %parallel_loop3A_382 = arith.constant 11.3137083 : f32
      %parallel_loop3A_383 = vector.broadcast %parallel_loop3A_382 : f32 to vector<16xf32>
      %parallel_loop3A_384 = arith.mulf %parallel_loop3A_381, %parallel_loop3A_383 : vector<16xf32>
      %parallel_loop3A_385 = arith.constant 3 : i32
      %parallel_loop3A_386 = arith.index_cast %parallel_loop3A_385 : i32 to index
      %parallel_loop3A_387 = arith.index_cast %parallel_loop3A_359 : i32 to index
      %parallel_loop3A_388 = arith.constant 16 : index
      %parallel_loop3A_389 = tpu.vector_load %arg6[%parallel_loop3A_386, %parallel_loop3A_387, %parallel_loop3A_388] {strides = array<i32>} : memref<4x128x128xf32, #tpu.memory_space<vmem>>, vector<1x1x16xf32>,
      %parallel_loop3A_390 = vector.shape_cast %parallel_loop3A_389 : vector<1x1x16xf32> to vector<16xf32>
      %parallel_loop3A_391 = vector.shape_cast %parallel_loop3A_384 : vector<16xf32> to vector<1x1x16xf32>
      tpu.vector_store %arg6[%parallel_loop3A_386, %parallel_loop3A_387, %parallel_loop3A_388], %parallel_loop3A_391 {strides = array<i32>} : memref<4x128x128xf32, #tpu.memory_space<vmem>>, vector<1x1x16xf32>,
      %parallel_loop3A_392 = arith.constant 3 : i32
      %parallel_loop3A_393 = arith.index_cast %parallel_loop3A_392 : i32 to index
      %parallel_loop3A_394 = arith.index_cast %parallel_loop3A_359 : i32 to index
      %parallel_loop3A_395 = arith.constant 32 : index
      %parallel_loop3A_396 = tpu.vector_load %arg6[%parallel_loop3A_393, %parallel_loop3A_394, %parallel_loop3A_395] {strides = array<i32>} : memref<4x128x128xf32, #tpu.memory_space<vmem>>, vector<1x1x16xf32>,
      %parallel_loop3A_397 = vector.shape_cast %parallel_loop3A_396 : vector<1x1x16xf32> to vector<16xf32>
      %parallel_loop3A_398 = arith.constant 11.3137083 : f32
      %parallel_loop3A_399 = vector.broadcast %parallel_loop3A_398 : f32 to vector<16xf32>
      %parallel_loop3A_400 = arith.mulf %parallel_loop3A_397, %parallel_loop3A_399 : vector<16xf32>
      %parallel_loop3A_401 = arith.constant 3 : i32
      %parallel_loop3A_402 = arith.index_cast %parallel_loop3A_401 : i32 to index
      %parallel_loop3A_403 = arith.index_cast %parallel_loop3A_359 : i32 to index
      %parallel_loop3A_404 = arith.constant 32 : index
      %parallel_loop3A_405 = tpu.vector_load %arg6[%parallel_loop3A_402, %parallel_loop3A_403, %parallel_loop3A_404] {strides = array<i32>} : memref<4x128x128xf32, #tpu.memory_space<vmem>>, vector<1x1x16xf32>,
      %parallel_loop3A_406 = vector.shape_cast %parallel_loop3A_405 : vector<1x1x16xf32> to vector<16xf32>
      %parallel_loop3A_407 = vector.shape_cast %parallel_loop3A_400 : vector<16xf32> to vector<1x1x16xf32>
      tpu.vector_store %arg6[%parallel_loop3A_402, %parallel_loop3A_403, %parallel_loop3A_404], %parallel_loop3A_407 {strides = array<i32>} : memref<4x128x128xf32, #tpu.memory_space<vmem>>, vector<1x1x16xf32>,
      %parallel_loop3A_408 = arith.constant 3 : i32
      %parallel_loop3A_409 = arith.index_cast %parallel_loop3A_408 : i32 to index
      %parallel_loop3A_410 = arith.index_cast %parallel_loop3A_359 : i32 to index
      %parallel_loop3A_411 = arith.constant 48 : index
      %parallel_loop3A_412 = tpu.vector_load %arg6[%parallel_loop3A_409, %parallel_loop3A_410, %parallel_loop3A_411] {strides = array<i32>} : memref<4x128x128xf32, #tpu.memory_space<vmem>>, vector<1x1x16xf32>,
      %parallel_loop3A_413 = vector.shape_cast %parallel_loop3A_412 : vector<1x1x16xf32> to vector<16xf32>
      %parallel_loop3A_414 = arith.constant 11.3137083 : f32
      %parallel_loop3A_415 = vector.broadcast %parallel_loop3A_414 : f32 to vector<16xf32>
      %parallel_loop3A_416 = arith.mulf %parallel_loop3A_413, %parallel_loop3A_415 : vector<16xf32>
      %parallel_loop3A_417 = arith.constant 3 : i32
      %parallel_loop3A_418 = arith.index_cast %parallel_loop3A_417 : i32 to index
      %parallel_loop3A_419 = arith.index_cast %parallel_loop3A_359 : i32 to index
      %parallel_loop3A_420 = arith.constant 48 : index
      %parallel_loop3A_421 = tpu.vector_load %arg6[%parallel_loop3A_418, %parallel_loop3A_419, %parallel_loop3A_420] {strides = array<i32>} : memref<4x128x128xf32, #tpu.memory_space<vmem>>, vector<1x1x16xf32>,
      %parallel_loop3A_422 = vector.shape_cast %parallel_loop3A_421 : vector<1x1x16xf32> to vector<16xf32>
      %parallel_loop3A_423 = vector.shape_cast %parallel_loop3A_416 : vector<16xf32> to vector<1x1x16xf32>
      tpu.vector_store %arg6[%parallel_loop3A_418, %parallel_loop3A_419, %parallel_loop3A_420], %parallel_loop3A_423 {strides = array<i32>} : memref<4x128x128xf32, #tpu.memory_space<vmem>>, vector<1x1x16xf32>,
      %parallel_loop3A_424 = arith.constant 3 : i32
      %parallel_loop3A_425 = arith.index_cast %parallel_loop3A_424 : i32 to index
      %parallel_loop3A_426 = arith.index_cast %parallel_loop3A_359 : i32 to index
      %parallel_loop3A_427 = arith.constant 64 : index
      %parallel_loop3A_428 = tpu.vector_load %arg6[%parallel_loop3A_425, %parallel_loop3A_426, %parallel_loop3A_427] {strides = array<i32>} : memref<4x128x128xf32, #tpu.memory_space<vmem>>, vector<1x1x16xf32>,
      %parallel_loop3A_429 = vector.shape_cast %parallel_loop3A_428 : vector<1x1x16xf32> to vector<16xf32>
      %parallel_loop3A_430 = arith.constant 11.3137083 : f32
      %parallel_loop3A_431 = vector.broadcast %parallel_loop3A_430 : f32 to vector<16xf32>
      %parallel_loop3A_432 = arith.mulf %parallel_loop3A_429, %parallel_loop3A_431 : vector<16xf32>
      %parallel_loop3A_433 = arith.constant 3 : i32
      %parallel_loop3A_434 = arith.index_cast %parallel_loop3A_433 : i32 to index
      %parallel_loop3A_435 = arith.index_cast %parallel_loop3A_359 : i32 to index
      %parallel_loop3A_436 = arith.constant 64 : index
      %parallel_loop3A_437 = tpu.vector_load %arg6[%parallel_loop3A_434, %parallel_loop3A_435, %parallel_loop3A_436] {strides = array<i32>} : memref<4x128x128xf32, #tpu.memory_space<vmem>>, vector<1x1x16xf32>,
      %parallel_loop3A_438 = vector.shape_cast %parallel_loop3A_437 : vector<1x1x16xf32> to vector<16xf32>
      %parallel_loop3A_439 = vector.shape_cast %parallel_loop3A_432 : vector<16xf32> to vector<1x1x16xf32>
      tpu.vector_store %arg6[%parallel_loop3A_434, %parallel_loop3A_435, %parallel_loop3A_436], %parallel_loop3A_439 {strides = array<i32>} : memref<4x128x128xf32, #tpu.memory_space<vmem>>, vector<1x1x16xf32>,
      %parallel_loop3A_440 = arith.constant 3 : i32
      %parallel_loop3A_441 = arith.index_cast %parallel_loop3A_440 : i32 to index
      %parallel_loop3A_442 = arith.index_cast %parallel_loop3A_359 : i32 to index
      %parallel_loop3A_443 = arith.constant 80 : index
      %parallel_loop3A_444 = tpu.vector_load %arg6[%parallel_loop3A_441, %parallel_loop3A_442, %parallel_loop3A_443] {strides = array<i32>} : memref<4x128x128xf32, #tpu.memory_space<vmem>>, vector<1x1x16xf32>,
      %parallel_loop3A_445 = vector.shape_cast %parallel_loop3A_444 : vector<1x1x16xf32> to vector<16xf32>
      %parallel_loop3A_446 = arith.constant 11.3137083 : f32
      %parallel_loop3A_447 = vector.broadcast %parallel_loop3A_446 : f32 to vector<16xf32>
      %parallel_loop3A_448 = arith.mulf %parallel_loop3A_445, %parallel_loop3A_447 : vector<16xf32>
      %parallel_loop3A_449 = arith.constant 3 : i32
      %parallel_loop3A_450 = arith.index_cast %parallel_loop3A_449 : i32 to index
      %parallel_loop3A_451 = arith.index_cast %parallel_loop3A_359 : i32 to index
      %parallel_loop3A_452 = arith.constant 80 : index
      %parallel_loop3A_453 = tpu.vector_load %arg6[%parallel_loop3A_450, %parallel_loop3A_451, %parallel_loop3A_452] {strides = array<i32>} : memref<4x128x128xf32, #tpu.memory_space<vmem>>, vector<1x1x16xf32>,
      %parallel_loop3A_454 = vector.shape_cast %parallel_loop3A_453 : vector<1x1x16xf32> to vector<16xf32>
      %parallel_loop3A_455 = vector.shape_cast %parallel_loop3A_448 : vector<16xf32> to vector<1x1x16xf32>
      tpu.vector_store %arg6[%parallel_loop3A_450, %parallel_loop3A_451, %parallel_loop3A_452], %parallel_loop3A_455 {strides = array<i32>} : memref<4x128x128xf32, #tpu.memory_space<vmem>>, vector<1x1x16xf32>,
      %parallel_loop3A_456 = arith.constant 3 : i32
      %parallel_loop3A_457 = arith.index_cast %parallel_loop3A_456 : i32 to index
      %parallel_loop3A_458 = arith.index_cast %parallel_loop3A_359 : i32 to index
      %parallel_loop3A_459 = arith.constant 96 : index
      %parallel_loop3A_460 = tpu.vector_load %arg6[%parallel_loop3A_457, %parallel_loop3A_458, %parallel_loop3A_459] {strides = array<i32>} : memref<4x128x128xf32, #tpu.memory_space<vmem>>, vector<1x1x16xf32>,
      %parallel_loop3A_461 = vector.shape_cast %parallel_loop3A_460 : vector<1x1x16xf32> to vector<16xf32>
      %parallel_loop3A_462 = arith.constant 11.3137083 : f32
      %parallel_loop3A_463 = vector.broadcast %parallel_loop3A_462 : f32 to vector<16xf32>
      %parallel_loop3A_464 = arith.mulf %parallel_loop3A_461, %parallel_loop3A_463 : vector<16xf32>
      %parallel_loop3A_465 = arith.constant 3 : i32
      %parallel_loop3A_466 = arith.index_cast %parallel_loop3A_465 : i32 to index
      %parallel_loop3A_467 = arith.index_cast %parallel_loop3A_359 : i32 to index
      %parallel_loop3A_468 = arith.constant 96 : index
      %parallel_loop3A_469 = tpu.vector_load %arg6[%parallel_loop3A_466, %parallel_loop3A_467, %parallel_loop3A_468] {strides = array<i32>} : memref<4x128x128xf32, #tpu.memory_space<vmem>>, vector<1x1x16xf32>,
      %parallel_loop3A_470 = vector.shape_cast %parallel_loop3A_469 : vector<1x1x16xf32> to vector<16xf32>
      %parallel_loop3A_471 = vector.shape_cast %parallel_loop3A_464 : vector<16xf32> to vector<1x1x16xf32>
      tpu.vector_store %arg6[%parallel_loop3A_466, %parallel_loop3A_467, %parallel_loop3A_468], %parallel_loop3A_471 {strides = array<i32>} : memref<4x128x128xf32, #tpu.memory_space<vmem>>, vector<1x1x16xf32>,
      %parallel_loop3A_472 = arith.constant 3 : i32
      %parallel_loop3A_473 = arith.index_cast %parallel_loop3A_472 : i32 to index
      %parallel_loop3A_474 = arith.index_cast %parallel_loop3A_359 : i32 to index
      %parallel_loop3A_475 = arith.constant 112 : index
      %parallel_loop3A_476 = tpu.vector_load %arg6[%parallel_loop3A_473, %parallel_loop3A_474, %parallel_loop3A_475] {strides = array<i32>} : memref<4x128x128xf32, #tpu.memory_space<vmem>>, vector<1x1x16xf32>,
      %parallel_loop3A_477 = vector.shape_cast %parallel_loop3A_476 : vector<1x1x16xf32> to vector<16xf32>
      %parallel_loop3A_478 = arith.constant 11.3137083 : f32
      %parallel_loop3A_479 = vector.broadcast %parallel_loop3A_478 : f32 to vector<16xf32>
      %parallel_loop3A_480 = arith.mulf %parallel_loop3A_477, %parallel_loop3A_479 : vector<16xf32>
      %parallel_loop3A_481 = arith.constant 3 : i32
      %parallel_loop3A_482 = arith.index_cast %parallel_loop3A_481 : i32 to index
      %parallel_loop3A_483 = arith.index_cast %parallel_loop3A_359 : i32 to index
      %parallel_loop3A_484 = arith.constant 112 : index
      %parallel_loop3A_485 = tpu.vector_load %arg6[%parallel_loop3A_482, %parallel_loop3A_483, %parallel_loop3A_484] {strides = array<i32>} : memref<4x128x128xf32, #tpu.memory_space<vmem>>, vector<1x1x16xf32>,
      %parallel_loop3A_486 = vector.shape_cast %parallel_loop3A_485 : vector<1x1x16xf32> to vector<16xf32>
      %parallel_loop3A_487 = vector.shape_cast %parallel_loop3A_480 : vector<16xf32> to vector<1x1x16xf32>
      tpu.vector_store %arg6[%parallel_loop3A_482, %parallel_loop3A_483, %parallel_loop3A_484], %parallel_loop3A_487 {strides = array<i32>} : memref<4x128x128xf32, #tpu.memory_space<vmem>>, vector<1x1x16xf32>,
    } {sc.loop_unroll_factor = 4 : i64, sc.parallel_access}
    %dma_start3A_217 = arith.constant 3 : i32
    %dma_start3A_218 = arith.constant 47 : i32
    %dma_start3A_219 = arith.constant 0 : i32
    %dma_start3A_220 = arith.constant 0 : i32
    %dma_start3A_221 = tpu.memref_slice %arg6[%dma_start3A_217, %dma_start3A_219, %dma_start3A_220] : memref<4x128x128xf32, #tpu.memory_space<vmem>> -> memref<1x128x128xf32, #tpu.memory_space<vmem>>
    %dma_start3A_222 = tpu.memref_squeeze %dma_start3A_221 : memref<1x128x128xf32, #tpu.memory_space<vmem>> -> memref<128x128xf32, #tpu.memory_space<vmem>>
    %dma_start3A_223 = arith.constant 0 : i32
    %dma_start3A_224 = tpu.memref_slice %arg4[%dma_start3A_218, %mul3A_2, %dma_start3A_223] : memref<50x4096x128xf32, #tpu.memory_space<hbm>> -> memref<1x128x128xf32, #tpu.memory_space<hbm>>
    %dma_start3A_225 = tpu.memref_squeeze %dma_start3A_224 : memref<1x128x128xf32, #tpu.memory_space<hbm>> -> memref<128x128xf32, #tpu.memory_space<hbm>>
    %dma_start3A_226 = arith.constant 0 : i32
    %dma_start3A_227 = tpu.memref_slice %arg4[%dma_start3A_218, %mul3A_2, %dma_start3A_226] : memref<50x4096x128xf32, #tpu.memory_space<hbm>> -> memref<1x128x128xf32, #tpu.memory_space<hbm>>
    %dma_start3A_228 = tpu.memref_squeeze %dma_start3A_227 : memref<1x128x128xf32, #tpu.memory_space<hbm>> -> memref<128x128xf32, #tpu.memory_space<hbm>>
    %dma_start3A_229 = arith.constant 0 : i32
    %dma_start3A_230 = arith.constant 0 : i32
    %dma_start3A_231 = tpu.memref_slice %arg6[%dma_start3A_217, %dma_start3A_229, %dma_start3A_230] : memref<4x128x128xf32, #tpu.memory_space<vmem>> -> memref<1x128x128xf32, #tpu.memory_space<vmem>>
    %dma_start3A_232 = tpu.memref_squeeze %dma_start3A_231 : memref<1x128x128xf32, #tpu.memory_space<vmem>> -> memref<128x128xf32, #tpu.memory_space<vmem>>
    tpu.enqueue_dma source(%dma_start3A_232 : memref<128x128xf32, #tpu.memory_space<vmem>>) target(%dma_start3A_228 : memref<128x128xf32, #tpu.memory_space<hbm>>) target_semaphore(%arg14 : memref<!tpu.dma_semaphore, #tpu.memory_space<semaphore_mem>>)
    %dma_wait3A_233 = arith.constant 2 : i32
    %dma_wait3A_234 = arith.constant 46 : i32
    %dma_wait3A_235 = arith.constant 0 : i32
    %dma_wait3A_236 = arith.constant 0 : i32
    %dma_wait3A_237 = tpu.memref_slice %arg6[%dma_wait3A_233, %dma_wait3A_235, %dma_wait3A_236] : memref<4x128x128xf32, #tpu.memory_space<vmem>> -> memref<1x128x128xf32, #tpu.memory_space<vmem>>
    %dma_wait3A_238 = tpu.memref_squeeze %dma_wait3A_237 : memref<1x128x128xf32, #tpu.memory_space<vmem>> -> memref<128x128xf32, #tpu.memory_space<vmem>>
    %dma_wait3A_239 = arith.constant 0 : i32
    %dma_wait3A_240 = tpu.memref_slice %arg4[%dma_wait3A_234, %mul3A_2, %dma_wait3A_239] : memref<50x4096x128xf32, #tpu.memory_space<hbm>> -> memref<1x128x128xf32, #tpu.memory_space<hbm>>
    %dma_wait3A_241 = tpu.memref_squeeze %dma_wait3A_240 : memref<1x128x128xf32, #tpu.memory_space<hbm>> -> memref<128x128xf32, #tpu.memory_space<hbm>>
    %dma_wait3A_242 = arith.constant 0 : i32
    %dma_wait3A_243 = tpu.memref_slice %arg4[%dma_wait3A_234, %mul3A_2, %dma_wait3A_242] : memref<50x4096x128xf32, #tpu.memory_space<hbm>> -> memref<1x128x128xf32, #tpu.memory_space<hbm>>
    %dma_wait3A_244 = tpu.memref_squeeze %dma_wait3A_243 : memref<1x128x128xf32, #tpu.memory_space<hbm>> -> memref<128x128xf32, #tpu.memory_space<hbm>>
    %dma_wait3A_245 = arith.constant 0 : i32
    %dma_wait3A_246 = arith.constant 0 : i32
    %dma_wait3A_247 = tpu.memref_slice %arg6[%dma_wait3A_233, %dma_wait3A_245, %dma_wait3A_246] : memref<4x128x128xf32, #tpu.memory_space<vmem>> -> memref<1x128x128xf32, #tpu.memory_space<vmem>>
    %dma_wait3A_248 = tpu.memref_squeeze %dma_wait3A_247 : memref<1x128x128xf32, #tpu.memory_space<vmem>> -> memref<128x128xf32, #tpu.memory_space<vmem>>
    tpu.wait_dma2 semaphore(%arg13 : memref<!tpu.dma_semaphore, #tpu.memory_space<semaphore_mem>>) src(%dma_wait3A_248 : memref<128x128xf32, #tpu.memory_space<vmem>>) dst(%dma_wait3A_244 : memref<128x128xf32, #tpu.memory_space<hbm>>)
    %dma_wait3A_249 = arith.constant 48 : i32
    %dma_wait3A_250 = arith.constant 0 : i32
    %dma_wait3A_251 = arith.constant 0 : i32
    %dma_wait3A_252 = arith.constant 0 : i32
    %dma_wait3A_253 = tpu.memref_slice %arg6[%dma_wait3A_250, %dma_wait3A_251, %dma_wait3A_252] : memref<4x128x128xf32, #tpu.memory_space<vmem>> -> memref<1x128x128xf32, #tpu.memory_space<vmem>>
    %dma_wait3A_254 = tpu.memref_squeeze %dma_wait3A_253 : memref<1x128x128xf32, #tpu.memory_space<vmem>> -> memref<128x128xf32, #tpu.memory_space<vmem>>
    %dma_wait3A_255 = arith.constant 0 : i32
    %dma_wait3A_256 = tpu.memref_slice %arg5[%dma_wait3A_249, %dma_wait3A_255] : memref<50x128xi32, #tpu.memory_space<vmem>> -> memref<1x128xi32, #tpu.memory_space<vmem>>
    %dma_wait3A_257 = tpu.memref_squeeze %dma_wait3A_256 : memref<1x128xi32, #tpu.memory_space<vmem>> -> memref<128xi32, #tpu.memory_space<vmem>>
    %dma_wait3A_258 = arith.constant 0 : i32
    %dma_wait3A_259 = arith.constant 0 : i32
    %dma_wait3A_260 = tpu.memref_slice %arg3[%dma_wait3A_258, %dma_wait3A_259] : memref<100000x128xf32, #tpu.memory_space<hbm>> -> memref<100000x128xf32, #tpu.memory_space<hbm>>
    tpu.wait_indirect_dma semaphore(%arg7 : memref<!tpu.dma_semaphore, #tpu.memory_space<semaphore_mem>>) src(%dma_wait3A_260 : memref<100000x128xf32, #tpu.memory_space<hbm>>) dst(%dma_wait3A_254 : memref<128x128xf32, #tpu.memory_space<vmem>>)
    %parallel_loop3A_261 = arith.constant 0 : i32
    %parallel_loop3A_262 = arith.constant 128 : i32
    %parallel_loop3A_263 = arith.constant 1 : i32
    scf.for %parallel_loop3A_359 = %parallel_loop3A_261 to %parallel_loop3A_262 step %parallel_loop3A_263  : i32 {
      %parallel_loop3A_360 = arith.constant 0 : i32
      %parallel_loop3A_361 = arith.index_cast %parallel_loop3A_360 : i32 to index
      %parallel_loop3A_362 = arith.index_cast %parallel_loop3A_359 : i32 to index
      %parallel_loop3A_363 = arith.constant 0 : index
      %parallel_loop3A_364 = tpu.vector_load %arg6[%parallel_loop3A_361, %parallel_loop3A_362, %parallel_loop3A_363] {strides = array<i32>} : memref<4x128x128xf32, #tpu.memory_space<vmem>>, vector<1x1x16xf32>,
      %parallel_loop3A_365 = vector.shape_cast %parallel_loop3A_364 : vector<1x1x16xf32> to vector<16xf32>
      %parallel_loop3A_366 = arith.constant 11.3137083 : f32
      %parallel_loop3A_367 = vector.broadcast %parallel_loop3A_366 : f32 to vector<16xf32>
      %parallel_loop3A_368 = arith.mulf %parallel_loop3A_365, %parallel_loop3A_367 : vector<16xf32>
      %parallel_loop3A_369 = arith.constant 0 : i32
      %parallel_loop3A_370 = arith.index_cast %parallel_loop3A_369 : i32 to index
      %parallel_loop3A_371 = arith.index_cast %parallel_loop3A_359 : i32 to index
      %parallel_loop3A_372 = arith.constant 0 : index
      %parallel_loop3A_373 = tpu.vector_load %arg6[%parallel_loop3A_370, %parallel_loop3A_371, %parallel_loop3A_372] {strides = array<i32>} : memref<4x128x128xf32, #tpu.memory_space<vmem>>, vector<1x1x16xf32>,
      %parallel_loop3A_374 = vector.shape_cast %parallel_loop3A_373 : vector<1x1x16xf32> to vector<16xf32>
      %parallel_loop3A_375 = vector.shape_cast %parallel_loop3A_368 : vector<16xf32> to vector<1x1x16xf32>
      tpu.vector_store %arg6[%parallel_loop3A_370, %parallel_loop3A_371, %parallel_loop3A_372], %parallel_loop3A_375 {strides = array<i32>} : memref<4x128x128xf32, #tpu.memory_space<vmem>>, vector<1x1x16xf32>,
      %parallel_loop3A_376 = arith.constant 0 : i32
      %parallel_loop3A_377 = arith.index_cast %parallel_loop3A_376 : i32 to index
      %parallel_loop3A_378 = arith.index_cast %parallel_loop3A_359 : i32 to index
      %parallel_loop3A_379 = arith.constant 16 : index
      %parallel_loop3A_380 = tpu.vector_load %arg6[%parallel_loop3A_377, %parallel_loop3A_378, %parallel_loop3A_379] {strides = array<i32>} : memref<4x128x128xf32, #tpu.memory_space<vmem>>, vector<1x1x16xf32>,
      %parallel_loop3A_381 = vector.shape_cast %parallel_loop3A_380 : vector<1x1x16xf32> to vector<16xf32>
      %parallel_loop3A_382 = arith.constant 11.3137083 : f32
      %parallel_loop3A_383 = vector.broadcast %parallel_loop3A_382 : f32 to vector<16xf32>
      %parallel_loop3A_384 = arith.mulf %parallel_loop3A_381, %parallel_loop3A_383 : vector<16xf32>
      %parallel_loop3A_385 = arith.constant 0 : i32
      %parallel_loop3A_386 = arith.index_cast %parallel_loop3A_385 : i32 to index
      %parallel_loop3A_387 = arith.index_cast %parallel_loop3A_359 : i32 to index
      %parallel_loop3A_388 = arith.constant 16 : index
      %parallel_loop3A_389 = tpu.vector_load %arg6[%parallel_loop3A_386, %parallel_loop3A_387, %parallel_loop3A_388] {strides = array<i32>} : memref<4x128x128xf32, #tpu.memory_space<vmem>>, vector<1x1x16xf32>,
      %parallel_loop3A_390 = vector.shape_cast %parallel_loop3A_389 : vector<1x1x16xf32> to vector<16xf32>
      %parallel_loop3A_391 = vector.shape_cast %parallel_loop3A_384 : vector<16xf32> to vector<1x1x16xf32>
      tpu.vector_store %arg6[%parallel_loop3A_386, %parallel_loop3A_387, %parallel_loop3A_388], %parallel_loop3A_391 {strides = array<i32>} : memref<4x128x128xf32, #tpu.memory_space<vmem>>, vector<1x1x16xf32>,
      %parallel_loop3A_392 = arith.constant 0 : i32
      %parallel_loop3A_393 = arith.index_cast %parallel_loop3A_392 : i32 to index
      %parallel_loop3A_394 = arith.index_cast %parallel_loop3A_359 : i32 to index
      %parallel_loop3A_395 = arith.constant 32 : index
      %parallel_loop3A_396 = tpu.vector_load %arg6[%parallel_loop3A_393, %parallel_loop3A_394, %parallel_loop3A_395] {strides = array<i32>} : memref<4x128x128xf32, #tpu.memory_space<vmem>>, vector<1x1x16xf32>,
      %parallel_loop3A_397 = vector.shape_cast %parallel_loop3A_396 : vector<1x1x16xf32> to vector<16xf32>
      %parallel_loop3A_398 = arith.constant 11.3137083 : f32
      %parallel_loop3A_399 = vector.broadcast %parallel_loop3A_398 : f32 to vector<16xf32>
      %parallel_loop3A_400 = arith.mulf %parallel_loop3A_397, %parallel_loop3A_399 : vector<16xf32>
      %parallel_loop3A_401 = arith.constant 0 : i32
      %parallel_loop3A_402 = arith.index_cast %parallel_loop3A_401 : i32 to index
      %parallel_loop3A_403 = arith.index_cast %parallel_loop3A_359 : i32 to index
      %parallel_loop3A_404 = arith.constant 32 : index
      %parallel_loop3A_405 = tpu.vector_load %arg6[%parallel_loop3A_402, %parallel_loop3A_403, %parallel_loop3A_404] {strides = array<i32>} : memref<4x128x128xf32, #tpu.memory_space<vmem>>, vector<1x1x16xf32>,
      %parallel_loop3A_406 = vector.shape_cast %parallel_loop3A_405 : vector<1x1x16xf32> to vector<16xf32>
      %parallel_loop3A_407 = vector.shape_cast %parallel_loop3A_400 : vector<16xf32> to vector<1x1x16xf32>
      tpu.vector_store %arg6[%parallel_loop3A_402, %parallel_loop3A_403, %parallel_loop3A_404], %parallel_loop3A_407 {strides = array<i32>} : memref<4x128x128xf32, #tpu.memory_space<vmem>>, vector<1x1x16xf32>,
      %parallel_loop3A_408 = arith.constant 0 : i32
      %parallel_loop3A_409 = arith.index_cast %parallel_loop3A_408 : i32 to index
      %parallel_loop3A_410 = arith.index_cast %parallel_loop3A_359 : i32 to index
      %parallel_loop3A_411 = arith.constant 48 : index
      %parallel_loop3A_412 = tpu.vector_load %arg6[%parallel_loop3A_409, %parallel_loop3A_410, %parallel_loop3A_411] {strides = array<i32>} : memref<4x128x128xf32, #tpu.memory_space<vmem>>, vector<1x1x16xf32>,
      %parallel_loop3A_413 = vector.shape_cast %parallel_loop3A_412 : vector<1x1x16xf32> to vector<16xf32>
      %parallel_loop3A_414 = arith.constant 11.3137083 : f32
      %parallel_loop3A_415 = vector.broadcast %parallel_loop3A_414 : f32 to vector<16xf32>
      %parallel_loop3A_416 = arith.mulf %parallel_loop3A_413, %parallel_loop3A_415 : vector<16xf32>
      %parallel_loop3A_417 = arith.constant 0 : i32
      %parallel_loop3A_418 = arith.index_cast %parallel_loop3A_417 : i32 to index
      %parallel_loop3A_419 = arith.index_cast %parallel_loop3A_359 : i32 to index
      %parallel_loop3A_420 = arith.constant 48 : index
      %parallel_loop3A_421 = tpu.vector_load %arg6[%parallel_loop3A_418, %parallel_loop3A_419, %parallel_loop3A_420] {strides = array<i32>} : memref<4x128x128xf32, #tpu.memory_space<vmem>>, vector<1x1x16xf32>,
      %parallel_loop3A_422 = vector.shape_cast %parallel_loop3A_421 : vector<1x1x16xf32> to vector<16xf32>
      %parallel_loop3A_423 = vector.shape_cast %parallel_loop3A_416 : vector<16xf32> to vector<1x1x16xf32>
      tpu.vector_store %arg6[%parallel_loop3A_418, %parallel_loop3A_419, %parallel_loop3A_420], %parallel_loop3A_423 {strides = array<i32>} : memref<4x128x128xf32, #tpu.memory_space<vmem>>, vector<1x1x16xf32>,
      %parallel_loop3A_424 = arith.constant 0 : i32
      %parallel_loop3A_425 = arith.index_cast %parallel_loop3A_424 : i32 to index
      %parallel_loop3A_426 = arith.index_cast %parallel_loop3A_359 : i32 to index
      %parallel_loop3A_427 = arith.constant 64 : index
      %parallel_loop3A_428 = tpu.vector_load %arg6[%parallel_loop3A_425, %parallel_loop3A_426, %parallel_loop3A_427] {strides = array<i32>} : memref<4x128x128xf32, #tpu.memory_space<vmem>>, vector<1x1x16xf32>,
      %parallel_loop3A_429 = vector.shape_cast %parallel_loop3A_428 : vector<1x1x16xf32> to vector<16xf32>
      %parallel_loop3A_430 = arith.constant 11.3137083 : f32
      %parallel_loop3A_431 = vector.broadcast %parallel_loop3A_430 : f32 to vector<16xf32>
      %parallel_loop3A_432 = arith.mulf %parallel_loop3A_429, %parallel_loop3A_431 : vector<16xf32>
      %parallel_loop3A_433 = arith.constant 0 : i32
      %parallel_loop3A_434 = arith.index_cast %parallel_loop3A_433 : i32 to index
      %parallel_loop3A_435 = arith.index_cast %parallel_loop3A_359 : i32 to index
      %parallel_loop3A_436 = arith.constant 64 : index
      %parallel_loop3A_437 = tpu.vector_load %arg6[%parallel_loop3A_434, %parallel_loop3A_435, %parallel_loop3A_436] {strides = array<i32>} : memref<4x128x128xf32, #tpu.memory_space<vmem>>, vector<1x1x16xf32>,
      %parallel_loop3A_438 = vector.shape_cast %parallel_loop3A_437 : vector<1x1x16xf32> to vector<16xf32>
      %parallel_loop3A_439 = vector.shape_cast %parallel_loop3A_432 : vector<16xf32> to vector<1x1x16xf32>
      tpu.vector_store %arg6[%parallel_loop3A_434, %parallel_loop3A_435, %parallel_loop3A_436], %parallel_loop3A_439 {strides = array<i32>} : memref<4x128x128xf32, #tpu.memory_space<vmem>>, vector<1x1x16xf32>,
      %parallel_loop3A_440 = arith.constant 0 : i32
      %parallel_loop3A_441 = arith.index_cast %parallel_loop3A_440 : i32 to index
      %parallel_loop3A_442 = arith.index_cast %parallel_loop3A_359 : i32 to index
      %parallel_loop3A_443 = arith.constant 80 : index
      %parallel_loop3A_444 = tpu.vector_load %arg6[%parallel_loop3A_441, %parallel_loop3A_442, %parallel_loop3A_443] {strides = array<i32>} : memref<4x128x128xf32, #tpu.memory_space<vmem>>, vector<1x1x16xf32>,
      %parallel_loop3A_445 = vector.shape_cast %parallel_loop3A_444 : vector<1x1x16xf32> to vector<16xf32>
      %parallel_loop3A_446 = arith.constant 11.3137083 : f32
      %parallel_loop3A_447 = vector.broadcast %parallel_loop3A_446 : f32 to vector<16xf32>
      %parallel_loop3A_448 = arith.mulf %parallel_loop3A_445, %parallel_loop3A_447 : vector<16xf32>
      %parallel_loop3A_449 = arith.constant 0 : i32
      %parallel_loop3A_450 = arith.index_cast %parallel_loop3A_449 : i32 to index
      %parallel_loop3A_451 = arith.index_cast %parallel_loop3A_359 : i32 to index
      %parallel_loop3A_452 = arith.constant 80 : index
      %parallel_loop3A_453 = tpu.vector_load %arg6[%parallel_loop3A_450, %parallel_loop3A_451, %parallel_loop3A_452] {strides = array<i32>} : memref<4x128x128xf32, #tpu.memory_space<vmem>>, vector<1x1x16xf32>,
      %parallel_loop3A_454 = vector.shape_cast %parallel_loop3A_453 : vector<1x1x16xf32> to vector<16xf32>
      %parallel_loop3A_455 = vector.shape_cast %parallel_loop3A_448 : vector<16xf32> to vector<1x1x16xf32>
      tpu.vector_store %arg6[%parallel_loop3A_450, %parallel_loop3A_451, %parallel_loop3A_452], %parallel_loop3A_455 {strides = array<i32>} : memref<4x128x128xf32, #tpu.memory_space<vmem>>, vector<1x1x16xf32>,
      %parallel_loop3A_456 = arith.constant 0 : i32
      %parallel_loop3A_457 = arith.index_cast %parallel_loop3A_456 : i32 to index
      %parallel_loop3A_458 = arith.index_cast %parallel_loop3A_359 : i32 to index
      %parallel_loop3A_459 = arith.constant 96 : index
      %parallel_loop3A_460 = tpu.vector_load %arg6[%parallel_loop3A_457, %parallel_loop3A_458, %parallel_loop3A_459] {strides = array<i32>} : memref<4x128x128xf32, #tpu.memory_space<vmem>>, vector<1x1x16xf32>,
      %parallel_loop3A_461 = vector.shape_cast %parallel_loop3A_460 : vector<1x1x16xf32> to vector<16xf32>
      %parallel_loop3A_462 = arith.constant 11.3137083 : f32
      %parallel_loop3A_463 = vector.broadcast %parallel_loop3A_462 : f32 to vector<16xf32>
      %parallel_loop3A_464 = arith.mulf %parallel_loop3A_461, %parallel_loop3A_463 : vector<16xf32>
      %parallel_loop3A_465 = arith.constant 0 : i32
      %parallel_loop3A_466 = arith.index_cast %parallel_loop3A_465 : i32 to index
      %parallel_loop3A_467 = arith.index_cast %parallel_loop3A_359 : i32 to index
      %parallel_loop3A_468 = arith.constant 96 : index
      %parallel_loop3A_469 = tpu.vector_load %arg6[%parallel_loop3A_466, %parallel_loop3A_467, %parallel_loop3A_468] {strides = array<i32>} : memref<4x128x128xf32, #tpu.memory_space<vmem>>, vector<1x1x16xf32>,
      %parallel_loop3A_470 = vector.shape_cast %parallel_loop3A_469 : vector<1x1x16xf32> to vector<16xf32>
      %parallel_loop3A_471 = vector.shape_cast %parallel_loop3A_464 : vector<16xf32> to vector<1x1x16xf32>
      tpu.vector_store %arg6[%parallel_loop3A_466, %parallel_loop3A_467, %parallel_loop3A_468], %parallel_loop3A_471 {strides = array<i32>} : memref<4x128x128xf32, #tpu.memory_space<vmem>>, vector<1x1x16xf32>,
      %parallel_loop3A_472 = arith.constant 0 : i32
      %parallel_loop3A_473 = arith.index_cast %parallel_loop3A_472 : i32 to index
      %parallel_loop3A_474 = arith.index_cast %parallel_loop3A_359 : i32 to index
      %parallel_loop3A_475 = arith.constant 112 : index
      %parallel_loop3A_476 = tpu.vector_load %arg6[%parallel_loop3A_473, %parallel_loop3A_474, %parallel_loop3A_475] {strides = array<i32>} : memref<4x128x128xf32, #tpu.memory_space<vmem>>, vector<1x1x16xf32>,
      %parallel_loop3A_477 = vector.shape_cast %parallel_loop3A_476 : vector<1x1x16xf32> to vector<16xf32>
      %parallel_loop3A_478 = arith.constant 11.3137083 : f32
      %parallel_loop3A_479 = vector.broadcast %parallel_loop3A_478 : f32 to vector<16xf32>
      %parallel_loop3A_480 = arith.mulf %parallel_loop3A_477, %parallel_loop3A_479 : vector<16xf32>
      %parallel_loop3A_481 = arith.constant 0 : i32
      %parallel_loop3A_482 = arith.index_cast %parallel_loop3A_481 : i32 to index
      %parallel_loop3A_483 = arith.index_cast %parallel_loop3A_359 : i32 to index
      %parallel_loop3A_484 = arith.constant 112 : index
      %parallel_loop3A_485 = tpu.vector_load %arg6[%parallel_loop3A_482, %parallel_loop3A_483, %parallel_loop3A_484] {strides = array<i32>} : memref<4x128x128xf32, #tpu.memory_space<vmem>>, vector<1x1x16xf32>,
      %parallel_loop3A_486 = vector.shape_cast %parallel_loop3A_485 : vector<1x1x16xf32> to vector<16xf32>
      %parallel_loop3A_487 = vector.shape_cast %parallel_loop3A_480 : vector<16xf32> to vector<1x1x16xf32>
      tpu.vector_store %arg6[%parallel_loop3A_482, %parallel_loop3A_483, %parallel_loop3A_484], %parallel_loop3A_487 {strides = array<i32>} : memref<4x128x128xf32, #tpu.memory_space<vmem>>, vector<1x1x16xf32>,
    } {sc.loop_unroll_factor = 4 : i64, sc.parallel_access}
    %dma_start3A_264 = arith.constant 0 : i32
    %dma_start3A_265 = arith.constant 48 : i32
    %dma_start3A_266 = arith.constant 0 : i32
    %dma_start3A_267 = arith.constant 0 : i32
    %dma_start3A_268 = tpu.memref_slice %arg6[%dma_start3A_264, %dma_start3A_266, %dma_start3A_267] : memref<4x128x128xf32, #tpu.memory_space<vmem>> -> memref<1x128x128xf32, #tpu.memory_space<vmem>>
    %dma_start3A_269 = tpu.memref_squeeze %dma_start3A_268 : memref<1x128x128xf32, #tpu.memory_space<vmem>> -> memref<128x128xf32, #tpu.memory_space<vmem>>
    %dma_start3A_270 = arith.constant 0 : i32
    %dma_start3A_271 = tpu.memref_slice %arg4[%dma_start3A_265, %mul3A_2, %dma_start3A_270] : memref<50x4096x128xf32, #tpu.memory_space<hbm>> -> memref<1x128x128xf32, #tpu.memory_space<hbm>>
    %dma_start3A_272 = tpu.memref_squeeze %dma_start3A_271 : memref<1x128x128xf32, #tpu.memory_space<hbm>> -> memref<128x128xf32, #tpu.memory_space<hbm>>
    %dma_start3A_273 = arith.constant 0 : i32
    %dma_start3A_274 = tpu.memref_slice %arg4[%dma_start3A_265, %mul3A_2, %dma_start3A_273] : memref<50x4096x128xf32, #tpu.memory_space<hbm>> -> memref<1x128x128xf32, #tpu.memory_space<hbm>>
    %dma_start3A_275 = tpu.memref_squeeze %dma_start3A_274 : memref<1x128x128xf32, #tpu.memory_space<hbm>> -> memref<128x128xf32, #tpu.memory_space<hbm>>
    %dma_start3A_276 = arith.constant 0 : i32
    %dma_start3A_277 = arith.constant 0 : i32
    %dma_start3A_278 = tpu.memref_slice %arg6[%dma_start3A_264, %dma_start3A_276, %dma_start3A_277] : memref<4x128x128xf32, #tpu.memory_space<vmem>> -> memref<1x128x128xf32, #tpu.memory_space<vmem>>
    %dma_start3A_279 = tpu.memref_squeeze %dma_start3A_278 : memref<1x128x128xf32, #tpu.memory_space<vmem>> -> memref<128x128xf32, #tpu.memory_space<vmem>>
    tpu.enqueue_dma source(%dma_start3A_279 : memref<128x128xf32, #tpu.memory_space<vmem>>) target(%dma_start3A_275 : memref<128x128xf32, #tpu.memory_space<hbm>>) target_semaphore(%arg11 : memref<!tpu.dma_semaphore, #tpu.memory_space<semaphore_mem>>)
    %dma_wait3A_280 = arith.constant 3 : i32
    %dma_wait3A_281 = arith.constant 47 : i32
    %dma_wait3A_282 = arith.constant 0 : i32
    %dma_wait3A_283 = arith.constant 0 : i32
    %dma_wait3A_284 = tpu.memref_slice %arg6[%dma_wait3A_280, %dma_wait3A_282, %dma_wait3A_283] : memref<4x128x128xf32, #tpu.memory_space<vmem>> -> memref<1x128x128xf32, #tpu.memory_space<vmem>>
    %dma_wait3A_285 = tpu.memref_squeeze %dma_wait3A_284 : memref<1x128x128xf32, #tpu.memory_space<vmem>> -> memref<128x128xf32, #tpu.memory_space<vmem>>
    %dma_wait3A_286 = arith.constant 0 : i32
    %dma_wait3A_287 = tpu.memref_slice %arg4[%dma_wait3A_281, %mul3A_2, %dma_wait3A_286] : memref<50x4096x128xf32, #tpu.memory_space<hbm>> -> memref<1x128x128xf32, #tpu.memory_space<hbm>>
    %dma_wait3A_288 = tpu.memref_squeeze %dma_wait3A_287 : memref<1x128x128xf32, #tpu.memory_space<hbm>> -> memref<128x128xf32, #tpu.memory_space<hbm>>
    %dma_wait3A_289 = arith.constant 0 : i32
    %dma_wait3A_290 = tpu.memref_slice %arg4[%dma_wait3A_281, %mul3A_2, %dma_wait3A_289] : memref<50x4096x128xf32, #tpu.memory_space<hbm>> -> memref<1x128x128xf32, #tpu.memory_space<hbm>>
    %dma_wait3A_291 = tpu.memref_squeeze %dma_wait3A_290 : memref<1x128x128xf32, #tpu.memory_space<hbm>> -> memref<128x128xf32, #tpu.memory_space<hbm>>
    %dma_wait3A_292 = arith.constant 0 : i32
    %dma_wait3A_293 = arith.constant 0 : i32
    %dma_wait3A_294 = tpu.memref_slice %arg6[%dma_wait3A_280, %dma_wait3A_292, %dma_wait3A_293] : memref<4x128x128xf32, #tpu.memory_space<vmem>> -> memref<1x128x128xf32, #tpu.memory_space<vmem>>
    %dma_wait3A_295 = tpu.memref_squeeze %dma_wait3A_294 : memref<1x128x128xf32, #tpu.memory_space<vmem>> -> memref<128x128xf32, #tpu.memory_space<vmem>>
    tpu.wait_dma2 semaphore(%arg14 : memref<!tpu.dma_semaphore, #tpu.memory_space<semaphore_mem>>) src(%dma_wait3A_295 : memref<128x128xf32, #tpu.memory_space<vmem>>) dst(%dma_wait3A_291 : memref<128x128xf32, #tpu.memory_space<hbm>>)
    %dma_wait3A_296 = arith.constant 49 : i32
    %dma_wait3A_297 = arith.constant 1 : i32
    %dma_wait3A_298 = arith.constant 0 : i32
    %dma_wait3A_299 = arith.constant 0 : i32
    %dma_wait3A_300 = tpu.memref_slice %arg6[%dma_wait3A_297, %dma_wait3A_298, %dma_wait3A_299] : memref<4x128x128xf32, #tpu.memory_space<vmem>> -> memref<1x128x128xf32, #tpu.memory_space<vmem>>
    %dma_wait3A_301 = tpu.memref_squeeze %dma_wait3A_300 : memref<1x128x128xf32, #tpu.memory_space<vmem>> -> memref<128x128xf32, #tpu.memory_space<vmem>>
    %dma_wait3A_302 = arith.constant 0 : i32
    %dma_wait3A_303 = tpu.memref_slice %arg5[%dma_wait3A_296, %dma_wait3A_302] : memref<50x128xi32, #tpu.memory_space<vmem>> -> memref<1x128xi32, #tpu.memory_space<vmem>>
    %dma_wait3A_304 = tpu.memref_squeeze %dma_wait3A_303 : memref<1x128xi32, #tpu.memory_space<vmem>> -> memref<128xi32, #tpu.memory_space<vmem>>
    %dma_wait3A_305 = arith.constant 0 : i32
    %dma_wait3A_306 = arith.constant 0 : i32
    %dma_wait3A_307 = tpu.memref_slice %arg3[%dma_wait3A_305, %dma_wait3A_306] : memref<100000x128xf32, #tpu.memory_space<hbm>> -> memref<100000x128xf32, #tpu.memory_space<hbm>>
    tpu.wait_indirect_dma semaphore(%arg8 : memref<!tpu.dma_semaphore, #tpu.memory_space<semaphore_mem>>) src(%dma_wait3A_307 : memref<100000x128xf32, #tpu.memory_space<hbm>>) dst(%dma_wait3A_301 : memref<128x128xf32, #tpu.memory_space<vmem>>)
    %parallel_loop3A_308 = arith.constant 0 : i32
    %parallel_loop3A_309 = arith.constant 128 : i32
    %parallel_loop3A_310 = arith.constant 1 : i32
    scf.for %parallel_loop3A_359 = %parallel_loop3A_308 to %parallel_loop3A_309 step %parallel_loop3A_310  : i32 {
      %parallel_loop3A_360 = arith.constant 1 : i32
      %parallel_loop3A_361 = arith.index_cast %parallel_loop3A_360 : i32 to index
      %parallel_loop3A_362 = arith.index_cast %parallel_loop3A_359 : i32 to index
      %parallel_loop3A_363 = arith.constant 0 : index
      %parallel_loop3A_364 = tpu.vector_load %arg6[%parallel_loop3A_361, %parallel_loop3A_362, %parallel_loop3A_363] {strides = array<i32>} : memref<4x128x128xf32, #tpu.memory_space<vmem>>, vector<1x1x16xf32>,
      %parallel_loop3A_365 = vector.shape_cast %parallel_loop3A_364 : vector<1x1x16xf32> to vector<16xf32>
      %parallel_loop3A_366 = arith.constant 11.3137083 : f32
      %parallel_loop3A_367 = vector.broadcast %parallel_loop3A_366 : f32 to vector<16xf32>
      %parallel_loop3A_368 = arith.mulf %parallel_loop3A_365, %parallel_loop3A_367 : vector<16xf32>
      %parallel_loop3A_369 = arith.constant 1 : i32
      %parallel_loop3A_370 = arith.index_cast %parallel_loop3A_369 : i32 to index
      %parallel_loop3A_371 = arith.index_cast %parallel_loop3A_359 : i32 to index
      %parallel_loop3A_372 = arith.constant 0 : index
      %parallel_loop3A_373 = tpu.vector_load %arg6[%parallel_loop3A_370, %parallel_loop3A_371, %parallel_loop3A_372] {strides = array<i32>} : memref<4x128x128xf32, #tpu.memory_space<vmem>>, vector<1x1x16xf32>,
      %parallel_loop3A_374 = vector.shape_cast %parallel_loop3A_373 : vector<1x1x16xf32> to vector<16xf32>
      %parallel_loop3A_375 = vector.shape_cast %parallel_loop3A_368 : vector<16xf32> to vector<1x1x16xf32>
      tpu.vector_store %arg6[%parallel_loop3A_370, %parallel_loop3A_371, %parallel_loop3A_372], %parallel_loop3A_375 {strides = array<i32>} : memref<4x128x128xf32, #tpu.memory_space<vmem>>, vector<1x1x16xf32>,
      %parallel_loop3A_376 = arith.constant 1 : i32
      %parallel_loop3A_377 = arith.index_cast %parallel_loop3A_376 : i32 to index
      %parallel_loop3A_378 = arith.index_cast %parallel_loop3A_359 : i32 to index
      %parallel_loop3A_379 = arith.constant 16 : index
      %parallel_loop3A_380 = tpu.vector_load %arg6[%parallel_loop3A_377, %parallel_loop3A_378, %parallel_loop3A_379] {strides = array<i32>} : memref<4x128x128xf32, #tpu.memory_space<vmem>>, vector<1x1x16xf32>,
      %parallel_loop3A_381 = vector.shape_cast %parallel_loop3A_380 : vector<1x1x16xf32> to vector<16xf32>
      %parallel_loop3A_382 = arith.constant 11.3137083 : f32
      %parallel_loop3A_383 = vector.broadcast %parallel_loop3A_382 : f32 to vector<16xf32>
      %parallel_loop3A_384 = arith.mulf %parallel_loop3A_381, %parallel_loop3A_383 : vector<16xf32>
      %parallel_loop3A_385 = arith.constant 1 : i32
      %parallel_loop3A_386 = arith.index_cast %parallel_loop3A_385 : i32 to index
      %parallel_loop3A_387 = arith.index_cast %parallel_loop3A_359 : i32 to index
      %parallel_loop3A_388 = arith.constant 16 : index
      %parallel_loop3A_389 = tpu.vector_load %arg6[%parallel_loop3A_386, %parallel_loop3A_387, %parallel_loop3A_388] {strides = array<i32>} : memref<4x128x128xf32, #tpu.memory_space<vmem>>, vector<1x1x16xf32>,
      %parallel_loop3A_390 = vector.shape_cast %parallel_loop3A_389 : vector<1x1x16xf32> to vector<16xf32>
      %parallel_loop3A_391 = vector.shape_cast %parallel_loop3A_384 : vector<16xf32> to vector<1x1x16xf32>
      tpu.vector_store %arg6[%parallel_loop3A_386, %parallel_loop3A_387, %parallel_loop3A_388], %parallel_loop3A_391 {strides = array<i32>} : memref<4x128x128xf32, #tpu.memory_space<vmem>>, vector<1x1x16xf32>,
      %parallel_loop3A_392 = arith.constant 1 : i32
      %parallel_loop3A_393 = arith.index_cast %parallel_loop3A_392 : i32 to index
      %parallel_loop3A_394 = arith.index_cast %parallel_loop3A_359 : i32 to index
      %parallel_loop3A_395 = arith.constant 32 : index
      %parallel_loop3A_396 = tpu.vector_load %arg6[%parallel_loop3A_393, %parallel_loop3A_394, %parallel_loop3A_395] {strides = array<i32>} : memref<4x128x128xf32, #tpu.memory_space<vmem>>, vector<1x1x16xf32>,
      %parallel_loop3A_397 = vector.shape_cast %parallel_loop3A_396 : vector<1x1x16xf32> to vector<16xf32>
      %parallel_loop3A_398 = arith.constant 11.3137083 : f32
      %parallel_loop3A_399 = vector.broadcast %parallel_loop3A_398 : f32 to vector<16xf32>
      %parallel_loop3A_400 = arith.mulf %parallel_loop3A_397, %parallel_loop3A_399 : vector<16xf32>
      %parallel_loop3A_401 = arith.constant 1 : i32
      %parallel_loop3A_402 = arith.index_cast %parallel_loop3A_401 : i32 to index
      %parallel_loop3A_403 = arith.index_cast %parallel_loop3A_359 : i32 to index
      %parallel_loop3A_404 = arith.constant 32 : index
      %parallel_loop3A_405 = tpu.vector_load %arg6[%parallel_loop3A_402, %parallel_loop3A_403, %parallel_loop3A_404] {strides = array<i32>} : memref<4x128x128xf32, #tpu.memory_space<vmem>>, vector<1x1x16xf32>,
      %parallel_loop3A_406 = vector.shape_cast %parallel_loop3A_405 : vector<1x1x16xf32> to vector<16xf32>
      %parallel_loop3A_407 = vector.shape_cast %parallel_loop3A_400 : vector<16xf32> to vector<1x1x16xf32>
      tpu.vector_store %arg6[%parallel_loop3A_402, %parallel_loop3A_403, %parallel_loop3A_404], %parallel_loop3A_407 {strides = array<i32>} : memref<4x128x128xf32, #tpu.memory_space<vmem>>, vector<1x1x16xf32>,
      %parallel_loop3A_408 = arith.constant 1 : i32
      %parallel_loop3A_409 = arith.index_cast %parallel_loop3A_408 : i32 to index
      %parallel_loop3A_410 = arith.index_cast %parallel_loop3A_359 : i32 to index
      %parallel_loop3A_411 = arith.constant 48 : index
      %parallel_loop3A_412 = tpu.vector_load %arg6[%parallel_loop3A_409, %parallel_loop3A_410, %parallel_loop3A_411] {strides = array<i32>} : memref<4x128x128xf32, #tpu.memory_space<vmem>>, vector<1x1x16xf32>,
      %parallel_loop3A_413 = vector.shape_cast %parallel_loop3A_412 : vector<1x1x16xf32> to vector<16xf32>
      %parallel_loop3A_414 = arith.constant 11.3137083 : f32
      %parallel_loop3A_415 = vector.broadcast %parallel_loop3A_414 : f32 to vector<16xf32>
      %parallel_loop3A_416 = arith.mulf %parallel_loop3A_413, %parallel_loop3A_415 : vector<16xf32>
      %parallel_loop3A_417 = arith.constant 1 : i32
      %parallel_loop3A_418 = arith.index_cast %parallel_loop3A_417 : i32 to index
      %parallel_loop3A_419 = arith.index_cast %parallel_loop3A_359 : i32 to index
      %parallel_loop3A_420 = arith.constant 48 : index
      %parallel_loop3A_421 = tpu.vector_load %arg6[%parallel_loop3A_418, %parallel_loop3A_419, %parallel_loop3A_420] {strides = array<i32>} : memref<4x128x128xf32, #tpu.memory_space<vmem>>, vector<1x1x16xf32>,
      %parallel_loop3A_422 = vector.shape_cast %parallel_loop3A_421 : vector<1x1x16xf32> to vector<16xf32>
      %parallel_loop3A_423 = vector.shape_cast %parallel_loop3A_416 : vector<16xf32> to vector<1x1x16xf32>
      tpu.vector_store %arg6[%parallel_loop3A_418, %parallel_loop3A_419, %parallel_loop3A_420], %parallel_loop3A_423 {strides = array<i32>} : memref<4x128x128xf32, #tpu.memory_space<vmem>>, vector<1x1x16xf32>,
      %parallel_loop3A_424 = arith.constant 1 : i32
      %parallel_loop3A_425 = arith.index_cast %parallel_loop3A_424 : i32 to index
      %parallel_loop3A_426 = arith.index_cast %parallel_loop3A_359 : i32 to index
      %parallel_loop3A_427 = arith.constant 64 : index
      %parallel_loop3A_428 = tpu.vector_load %arg6[%parallel_loop3A_425, %parallel_loop3A_426, %parallel_loop3A_427] {strides = array<i32>} : memref<4x128x128xf32, #tpu.memory_space<vmem>>, vector<1x1x16xf32>,
      %parallel_loop3A_429 = vector.shape_cast %parallel_loop3A_428 : vector<1x1x16xf32> to vector<16xf32>
      %parallel_loop3A_430 = arith.constant 11.3137083 : f32
      %parallel_loop3A_431 = vector.broadcast %parallel_loop3A_430 : f32 to vector<16xf32>
      %parallel_loop3A_432 = arith.mulf %parallel_loop3A_429, %parallel_loop3A_431 : vector<16xf32>
      %parallel_loop3A_433 = arith.constant 1 : i32
      %parallel_loop3A_434 = arith.index_cast %parallel_loop3A_433 : i32 to index
      %parallel_loop3A_435 = arith.index_cast %parallel_loop3A_359 : i32 to index
      %parallel_loop3A_436 = arith.constant 64 : index
      %parallel_loop3A_437 = tpu.vector_load %arg6[%parallel_loop3A_434, %parallel_loop3A_435, %parallel_loop3A_436] {strides = array<i32>} : memref<4x128x128xf32, #tpu.memory_space<vmem>>, vector<1x1x16xf32>,
      %parallel_loop3A_438 = vector.shape_cast %parallel_loop3A_437 : vector<1x1x16xf32> to vector<16xf32>
      %parallel_loop3A_439 = vector.shape_cast %parallel_loop3A_432 : vector<16xf32> to vector<1x1x16xf32>
      tpu.vector_store %arg6[%parallel_loop3A_434, %parallel_loop3A_435, %parallel_loop3A_436], %parallel_loop3A_439 {strides = array<i32>} : memref<4x128x128xf32, #tpu.memory_space<vmem>>, vector<1x1x16xf32>,
      %parallel_loop3A_440 = arith.constant 1 : i32
      %parallel_loop3A_441 = arith.index_cast %parallel_loop3A_440 : i32 to index
      %parallel_loop3A_442 = arith.index_cast %parallel_loop3A_359 : i32 to index
      %parallel_loop3A_443 = arith.constant 80 : index
      %parallel_loop3A_444 = tpu.vector_load %arg6[%parallel_loop3A_441, %parallel_loop3A_442, %parallel_loop3A_443] {strides = array<i32>} : memref<4x128x128xf32, #tpu.memory_space<vmem>>, vector<1x1x16xf32>,
      %parallel_loop3A_445 = vector.shape_cast %parallel_loop3A_444 : vector<1x1x16xf32> to vector<16xf32>
      %parallel_loop3A_446 = arith.constant 11.3137083 : f32
      %parallel_loop3A_447 = vector.broadcast %parallel_loop3A_446 : f32 to vector<16xf32>
      %parallel_loop3A_448 = arith.mulf %parallel_loop3A_445, %parallel_loop3A_447 : vector<16xf32>
      %parallel_loop3A_449 = arith.constant 1 : i32
      %parallel_loop3A_450 = arith.index_cast %parallel_loop3A_449 : i32 to index
      %parallel_loop3A_451 = arith.index_cast %parallel_loop3A_359 : i32 to index
      %parallel_loop3A_452 = arith.constant 80 : index
      %parallel_loop3A_453 = tpu.vector_load %arg6[%parallel_loop3A_450, %parallel_loop3A_451, %parallel_loop3A_452] {strides = array<i32>} : memref<4x128x128xf32, #tpu.memory_space<vmem>>, vector<1x1x16xf32>,
      %parallel_loop3A_454 = vector.shape_cast %parallel_loop3A_453 : vector<1x1x16xf32> to vector<16xf32>
      %parallel_loop3A_455 = vector.shape_cast %parallel_loop3A_448 : vector<16xf32> to vector<1x1x16xf32>
      tpu.vector_store %arg6[%parallel_loop3A_450, %parallel_loop3A_451, %parallel_loop3A_452], %parallel_loop3A_455 {strides = array<i32>} : memref<4x128x128xf32, #tpu.memory_space<vmem>>, vector<1x1x16xf32>,
      %parallel_loop3A_456 = arith.constant 1 : i32
      %parallel_loop3A_457 = arith.index_cast %parallel_loop3A_456 : i32 to index
      %parallel_loop3A_458 = arith.index_cast %parallel_loop3A_359 : i32 to index
      %parallel_loop3A_459 = arith.constant 96 : index
      %parallel_loop3A_460 = tpu.vector_load %arg6[%parallel_loop3A_457, %parallel_loop3A_458, %parallel_loop3A_459] {strides = array<i32>} : memref<4x128x128xf32, #tpu.memory_space<vmem>>, vector<1x1x16xf32>,
      %parallel_loop3A_461 = vector.shape_cast %parallel_loop3A_460 : vector<1x1x16xf32> to vector<16xf32>
      %parallel_loop3A_462 = arith.constant 11.3137083 : f32
      %parallel_loop3A_463 = vector.broadcast %parallel_loop3A_462 : f32 to vector<16xf32>
      %parallel_loop3A_464 = arith.mulf %parallel_loop3A_461, %parallel_loop3A_463 : vector<16xf32>
      %parallel_loop3A_465 = arith.constant 1 : i32
      %parallel_loop3A_466 = arith.index_cast %parallel_loop3A_465 : i32 to index
      %parallel_loop3A_467 = arith.index_cast %parallel_loop3A_359 : i32 to index
      %parallel_loop3A_468 = arith.constant 96 : index
      %parallel_loop3A_469 = tpu.vector_load %arg6[%parallel_loop3A_466, %parallel_loop3A_467, %parallel_loop3A_468] {strides = array<i32>} : memref<4x128x128xf32, #tpu.memory_space<vmem>>, vector<1x1x16xf32>,
      %parallel_loop3A_470 = vector.shape_cast %parallel_loop3A_469 : vector<1x1x16xf32> to vector<16xf32>
      %parallel_loop3A_471 = vector.shape_cast %parallel_loop3A_464 : vector<16xf32> to vector<1x1x16xf32>
      tpu.vector_store %arg6[%parallel_loop3A_466, %parallel_loop3A_467, %parallel_loop3A_468], %parallel_loop3A_471 {strides = array<i32>} : memref<4x128x128xf32, #tpu.memory_space<vmem>>, vector<1x1x16xf32>,
      %parallel_loop3A_472 = arith.constant 1 : i32
      %parallel_loop3A_473 = arith.index_cast %parallel_loop3A_472 : i32 to index
      %parallel_loop3A_474 = arith.index_cast %parallel_loop3A_359 : i32 to index
      %parallel_loop3A_475 = arith.constant 112 : index
      %parallel_loop3A_476 = tpu.vector_load %arg6[%parallel_loop3A_473, %parallel_loop3A_474, %parallel_loop3A_475] {strides = array<i32>} : memref<4x128x128xf32, #tpu.memory_space<vmem>>, vector<1x1x16xf32>,
      %parallel_loop3A_477 = vector.shape_cast %parallel_loop3A_476 : vector<1x1x16xf32> to vector<16xf32>
      %parallel_loop3A_478 = arith.constant 11.3137083 : f32
      %parallel_loop3A_479 = vector.broadcast %parallel_loop3A_478 : f32 to vector<16xf32>
      %parallel_loop3A_480 = arith.mulf %parallel_loop3A_477, %parallel_loop3A_479 : vector<16xf32>
      %parallel_loop3A_481 = arith.constant 1 : i32
      %parallel_loop3A_482 = arith.index_cast %parallel_loop3A_481 : i32 to index
      %parallel_loop3A_483 = arith.index_cast %parallel_loop3A_359 : i32 to index
      %parallel_loop3A_484 = arith.constant 112 : index
      %parallel_loop3A_485 = tpu.vector_load %arg6[%parallel_loop3A_482, %parallel_loop3A_483, %parallel_loop3A_484] {strides = array<i32>} : memref<4x128x128xf32, #tpu.memory_space<vmem>>, vector<1x1x16xf32>,
      %parallel_loop3A_486 = vector.shape_cast %parallel_loop3A_485 : vector<1x1x16xf32> to vector<16xf32>
      %parallel_loop3A_487 = vector.shape_cast %parallel_loop3A_480 : vector<16xf32> to vector<1x1x16xf32>
      tpu.vector_store %arg6[%parallel_loop3A_482, %parallel_loop3A_483, %parallel_loop3A_484], %parallel_loop3A_487 {strides = array<i32>} : memref<4x128x128xf32, #tpu.memory_space<vmem>>, vector<1x1x16xf32>,
    } {sc.loop_unroll_factor = 4 : i64, sc.parallel_access}
    %dma_start3A_311 = arith.constant 1 : i32
    %dma_start3A_312 = arith.constant 49 : i32
    %dma_start3A_313 = arith.constant 0 : i32
    %dma_start3A_314 = arith.constant 0 : i32
    %dma_start3A_315 = tpu.memref_slice %arg6[%dma_start3A_311, %dma_start3A_313, %dma_start3A_314] : memref<4x128x128xf32, #tpu.memory_space<vmem>> -> memref<1x128x128xf32, #tpu.memory_space<vmem>>
    %dma_start3A_316 = tpu.memref_squeeze %dma_start3A_315 : memref<1x128x128xf32, #tpu.memory_space<vmem>> -> memref<128x128xf32, #tpu.memory_space<vmem>>
    %dma_start3A_317 = arith.constant 0 : i32
    %dma_start3A_318 = tpu.memref_slice %arg4[%dma_start3A_312, %mul3A_2, %dma_start3A_317] : memref<50x4096x128xf32, #tpu.memory_space<hbm>> -> memref<1x128x128xf32, #tpu.memory_space<hbm>>
    %dma_start3A_319 = tpu.memref_squeeze %dma_start3A_318 : memref<1x128x128xf32, #tpu.memory_space<hbm>> -> memref<128x128xf32, #tpu.memory_space<hbm>>
    %dma_start3A_320 = arith.constant 0 : i32
    %dma_start3A_321 = tpu.memref_slice %arg4[%dma_start3A_312, %mul3A_2, %dma_start3A_320] : memref<50x4096x128xf32, #tpu.memory_space<hbm>> -> memref<1x128x128xf32, #tpu.memory_space<hbm>>
    %dma_start3A_322 = tpu.memref_squeeze %dma_start3A_321 : memref<1x128x128xf32, #tpu.memory_space<hbm>> -> memref<128x128xf32, #tpu.memory_space<hbm>>
    %dma_start3A_323 = arith.constant 0 : i32
    %dma_start3A_324 = arith.constant 0 : i32
    %dma_start3A_325 = tpu.memref_slice %arg6[%dma_start3A_311, %dma_start3A_323, %dma_start3A_324] : memref<4x128x128xf32, #tpu.memory_space<vmem>> -> memref<1x128x128xf32, #tpu.memory_space<vmem>>
    %dma_start3A_326 = tpu.memref_squeeze %dma_start3A_325 : memref<1x128x128xf32, #tpu.memory_space<vmem>> -> memref<128x128xf32, #tpu.memory_space<vmem>>
    tpu.enqueue_dma source(%dma_start3A_326 : memref<128x128xf32, #tpu.memory_space<vmem>>) target(%dma_start3A_322 : memref<128x128xf32, #tpu.memory_space<hbm>>) target_semaphore(%arg12 : memref<!tpu.dma_semaphore, #tpu.memory_space<semaphore_mem>>)
    %dma_wait3A_327 = arith.constant 0 : i32
    %dma_wait3A_328 = arith.constant 48 : i32
    %dma_wait3A_329 = arith.constant 0 : i32
    %dma_wait3A_330 = arith.constant 0 : i32
    %dma_wait3A_331 = tpu.memref_slice %arg6[%dma_wait3A_327, %dma_wait3A_329, %dma_wait3A_330] : memref<4x128x128xf32, #tpu.memory_space<vmem>> -> memref<1x128x128xf32, #tpu.memory_space<vmem>>
    %dma_wait3A_332 = tpu.memref_squeeze %dma_wait3A_331 : memref<1x128x128xf32, #tpu.memory_space<vmem>> -> memref<128x128xf32, #tpu.memory_space<vmem>>
    %dma_wait3A_333 = arith.constant 0 : i32
    %dma_wait3A_334 = tpu.memref_slice %arg4[%dma_wait3A_328, %mul3A_2, %dma_wait3A_333] : memref<50x4096x128xf32, #tpu.memory_space<hbm>> -> memref<1x128x128xf32, #tpu.memory_space<hbm>>
    %dma_wait3A_335 = tpu.memref_squeeze %dma_wait3A_334 : memref<1x128x128xf32, #tpu.memory_space<hbm>> -> memref<128x128xf32, #tpu.memory_space<hbm>>
    %dma_wait3A_336 = arith.constant 0 : i32
    %dma_wait3A_337 = tpu.memref_slice %arg4[%dma_wait3A_328, %mul3A_2, %dma_wait3A_336] : memref<50x4096x128xf32, #tpu.memory_space<hbm>> -> memref<1x128x128xf32, #tpu.memory_space<hbm>>
    %dma_wait3A_338 = tpu.memref_squeeze %dma_wait3A_337 : memref<1x128x128xf32, #tpu.memory_space<hbm>> -> memref<128x128xf32, #tpu.memory_space<hbm>>
    %dma_wait3A_339 = arith.constant 0 : i32
    %dma_wait3A_340 = arith.constant 0 : i32
    %dma_wait3A_341 = tpu.memref_slice %arg6[%dma_wait3A_327, %dma_wait3A_339, %dma_wait3A_340] : memref<4x128x128xf32, #tpu.memory_space<vmem>> -> memref<1x128x128xf32, #tpu.memory_space<vmem>>
    %dma_wait3A_342 = tpu.memref_squeeze %dma_wait3A_341 : memref<1x128x128xf32, #tpu.memory_space<vmem>> -> memref<128x128xf32, #tpu.memory_space<vmem>>
    tpu.wait_dma2 semaphore(%arg11 : memref<!tpu.dma_semaphore, #tpu.memory_space<semaphore_mem>>) src(%dma_wait3A_342 : memref<128x128xf32, #tpu.memory_space<vmem>>) dst(%dma_wait3A_338 : memref<128x128xf32, #tpu.memory_space<hbm>>)
    %dma_wait3A_343 = arith.constant 1 : i32
    %dma_wait3A_344 = arith.constant 49 : i32
    %dma_wait3A_345 = arith.constant 0 : i32
    %dma_wait3A_346 = arith.constant 0 : i32
    %dma_wait3A_347 = tpu.memref_slice %arg6[%dma_wait3A_343, %dma_wait3A_345, %dma_wait3A_346] : memref<4x128x128xf32, #tpu.memory_space<vmem>> -> memref<1x128x128xf32, #tpu.memory_space<vmem>>
    %dma_wait3A_348 = tpu.memref_squeeze %dma_wait3A_347 : memref<1x128x128xf32, #tpu.memory_space<vmem>> -> memref<128x128xf32, #tpu.memory_space<vmem>>
    %dma_wait3A_349 = arith.constant 0 : i32
    %dma_wait3A_350 = tpu.memref_slice %arg4[%dma_wait3A_344, %mul3A_2, %dma_wait3A_349] : memref<50x4096x128xf32, #tpu.memory_space<hbm>> -> memref<1x128x128xf32, #tpu.memory_space<hbm>>
    %dma_wait3A_351 = tpu.memref_squeeze %dma_wait3A_350 : memref<1x128x128xf32, #tpu.memory_space<hbm>> -> memref<128x128xf32, #tpu.memory_space<hbm>>
    %dma_wait3A_352 = arith.constant 0 : i32
    %dma_wait3A_353 = tpu.memref_slice %arg4[%dma_wait3A_344, %mul3A_2, %dma_wait3A_352] : memref<50x4096x128xf32, #tpu.memory_space<hbm>> -> memref<1x128x128xf32, #tpu.memory_space<hbm>>
    %dma_wait3A_354 = tpu.memref_squeeze %dma_wait3A_353 : memref<1x128x128xf32, #tpu.memory_space<hbm>> -> memref<128x128xf32, #tpu.memory_space<hbm>>
    %dma_wait3A_355 = arith.constant 0 : i32
    %dma_wait3A_356 = arith.constant 0 : i32
    %dma_wait3A_357 = tpu.memref_slice %arg6[%dma_wait3A_343, %dma_wait3A_355, %dma_wait3A_356] : memref<4x128x128xf32, #tpu.memory_space<vmem>> -> memref<1x128x128xf32, #tpu.memory_space<vmem>>
    %dma_wait3A_358 = tpu.memref_squeeze %dma_wait3A_357 : memref<1x128x128xf32, #tpu.memory_space<vmem>> -> memref<128x128xf32, #tpu.memory_space<vmem>>
    tpu.wait_dma2 semaphore(%arg12 : memref<!tpu.dma_semaphore, #tpu.memory_space<semaphore_mem>>) src(%dma_wait3A_358 : memref<128x128xf32, #tpu.memory_space<vmem>>) dst(%dma_wait3A_354 : memref<128x128xf32, #tpu.memory_space<hbm>>)
    return
  }
}

</mosaic_0001>

<sc_bundles>
// kernel: kernel.3.cloned.1.call-start
scs
__scs_entry_jumppad:
0x0: {  	(pc) =	sbr.rel $0x88, $3  }
0x1: {  	(tag) =	ssettag $0x0;
	lr =	simm.s32 $0x1  }
0x2: {  	[smem:$0x3F9F] =	sst lr;
	_ =	strace $0xD0000000  }
0x3: {  	_ = 	snop  }
0x4: {  	_ = 	snop  }
0x5: {  	_ = 	snop  }
0x6: {  	_ = 	snop  }
0x7: {  	_ = 	snop  }
__scs_overlays_trampoline_lowered:
0x8: {  	[smem:$0x3FAE] =	sst s0  }
0x9: {  	[smem:$0x3FAF] =	sst s1  }
0xa: {  	[smem:$0x3FB0] =	sst s2  }
0xb: {  	[smem:$0x3FB1] =	sst s3  }
0xc: {  	[smem:$0x3FB2] =	sst s4  }
0xd: {  	[smem:$0x3FB3] =	sst s5  }
0xe: {  	[smem:$0x3FB4] =	sst s6  }
0xf: {  	[smem:$0x3FB5] =	sst s7  }
0x10: {  	[smem:$0x3FB6] =	sst s8  }
0x11: {  	[smem:$0x3FB7] =	sst s9;
	s0 =	simm.s32 @!p0 $0x0  }
0x12: {  	s1 =	sld [smem:$0x3F9D];
	s0 =	simm.s32 @p0 $0x1  }
0x13: {  	[smem:$0x3FB8] =	sst s0;
	s0 =	simm.s32 @!p1 $0x0  }
0x14: {  	s2 =	sld [smem:$0x3F9C];
	s0 =	simm.s32 @p1 $0x1  }
0x15: {  	[smem:$0x3FB9] =	sst s0;
	s0 =	simm.s32 @!p2 $0x0  }
0x16: {  	s3 =	sld [smem:$0x3FDB];
	s0 =	simm.s32 @p2 $0x1  }
0x17: {  	s4 =	simm.s32 $0x1BF5;
	[smem:$0x3FBB] =	sst s0  }
0x18: {  	s0 =	sld [smem:$0x3F9E];
	_ =	swait.ge [sflag:s4], $0x0  }
0x19: {  	s7 =	sld [smem:$0x3F9F]  }
0x1a: {  	s8 =	sadd.s32 $0xFFFFE003, lr  }
0x1b: {  	s9 =	sadd.s32 $0xFFFFFEF7, lr;
	s5 =	simm.s32 $0xFFFFFFFF;
	p2 =	slt.u32 s8, $0xFFFFF086  }
0x1c: {  	p1 =	slt.u32 s9, $0xF7A;
	s5 =	simm.s32 @!p2 $0x0  }
0x1d: {  	s5 =	simm.s32 @p1 $0x1;
	p0 =	seq.s32 s7, s2  }
0x1e: {  	s7 =	smul.u32 @!p0 $0xF7A, s2;
	p2 =	seq.s32 @!p0 s5, $0x0  }
0x1f: {  	s9 =	smul.u32 $0xF7A, s1;
	s8 =	simm.s32 @!p0 $0x1BF5;
	p2 =	por !p2, p0  }
0x20: {  	[sflag:s8] =	ssyncset.s32 @!p0 $0xFFFFF086;
	s6 =	sadd.s32 @!p0 s3, s7;
	s7 =	simm.s32 @!p0 $0x108  }
0x21: {  	s3 =	sadd.s32 s3, s9;
	s6 =	sadd.s32 @!p0 $0x88, s6;
	s7 =	simm.s32 @p2 $0x1082  }
0x22: {  	[simem:s7], [sflag:s8] =	dma.local @!p0 [hbm:s6], $0xF7A  }
0x23: {  	s9 =	sor.u32 $0xD0000000, s2;
	s6 =	simm.s32 $0x108;
	_ =	swait.ge @!p0 [sflag:s8], $0x0  }
0x24: {  	s3 =	sadd.s32 $0x88, s3;
	s6 =	simm.s32 @!p1 $0x1082;
	[sflag:s4] =	ssyncset.s32 $0xFFFFF086  }
0x25: {  	[simem:s6], [sflag:s4] =	dma.local [hbm:s3], $0xF7A  }
0x26: {  	[smem:$0x3F9F] =	sst s1;
	(tag) =	ssettag s2;
	_ =	strace s9  }
0x27: {  	s1 =	sld [smem:$0x3FAF]  }
0x28: {  	s2 =	sld [smem:$0x3FB0]  }
0x29: {  	s4 =	sld [smem:$0x3FB2]  }
0x2a: {  	p0 =	seq.s32 s5, $0x0;
	s5 =	sld [smem:$0x3FB3]  }
0x2b: {  	s6 =	sld [smem:$0x3FB4]  }
0x2c: {  	s7 =	sld [smem:$0x3FB5]  }
0x2d: {  	s3 =	simm.s32 $0x108;
	s8 =	sld [smem:$0x3FB6]  }
0x2e: {  	s3 =	simm.s32 @!p0 $0x1082;
	s9 =	sld [smem:$0x3FB7]  }
0x2f: {  	lr =	sadd.s32 s0, s3;
	s0 =	sld [smem:$0x3FAE]  }
0x30: {  	s3 =	sld [smem:$0x3FB1]  }
0x31: {  	[smem:$0x3FBA] =	sst s10  }
0x32: {  	s10 =	sld [smem:$0x3FB8];
	_ =	sdelay $0x3  }
0x33: {  	p0 =	seq.s32 s10, $0x1;
	s10 =	sld [smem:$0x3FBA];
	_ =	sdelay $0x3  }
0x34: {  	[smem:$0x3FBA] =	sst s10  }
0x35: {  	s10 =	sld [smem:$0x3FB9];
	_ =	sdelay $0x3  }
0x36: {  	p1 =	seq.s32 s10, $0x1;
	s10 =	sld [smem:$0x3FBA];
	_ =	sdelay $0x3  }
0x37: {  	[smem:$0x3FBA] =	sst s10  }
0x38: {  	s10 =	sld [smem:$0x3FBB]  }
0x39: {  	_ = 	snop;
	(pc) =	sbr.ind lr, $3  }
0x3a: {  	_ = 	snop  }
0x3b: {  	_ = 	snop  }
0x3c: {  	p2 =	seq.s32 s10, $0x1;
	s10 =	sld [smem:$0x3FBA]  }
0x3d: {  	_ =	shalt  }
0x3e: {  	_ =	shalt  }
0x3f: {  	_ =	shalt  }
0x40: {  	_ =	shalt  }
0x41: {  	_ =	shalt  }
0x42: {  	_ =	shalt  }
0x43: {  	_ =	shalt  }
0x44: {  	_ =	shalt  }
0x45: {  	_ =	shalt  }
0x46: {  	_ =	shalt  }
0x47: {  	_ =	shalt  }
0x48: {  	_ =	shalt  }
0x49: {  	_ =	shalt  }
0x4a: {  	_ =	shalt  }
0x4b: {  	_ =	shalt  }
0x4c: {  	_ =	shalt  }
0x4d: {  	_ =	shalt  }
0x4e: {  	_ =	shalt  }
0x4f: {  	_ =	shalt  }
0x50: {  	_ =	shalt  }
0x51: {  	_ =	shalt  }
0x52: {  	_ =	shalt  }
0x53: {  	_ =	shalt  }
0x54: {  	_ =	shalt  }
0x55: {  	_ =	shalt  }
0x56: {  	_ =	shalt  }
0x57: {  	_ =	shalt  }
0x58: {  	_ =	shalt  }
0x59: {  	_ =	shalt  }
0x5a: {  	_ =	shalt  }
0x5b: {  	_ =	shalt  }
0x5c: {  	_ =	shalt  }
0x5d: {  	_ =	shalt  }
0x5e: {  	_ =	shalt  }
0x5f: {  	_ =	shalt  }
0x60: {  	_ =	shalt  }
0x61: {  	_ =	shalt  }
0x62: {  	_ =	shalt  }
0x63: {  	_ =	shalt  }
0x64: {  	_ =	shalt  }
0x65: {  	_ =	shalt  }
0x66: {  	_ =	shalt  }
0x67: {  	_ =	shalt  }
0x68: {  	_ =	shalt  }
0x69: {  	_ =	shalt  }
0x6a: {  	_ =	shalt  }
0x6b: {  	_ =	shalt  }
0x6c: {  	_ =	shalt  }
0x6d: {  	_ =	shalt  }
0x6e: {  	_ =	shalt  }
0x6f: {  	_ =	shalt  }
0x70: {  	_ =	shalt  }
0x71: {  	_ =	shalt  }
0x72: {  	_ =	shalt  }
0x73: {  	_ =	shalt  }
0x74: {  	_ =	shalt  }
0x75: {  	_ =	shalt  }
0x76: {  	_ =	shalt  }
0x77: {  	_ =	shalt  }
0x78: {  	_ =	shalt  }
0x79: {  	_ =	shalt  }
0x7a: {  	_ =	shalt  }
0x7b: {  	_ =	shalt  }
0x7c: {  	_ =	shalt  }
0x7d: {  	_ =	shalt  }
0x7e: {  	_ =	shalt  }
0x7f: {  	_ =	shalt  }
0x80: {  	_ =	shalt  }
0x81: {  	_ =	shalt  }
0x82: {  	_ =	shalt  }
0x83: {  	_ =	shalt  }
0x84: {  	_ =	shalt  }
0x85: {  	_ =	shalt  }
0x86: {  	_ =	shalt  }
0x87: {  	_ =	shalt  }
.Lfunc_end0:
.L_simem_size_0:
called_computation_lowered:
.L_overlay_start_0:
0x88: {  	s2 =	sld [smem:$0x3FD9]  }
0x89: {  	s3 =	sld [smem:$0x3FFE];
	_ =	sdelay $0x1  }
0x8a: {  	s1 =	srdreg.scid  }
0x8b: {  	s0 =	sand.u32 $0x1, s1  }
0x8c: {  	s18 =	sshll.u32 s0, $0xA;
	s2 =	sadd.s32 s3, s2  }
0x8d: {  	s2 =	sadd.s32 s2, s18  }
0x8e: {  	[smem:$0x3FC6] =	sst s2  }
0x8f: {  	_ = 	snop  }
0x90: {  	s2 =	sld [smem:$0x3FC9]  }
0x91: {  	s19 =	sld [smem:$0x3FC8]  }
0x92: {  	s4 =	sld [smem:$0x3FD0];
	(tm) =	ssettm $0x1  }
0x93: {  	s5 =	sld [smem:$0x3FFB];
	_ =	sdelay $0x3  }
0x94: {  	_ =	strace s5  }
0x95: {  	s5 =	sld [smem:$0x3FFC];
	_ =	sdelay $0x3  }
0x96: {  	_ =	strace s5  }
0x97: {  	s5 =	sld [smem:$0x3FFD];
	_ =	sdelay $0x3  }
0x98: {  	_ =	strace s5  }
0x99: {  	_ =	strace $0x8FFFFFFF  }
0x9a: {  	s20 =	sld [smem:$0x3FDB];
	_ =	sdelay $0x1  }
0x9b: {  	s6 =	simm.s32 $_scs_section_size  }
0x9c: {  	s7 =	simm.s32 $_size__tile_overlayer_lowered;
	s8 =	simm.s32 $_tile_overlayer_lowered  }
0x9d: {  	s23 =	simm.s32 $0x1BFF;
	s22 =	sshll.u32 s8, $0x1;
	s5 =	sadd.s32 s6, s20  }
0x9e: {  	s9 =	simm.s32 $0x0;
	s21 =	sshll.u32 s7, $0x1;
	s7 =	sadd.s32 s22, s5  }
0x9f: {  	[timem:s9], [sflag:s23] =	dma.local [hbm:s7], s21  }
0xa0: {  	_ =	swait.ge [sflag:s23], s21  }
0xa1: {  	s6 =	ssub.s32 $0x0, s21;
	[sflag:s23] =	ssyncset.done $0x0  }
0xa2: {  	[sflag:s23] =	ssyncadd.s32 s6;
	_ =	sdelay $0x1  }
0xa3: {  	s24 =	simm.s32 $0x1B8B  }
0xa4: {  	_ =	swait.ge [sflag:s24], $0x1  }
0xa5: {  	[sflag:s24] =	ssyncset.done $0x0  }
0xa6: {  	s25 =	simm.s32 $0x1B8E;
	[sflag:s24] =	ssyncadd.s32 $0xFFFFFFFF  }
0xa7: {  	s26 =	simm.s32 $execute0_lowered;
	[smem:$0x3FD2] =	sst s25  }
0xa8: {  	s6 =	sshll.u32 s26, $0x1;
	_ =	strace $0x80000046;
	[dreg:$0x1] =	wrdreg $0xFFFFFFFF  }
0xa9: {  	s28 =	simm.s32 $_size_execute0_lowered;
	s5 =	sadd.s32 s5, s6;
	[dreg:$0x0] =	wrdreg $0x0  }
0xaa: {  	s6 =	sshll.u32 s28, $0x1;
	[dreg:$0x2] =	wrdreg s5  }
0xab: {  	[dreg:$0x3] =	wrdreg s6  }
0xac: {  	[dreg:$0x4] =	wrdreg $0xC0  }
0xad: {  	_ =	task [dreg:s9], $0x5FFFF  }
0xae: {  	[dreg:$0x1] =	wrdreg $0xFFFFFFFF  }
0xaf: {  	[dreg:$0x0] =	wrdreg $0x60  }
0xb0: {  	[dreg:$0x2] =	wrdreg s2  }
0xb1: {  	[dreg:$0x3] =	wrdreg s19  }
0xb2: {  	[dreg:$0x4] =	wrdreg s4  }
0xb3: {  	[dreg:$0x5] =	wrdreg $0x9  }
0xb4: {  	_ =	task.clear_ibuf [dreg:s9], $0x6FFFF;
	_ =	strace $0x90000046  }
0xb5: {  	s29 =	simm.s32 $0x9;
	_ =	strace $0x80000048  }
0xb6: {  	_ =	swait.ge [sflag:s29], $0x1  }
0xb7: {  	[sflag:s29] =	ssyncadd.s32 $0xFFFFFFFF  }
0xb8: {  	_ =	strace $0x90000048  }
0xb9: {  	_ =	sfence  }
0xba: {  	s30 =	sld [smem:$0x0];
	_ =	sdelay $0x2  }
0xbb: {  	s31 =	sshll.u32 s1, $0xD;
	s1 =	sshrl.u32 s1, $0x2  }
0xbc: {  	s3 =	sand.u32 $0x4000, s31;
	s1 =	sadd.s32 s1, s30  }
0xbd: {  	s0 =	sor.u32 s3, s0;
	s1 =	sshll.u32 s1, $0x11  }
0xbe: {  	s0 =	sor.u32 s1, s0  }
0xbf: {  	s0 =	sadd.s32 $0x8F2B, s0  }
0xc0: {  	[sflag:s0] =	ssyncadd.remote.s32 $0x1  }
0xc1: {  	_ =	sfence.sel $0xFFFF  }
0xc2: {  	[dreg:$0x0] =	wrdreg $0xFFFFFFFF;
	(pc) =	sbr.abs _section_cstart, $3  }
0xc3: {  	[dreg:$0x1] =	wrdreg $0xFFFFFFFF  }
0xc4: {  	_ =	task.clear_ibuf [dreg:s9], $0x2FFFF;
	_ =	strace $0x9FFFFFFF  }
0xc5: {  	(tm) =	ssettm $0x7FFFFFFF  }
tec
execute0_lowered:
.L_overlay_start_1:
0x0: {  	(tag) =	ssettag $0x1  }
0x1: {  	s0 =	rddreg [dreg:$0x0]  }
0x2: {  	s1 =	rddreg [dreg:$0x1]  }
0x3: {  	s3 =	rddreg [dreg:$0x2];
	s2 =	srdreg.scid;
	s4 =	simm.s32 $0x0  }
0x4: {  	s5 =	stileid.u32;
	s13 =	simm.s32 $0x1800;
	s20 =	simm.s32 $0x9  }
0x5: {  	s28 =	simm.s32 $0x2;
	s30 =	simm.s32 $0xDC00;
	s31 =	simm.s32 $0x5  }
0x6: {  	s17 =	simm.s32 $0x4;
	s18 =	simm.s32 $0x7;
	s29 =	simm.s32 $0x0  }
0x7: {  	s2 =	sand.u32 $0x1, s2;
	[smem:$0x7FF] =	sst s4;
	s5 =	sshll.u32 s5, $0x8  }
0x8: {  	s10 =	sadd.s32 $0x20000, s3;
	s11 =	sadd.s32 $0x30000, s3;
	s6 =	sshll.u32 s2, $0x7  }
0x9: {  	_ =	strace $0x80000047;
	s2 =	ssub.s32 $0x2, s2;
	s6 =	sor.u32 s6, s5  }
0xa: {  	s7 =	sshrl.u32 s2, $0x1;
	s5 =	sadd.s32 s0, s6;
	s21 =	sshll.u32 s6, $0x4  }
0xb: {  	s2 =	ssub.s32 s2, s7;
	s22 =	sadd.s32 $0x6000, s5;
	s7 =	sadd.s32 s3, s21  }
0xc: {  	s8 =	sshll.u32 s6, $0x7;
	[dreg:$0x4] =	wrdreg s22;
	s0 =	sadd.s32 $0x10000, s7  }
0xd: {  	s16 =	smax.u32 s2, $0x1;
	s23 =	sadd.s32 $0x2E0000, s7;
	[dreg:$0x5] =	wrdreg s0  }
0xe: {  	s21 =	simm.s32 $0x80;
	s24 =	sadd.s32 $0x2F0000, s7;
	[dreg:$0x6] =	wrdreg s23  }
0xf: {  	s2 =	simm.s32 $0x6;
	s25 =	sadd.s32 $0x300000, s7;
	[dreg:$0x7] =	wrdreg s24  }
0x10: {  	s26 =	sadd.s32 $0x310000, s7;
	s22 =	simm.s32 $0x1C00;
	[dreg:$0x8] =	wrdreg s25  }
0x11: {  	[dreg:$0x9] =	wrdreg s26;
	s23 =	simm.s32 $0x5C00;
	s24 =	simm.s32 $0x1  }
0x12: {  	s26 =	simm.s32 $0x9C00;
	s0 =	simm.s32 $0x3;
	s25 =	simm.s32 $0x8  }
.LBB2_1:
0x13: {  	s6 =	simm.s32 $0x400;
	s9 =	simm.s32 $0x8000  }
0x14: {  	[tilespmem:s4], [sflag:$0x9] =	stream.strided.gather [hbm4b:s5+s6], $0x1800, s9, s6, $0x38;
	[tilespmem:$0x11C00] =	vst v63  }
0x15: {  	s15 =	rddreg [dreg:$0x4]  }
0x16: {  	[tilespmem:s13], [sflag:$0x9] =	stream.linear.gather [hbm4b:s15+s4], $0x100, $0x38;
	[tilespmem:$0x11C00] =	vst v63  }
0x17: {  	_ =	swait.ge [sflag:s20], $0x1900  }
0x18: {  	[sflag:s20] =	ssyncset.done $0x0  }
0x19: {  	[sflag:s20] =	ssyncadd.s32 $0xFFFFE700  }
0x1a: {  	[tilespmem:s22], [sflag:$0x1] =	stream.indirect.gather [hbm4b:s1+s21], $0x80, s4, s21, $0xb8;
	[tilespmem:$0x11C00] =	vst v63  }
0x1b: {  	_ = 	snop  }
0x1c: {  	[tilespmem:s23], [sflag:$0x2] =	stream.indirect.gather [hbm4b:s1+s21], $0x80, s21, s21, $0xb8;
	[tilespmem:$0x11C00] =	vst v63  }
0x1d: {  	_ =	swait.ge [sflag:s24], $0x4000  }
0x1e: {  	[sflag:s24] =	ssyncset.done $0x0  }
0x1f: {  	s19 =	simm.s32 $0x100;
	s6 =	simm.s32 $0x1D00;
	[sflag:s24] =	ssyncadd.s32 $0xFFFFC000  }
0x20: {  	[tilespmem:s26], [sflag:$0x3] =	stream.indirect.gather [hbm4b:s1+s21], $0x80, s19, s21, $0xb8;
	[tilespmem:$0x11C00] =	vst v63  }
0x21: {  	v0 =	vld [tilespmem:s6+$0xF0]  }
0x22: {  	v1 =	vld [tilespmem:s6+$0xFFFFFF10]  }
0x23: {  	v2 =	vld [tilespmem:s6+$0xFFFFFF20]  }
0x24: {  	v3 =	vld [tilespmem:s6+$0xFFFFFF30]  }
0x25: {  	v6 =	vld [tilespmem:s6+$0xFFFFFF60]  }
0x26: {  	v4 =	vld [tilespmem:s6+$0xFFFFFF40]  }
0x27: {  	v5 =	vld [tilespmem:s6+$0xFFFFFF50];
	v0 =	vmul.f32 $1.131370830e+01, v0  }
0x28: {  	v8 =	vld [tilespmem:s6+$0xFFFFFF80];
	v1 =	vmul.f32 $1.131370830e+01, v1  }
0x29: {  	v7 =	vld [tilespmem:s6+$0xFFFFFF70];
	v2 =	vmul.f32 $1.131370830e+01, v2;
	[tilespmem:s6+$0xF0] =	vst v0  }
0x2a: {  	v6 =	vmul.f32 $1.131370830e+01, v6;
	v0 =	vld [tilespmem:s6+$0xFFFFFF90];
	[tilespmem:s6+$0xFFFFFF10] =	vst v1  }
0x2b: {  	v1 =	vmul.f32 $1.131370830e+01, v3;
	v3 =	vld [tilespmem:s6+$0xFFFFFFA0];
	[tilespmem:s6+$0xFFFFFF20] =	vst v2;
	v2 =	vmul.f32 $1.131370830e+01, v4  }
0x2c: {  	[tilespmem:s6+$0xFFFFFF60] =	vst v6;
	v6 =	vld [tilespmem:s6+$0xFFFFFFF0]  }
0x2d: {  	v4 =	vld [tilespmem:s6+$0xFFFFFFB0];
	[tilespmem:s6+$0xFFFFFF40] =	vst v2;
	v2 =	vmul.f32 $1.131370830e+01, v8  }
0x2e: {  	[tilespmem:s6+$0xFFFFFF30] =	vst v1;
	v1 =	vmul.f32 $1.131370830e+01, v5;
	v5 =	vld [tilespmem:s6+$0xFFFFFFC0]  }
0x2f: {  	v8 =	vld [tilespmem:s6+$0xFFFFFFD0];
	[tilespmem:s6+$0xFFFFFF80] =	vst v2;
	v2 =	vmul.f32 $1.131370830e+01, v7  }
0x30: {  	[tilespmem:s6+$0xFFFFFF50] =	vst v1;
	v1 =	vld [tilespmem:s6+$0xFFFFFFE0];
	v0 =	vmul.f32 $1.131370830e+01, v0  }
0x31: {  	v7 =	vld [tilespmem:s6+$0x30];
	v6 =	vmul.f32 $1.131370830e+01, v6;
	[tilespmem:s6+$0xFFFFFF70] =	vst v2  }
0x32: {  	v2 =	vmul.f32 $1.131370830e+01, v3;
	v3 =	vld [tilespmem:s6+$0x0];
	[tilespmem:s6+$0xFFFFFF90] =	vst v0  }
0x33: {  	v0 =	vmul.f32 $1.131370830e+01, v4;
	v4 =	vld [tilespmem:s6+$0x10];
	[tilespmem:s6+$0xFFFFFFF0] =	vst v6  }
0x34: {  	[tilespmem:s6+$0xFFFFFFA0] =	vst v2;
	v2 =	vmul.f32 $1.131370830e+01, v5;
	v5 =	vld [tilespmem:s6+$0x20]  }
0x35: {  	v6 =	vld [tilespmem:s6+$0x80];
	[tilespmem:s6+$0xFFFFFFB0] =	vst v0;
	v0 =	vmul.f32 $1.131370830e+01, v8  }
0x36: {  	v1 =	vmul.f32 $1.131370830e+01, v1;
	[tilespmem:s6+$0xFFFFFFC0] =	vst v2;
	v2 =	vld [tilespmem:s6+$0x40]  }
0x37: {  	[tilespmem:s6+$0xFFFFFFD0] =	vst v0;
	v0 =	vmul.f32 $1.131370830e+01, v3  }
0x38: {  	v3 =	vld [tilespmem:s6+$0x50];
	[tilespmem:s6+$0xFFFFFFE0] =	vst v1;
	v4 =	vmul.f32 $1.131370830e+01, v4  }
0x39: {  	v1 =	vld [tilespmem:s6+$0x60];
	[tilespmem:s6+$0x0] =	vst v0;
	v0 =	vmul.f32 $1.131370830e+01, v5  }
0x3a: {  	v6 =	vmul.f32 $1.131370830e+01, v6;
	v5 =	vld [tilespmem:s6+$0x70];
	[tilespmem:s6+$0x10] =	vst v4  }
0x3b: {  	v4 =	vmul.f32 $1.131370830e+01, v7;
	v7 =	vld [tilespmem:s6+$0x90];
	[tilespmem:s6+$0x20] =	vst v0;
	v0 =	vmul.f32 $1.131370830e+01, v2  }
0x3c: {  	v8 =	vld [tilespmem:s6+$0xA0];
	[tilespmem:s6+$0x80] =	vst v6  }
0x3d: {  	v2 =	vmul.f32 $1.131370830e+01, v3;
	[tilespmem:s6+$0x40] =	vst v0;
	v0 =	vld [tilespmem:s6+$0xB0]  }
0x3e: {  	[tilespmem:s6+$0x30] =	vst v4;
	v3 =	vmul.f32 $1.131370830e+01, v1;
	v1 =	vld [tilespmem:s6+$0xC0]  }
0x3f: {  	[tilespmem:s6+$0x50] =	vst v2;
	v4 =	vmul.f32 $1.131370830e+01, v5;
	v2 =	vld [tilespmem:s6+$0xD0]  }
0x40: {  	[tilespmem:s6+$0x60] =	vst v3;
	v3 =	vld [tilespmem:s6+$0xE0];
	v5 =	vmul.f32 $1.131370830e+01, v7  }
0x41: {  	s12 =	simm.s32 $0x1F00;
	s9 =	simm.s32 $0x0;
	v6 =	vmul.f32 $1.131370830e+01, v8;
	[tilespmem:s6+$0x70] =	vst v4;
	v4 =	vld [tilespmem:s6+$0xFFFFFF00]  }
.LBB2_2:
0x42: {  	v7 =	vld [tilespmem:s12+$0xF0];
	s9 =	sadd.s32 $0x4, s9;
	[tilespmem:s6+$0x90] =	vst v5;
	v0 =	vmul.f32 $1.131370830e+01, v0  }
0x43: {  	v5 =	vld [tilespmem:s12+$0xFFFFFF10];
	p0 =	slt.u32 s9, $0x7C;
	[tilespmem:s6+$0xA0] =	vst v6;
	v1 =	vmul.f32 $1.131370830e+01, v1  }
0x44: {  	v6 =	vld [tilespmem:s12+$0xFFFFFF20];
	[tilespmem:s6+$0xB0] =	vst v0;
	v0 =	vmul.f32 $1.131370830e+01, v2  }
0x45: {  	v2 =	vld [tilespmem:s12+$0xFFFFFF30];
	[tilespmem:s6+$0xC0] =	vst v1;
	v1 =	vmul.f32 $1.131370830e+01, v3  }
0x46: {  	v3 =	vld [tilespmem:s12+$0xFFFFFF40];
	v4 =	vmul.f32 $1.131370830e+01, v4;
	[tilespmem:s6+$0xD0] =	vst v0  }
0x47: {  	v0 =	vld [tilespmem:s12+$0xFFFFFF50];
	v7 =	vmul.f32 $1.131370830e+01, v7;
	[tilespmem:s6+$0xE0] =	vst v1  }
0x48: {  	v1 =	vmul.f32 $1.131370830e+01, v5;
	v5 =	vld [tilespmem:s12+$0xFFFFFF60];
	[tilespmem:s6+$0xFFFFFF00] =	vst v4;
	s6 =	smov.u32 s12  }
0x49: {  	v4 =	vmul.f32 $1.131370830e+01, v6;
	v6 =	vld [tilespmem:s12+$0xFFFFFF70];
	[tilespmem:s12+$0xF0] =	vst v7  }
0x4a: {  	[tilespmem:s12+$0xFFFFFF10] =	vst v1;
	v1 =	vmul.f32 $1.131370830e+01, v2;
	v2 =	vld [tilespmem:s12+$0xFFFFFF80]  }
0x4b: {  	[tilespmem:s12+$0xFFFFFF20] =	vst v4;
	v3 =	vmul.f32 $1.131370830e+01, v3;
	v4 =	vld [tilespmem:s12+$0xFFFFFF90]  }
0x4c: {  	[tilespmem:s12+$0xFFFFFF30] =	vst v1;
	v0 =	vmul.f32 $1.131370830e+01, v0;
	v1 =	vld [tilespmem:s12+$0xFFFFFFA0]  }
0x4d: {  	[tilespmem:s12+$0xFFFFFF40] =	vst v3;
	v3 =	vmul.f32 $1.131370830e+01, v5;
	v5 =	vld [tilespmem:s12+$0xFFFFFFB0]  }
0x4e: {  	[tilespmem:s12+$0xFFFFFF50] =	vst v0;
	v0 =	vmul.f32 $1.131370830e+01, v6;
	v6 =	vld [tilespmem:s12+$0xFFFFFFC0]  }
0x4f: {  	[tilespmem:s12+$0xFFFFFF60] =	vst v3;
	v2 =	vmul.f32 $1.131370830e+01, v2;
	v3 =	vld [tilespmem:s12+$0xFFFFFFD0]  }
0x50: {  	[tilespmem:s12+$0xFFFFFF70] =	vst v0;
	v0 =	vmul.f32 $1.131370830e+01, v4;
	v4 =	vld [tilespmem:s12+$0xFFFFFFE0]  }
0x51: {  	[tilespmem:s12+$0xFFFFFF80] =	vst v2;
	v1 =	vmul.f32 $1.131370830e+01, v1;
	v2 =	vld [tilespmem:s12+$0xFFFFFFF0]  }
0x52: {  	[tilespmem:s12+$0xFFFFFF90] =	vst v0;
	v0 =	vmul.f32 $1.131370830e+01, v5;
	v5 =	vld [tilespmem:s12+$0x0]  }
0x53: {  	[tilespmem:s12+$0xFFFFFFA0] =	vst v1;
	v1 =	vmul.f32 $1.131370830e+01, v6;
	v6 =	vld [tilespmem:s12+$0x10]  }
0x54: {  	[tilespmem:s12+$0xFFFFFFB0] =	vst v0;
	v0 =	vmul.f32 $1.131370830e+01, v3;
	v3 =	vld [tilespmem:s12+$0x20]  }
0x55: {  	[tilespmem:s12+$0xFFFFFFC0] =	vst v1;
	v1 =	vmul.f32 $1.131370830e+01, v4;
	v4 =	vld [tilespmem:s12+$0x30]  }
0x56: {  	[tilespmem:s12+$0xFFFFFFD0] =	vst v0;
	v0 =	vmul.f32 $1.131370830e+01, v2;
	v2 =	vld [tilespmem:s12+$0x40]  }
0x57: {  	[tilespmem:s12+$0xFFFFFFE0] =	vst v1;
	v1 =	vmul.f32 $1.131370830e+01, v5;
	v5 =	vld [tilespmem:s12+$0x50]  }
0x58: {  	[tilespmem:s12+$0xFFFFFFF0] =	vst v0;
	v0 =	vmul.f32 $1.131370830e+01, v6;
	v6 =	vld [tilespmem:s12+$0x60]  }
0x59: {  	[tilespmem:s12+$0x0] =	vst v1;
	v1 =	vmul.f32 $1.131370830e+01, v3;
	v3 =	vld [tilespmem:s12+$0x70]  }
0x5a: {  	[tilespmem:s12+$0x10] =	vst v0;
	v0 =	vmul.f32 $1.131370830e+01, v4;
	v4 =	vld [tilespmem:s12+$0x80]  }
0x5b: {  	[tilespmem:s12+$0x20] =	vst v1;
	v1 =	vmul.f32 $1.131370830e+01, v2;
	v7 =	vld [tilespmem:s12+$0x90]  }
0x5c: {  	[tilespmem:s12+$0x30] =	vst v0;
	v2 =	vmul.f32 $1.131370830e+01, v5;
	v8 =	vld [tilespmem:s12+$0xA0]  }
.Ltmp0:
0x5d: {  	[tilespmem:s12+$0x40] =	vst v1;
	v5 =	vmul.f32 $1.131370830e+01, v6;
	v0 =	vld [tilespmem:s12+$0xB0];
	(pc) =	sbr.rel @p0 .LBB2_2-.Ltmp0, $4  }
0x5e: {  	[tilespmem:s12+$0x50] =	vst v2;
	v3 =	vmul.f32 $1.131370830e+01, v3;
	v1 =	vld [tilespmem:s12+$0xC0]  }
0x5f: {  	[tilespmem:s12+$0x60] =	vst v5;
	v6 =	vmul.f32 $1.131370830e+01, v4;
	v2 =	vld [tilespmem:s12+$0xD0]  }
0x60: {  	[tilespmem:s12+$0x70] =	vst v3;
	v5 =	vmul.f32 $1.131370830e+01, v7;
	v3 =	vld [tilespmem:s12+$0xE0]  }
0x61: {  	s12 =	sadd.s32 $0x200, s12;
	v4 =	vld [tilespmem:s6+$0xFFFFFF00];
	[tilespmem:s6+$0x80] =	vst v6;
	v6 =	vmul.f32 $1.131370830e+01, v8  }
0x62: {  	[tilespmem:s6+$0x90] =	vst v5;
	v0 =	vmul.f32 $1.131370830e+01, v0  }
0x63: {  	[tilespmem:s6+$0xA0] =	vst v6;
	v1 =	vmul.f32 $1.131370830e+01, v1  }
0x64: {  	[tilespmem:s6+$0xB0] =	vst v0;
	v0 =	vmul.f32 $1.131370830e+01, v2  }
0x65: {  	[tilespmem:s6+$0xC0] =	vst v1;
	v1 =	vmul.f32 $1.131370830e+01, v3  }
0x66: {  	v2 =	vmul.f32 $1.131370830e+01, v4;
	[tilespmem:s6+$0xD0] =	vst v0  }
0x67: {  	[tilespmem:s6+$0xE0] =	vst v1  }
0x68: {  	[tilespmem:s6+$0xFFFFFF00] =	vst v2  }
0x69: {  	[hbm4b:s7+s4] =	stream.linear.scatter [tilespmem:s22], [sflag:$0x5], $0x4000, $0x38;
	[tilespmem:$0x11C00] =	vst v63  }
0x6a: {  	_ =	swait.ge [sflag:s28], $0x4000  }
0x6b: {  	[sflag:s28] =	ssyncset.done $0x0  }
0x6c: {  	s19 =	simm.s32 $0x180;
	s6 =	simm.s32 $0x5C00;
	[sflag:s28] =	ssyncadd.s32 $0xFFFFC000  }
0x6d: {  	[tilespmem:s30], [sflag:$0x4] =	stream.indirect.gather [hbm4b:s1+s21], $0x80, s19, s21, $0xb8;
	[tilespmem:$0x11C00] =	vst v63  }
0x6e: {  	v0 =	vld [tilespmem:s6+$0x1F0]  }
0x6f: {  	v1 =	vld [tilespmem:s6+$0x10]  }
0x70: {  	v2 =	vld [tilespmem:s6+$0x20]  }
0x71: {  	v3 =	vld [tilespmem:s6+$0x30]  }
0x72: {  	v6 =	vld [tilespmem:s6+$0x60]  }
0x73: {  	v4 =	vld [tilespmem:s6+$0x40]  }
0x74: {  	v5 =	vld [tilespmem:s6+$0x50];
	v0 =	vmul.f32 $1.131370830e+01, v0  }
0x75: {  	v8 =	vld [tilespmem:s6+$0x80];
	v1 =	vmul.f32 $1.131370830e+01, v1  }
0x76: {  	v7 =	vld [tilespmem:s6+$0x70];
	v2 =	vmul.f32 $1.131370830e+01, v2;
	[tilespmem:s6+$0x1F0] =	vst v0  }
0x77: {  	v6 =	vmul.f32 $1.131370830e+01, v6;
	v0 =	vld [tilespmem:s6+$0x90];
	[tilespmem:s6+$0x10] =	vst v1  }
0x78: {  	v1 =	vmul.f32 $1.131370830e+01, v3;
	v3 =	vld [tilespmem:s6+$0xA0];
	[tilespmem:s6+$0x20] =	vst v2;
	v2 =	vmul.f32 $1.131370830e+01, v4  }
0x79: {  	[tilespmem:s6+$0x60] =	vst v6;
	v6 =	vld [tilespmem:s6+$0xF0]  }
0x7a: {  	v4 =	vld [tilespmem:s6+$0xB0];
	[tilespmem:s6+$0x40] =	vst v2;
	v2 =	vmul.f32 $1.131370830e+01, v8  }
0x7b: {  	[tilespmem:s6+$0x30] =	vst v1;
	v1 =	vmul.f32 $1.131370830e+01, v5;
	v5 =	vld [tilespmem:s6+$0xC0]  }
0x7c: {  	v8 =	vld [tilespmem:s6+$0xD0];
	[tilespmem:s6+$0x80] =	vst v2;
	v2 =	vmul.f32 $1.131370830e+01, v7  }
0x7d: {  	[tilespmem:s6+$0x50] =	vst v1;
	v1 =	vld [tilespmem:s6+$0xE0];
	v0 =	vmul.f32 $1.131370830e+01, v0  }
0x7e: {  	v7 =	vld [tilespmem:s6+$0x130];
	v6 =	vmul.f32 $1.131370830e+01, v6;
	[tilespmem:s6+$0x70] =	vst v2  }
0x7f: {  	v2 =	vmul.f32 $1.131370830e+01, v3;
	v3 =	vld [tilespmem:s6+$0x100];
	[tilespmem:s6+$0x90] =	vst v0  }
0x80: {  	v0 =	vmul.f32 $1.131370830e+01, v4;
	v4 =	vld [tilespmem:s6+$0x110];
	[tilespmem:s6+$0xF0] =	vst v6  }
0x81: {  	[tilespmem:s6+$0xA0] =	vst v2;
	v2 =	vmul.f32 $1.131370830e+01, v5;
	v5 =	vld [tilespmem:s6+$0x120]  }
0x82: {  	v6 =	vld [tilespmem:s6+$0x180];
	[tilespmem:s6+$0xB0] =	vst v0;
	v0 =	vmul.f32 $1.131370830e+01, v8  }
0x83: {  	v1 =	vmul.f32 $1.131370830e+01, v1;
	[tilespmem:s6+$0xC0] =	vst v2;
	v2 =	vld [tilespmem:s6+$0x140]  }
0x84: {  	[tilespmem:s6+$0xD0] =	vst v0;
	v0 =	vmul.f32 $1.131370830e+01, v3  }
0x85: {  	v3 =	vld [tilespmem:s6+$0x150];
	[tilespmem:s6+$0xE0] =	vst v1;
	v4 =	vmul.f32 $1.131370830e+01, v4  }
0x86: {  	v1 =	vld [tilespmem:s6+$0x160];
	[tilespmem:s6+$0x100] =	vst v0;
	v0 =	vmul.f32 $1.131370830e+01, v5  }
0x87: {  	v6 =	vmul.f32 $1.131370830e+01, v6;
	v5 =	vld [tilespmem:s6+$0x170];
	[tilespmem:s6+$0x110] =	vst v4  }
0x88: {  	v4 =	vmul.f32 $1.131370830e+01, v7;
	v7 =	vld [tilespmem:s6+$0x190];
	[tilespmem:s6+$0x120] =	vst v0;
	v0 =	vmul.f32 $1.131370830e+01, v2  }
0x89: {  	v8 =	vld [tilespmem:s6+$0x1A0];
	[tilespmem:s6+$0x180] =	vst v6  }
0x8a: {  	v2 =	vmul.f32 $1.131370830e+01, v3;
	[tilespmem:s6+$0x140] =	vst v0;
	v0 =	vld [tilespmem:s6+$0x1B0]  }
0x8b: {  	[tilespmem:s6+$0x130] =	vst v4;
	v3 =	vmul.f32 $1.131370830e+01, v1;
	v1 =	vld [tilespmem:s6+$0x1C0]  }
0x8c: {  	[tilespmem:s6+$0x150] =	vst v2;
	v4 =	vmul.f32 $1.131370830e+01, v5;
	v2 =	vld [tilespmem:s6+$0x1D0]  }
0x8d: {  	[tilespmem:s6+$0x160] =	vst v3;
	v3 =	vld [tilespmem:s6+$0x1E0];
	v5 =	vmul.f32 $1.131370830e+01, v7  }
0x8e: {  	s9 =	simm.s32 $0x0;
	s12 =	simm.s32 $0x5E00;
	v6 =	vmul.f32 $1.131370830e+01, v8;
	[tilespmem:s6+$0x170] =	vst v4;
	v4 =	vld [tilespmem:s6+$0x0]  }
.LBB2_4:
0x8f: {  	v7 =	vld [tilespmem:s12+$0x1F0];
	s9 =	sadd.s32 $0x4, s9;
	[tilespmem:s6+$0x190] =	vst v5;
	v0 =	vmul.f32 $1.131370830e+01, v0  }
0x90: {  	v5 =	vld [tilespmem:s12+$0x10];
	p0 =	slt.u32 s9, $0x7C;
	[tilespmem:s6+$0x1A0] =	vst v6;
	v1 =	vmul.f32 $1.131370830e+01, v1  }
0x91: {  	v6 =	vld [tilespmem:s12+$0x20];
	[tilespmem:s6+$0x1B0] =	vst v0;
	v0 =	vmul.f32 $1.131370830e+01, v2  }
0x92: {  	v2 =	vld [tilespmem:s12+$0x30];
	[tilespmem:s6+$0x1C0] =	vst v1;
	v1 =	vmul.f32 $1.131370830e+01, v3  }
0x93: {  	v3 =	vld [tilespmem:s12+$0x40];
	v4 =	vmul.f32 $1.131370830e+01, v4;
	[tilespmem:s6+$0x1D0] =	vst v0  }
0x94: {  	v0 =	vld [tilespmem:s12+$0x50];
	v7 =	vmul.f32 $1.131370830e+01, v7;
	[tilespmem:s6+$0x1E0] =	vst v1  }
0x95: {  	v1 =	vmul.f32 $1.131370830e+01, v5;
	v5 =	vld [tilespmem:s12+$0x60];
	[tilespmem:s6+$0x0] =	vst v4;
	s6 =	smov.u32 s12  }
0x96: {  	v4 =	vmul.f32 $1.131370830e+01, v6;
	v6 =	vld [tilespmem:s12+$0x70];
	[tilespmem:s12+$0x1F0] =	vst v7  }
0x97: {  	[tilespmem:s12+$0x10] =	vst v1;
	v1 =	vmul.f32 $1.131370830e+01, v2;
	v2 =	vld [tilespmem:s12+$0x80]  }
0x98: {  	[tilespmem:s12+$0x20] =	vst v4;
	v3 =	vmul.f32 $1.131370830e+01, v3;
	v4 =	vld [tilespmem:s12+$0x90]  }
0x99: {  	[tilespmem:s12+$0x30] =	vst v1;
	v0 =	vmul.f32 $1.131370830e+01, v0;
	v1 =	vld [tilespmem:s12+$0xA0]  }
0x9a: {  	[tilespmem:s12+$0x40] =	vst v3;
	v3 =	vmul.f32 $1.131370830e+01, v5;
	v5 =	vld [tilespmem:s12+$0xB0]  }
0x9b: {  	[tilespmem:s12+$0x50] =	vst v0;
	v0 =	vmul.f32 $1.131370830e+01, v6;
	v6 =	vld [tilespmem:s12+$0xC0]  }
0x9c: {  	[tilespmem:s12+$0x60] =	vst v3;
	v2 =	vmul.f32 $1.131370830e+01, v2;
	v3 =	vld [tilespmem:s12+$0xD0]  }
0x9d: {  	[tilespmem:s12+$0x70] =	vst v0;
	v0 =	vmul.f32 $1.131370830e+01, v4;
	v4 =	vld [tilespmem:s12+$0xE0]  }
0x9e: {  	[tilespmem:s12+$0x80] =	vst v2;
	v1 =	vmul.f32 $1.131370830e+01, v1;
	v2 =	vld [tilespmem:s12+$0xF0]  }
0x9f: {  	[tilespmem:s12+$0x90] =	vst v0;
	v0 =	vmul.f32 $1.131370830e+01, v5;
	v5 =	vld [tilespmem:s12+$0x100]  }
0xa0: {  	[tilespmem:s12+$0xA0] =	vst v1;
	v1 =	vmul.f32 $1.131370830e+01, v6;
	v6 =	vld [tilespmem:s12+$0x110]  }
0xa1: {  	[tilespmem:s12+$0xB0] =	vst v0;
	v0 =	vmul.f32 $1.131370830e+01, v3;
	v3 =	vld [tilespmem:s12+$0x120]  }
0xa2: {  	[tilespmem:s12+$0xC0] =	vst v1;
	v1 =	vmul.f32 $1.131370830e+01, v4;
	v4 =	vld [tilespmem:s12+$0x130]  }
0xa3: {  	[tilespmem:s12+$0xD0] =	vst v0;
	v0 =	vmul.f32 $1.131370830e+01, v2;
	v2 =	vld [tilespmem:s12+$0x140]  }
0xa4: {  	[tilespmem:s12+$0xE0] =	vst v1;
	v1 =	vmul.f32 $1.131370830e+01, v5;
	v5 =	vld [tilespmem:s12+$0x150]  }
0xa5: {  	[tilespmem:s12+$0xF0] =	vst v0;
	v0 =	vmul.f32 $1.131370830e+01, v6;
	v6 =	vld [tilespmem:s12+$0x160]  }
0xa6: {  	[tilespmem:s12+$0x100] =	vst v1;
	v1 =	vmul.f32 $1.131370830e+01, v3;
	v3 =	vld [tilespmem:s12+$0x170]  }
0xa7: {  	[tilespmem:s12+$0x110] =	vst v0;
	v0 =	vmul.f32 $1.131370830e+01, v4;
	v4 =	vld [tilespmem:s12+$0x180]  }
0xa8: {  	[tilespmem:s12+$0x120] =	vst v1;
	v1 =	vmul.f32 $1.131370830e+01, v2;
	v7 =	vld [tilespmem:s12+$0x190]  }
0xa9: {  	[tilespmem:s12+$0x130] =	vst v0;
	v2 =	vmul.f32 $1.131370830e+01, v5;
	v8 =	vld [tilespmem:s12+$0x1A0]  }
.Ltmp1:
0xaa: {  	[tilespmem:s12+$0x140] =	vst v1;
	v5 =	vmul.f32 $1.131370830e+01, v6;
	v0 =	vld [tilespmem:s12+$0x1B0];
	(pc) =	sbr.rel @p0 .LBB2_4-.Ltmp1, $4  }
0xab: {  	[tilespmem:s12+$0x150] =	vst v2;
	v3 =	vmul.f32 $1.131370830e+01, v3;
	v1 =	vld [tilespmem:s12+$0x1C0]  }
0xac: {  	[tilespmem:s12+$0x160] =	vst v5;
	v6 =	vmul.f32 $1.131370830e+01, v4;
	v2 =	vld [tilespmem:s12+$0x1D0]  }
0xad: {  	[tilespmem:s12+$0x170] =	vst v3;
	v5 =	vmul.f32 $1.131370830e+01, v7;
	v3 =	vld [tilespmem:s12+$0x1E0]  }
0xae: {  	s12 =	sadd.s32 $0x200, s12;
	v4 =	vld [tilespmem:s6+$0x0];
	[tilespmem:s6+$0x180] =	vst v6;
	v6 =	vmul.f32 $1.131370830e+01, v8  }
0xaf: {  	[tilespmem:s6+$0x190] =	vst v5;
	v0 =	vmul.f32 $1.131370830e+01, v0  }
0xb0: {  	[tilespmem:s6+$0x1A0] =	vst v6;
	v1 =	vmul.f32 $1.131370830e+01, v1  }
0xb1: {  	[tilespmem:s6+$0x1B0] =	vst v0;
	v61 =	vmul.f32 $1.131370830e+01, v2  }
0xb2: {  	[tilespmem:s6+$0x1C0] =	vst v1;
	v62 =	vmul.f32 $1.131370830e+01, v3  }
0xb3: {  	v63 =	vmul.f32 $1.131370830e+01, v4;
	[tilespmem:s6+$0x1D0] =	vst v61  }
0xb4: {  	[tilespmem:s6+$0x1E0] =	vst v62  }
0xb5: {  	[tilespmem:s6+$0x0] =	vst v63  }
0xb6: {  	s19 =	simm.s32 $0x0;
	s6 =	rddreg [dreg:$0x5]  }
0xb7: {  	[hbm4b:s6+s19] =	stream.linear.scatter [tilespmem:s23], [sflag:$0x6], $0x4000, $0x38;
	[tilespmem:$0x11C00] =	vst v63  }
.LBB2_6:
0xb8: {  	s9 =	sshll.u32 s19, $0x2  }
0xb9: {  	_ =	swait.ge [sflag:s31], $0x4000;
	s6 =	sadd.s32 $0x4, s9  }
0xba: {  	[sflag:s31] =	ssyncset.done $0x0;
	s12 =	sshll.u32 s6, $0x7  }
0xbb: {  	[sflag:s31] =	ssyncadd.s32 $0xFFFFC000;
	s12 =	sand.u32 $0x3FFFFE00, s12  }
0xbc: {  	[tilespmem:s22], [sflag:$0x1] =	stream.indirect.gather [hbm4b:s1+s21], $0x80, s12, s21, $0xb8;
	[tilespmem:$0x11C00] =	vst v63  }
0xbd: {  	_ =	swait.ge [sflag:s0], $0x4000  }
0xbe: {  	[sflag:s0] =	ssyncset.done $0x0  }
0xbf: {  	s13 =	simm.s32 $0x9C00;
	[sflag:s0] =	ssyncadd.s32 $0xFFFFC000  }
0xc0: {  	v0 =	vld [tilespmem:s13+$0x1F0]  }
0xc1: {  	v1 =	vld [tilespmem:s13+$0x10]  }
0xc2: {  	v2 =	vld [tilespmem:s13+$0x20]  }
0xc3: {  	v3 =	vld [tilespmem:s13+$0x30]  }
0xc4: {  	v6 =	vld [tilespmem:s13+$0x60]  }
0xc5: {  	v4 =	vld [tilespmem:s13+$0x40]  }
0xc6: {  	v5 =	vld [tilespmem:s13+$0x50];
	v0 =	vmul.f32 $1.131370830e+01, v0  }
0xc7: {  	v8 =	vld [tilespmem:s13+$0x80];
	v1 =	vmul.f32 $1.131370830e+01, v1  }
0xc8: {  	v7 =	vld [tilespmem:s13+$0x70];
	v2 =	vmul.f32 $1.131370830e+01, v2;
	[tilespmem:s13+$0x1F0] =	vst v0  }
0xc9: {  	v6 =	vmul.f32 $1.131370830e+01, v6;
	v0 =	vld [tilespmem:s13+$0x90];
	[tilespmem:s13+$0x10] =	vst v1  }
0xca: {  	v1 =	vmul.f32 $1.131370830e+01, v3;
	v3 =	vld [tilespmem:s13+$0xA0];
	[tilespmem:s13+$0x20] =	vst v2;
	v2 =	vmul.f32 $1.131370830e+01, v4  }
0xcb: {  	[tilespmem:s13+$0x60] =	vst v6;
	v6 =	vld [tilespmem:s13+$0xF0]  }
0xcc: {  	v4 =	vld [tilespmem:s13+$0xB0];
	[tilespmem:s13+$0x40] =	vst v2;
	v2 =	vmul.f32 $1.131370830e+01, v8  }
0xcd: {  	[tilespmem:s13+$0x30] =	vst v1;
	v1 =	vmul.f32 $1.131370830e+01, v5;
	v5 =	vld [tilespmem:s13+$0xC0]  }
0xce: {  	v8 =	vld [tilespmem:s13+$0xD0];
	[tilespmem:s13+$0x80] =	vst v2;
	v2 =	vmul.f32 $1.131370830e+01, v7  }
0xcf: {  	[tilespmem:s13+$0x50] =	vst v1;
	v1 =	vld [tilespmem:s13+$0xE0];
	v0 =	vmul.f32 $1.131370830e+01, v0  }
0xd0: {  	v7 =	vld [tilespmem:s13+$0x130];
	v6 =	vmul.f32 $1.131370830e+01, v6;
	[tilespmem:s13+$0x70] =	vst v2  }
0xd1: {  	v2 =	vmul.f32 $1.131370830e+01, v3;
	v3 =	vld [tilespmem:s13+$0x100];
	[tilespmem:s13+$0x90] =	vst v0  }
0xd2: {  	v0 =	vmul.f32 $1.131370830e+01, v4;
	v4 =	vld [tilespmem:s13+$0x110];
	[tilespmem:s13+$0xF0] =	vst v6  }
0xd3: {  	[tilespmem:s13+$0xA0] =	vst v2;
	v2 =	vmul.f32 $1.131370830e+01, v5;
	v5 =	vld [tilespmem:s13+$0x120]  }
0xd4: {  	v6 =	vld [tilespmem:s13+$0x180];
	[tilespmem:s13+$0xB0] =	vst v0;
	v0 =	vmul.f32 $1.131370830e+01, v8  }
0xd5: {  	v1 =	vmul.f32 $1.131370830e+01, v1;
	[tilespmem:s13+$0xC0] =	vst v2;
	v2 =	vld [tilespmem:s13+$0x140]  }
0xd6: {  	[tilespmem:s13+$0xD0] =	vst v0;
	v0 =	vmul.f32 $1.131370830e+01, v3  }
0xd7: {  	v3 =	vld [tilespmem:s13+$0x150];
	[tilespmem:s13+$0xE0] =	vst v1;
	v4 =	vmul.f32 $1.131370830e+01, v4  }
0xd8: {  	v1 =	vld [tilespmem:s13+$0x160];
	[tilespmem:s13+$0x100] =	vst v0;
	v0 =	vmul.f32 $1.131370830e+01, v5  }
0xd9: {  	v6 =	vmul.f32 $1.131370830e+01, v6;
	v5 =	vld [tilespmem:s13+$0x170];
	[tilespmem:s13+$0x110] =	vst v4  }
0xda: {  	v4 =	vmul.f32 $1.131370830e+01, v7;
	v7 =	vld [tilespmem:s13+$0x190];
	[tilespmem:s13+$0x120] =	vst v0;
	v0 =	vmul.f32 $1.131370830e+01, v2  }
0xdb: {  	v8 =	vld [tilespmem:s13+$0x1A0];
	[tilespmem:s13+$0x180] =	vst v6  }
0xdc: {  	v2 =	vmul.f32 $1.131370830e+01, v3;
	[tilespmem:s13+$0x140] =	vst v0;
	v0 =	vld [tilespmem:s13+$0x1B0]  }
0xdd: {  	[tilespmem:s13+$0x130] =	vst v4;
	v3 =	vmul.f32 $1.131370830e+01, v1;
	v1 =	vld [tilespmem:s13+$0x1C0]  }
0xde: {  	[tilespmem:s13+$0x150] =	vst v2;
	v4 =	vmul.f32 $1.131370830e+01, v5;
	v2 =	vld [tilespmem:s13+$0x1D0]  }
0xdf: {  	[tilespmem:s13+$0x160] =	vst v3;
	v3 =	vld [tilespmem:s13+$0x1E0];
	v5 =	vmul.f32 $1.131370830e+01, v7  }
0xe0: {  	s14 =	simm.s32 $0x9E00;
	s12 =	simm.s32 $0x0;
	v6 =	vmul.f32 $1.131370830e+01, v8;
	[tilespmem:s13+$0x170] =	vst v4;
	v4 =	vld [tilespmem:s13+$0x0]  }
.LBB2_7:
0xe1: {  	v7 =	vld [tilespmem:s14+$0x1F0];
	s12 =	sadd.s32 $0x4, s12;
	[tilespmem:s13+$0x190] =	vst v5;
	v0 =	vmul.f32 $1.131370830e+01, v0  }
0xe2: {  	v5 =	vld [tilespmem:s14+$0x10];
	p0 =	slt.u32 s12, $0x7C;
	[tilespmem:s13+$0x1A0] =	vst v6;
	v1 =	vmul.f32 $1.131370830e+01, v1  }
0xe3: {  	v6 =	vld [tilespmem:s14+$0x20];
	[tilespmem:s13+$0x1B0] =	vst v0;
	v0 =	vmul.f32 $1.131370830e+01, v2  }
0xe4: {  	v2 =	vld [tilespmem:s14+$0x30];
	[tilespmem:s13+$0x1C0] =	vst v1;
	v1 =	vmul.f32 $1.131370830e+01, v3  }
0xe5: {  	v3 =	vld [tilespmem:s14+$0x40];
	v4 =	vmul.f32 $1.131370830e+01, v4;
	[tilespmem:s13+$0x1D0] =	vst v0  }
0xe6: {  	v0 =	vld [tilespmem:s14+$0x50];
	v7 =	vmul.f32 $1.131370830e+01, v7;
	[tilespmem:s13+$0x1E0] =	vst v1  }
0xe7: {  	v1 =	vmul.f32 $1.131370830e+01, v5;
	v5 =	vld [tilespmem:s14+$0x60];
	[tilespmem:s13+$0x0] =	vst v4;
	s13 =	smov.u32 s14  }
0xe8: {  	v4 =	vmul.f32 $1.131370830e+01, v6;
	v6 =	vld [tilespmem:s14+$0x70];
	[tilespmem:s14+$0x1F0] =	vst v7  }
0xe9: {  	[tilespmem:s14+$0x10] =	vst v1;
	v1 =	vmul.f32 $1.131370830e+01, v2;
	v2 =	vld [tilespmem:s14+$0x80]  }
0xea: {  	[tilespmem:s14+$0x20] =	vst v4;
	v3 =	vmul.f32 $1.131370830e+01, v3;
	v4 =	vld [tilespmem:s14+$0x90]  }
0xeb: {  	[tilespmem:s14+$0x30] =	vst v1;
	v0 =	vmul.f32 $1.131370830e+01, v0;
	v1 =	vld [tilespmem:s14+$0xA0]  }
0xec: {  	[tilespmem:s14+$0x40] =	vst v3;
	v3 =	vmul.f32 $1.131370830e+01, v5;
	v5 =	vld [tilespmem:s14+$0xB0]  }
0xed: {  	[tilespmem:s14+$0x50] =	vst v0;
	v0 =	vmul.f32 $1.131370830e+01, v6;
	v6 =	vld [tilespmem:s14+$0xC0]  }
0xee: {  	[tilespmem:s14+$0x60] =	vst v3;
	v2 =	vmul.f32 $1.131370830e+01, v2;
	v3 =	vld [tilespmem:s14+$0xD0]  }
0xef: {  	[tilespmem:s14+$0x70] =	vst v0;
	v0 =	vmul.f32 $1.131370830e+01, v4;
	v4 =	vld [tilespmem:s14+$0xE0]  }
0xf0: {  	[tilespmem:s14+$0x80] =	vst v2;
	v1 =	vmul.f32 $1.131370830e+01, v1;
	v2 =	vld [tilespmem:s14+$0xF0]  }
0xf1: {  	[tilespmem:s14+$0x90] =	vst v0;
	v0 =	vmul.f32 $1.131370830e+01, v5;
	v5 =	vld [tilespmem:s14+$0x100]  }
0xf2: {  	[tilespmem:s14+$0xA0] =	vst v1;
	v1 =	vmul.f32 $1.131370830e+01, v6;
	v6 =	vld [tilespmem:s14+$0x110]  }
0xf3: {  	[tilespmem:s14+$0xB0] =	vst v0;
	v0 =	vmul.f32 $1.131370830e+01, v3;
	v3 =	vld [tilespmem:s14+$0x120]  }
0xf4: {  	[tilespmem:s14+$0xC0] =	vst v1;
	v1 =	vmul.f32 $1.131370830e+01, v4;
	v4 =	vld [tilespmem:s14+$0x130]  }
0xf5: {  	[tilespmem:s14+$0xD0] =	vst v0;
	v0 =	vmul.f32 $1.131370830e+01, v2;
	v2 =	vld [tilespmem:s14+$0x140]  }
0xf6: {  	[tilespmem:s14+$0xE0] =	vst v1;
	v1 =	vmul.f32 $1.131370830e+01, v5;
	v5 =	vld [tilespmem:s14+$0x150]  }
0xf7: {  	[tilespmem:s14+$0xF0] =	vst v0;
	v0 =	vmul.f32 $1.131370830e+01, v6;
	v6 =	vld [tilespmem:s14+$0x160]  }
0xf8: {  	[tilespmem:s14+$0x100] =	vst v1;
	v1 =	vmul.f32 $1.131370830e+01, v3;
	v3 =	vld [tilespmem:s14+$0x170]  }
0xf9: {  	[tilespmem:s14+$0x110] =	vst v0;
	v0 =	vmul.f32 $1.131370830e+01, v4;
	v4 =	vld [tilespmem:s14+$0x180]  }
0xfa: {  	[tilespmem:s14+$0x120] =	vst v1;
	v1 =	vmul.f32 $1.131370830e+01, v2;
	v7 =	vld [tilespmem:s14+$0x190]  }
0xfb: {  	[tilespmem:s14+$0x130] =	vst v0;
	v2 =	vmul.f32 $1.131370830e+01, v5;
	v8 =	vld [tilespmem:s14+$0x1A0]  }
.Ltmp2:
0xfc: {  	[tilespmem:s14+$0x140] =	vst v1;
	v5 =	vmul.f32 $1.131370830e+01, v6;
	v0 =	vld [tilespmem:s14+$0x1B0];
	(pc) =	sbr.rel @p0 .LBB2_7-.Ltmp2, $4  }
0xfd: {  	[tilespmem:s14+$0x150] =	vst v2;
	v3 =	vmul.f32 $1.131370830e+01, v3;
	v1 =	vld [tilespmem:s14+$0x1C0]  }
0xfe: {  	[tilespmem:s14+$0x160] =	vst v5;
	v6 =	vmul.f32 $1.131370830e+01, v4;
	v2 =	vld [tilespmem:s14+$0x1D0]  }
0xff: {  	[tilespmem:s14+$0x170] =	vst v3;
	v5 =	vmul.f32 $1.131370830e+01, v7;
	v3 =	vld [tilespmem:s14+$0x1E0]  }
0x100: {  	s14 =	sadd.s32 $0x200, s14;
	v4 =	vld [tilespmem:s13+$0x0];
	[tilespmem:s13+$0x180] =	vst v6;
	v6 =	vmul.f32 $1.131370830e+01, v8  }
0x101: {  	[tilespmem:s13+$0x190] =	vst v5;
	v0 =	vmul.f32 $1.131370830e+01, v0  }
0x102: {  	[tilespmem:s13+$0x1A0] =	vst v6;
	v1 =	vmul.f32 $1.131370830e+01, v1  }
0x103: {  	[tilespmem:s13+$0x1B0] =	vst v0;
	v0 =	vmul.f32 $1.131370830e+01, v2  }
0x104: {  	s12 =	sshll.u32 s19, $0x15;
	[tilespmem:s13+$0x1C0] =	vst v1;
	v1 =	vmul.f32 $1.131370830e+01, v3  }
0x105: {  	s12 =	sor.u32 s8, s12;
	v2 =	vmul.f32 $1.131370830e+01, v4;
	[tilespmem:s13+$0x1D0] =	vst v0  }
0x106: {  	s12 =	sshrl.u32 s12, $0x3;
	[tilespmem:s13+$0x1E0] =	vst v1  }
0x107: {  	s14 =	sadd.s32 s12, s10;
	[tilespmem:s13+$0x0] =	vst v2  }
0x108: {  	[hbm4b:s14+s4] =	stream.linear.scatter [tilespmem:s26], [sflag:$0x7], $0x4000, $0x38;
	[tilespmem:$0x11C00] =	vst v63  }
0x109: {  	s9 =	sadd.s32 $0x5, s9;
	_ =	swait.ge [sflag:s2], $0x4000  }
0x10a: {  	s15 =	sshll.u32 s9, $0x7;
	[sflag:s2] =	ssyncset.done $0x0  }
0x10b: {  	s13 =	sand.u32 $0x3FFFFF80, s15;
	[sflag:s2] =	ssyncadd.s32 $0xFFFFC000  }
0x10c: {  	[tilespmem:s23], [sflag:$0x2] =	stream.indirect.gather [hbm4b:s1+s21], $0x80, s13, s21, $0xb8;
	[tilespmem:$0x11C00] =	vst v63  }
0x10d: {  	_ =	swait.ge [sflag:s17], $0x4000  }
0x10e: {  	[sflag:s17] =	ssyncset.done $0x0  }
0x10f: {  	s13 =	simm.s32 $0xDC00;
	[sflag:s17] =	ssyncadd.s32 $0xFFFFC000  }
0x110: {  	v0 =	vld [tilespmem:s13+$0x1F0]  }
0x111: {  	v1 =	vld [tilespmem:s13+$0x10]  }
0x112: {  	v2 =	vld [tilespmem:s13+$0x20]  }
0x113: {  	v3 =	vld [tilespmem:s13+$0x30]  }
0x114: {  	v6 =	vld [tilespmem:s13+$0x60]  }
0x115: {  	v4 =	vld [tilespmem:s13+$0x40]  }
0x116: {  	v5 =	vld [tilespmem:s13+$0x50];
	v0 =	vmul.f32 $1.131370830e+01, v0  }
0x117: {  	v8 =	vld [tilespmem:s13+$0x80];
	v1 =	vmul.f32 $1.131370830e+01, v1  }
0x118: {  	v7 =	vld [tilespmem:s13+$0x70];
	v2 =	vmul.f32 $1.131370830e+01, v2;
	[tilespmem:s13+$0x1F0] =	vst v0  }
0x119: {  	v6 =	vmul.f32 $1.131370830e+01, v6;
	v0 =	vld [tilespmem:s13+$0x90];
	[tilespmem:s13+$0x10] =	vst v1  }
0x11a: {  	v1 =	vmul.f32 $1.131370830e+01, v3;
	v3 =	vld [tilespmem:s13+$0xA0];
	[tilespmem:s13+$0x20] =	vst v2;
	v2 =	vmul.f32 $1.131370830e+01, v4  }
0x11b: {  	[tilespmem:s13+$0x60] =	vst v6;
	v6 =	vld [tilespmem:s13+$0xF0]  }
0x11c: {  	v4 =	vld [tilespmem:s13+$0xB0];
	[tilespmem:s13+$0x40] =	vst v2;
	v2 =	vmul.f32 $1.131370830e+01, v8  }
0x11d: {  	[tilespmem:s13+$0x30] =	vst v1;
	v1 =	vmul.f32 $1.131370830e+01, v5;
	v5 =	vld [tilespmem:s13+$0xC0]  }
0x11e: {  	v8 =	vld [tilespmem:s13+$0xD0];
	[tilespmem:s13+$0x80] =	vst v2;
	v2 =	vmul.f32 $1.131370830e+01, v7  }
0x11f: {  	[tilespmem:s13+$0x50] =	vst v1;
	v1 =	vld [tilespmem:s13+$0xE0];
	v0 =	vmul.f32 $1.131370830e+01, v0  }
0x120: {  	v7 =	vld [tilespmem:s13+$0x130];
	v6 =	vmul.f32 $1.131370830e+01, v6;
	[tilespmem:s13+$0x70] =	vst v2  }
0x121: {  	v2 =	vmul.f32 $1.131370830e+01, v3;
	v3 =	vld [tilespmem:s13+$0x100];
	[tilespmem:s13+$0x90] =	vst v0  }
0x122: {  	v0 =	vmul.f32 $1.131370830e+01, v4;
	v4 =	vld [tilespmem:s13+$0x110];
	[tilespmem:s13+$0xF0] =	vst v6  }
0x123: {  	[tilespmem:s13+$0xA0] =	vst v2;
	v2 =	vmul.f32 $1.131370830e+01, v5;
	v5 =	vld [tilespmem:s13+$0x120]  }
0x124: {  	v6 =	vld [tilespmem:s13+$0x180];
	[tilespmem:s13+$0xB0] =	vst v0;
	v0 =	vmul.f32 $1.131370830e+01, v8  }
0x125: {  	v1 =	vmul.f32 $1.131370830e+01, v1;
	[tilespmem:s13+$0xC0] =	vst v2;
	v2 =	vld [tilespmem:s13+$0x140]  }
0x126: {  	[tilespmem:s13+$0xD0] =	vst v0;
	v0 =	vmul.f32 $1.131370830e+01, v3  }
0x127: {  	v3 =	vld [tilespmem:s13+$0x150];
	[tilespmem:s13+$0xE0] =	vst v1;
	v4 =	vmul.f32 $1.131370830e+01, v4  }
0x128: {  	v1 =	vld [tilespmem:s13+$0x160];
	[tilespmem:s13+$0x100] =	vst v0;
	v0 =	vmul.f32 $1.131370830e+01, v5  }
0x129: {  	v6 =	vmul.f32 $1.131370830e+01, v6;
	v5 =	vld [tilespmem:s13+$0x170];
	[tilespmem:s13+$0x110] =	vst v4  }
0x12a: {  	v4 =	vmul.f32 $1.131370830e+01, v7;
	v7 =	vld [tilespmem:s13+$0x190];
	[tilespmem:s13+$0x120] =	vst v0;
	v0 =	vmul.f32 $1.131370830e+01, v2  }
0x12b: {  	v8 =	vld [tilespmem:s13+$0x1A0];
	[tilespmem:s13+$0x180] =	vst v6  }
0x12c: {  	v2 =	vmul.f32 $1.131370830e+01, v3;
	[tilespmem:s13+$0x140] =	vst v0;
	v0 =	vld [tilespmem:s13+$0x1B0]  }
0x12d: {  	[tilespmem:s13+$0x130] =	vst v4;
	v3 =	vmul.f32 $1.131370830e+01, v1;
	v1 =	vld [tilespmem:s13+$0x1C0]  }
0x12e: {  	[tilespmem:s13+$0x150] =	vst v2;
	v4 =	vmul.f32 $1.131370830e+01, v5;
	v2 =	vld [tilespmem:s13+$0x1D0]  }
0x12f: {  	[tilespmem:s13+$0x160] =	vst v3;
	v3 =	vld [tilespmem:s13+$0x1E0];
	v5 =	vmul.f32 $1.131370830e+01, v7  }
0x130: {  	s15 =	simm.s32 $0xDE00;
	s14 =	simm.s32 $0x0;
	v6 =	vmul.f32 $1.131370830e+01, v8;
	[tilespmem:s13+$0x170] =	vst v4;
	v4 =	vld [tilespmem:s13+$0x0]  }
.LBB2_9:
0x131: {  	v7 =	vld [tilespmem:s15+$0x1F0];
	s14 =	sadd.s32 $0x4, s14;
	[tilespmem:s13+$0x190] =	vst v5;
	v0 =	vmul.f32 $1.131370830e+01, v0  }
0x132: {  	v5 =	vld [tilespmem:s15+$0x10];
	p0 =	slt.u32 s14, $0x7C;
	[tilespmem:s13+$0x1A0] =	vst v6;
	v1 =	vmul.f32 $1.131370830e+01, v1  }
0x133: {  	v6 =	vld [tilespmem:s15+$0x20];
	[tilespmem:s13+$0x1B0] =	vst v0;
	v0 =	vmul.f32 $1.131370830e+01, v2  }
0x134: {  	v2 =	vld [tilespmem:s15+$0x30];
	[tilespmem:s13+$0x1C0] =	vst v1;
	v1 =	vmul.f32 $1.131370830e+01, v3  }
0x135: {  	v3 =	vld [tilespmem:s15+$0x40];
	v4 =	vmul.f32 $1.131370830e+01, v4;
	[tilespmem:s13+$0x1D0] =	vst v0  }
0x136: {  	v0 =	vld [tilespmem:s15+$0x50];
	v7 =	vmul.f32 $1.131370830e+01, v7;
	[tilespmem:s13+$0x1E0] =	vst v1  }
0x137: {  	v1 =	vmul.f32 $1.131370830e+01, v5;
	v5 =	vld [tilespmem:s15+$0x60];
	[tilespmem:s13+$0x0] =	vst v4;
	s13 =	smov.u32 s15  }
0x138: {  	v4 =	vmul.f32 $1.131370830e+01, v6;
	v6 =	vld [tilespmem:s15+$0x70];
	[tilespmem:s15+$0x1F0] =	vst v7  }
0x139: {  	[tilespmem:s15+$0x10] =	vst v1;
	v1 =	vmul.f32 $1.131370830e+01, v2;
	v2 =	vld [tilespmem:s15+$0x80]  }
0x13a: {  	[tilespmem:s15+$0x20] =	vst v4;
	v3 =	vmul.f32 $1.131370830e+01, v3;
	v4 =	vld [tilespmem:s15+$0x90]  }
0x13b: {  	[tilespmem:s15+$0x30] =	vst v1;
	v0 =	vmul.f32 $1.131370830e+01, v0;
	v1 =	vld [tilespmem:s15+$0xA0]  }
0x13c: {  	[tilespmem:s15+$0x40] =	vst v3;
	v3 =	vmul.f32 $1.131370830e+01, v5;
	v5 =	vld [tilespmem:s15+$0xB0]  }
0x13d: {  	[tilespmem:s15+$0x50] =	vst v0;
	v0 =	vmul.f32 $1.131370830e+01, v6;
	v6 =	vld [tilespmem:s15+$0xC0]  }
0x13e: {  	[tilespmem:s15+$0x60] =	vst v3;
	v2 =	vmul.f32 $1.131370830e+01, v2;
	v3 =	vld [tilespmem:s15+$0xD0]  }
0x13f: {  	[tilespmem:s15+$0x70] =	vst v0;
	v0 =	vmul.f32 $1.131370830e+01, v4;
	v4 =	vld [tilespmem:s15+$0xE0]  }
0x140: {  	[tilespmem:s15+$0x80] =	vst v2;
	v1 =	vmul.f32 $1.131370830e+01, v1;
	v2 =	vld [tilespmem:s15+$0xF0]  }
0x141: {  	[tilespmem:s15+$0x90] =	vst v0;
	v0 =	vmul.f32 $1.131370830e+01, v5;
	v5 =	vld [tilespmem:s15+$0x100]  }
0x142: {  	[tilespmem:s15+$0xA0] =	vst v1;
	v1 =	vmul.f32 $1.131370830e+01, v6;
	v6 =	vld [tilespmem:s15+$0x110]  }
0x143: {  	[tilespmem:s15+$0xB0] =	vst v0;
	v0 =	vmul.f32 $1.131370830e+01, v3;
	v3 =	vld [tilespmem:s15+$0x120]  }
0x144: {  	[tilespmem:s15+$0xC0] =	vst v1;
	v1 =	vmul.f32 $1.131370830e+01, v4;
	v4 =	vld [tilespmem:s15+$0x130]  }
0x145: {  	[tilespmem:s15+$0xD0] =	vst v0;
	v0 =	vmul.f32 $1.131370830e+01, v2;
	v2 =	vld [tilespmem:s15+$0x140]  }
0x146: {  	[tilespmem:s15+$0xE0] =	vst v1;
	v1 =	vmul.f32 $1.131370830e+01, v5;
	v5 =	vld [tilespmem:s15+$0x150]  }
0x147: {  	[tilespmem:s15+$0xF0] =	vst v0;
	v0 =	vmul.f32 $1.131370830e+01, v6;
	v6 =	vld [tilespmem:s15+$0x160]  }
0x148: {  	[tilespmem:s15+$0x100] =	vst v1;
	v1 =	vmul.f32 $1.131370830e+01, v3;
	v3 =	vld [tilespmem:s15+$0x170]  }
0x149: {  	[tilespmem:s15+$0x110] =	vst v0;
	v0 =	vmul.f32 $1.131370830e+01, v4;
	v4 =	vld [tilespmem:s15+$0x180]  }
0x14a: {  	[tilespmem:s15+$0x120] =	vst v1;
	v1 =	vmul.f32 $1.131370830e+01, v2;
	v7 =	vld [tilespmem:s15+$0x190]  }
0x14b: {  	[tilespmem:s15+$0x130] =	vst v0;
	v2 =	vmul.f32 $1.131370830e+01, v5;
	v8 =	vld [tilespmem:s15+$0x1A0]  }
.Ltmp3:
0x14c: {  	[tilespmem:s15+$0x140] =	vst v1;
	v5 =	vmul.f32 $1.131370830e+01, v6;
	v0 =	vld [tilespmem:s15+$0x1B0];
	(pc) =	sbr.rel @p0 .LBB2_9-.Ltmp3, $4  }
0x14d: {  	[tilespmem:s15+$0x150] =	vst v2;
	v3 =	vmul.f32 $1.131370830e+01, v3;
	v1 =	vld [tilespmem:s15+$0x1C0]  }
0x14e: {  	[tilespmem:s15+$0x160] =	vst v5;
	v6 =	vmul.f32 $1.131370830e+01, v4;
	v2 =	vld [tilespmem:s15+$0x1D0]  }
0x14f: {  	[tilespmem:s15+$0x170] =	vst v3;
	v5 =	vmul.f32 $1.131370830e+01, v7;
	v3 =	vld [tilespmem:s15+$0x1E0]  }
0x150: {  	s15 =	sadd.s32 $0x200, s15;
	v4 =	vld [tilespmem:s13+$0x0];
	[tilespmem:s13+$0x180] =	vst v6;
	v6 =	vmul.f32 $1.131370830e+01, v8  }
0x151: {  	[tilespmem:s13+$0x190] =	vst v5;
	v0 =	vmul.f32 $1.131370830e+01, v0  }
0x152: {  	[tilespmem:s13+$0x1A0] =	vst v6;
	v1 =	vmul.f32 $1.131370830e+01, v1  }
0x153: {  	[tilespmem:s13+$0x1B0] =	vst v0;
	v0 =	vmul.f32 $1.131370830e+01, v2  }
0x154: {  	[tilespmem:s13+$0x1C0] =	vst v1;
	v1 =	vmul.f32 $1.131370830e+01, v3  }
0x155: {  	v2 =	vmul.f32 $1.131370830e+01, v4;
	[tilespmem:s13+$0x1D0] =	vst v0  }
0x156: {  	[tilespmem:s13+$0x1E0] =	vst v1  }
0x157: {  	s12 =	sadd.s32 s12, s11;
	[tilespmem:s13+$0x0] =	vst v2  }
0x158: {  	[hbm4b:s12+s4] =	stream.linear.scatter [tilespmem:s30], [sflag:$0x8], $0x4000, $0x38;
	[tilespmem:$0x11C00] =	vst v63  }
0x159: {  	s14 =	sshll.u32 s19, $0x9;
	_ =	swait.ge [sflag:s18], $0x4000  }
0x15a: {  	s12 =	sand.u32 $0x3FFFFE00, s14;
	[sflag:s18] =	ssyncset.done $0x0  }
0x15b: {  	s15 =	sadd.s32 $0x300, s12;
	[sflag:s18] =	ssyncadd.s32 $0xFFFFC000  }
0x15c: {  	[tilespmem:s26], [sflag:$0x3] =	stream.indirect.gather [hbm4b:s1+s21], $0x80, s15, s21, $0xb8;
	[tilespmem:$0x11C00] =	vst v63  }
0x15d: {  	_ =	swait.ge [sflag:s24], $0x4000  }
0x15e: {  	[sflag:s24] =	ssyncset.done $0x0  }
0x15f: {  	s13 =	simm.s32 $0x1D00;
	[sflag:s24] =	ssyncadd.s32 $0xFFFFC000  }
0x160: {  	v0 =	vld [tilespmem:s13+$0xF0]  }
0x161: {  	v1 =	vld [tilespmem:s13+$0xFFFFFF10]  }
0x162: {  	v2 =	vld [tilespmem:s13+$0xFFFFFF20]  }
0x163: {  	v3 =	vld [tilespmem:s13+$0xFFFFFF30]  }
0x164: {  	v6 =	vld [tilespmem:s13+$0xFFFFFF60]  }
0x165: {  	v4 =	vld [tilespmem:s13+$0xFFFFFF40]  }
0x166: {  	v5 =	vld [tilespmem:s13+$0xFFFFFF50];
	v0 =	vmul.f32 $1.131370830e+01, v0  }
0x167: {  	v8 =	vld [tilespmem:s13+$0xFFFFFF80];
	v1 =	vmul.f32 $1.131370830e+01, v1  }
0x168: {  	v7 =	vld [tilespmem:s13+$0xFFFFFF70];
	v2 =	vmul.f32 $1.131370830e+01, v2;
	[tilespmem:s13+$0xF0] =	vst v0  }
0x169: {  	v6 =	vmul.f32 $1.131370830e+01, v6;
	v0 =	vld [tilespmem:s13+$0xFFFFFF90];
	[tilespmem:s13+$0xFFFFFF10] =	vst v1  }
0x16a: {  	v1 =	vmul.f32 $1.131370830e+01, v3;
	v3 =	vld [tilespmem:s13+$0xFFFFFFA0];
	[tilespmem:s13+$0xFFFFFF20] =	vst v2;
	v2 =	vmul.f32 $1.131370830e+01, v4  }
0x16b: {  	[tilespmem:s13+$0xFFFFFF60] =	vst v6;
	v6 =	vld [tilespmem:s13+$0xFFFFFFF0]  }
0x16c: {  	v4 =	vld [tilespmem:s13+$0xFFFFFFB0];
	[tilespmem:s13+$0xFFFFFF40] =	vst v2;
	v2 =	vmul.f32 $1.131370830e+01, v8  }
0x16d: {  	[tilespmem:s13+$0xFFFFFF30] =	vst v1;
	v1 =	vmul.f32 $1.131370830e+01, v5;
	v5 =	vld [tilespmem:s13+$0xFFFFFFC0]  }
0x16e: {  	v8 =	vld [tilespmem:s13+$0xFFFFFFD0];
	[tilespmem:s13+$0xFFFFFF80] =	vst v2;
	v2 =	vmul.f32 $1.131370830e+01, v7  }
0x16f: {  	[tilespmem:s13+$0xFFFFFF50] =	vst v1;
	v1 =	vld [tilespmem:s13+$0xFFFFFFE0];
	v0 =	vmul.f32 $1.131370830e+01, v0  }
0x170: {  	v7 =	vld [tilespmem:s13+$0x30];
	v6 =	vmul.f32 $1.131370830e+01, v6;
	[tilespmem:s13+$0xFFFFFF70] =	vst v2  }
0x171: {  	v2 =	vmul.f32 $1.131370830e+01, v3;
	v3 =	vld [tilespmem:s13+$0x0];
	[tilespmem:s13+$0xFFFFFF90] =	vst v0  }
0x172: {  	v0 =	vmul.f32 $1.131370830e+01, v4;
	v4 =	vld [tilespmem:s13+$0x10];
	[tilespmem:s13+$0xFFFFFFF0] =	vst v6  }
0x173: {  	[tilespmem:s13+$0xFFFFFFA0] =	vst v2;
	v2 =	vmul.f32 $1.131370830e+01, v5;
	v5 =	vld [tilespmem:s13+$0x20]  }
0x174: {  	v6 =	vld [tilespmem:s13+$0x80];
	[tilespmem:s13+$0xFFFFFFB0] =	vst v0;
	v0 =	vmul.f32 $1.131370830e+01, v8  }
0x175: {  	v1 =	vmul.f32 $1.131370830e+01, v1;
	[tilespmem:s13+$0xFFFFFFC0] =	vst v2;
	v2 =	vld [tilespmem:s13+$0x40]  }
0x176: {  	[tilespmem:s13+$0xFFFFFFD0] =	vst v0;
	v0 =	vmul.f32 $1.131370830e+01, v3  }
0x177: {  	v3 =	vld [tilespmem:s13+$0x50];
	[tilespmem:s13+$0xFFFFFFE0] =	vst v1;
	v4 =	vmul.f32 $1.131370830e+01, v4  }
0x178: {  	v1 =	vld [tilespmem:s13+$0x60];
	[tilespmem:s13+$0x0] =	vst v0;
	v0 =	vmul.f32 $1.131370830e+01, v5  }
0x179: {  	v6 =	vmul.f32 $1.131370830e+01, v6;
	v5 =	vld [tilespmem:s13+$0x70];
	[tilespmem:s13+$0x10] =	vst v4  }
0x17a: {  	v4 =	vmul.f32 $1.131370830e+01, v7;
	v7 =	vld [tilespmem:s13+$0x90];
	[tilespmem:s13+$0x20] =	vst v0;
	v0 =	vmul.f32 $1.131370830e+01, v2  }
0x17b: {  	v8 =	vld [tilespmem:s13+$0xA0];
	[tilespmem:s13+$0x80] =	vst v6  }
0x17c: {  	v2 =	vmul.f32 $1.131370830e+01, v3;
	[tilespmem:s13+$0x40] =	vst v0;
	v0 =	vld [tilespmem:s13+$0xB0]  }
0x17d: {  	[tilespmem:s13+$0x30] =	vst v4;
	v3 =	vmul.f32 $1.131370830e+01, v1;
	v1 =	vld [tilespmem:s13+$0xC0]  }
0x17e: {  	[tilespmem:s13+$0x50] =	vst v2;
	v4 =	vmul.f32 $1.131370830e+01, v5;
	v2 =	vld [tilespmem:s13+$0xD0]  }
0x17f: {  	[tilespmem:s13+$0x60] =	vst v3;
	v3 =	vld [tilespmem:s13+$0xE0];
	v5 =	vmul.f32 $1.131370830e+01, v7  }
0x180: {  	s14 =	simm.s32 $0x0;
	s15 =	simm.s32 $0x1F00;
	v6 =	vmul.f32 $1.131370830e+01, v8;
	[tilespmem:s13+$0x70] =	vst v4;
	v4 =	vld [tilespmem:s13+$0xFFFFFF00]  }
.LBB2_11:
0x181: {  	v7 =	vld [tilespmem:s15+$0xF0];
	s14 =	sadd.s32 $0x4, s14;
	[tilespmem:s13+$0x90] =	vst v5;
	v0 =	vmul.f32 $1.131370830e+01, v0  }
0x182: {  	v5 =	vld [tilespmem:s15+$0xFFFFFF10];
	p0 =	slt.u32 s14, $0x7C;
	[tilespmem:s13+$0xA0] =	vst v6;
	v1 =	vmul.f32 $1.131370830e+01, v1  }
0x183: {  	v6 =	vld [tilespmem:s15+$0xFFFFFF20];
	[tilespmem:s13+$0xB0] =	vst v0;
	v0 =	vmul.f32 $1.131370830e+01, v2  }
0x184: {  	v2 =	vld [tilespmem:s15+$0xFFFFFF30];
	[tilespmem:s13+$0xC0] =	vst v1;
	v1 =	vmul.f32 $1.131370830e+01, v3  }
0x185: {  	v3 =	vld [tilespmem:s15+$0xFFFFFF40];
	v4 =	vmul.f32 $1.131370830e+01, v4;
	[tilespmem:s13+$0xD0] =	vst v0  }
0x186: {  	v0 =	vld [tilespmem:s15+$0xFFFFFF50];
	v7 =	vmul.f32 $1.131370830e+01, v7;
	[tilespmem:s13+$0xE0] =	vst v1  }
0x187: {  	v1 =	vmul.f32 $1.131370830e+01, v5;
	v5 =	vld [tilespmem:s15+$0xFFFFFF60];
	[tilespmem:s13+$0xFFFFFF00] =	vst v4;
	s13 =	smov.u32 s15  }
0x188: {  	v4 =	vmul.f32 $1.131370830e+01, v6;
	v6 =	vld [tilespmem:s15+$0xFFFFFF70];
	[tilespmem:s15+$0xF0] =	vst v7  }
0x189: {  	[tilespmem:s15+$0xFFFFFF10] =	vst v1;
	v1 =	vmul.f32 $1.131370830e+01, v2;
	v2 =	vld [tilespmem:s15+$0xFFFFFF80]  }
0x18a: {  	[tilespmem:s15+$0xFFFFFF20] =	vst v4;
	v3 =	vmul.f32 $1.131370830e+01, v3;
	v4 =	vld [tilespmem:s15+$0xFFFFFF90]  }
0x18b: {  	[tilespmem:s15+$0xFFFFFF30] =	vst v1;
	v0 =	vmul.f32 $1.131370830e+01, v0;
	v1 =	vld [tilespmem:s15+$0xFFFFFFA0]  }
0x18c: {  	[tilespmem:s15+$0xFFFFFF40] =	vst v3;
	v3 =	vmul.f32 $1.131370830e+01, v5;
	v5 =	vld [tilespmem:s15+$0xFFFFFFB0]  }
0x18d: {  	[tilespmem:s15+$0xFFFFFF50] =	vst v0;
	v0 =	vmul.f32 $1.131370830e+01, v6;
	v6 =	vld [tilespmem:s15+$0xFFFFFFC0]  }
0x18e: {  	[tilespmem:s15+$0xFFFFFF60] =	vst v3;
	v2 =	vmul.f32 $1.131370830e+01, v2;
	v3 =	vld [tilespmem:s15+$0xFFFFFFD0]  }
0x18f: {  	[tilespmem:s15+$0xFFFFFF70] =	vst v0;
	v0 =	vmul.f32 $1.131370830e+01, v4;
	v4 =	vld [tilespmem:s15+$0xFFFFFFE0]  }
0x190: {  	[tilespmem:s15+$0xFFFFFF80] =	vst v2;
	v1 =	vmul.f32 $1.131370830e+01, v1;
	v2 =	vld [tilespmem:s15+$0xFFFFFFF0]  }
0x191: {  	[tilespmem:s15+$0xFFFFFF90] =	vst v0;
	v0 =	vmul.f32 $1.131370830e+01, v5;
	v5 =	vld [tilespmem:s15+$0x0]  }
0x192: {  	[tilespmem:s15+$0xFFFFFFA0] =	vst v1;
	v1 =	vmul.f32 $1.131370830e+01, v6;
	v6 =	vld [tilespmem:s15+$0x10]  }
0x193: {  	[tilespmem:s15+$0xFFFFFFB0] =	vst v0;
	v0 =	vmul.f32 $1.131370830e+01, v3;
	v3 =	vld [tilespmem:s15+$0x20]  }
0x194: {  	[tilespmem:s15+$0xFFFFFFC0] =	vst v1;
	v1 =	vmul.f32 $1.131370830e+01, v4;
	v4 =	vld [tilespmem:s15+$0x30]  }
0x195: {  	[tilespmem:s15+$0xFFFFFFD0] =	vst v0;
	v0 =	vmul.f32 $1.131370830e+01, v2;
	v2 =	vld [tilespmem:s15+$0x40]  }
0x196: {  	[tilespmem:s15+$0xFFFFFFE0] =	vst v1;
	v1 =	vmul.f32 $1.131370830e+01, v5;
	v5 =	vld [tilespmem:s15+$0x50]  }
0x197: {  	[tilespmem:s15+$0xFFFFFFF0] =	vst v0;
	v0 =	vmul.f32 $1.131370830e+01, v6;
	v6 =	vld [tilespmem:s15+$0x60]  }
0x198: {  	[tilespmem:s15+$0x0] =	vst v1;
	v1 =	vmul.f32 $1.131370830e+01, v3;
	v3 =	vld [tilespmem:s15+$0x70]  }
0x199: {  	[tilespmem:s15+$0x10] =	vst v0;
	v0 =	vmul.f32 $1.131370830e+01, v4;
	v4 =	vld [tilespmem:s15+$0x80]  }
0x19a: {  	[tilespmem:s15+$0x20] =	vst v1;
	v1 =	vmul.f32 $1.131370830e+01, v2;
	v7 =	vld [tilespmem:s15+$0x90]  }
0x19b: {  	[tilespmem:s15+$0x30] =	vst v0;
	v2 =	vmul.f32 $1.131370830e+01, v5;
	v8 =	vld [tilespmem:s15+$0xA0]  }
.Ltmp4:
0x19c: {  	[tilespmem:s15+$0x40] =	vst v1;
	v5 =	vmul.f32 $1.131370830e+01, v6;
	v0 =	vld [tilespmem:s15+$0xB0];
	(pc) =	sbr.rel @p0 .LBB2_11-.Ltmp4, $4  }
0x19d: {  	[tilespmem:s15+$0x50] =	vst v2;
	v3 =	vmul.f32 $1.131370830e+01, v3;
	v1 =	vld [tilespmem:s15+$0xC0]  }
0x19e: {  	[tilespmem:s15+$0x60] =	vst v5;
	v6 =	vmul.f32 $1.131370830e+01, v4;
	v2 =	vld [tilespmem:s15+$0xD0]  }
0x19f: {  	[tilespmem:s15+$0x70] =	vst v3;
	v5 =	vmul.f32 $1.131370830e+01, v7;
	v3 =	vld [tilespmem:s15+$0xE0]  }
0x1a0: {  	s15 =	sadd.s32 $0x200, s15;
	v4 =	vld [tilespmem:s13+$0xFFFFFF00];
	[tilespmem:s13+$0x80] =	vst v6;
	v6 =	vmul.f32 $1.131370830e+01, v8  }
0x1a1: {  	[tilespmem:s13+$0x90] =	vst v5;
	v0 =	vmul.f32 $1.131370830e+01, v0  }
0x1a2: {  	[tilespmem:s13+$0xA0] =	vst v6;
	v1 =	vmul.f32 $1.131370830e+01, v1  }
0x1a3: {  	[tilespmem:s13+$0xB0] =	vst v0;
	v0 =	vmul.f32 $1.131370830e+01, v2  }
0x1a4: {  	s6 =	sshll.u32 s6, $0x13;
	[tilespmem:s13+$0xC0] =	vst v1;
	v1 =	vmul.f32 $1.131370830e+01, v3  }
0x1a5: {  	s6 =	sor.u32 s8, s6;
	v2 =	vmul.f32 $1.131370830e+01, v4;
	[tilespmem:s13+$0xD0] =	vst v0  }
0x1a6: {  	s6 =	sshrl.u32 s6, $0x3;
	[tilespmem:s13+$0xE0] =	vst v1  }
0x1a7: {  	s6 =	sadd.s32 s3, s6;
	[tilespmem:s13+$0xFFFFFF00] =	vst v2  }
0x1a8: {  	[hbm4b:s6+s4] =	stream.linear.scatter [tilespmem:s22], [sflag:$0x5], $0x4000, $0x38;
	[tilespmem:$0x11C00] =	vst v63  }
0x1a9: {  	_ =	swait.ge [sflag:s25], $0x4000  }
0x1aa: {  	[sflag:s25] =	ssyncset.done $0x0  }
0x1ab: {  	s15 =	sadd.s32 $0x380, s12;
	[sflag:s25] =	ssyncadd.s32 $0xFFFFC000  }
0x1ac: {  	[tilespmem:s30], [sflag:$0x4] =	stream.indirect.gather [hbm4b:s1+s21], $0x80, s15, s21, $0xb8;
	[tilespmem:$0x11C00] =	vst v63  }
0x1ad: {  	_ =	swait.ge [sflag:s28], $0x4000  }
0x1ae: {  	[sflag:s28] =	ssyncset.done $0x0  }
0x1af: {  	s6 =	simm.s32 $0x5C00;
	[sflag:s28] =	ssyncadd.s32 $0xFFFFC000  }
0x1b0: {  	v0 =	vld [tilespmem:s6+$0x1F0]  }
0x1b1: {  	v1 =	vld [tilespmem:s6+$0x10]  }
0x1b2: {  	v2 =	vld [tilespmem:s6+$0x20]  }
0x1b3: {  	v3 =	vld [tilespmem:s6+$0x30]  }
0x1b4: {  	v6 =	vld [tilespmem:s6+$0x60]  }
0x1b5: {  	v4 =	vld [tilespmem:s6+$0x40]  }
0x1b6: {  	v5 =	vld [tilespmem:s6+$0x50];
	v0 =	vmul.f32 $1.131370830e+01, v0  }
0x1b7: {  	v8 =	vld [tilespmem:s6+$0x80];
	v1 =	vmul.f32 $1.131370830e+01, v1  }
0x1b8: {  	v7 =	vld [tilespmem:s6+$0x70];
	v2 =	vmul.f32 $1.131370830e+01, v2;
	[tilespmem:s6+$0x1F0] =	vst v0  }
0x1b9: {  	v6 =	vmul.f32 $1.131370830e+01, v6;
	v0 =	vld [tilespmem:s6+$0x90];
	[tilespmem:s6+$0x10] =	vst v1  }
0x1ba: {  	v1 =	vmul.f32 $1.131370830e+01, v3;
	v3 =	vld [tilespmem:s6+$0xA0];
	[tilespmem:s6+$0x20] =	vst v2;
	v2 =	vmul.f32 $1.131370830e+01, v4  }
0x1bb: {  	[tilespmem:s6+$0x60] =	vst v6;
	v6 =	vld [tilespmem:s6+$0xF0]  }
0x1bc: {  	v4 =	vld [tilespmem:s6+$0xB0];
	[tilespmem:s6+$0x40] =	vst v2;
	v2 =	vmul.f32 $1.131370830e+01, v8  }
0x1bd: {  	[tilespmem:s6+$0x30] =	vst v1;
	v1 =	vmul.f32 $1.131370830e+01, v5;
	v5 =	vld [tilespmem:s6+$0xC0]  }
0x1be: {  	v8 =	vld [tilespmem:s6+$0xD0];
	[tilespmem:s6+$0x80] =	vst v2;
	v2 =	vmul.f32 $1.131370830e+01, v7  }
0x1bf: {  	[tilespmem:s6+$0x50] =	vst v1;
	v1 =	vld [tilespmem:s6+$0xE0];
	v0 =	vmul.f32 $1.131370830e+01, v0  }
0x1c0: {  	v7 =	vld [tilespmem:s6+$0x130];
	v6 =	vmul.f32 $1.131370830e+01, v6;
	[tilespmem:s6+$0x70] =	vst v2  }
0x1c1: {  	v2 =	vmul.f32 $1.131370830e+01, v3;
	v3 =	vld [tilespmem:s6+$0x100];
	[tilespmem:s6+$0x90] =	vst v0  }
0x1c2: {  	v0 =	vmul.f32 $1.131370830e+01, v4;
	v4 =	vld [tilespmem:s6+$0x110];
	[tilespmem:s6+$0xF0] =	vst v6  }
0x1c3: {  	[tilespmem:s6+$0xA0] =	vst v2;
	v2 =	vmul.f32 $1.131370830e+01, v5;
	v5 =	vld [tilespmem:s6+$0x120]  }
0x1c4: {  	v6 =	vld [tilespmem:s6+$0x180];
	[tilespmem:s6+$0xB0] =	vst v0;
	v0 =	vmul.f32 $1.131370830e+01, v8  }
0x1c5: {  	v1 =	vmul.f32 $1.131370830e+01, v1;
	[tilespmem:s6+$0xC0] =	vst v2;
	v2 =	vld [tilespmem:s6+$0x140]  }
0x1c6: {  	[tilespmem:s6+$0xD0] =	vst v0;
	v0 =	vmul.f32 $1.131370830e+01, v3  }
0x1c7: {  	v3 =	vld [tilespmem:s6+$0x150];
	[tilespmem:s6+$0xE0] =	vst v1;
	v4 =	vmul.f32 $1.131370830e+01, v4  }
0x1c8: {  	v1 =	vld [tilespmem:s6+$0x160];
	[tilespmem:s6+$0x100] =	vst v0;
	v0 =	vmul.f32 $1.131370830e+01, v5  }
0x1c9: {  	v6 =	vmul.f32 $1.131370830e+01, v6;
	v5 =	vld [tilespmem:s6+$0x170];
	[tilespmem:s6+$0x110] =	vst v4  }
0x1ca: {  	v4 =	vmul.f32 $1.131370830e+01, v7;
	v7 =	vld [tilespmem:s6+$0x190];
	[tilespmem:s6+$0x120] =	vst v0;
	v0 =	vmul.f32 $1.131370830e+01, v2  }
0x1cb: {  	v8 =	vld [tilespmem:s6+$0x1A0];
	[tilespmem:s6+$0x180] =	vst v6  }
0x1cc: {  	v2 =	vmul.f32 $1.131370830e+01, v3;
	[tilespmem:s6+$0x140] =	vst v0;
	v0 =	vld [tilespmem:s6+$0x1B0]  }
0x1cd: {  	[tilespmem:s6+$0x130] =	vst v4;
	v3 =	vmul.f32 $1.131370830e+01, v1;
	v1 =	vld [tilespmem:s6+$0x1C0]  }
0x1ce: {  	[tilespmem:s6+$0x150] =	vst v2;
	v4 =	vmul.f32 $1.131370830e+01, v5;
	v2 =	vld [tilespmem:s6+$0x1D0]  }
0x1cf: {  	[tilespmem:s6+$0x160] =	vst v3;
	v3 =	vld [tilespmem:s6+$0x1E0];
	v5 =	vmul.f32 $1.131370830e+01, v7  }
0x1d0: {  	s12 =	simm.s32 $0x0;
	s13 =	simm.s32 $0x5E00;
	v6 =	vmul.f32 $1.131370830e+01, v8;
	[tilespmem:s6+$0x170] =	vst v4;
	v4 =	vld [tilespmem:s6+$0x0]  }
.LBB2_13:
0x1d1: {  	v7 =	vld [tilespmem:s13+$0x1F0];
	s12 =	sadd.s32 $0x4, s12;
	[tilespmem:s6+$0x190] =	vst v5;
	v0 =	vmul.f32 $1.131370830e+01, v0  }
0x1d2: {  	v5 =	vld [tilespmem:s13+$0x10];
	p0 =	slt.u32 s12, $0x7C;
	[tilespmem:s6+$0x1A0] =	vst v6;
	v1 =	vmul.f32 $1.131370830e+01, v1  }
0x1d3: {  	v6 =	vld [tilespmem:s13+$0x20];
	[tilespmem:s6+$0x1B0] =	vst v0;
	v0 =	vmul.f32 $1.131370830e+01, v2  }
0x1d4: {  	v2 =	vld [tilespmem:s13+$0x30];
	[tilespmem:s6+$0x1C0] =	vst v1;
	v1 =	vmul.f32 $1.131370830e+01, v3  }
0x1d5: {  	v3 =	vld [tilespmem:s13+$0x40];
	v4 =	vmul.f32 $1.131370830e+01, v4;
	[tilespmem:s6+$0x1D0] =	vst v0  }
0x1d6: {  	v0 =	vld [tilespmem:s13+$0x50];
	v7 =	vmul.f32 $1.131370830e+01, v7;
	[tilespmem:s6+$0x1E0] =	vst v1  }
0x1d7: {  	v1 =	vmul.f32 $1.131370830e+01, v5;
	v5 =	vld [tilespmem:s13+$0x60];
	[tilespmem:s6+$0x0] =	vst v4;
	s6 =	smov.u32 s13  }
0x1d8: {  	v4 =	vmul.f32 $1.131370830e+01, v6;
	v6 =	vld [tilespmem:s13+$0x70];
	[tilespmem:s13+$0x1F0] =	vst v7  }
0x1d9: {  	[tilespmem:s13+$0x10] =	vst v1;
	v1 =	vmul.f32 $1.131370830e+01, v2;
	v2 =	vld [tilespmem:s13+$0x80]  }
0x1da: {  	[tilespmem:s13+$0x20] =	vst v4;
	v3 =	vmul.f32 $1.131370830e+01, v3;
	v4 =	vld [tilespmem:s13+$0x90]  }
0x1db: {  	[tilespmem:s13+$0x30] =	vst v1;
	v0 =	vmul.f32 $1.131370830e+01, v0;
	v1 =	vld [tilespmem:s13+$0xA0]  }
0x1dc: {  	[tilespmem:s13+$0x40] =	vst v3;
	v3 =	vmul.f32 $1.131370830e+01, v5;
	v5 =	vld [tilespmem:s13+$0xB0]  }
0x1dd: {  	[tilespmem:s13+$0x50] =	vst v0;
	v0 =	vmul.f32 $1.131370830e+01, v6;
	v6 =	vld [tilespmem:s13+$0xC0]  }
0x1de: {  	[tilespmem:s13+$0x60] =	vst v3;
	v2 =	vmul.f32 $1.131370830e+01, v2;
	v3 =	vld [tilespmem:s13+$0xD0]  }
0x1df: {  	[tilespmem:s13+$0x70] =	vst v0;
	v0 =	vmul.f32 $1.131370830e+01, v4;
	v4 =	vld [tilespmem:s13+$0xE0]  }
0x1e0: {  	[tilespmem:s13+$0x80] =	vst v2;
	v1 =	vmul.f32 $1.131370830e+01, v1;
	v2 =	vld [tilespmem:s13+$0xF0]  }
0x1e1: {  	[tilespmem:s13+$0x90] =	vst v0;
	v0 =	vmul.f32 $1.131370830e+01, v5;
	v5 =	vld [tilespmem:s13+$0x100]  }
0x1e2: {  	[tilespmem:s13+$0xA0] =	vst v1;
	v1 =	vmul.f32 $1.131370830e+01, v6;
	v6 =	vld [tilespmem:s13+$0x110]  }
0x1e3: {  	[tilespmem:s13+$0xB0] =	vst v0;
	v0 =	vmul.f32 $1.131370830e+01, v3;
	v3 =	vld [tilespmem:s13+$0x120]  }
0x1e4: {  	[tilespmem:s13+$0xC0] =	vst v1;
	v1 =	vmul.f32 $1.131370830e+01, v4;
	v4 =	vld [tilespmem:s13+$0x130]  }
0x1e5: {  	[tilespmem:s13+$0xD0] =	vst v0;
	v0 =	vmul.f32 $1.131370830e+01, v2;
	v2 =	vld [tilespmem:s13+$0x140]  }
0x1e6: {  	[tilespmem:s13+$0xE0] =	vst v1;
	v1 =	vmul.f32 $1.131370830e+01, v5;
	v5 =	vld [tilespmem:s13+$0x150]  }
0x1e7: {  	[tilespmem:s13+$0xF0] =	vst v0;
	v0 =	vmul.f32 $1.131370830e+01, v6;
	v6 =	vld [tilespmem:s13+$0x160]  }
0x1e8: {  	[tilespmem:s13+$0x100] =	vst v1;
	v1 =	vmul.f32 $1.131370830e+01, v3;
	v3 =	vld [tilespmem:s13+$0x170]  }
0x1e9: {  	[tilespmem:s13+$0x110] =	vst v0;
	v0 =	vmul.f32 $1.131370830e+01, v4;
	v4 =	vld [tilespmem:s13+$0x180]  }
0x1ea: {  	[tilespmem:s13+$0x120] =	vst v1;
	v1 =	vmul.f32 $1.131370830e+01, v2;
	v7 =	vld [tilespmem:s13+$0x190]  }
0x1eb: {  	[tilespmem:s13+$0x130] =	vst v0;
	v2 =	vmul.f32 $1.131370830e+01, v5;
	v8 =	vld [tilespmem:s13+$0x1A0]  }
.Ltmp5:
0x1ec: {  	[tilespmem:s13+$0x140] =	vst v1;
	v5 =	vmul.f32 $1.131370830e+01, v6;
	v0 =	vld [tilespmem:s13+$0x1B0];
	(pc) =	sbr.rel @p0 .LBB2_13-.Ltmp5, $4  }
0x1ed: {  	[tilespmem:s13+$0x150] =	vst v2;
	v3 =	vmul.f32 $1.131370830e+01, v3;
	v1 =	vld [tilespmem:s13+$0x1C0]  }
0x1ee: {  	[tilespmem:s13+$0x160] =	vst v5;
	v6 =	vmul.f32 $1.131370830e+01, v4;
	v2 =	vld [tilespmem:s13+$0x1D0]  }
0x1ef: {  	[tilespmem:s13+$0x170] =	vst v3;
	v5 =	vmul.f32 $1.131370830e+01, v7;
	v3 =	vld [tilespmem:s13+$0x1E0]  }
0x1f0: {  	s13 =	sadd.s32 $0x200, s13;
	v4 =	vld [tilespmem:s6+$0x0];
	[tilespmem:s6+$0x180] =	vst v6;
	v6 =	vmul.f32 $1.131370830e+01, v8  }
0x1f1: {  	[tilespmem:s6+$0x190] =	vst v5;
	v0 =	vmul.f32 $1.131370830e+01, v0  }
0x1f2: {  	s19 =	sadd.s32 $0x1, s19;
	[tilespmem:s6+$0x1A0] =	vst v6;
	v1 =	vmul.f32 $1.131370830e+01, v1  }
0x1f3: {  	p0 =	sne.s32 s19, $0xB;
	[tilespmem:s6+$0x1B0] =	vst v0;
	v61 =	vmul.f32 $1.131370830e+01, v2  }
.Ltmp6:
0x1f4: {  	s9 =	sshll.u32 s9, $0x13;
	[tilespmem:s6+$0x1C0] =	vst v1;
	v62 =	vmul.f32 $1.131370830e+01, v3;
	(pc) =	sbr.rel @p0 .LBB2_6-.Ltmp6, $4  }
0x1f5: {  	s9 =	sor.u32 s8, s9;
	v63 =	vmul.f32 $1.131370830e+01, v4;
	[tilespmem:s6+$0x1D0] =	vst v61  }
0x1f6: {  	s9 =	sshrl.u32 s9, $0x3;
	[tilespmem:s6+$0x1E0] =	vst v62  }
0x1f7: {  	s15 =	sadd.s32 s3, s9;
	[tilespmem:s6+$0x0] =	vst v63  }
0x1f8: {  	[hbm4b:s15+s4] =	stream.linear.scatter [tilespmem:s23], [sflag:$0x6], $0x4000, $0x38;
	[tilespmem:$0x11C00] =	vst v63  }
0x1f9: {  	_ =	swait.ge [sflag:s31], $0x4000  }
0x1fa: {  	[sflag:s31] =	ssyncset.done $0x0  }
0x1fb: {  	s13 =	simm.s32 $0x1800;
	[sflag:s31] =	ssyncadd.s32 $0xFFFFC000  }
0x1fc: {  	[tilespmem:s22], [sflag:$0x1] =	stream.indirect.gather [hbm4b:s1+s21], $0x80, s13, s21, $0xb8;
	[tilespmem:$0x11C00] =	vst v63  }
0x1fd: {  	_ =	swait.ge [sflag:s0], $0x4000  }
0x1fe: {  	[sflag:s0] =	ssyncset.done $0x0  }
0x1ff: {  	s6 =	simm.s32 $0x9C00;
	[sflag:s0] =	ssyncadd.s32 $0xFFFFC000  }
0x200: {  	v0 =	vld [tilespmem:s6+$0x1F0]  }
0x201: {  	v1 =	vld [tilespmem:s6+$0x10]  }
0x202: {  	v2 =	vld [tilespmem:s6+$0x20]  }
0x203: {  	v3 =	vld [tilespmem:s6+$0x30]  }
0x204: {  	v6 =	vld [tilespmem:s6+$0x60]  }
0x205: {  	v4 =	vld [tilespmem:s6+$0x40]  }
0x206: {  	v5 =	vld [tilespmem:s6+$0x50];
	v0 =	vmul.f32 $1.131370830e+01, v0  }
0x207: {  	v8 =	vld [tilespmem:s6+$0x80];
	v1 =	vmul.f32 $1.131370830e+01, v1  }
0x208: {  	v7 =	vld [tilespmem:s6+$0x70];
	v2 =	vmul.f32 $1.131370830e+01, v2;
	[tilespmem:s6+$0x1F0] =	vst v0  }
0x209: {  	v6 =	vmul.f32 $1.131370830e+01, v6;
	v0 =	vld [tilespmem:s6+$0x90];
	[tilespmem:s6+$0x10] =	vst v1  }
0x20a: {  	v1 =	vmul.f32 $1.131370830e+01, v3;
	v3 =	vld [tilespmem:s6+$0xA0];
	[tilespmem:s6+$0x20] =	vst v2;
	v2 =	vmul.f32 $1.131370830e+01, v4  }
0x20b: {  	[tilespmem:s6+$0x60] =	vst v6;
	v6 =	vld [tilespmem:s6+$0xF0]  }
0x20c: {  	v4 =	vld [tilespmem:s6+$0xB0];
	[tilespmem:s6+$0x40] =	vst v2;
	v2 =	vmul.f32 $1.131370830e+01, v8  }
0x20d: {  	[tilespmem:s6+$0x30] =	vst v1;
	v1 =	vmul.f32 $1.131370830e+01, v5;
	v5 =	vld [tilespmem:s6+$0xC0]  }
0x20e: {  	v8 =	vld [tilespmem:s6+$0xD0];
	[tilespmem:s6+$0x80] =	vst v2;
	v2 =	vmul.f32 $1.131370830e+01, v7  }
0x20f: {  	[tilespmem:s6+$0x50] =	vst v1;
	v1 =	vld [tilespmem:s6+$0xE0];
	v0 =	vmul.f32 $1.131370830e+01, v0  }
0x210: {  	v7 =	vld [tilespmem:s6+$0x130];
	v6 =	vmul.f32 $1.131370830e+01, v6;
	[tilespmem:s6+$0x70] =	vst v2  }
0x211: {  	v2 =	vmul.f32 $1.131370830e+01, v3;
	v3 =	vld [tilespmem:s6+$0x100];
	[tilespmem:s6+$0x90] =	vst v0  }
0x212: {  	v0 =	vmul.f32 $1.131370830e+01, v4;
	v4 =	vld [tilespmem:s6+$0x110];
	[tilespmem:s6+$0xF0] =	vst v6  }
0x213: {  	[tilespmem:s6+$0xA0] =	vst v2;
	v2 =	vmul.f32 $1.131370830e+01, v5;
	v5 =	vld [tilespmem:s6+$0x120]  }
0x214: {  	v6 =	vld [tilespmem:s6+$0x180];
	[tilespmem:s6+$0xB0] =	vst v0;
	v0 =	vmul.f32 $1.131370830e+01, v8  }
0x215: {  	v1 =	vmul.f32 $1.131370830e+01, v1;
	[tilespmem:s6+$0xC0] =	vst v2;
	v2 =	vld [tilespmem:s6+$0x140]  }
0x216: {  	[tilespmem:s6+$0xD0] =	vst v0;
	v0 =	vmul.f32 $1.131370830e+01, v3  }
0x217: {  	v3 =	vld [tilespmem:s6+$0x150];
	[tilespmem:s6+$0xE0] =	vst v1;
	v4 =	vmul.f32 $1.131370830e+01, v4  }
0x218: {  	v1 =	vld [tilespmem:s6+$0x160];
	[tilespmem:s6+$0x100] =	vst v0;
	v0 =	vmul.f32 $1.131370830e+01, v5  }
0x219: {  	v6 =	vmul.f32 $1.131370830e+01, v6;
	v5 =	vld [tilespmem:s6+$0x170];
	[tilespmem:s6+$0x110] =	vst v4  }
0x21a: {  	v4 =	vmul.f32 $1.131370830e+01, v7;
	v7 =	vld [tilespmem:s6+$0x190];
	[tilespmem:s6+$0x120] =	vst v0;
	v0 =	vmul.f32 $1.131370830e+01, v2  }
0x21b: {  	v8 =	vld [tilespmem:s6+$0x1A0];
	[tilespmem:s6+$0x180] =	vst v6  }
0x21c: {  	v2 =	vmul.f32 $1.131370830e+01, v3;
	[tilespmem:s6+$0x140] =	vst v0;
	v0 =	vld [tilespmem:s6+$0x1B0]  }
0x21d: {  	[tilespmem:s6+$0x130] =	vst v4;
	v3 =	vmul.f32 $1.131370830e+01, v1;
	v1 =	vld [tilespmem:s6+$0x1C0]  }
0x21e: {  	[tilespmem:s6+$0x150] =	vst v2;
	v4 =	vmul.f32 $1.131370830e+01, v5;
	v2 =	vld [tilespmem:s6+$0x1D0]  }
0x21f: {  	[tilespmem:s6+$0x160] =	vst v3;
	v3 =	vld [tilespmem:s6+$0x1E0];
	v5 =	vmul.f32 $1.131370830e+01, v7  }
0x220: {  	s9 =	simm.s32 $0x0;
	s12 =	simm.s32 $0x9E00;
	v6 =	vmul.f32 $1.131370830e+01, v8;
	[tilespmem:s6+$0x170] =	vst v4;
	v4 =	vld [tilespmem:s6+$0x0]  }
.LBB2_16:
0x221: {  	v7 =	vld [tilespmem:s12+$0x1F0];
	s9 =	sadd.s32 $0x4, s9;
	[tilespmem:s6+$0x190] =	vst v5;
	v0 =	vmul.f32 $1.131370830e+01, v0  }
0x222: {  	v5 =	vld [tilespmem:s12+$0x10];
	p0 =	slt.u32 s9, $0x7C;
	[tilespmem:s6+$0x1A0] =	vst v6;
	v1 =	vmul.f32 $1.131370830e+01, v1  }
0x223: {  	v6 =	vld [tilespmem:s12+$0x20];
	[tilespmem:s6+$0x1B0] =	vst v0;
	v0 =	vmul.f32 $1.131370830e+01, v2  }
0x224: {  	v2 =	vld [tilespmem:s12+$0x30];
	[tilespmem:s6+$0x1C0] =	vst v1;
	v1 =	vmul.f32 $1.131370830e+01, v3  }
0x225: {  	v3 =	vld [tilespmem:s12+$0x40];
	v4 =	vmul.f32 $1.131370830e+01, v4;
	[tilespmem:s6+$0x1D0] =	vst v0  }
0x226: {  	v0 =	vld [tilespmem:s12+$0x50];
	v7 =	vmul.f32 $1.131370830e+01, v7;
	[tilespmem:s6+$0x1E0] =	vst v1  }
0x227: {  	v1 =	vmul.f32 $1.131370830e+01, v5;
	v5 =	vld [tilespmem:s12+$0x60];
	[tilespmem:s6+$0x0] =	vst v4;
	s6 =	smov.u32 s12  }
0x228: {  	v4 =	vmul.f32 $1.131370830e+01, v6;
	v6 =	vld [tilespmem:s12+$0x70];
	[tilespmem:s12+$0x1F0] =	vst v7  }
0x229: {  	[tilespmem:s12+$0x10] =	vst v1;
	v1 =	vmul.f32 $1.131370830e+01, v2;
	v2 =	vld [tilespmem:s12+$0x80]  }
0x22a: {  	[tilespmem:s12+$0x20] =	vst v4;
	v3 =	vmul.f32 $1.131370830e+01, v3;
	v4 =	vld [tilespmem:s12+$0x90]  }
0x22b: {  	[tilespmem:s12+$0x30] =	vst v1;
	v0 =	vmul.f32 $1.131370830e+01, v0;
	v1 =	vld [tilespmem:s12+$0xA0]  }
0x22c: {  	[tilespmem:s12+$0x40] =	vst v3;
	v3 =	vmul.f32 $1.131370830e+01, v5;
	v5 =	vld [tilespmem:s12+$0xB0]  }
0x22d: {  	[tilespmem:s12+$0x50] =	vst v0;
	v0 =	vmul.f32 $1.131370830e+01, v6;
	v6 =	vld [tilespmem:s12+$0xC0]  }
0x22e: {  	[tilespmem:s12+$0x60] =	vst v3;
	v2 =	vmul.f32 $1.131370830e+01, v2;
	v3 =	vld [tilespmem:s12+$0xD0]  }
0x22f: {  	[tilespmem:s12+$0x70] =	vst v0;
	v0 =	vmul.f32 $1.131370830e+01, v4;
	v4 =	vld [tilespmem:s12+$0xE0]  }
0x230: {  	[tilespmem:s12+$0x80] =	vst v2;
	v1 =	vmul.f32 $1.131370830e+01, v1;
	v2 =	vld [tilespmem:s12+$0xF0]  }
0x231: {  	[tilespmem:s12+$0x90] =	vst v0;
	v0 =	vmul.f32 $1.131370830e+01, v5;
	v5 =	vld [tilespmem:s12+$0x100]  }
0x232: {  	[tilespmem:s12+$0xA0] =	vst v1;
	v1 =	vmul.f32 $1.131370830e+01, v6;
	v6 =	vld [tilespmem:s12+$0x110]  }
0x233: {  	[tilespmem:s12+$0xB0] =	vst v0;
	v0 =	vmul.f32 $1.131370830e+01, v3;
	v3 =	vld [tilespmem:s12+$0x120]  }
0x234: {  	[tilespmem:s12+$0xC0] =	vst v1;
	v1 =	vmul.f32 $1.131370830e+01, v4;
	v4 =	vld [tilespmem:s12+$0x130]  }
0x235: {  	[tilespmem:s12+$0xD0] =	vst v0;
	v0 =	vmul.f32 $1.131370830e+01, v2;
	v2 =	vld [tilespmem:s12+$0x140]  }
0x236: {  	[tilespmem:s12+$0xE0] =	vst v1;
	v1 =	vmul.f32 $1.131370830e+01, v5;
	v5 =	vld [tilespmem:s12+$0x150]  }
0x237: {  	[tilespmem:s12+$0xF0] =	vst v0;
	v0 =	vmul.f32 $1.131370830e+01, v6;
	v6 =	vld [tilespmem:s12+$0x160]  }
0x238: {  	[tilespmem:s12+$0x100] =	vst v1;
	v1 =	vmul.f32 $1.131370830e+01, v3;
	v3 =	vld [tilespmem:s12+$0x170]  }
0x239: {  	[tilespmem:s12+$0x110] =	vst v0;
	v0 =	vmul.f32 $1.131370830e+01, v4;
	v4 =	vld [tilespmem:s12+$0x180]  }
0x23a: {  	[tilespmem:s12+$0x120] =	vst v1;
	v1 =	vmul.f32 $1.131370830e+01, v2;
	v7 =	vld [tilespmem:s12+$0x190]  }
0x23b: {  	[tilespmem:s12+$0x130] =	vst v0;
	v2 =	vmul.f32 $1.131370830e+01, v5;
	v8 =	vld [tilespmem:s12+$0x1A0]  }
.Ltmp7:
0x23c: {  	[tilespmem:s12+$0x140] =	vst v1;
	v5 =	vmul.f32 $1.131370830e+01, v6;
	v0 =	vld [tilespmem:s12+$0x1B0];
	(pc) =	sbr.rel @p0 .LBB2_16-.Ltmp7, $4  }
0x23d: {  	[tilespmem:s12+$0x150] =	vst v2;
	v3 =	vmul.f32 $1.131370830e+01, v3;
	v1 =	vld [tilespmem:s12+$0x1C0]  }
0x23e: {  	[tilespmem:s12+$0x160] =	vst v5;
	v6 =	vmul.f32 $1.131370830e+01, v4;
	v2 =	vld [tilespmem:s12+$0x1D0]  }
0x23f: {  	[tilespmem:s12+$0x170] =	vst v3;
	v5 =	vmul.f32 $1.131370830e+01, v7;
	v3 =	vld [tilespmem:s12+$0x1E0]  }
0x240: {  	s12 =	sadd.s32 $0x200, s12;
	v4 =	vld [tilespmem:s6+$0x0];
	[tilespmem:s6+$0x180] =	vst v6;
	v6 =	vmul.f32 $1.131370830e+01, v8  }
0x241: {  	[tilespmem:s6+$0x190] =	vst v5;
	v0 =	vmul.f32 $1.131370830e+01, v0  }
0x242: {  	[tilespmem:s6+$0x1A0] =	vst v6;
	v1 =	vmul.f32 $1.131370830e+01, v1  }
0x243: {  	[tilespmem:s6+$0x1B0] =	vst v0;
	v0 =	vmul.f32 $1.131370830e+01, v2  }
0x244: {  	[tilespmem:s6+$0x1C0] =	vst v1;
	v1 =	vmul.f32 $1.131370830e+01, v3  }
0x245: {  	v2 =	vmul.f32 $1.131370830e+01, v4;
	[tilespmem:s6+$0x1D0] =	vst v0  }
0x246: {  	[tilespmem:s6+$0x1E0] =	vst v1  }
0x247: {  	[tilespmem:s6+$0x0] =	vst v2  }
0x248: {  	s6 =	rddreg [dreg:$0x6]  }
0x249: {  	[hbm4b:s6+s4] =	stream.linear.scatter [tilespmem:s26], [sflag:$0x7], $0x4000, $0x38;
	[tilespmem:$0x11C00] =	vst v63  }
0x24a: {  	_ =	swait.ge [sflag:s2], $0x4000  }
0x24b: {  	[sflag:s2] =	ssyncset.done $0x0  }
0x24c: {  	s19 =	simm.s32 $0x1880;
	[sflag:s2] =	ssyncadd.s32 $0xFFFFC000  }
0x24d: {  	[tilespmem:s23], [sflag:$0x2] =	stream.indirect.gather [hbm4b:s1+s21], $0x80, s19, s21, $0xb8;
	[tilespmem:$0x11C00] =	vst v63  }
0x24e: {  	_ =	swait.ge [sflag:s17], $0x4000  }
0x24f: {  	[sflag:s17] =	ssyncset.done $0x0  }
0x250: {  	s6 =	simm.s32 $0xDC00;
	[sflag:s17] =	ssyncadd.s32 $0xFFFFC000  }
0x251: {  	v0 =	vld [tilespmem:s6+$0x1F0]  }
0x252: {  	v1 =	vld [tilespmem:s6+$0x10]  }
0x253: {  	v2 =	vld [tilespmem:s6+$0x20]  }
0x254: {  	v3 =	vld [tilespmem:s6+$0x30]  }
0x255: {  	v6 =	vld [tilespmem:s6+$0x60]  }
0x256: {  	v4 =	vld [tilespmem:s6+$0x40]  }
0x257: {  	v5 =	vld [tilespmem:s6+$0x50];
	v0 =	vmul.f32 $1.131370830e+01, v0  }
0x258: {  	v8 =	vld [tilespmem:s6+$0x80];
	v1 =	vmul.f32 $1.131370830e+01, v1  }
0x259: {  	v7 =	vld [tilespmem:s6+$0x70];
	v2 =	vmul.f32 $1.131370830e+01, v2;
	[tilespmem:s6+$0x1F0] =	vst v0  }
0x25a: {  	v6 =	vmul.f32 $1.131370830e+01, v6;
	v0 =	vld [tilespmem:s6+$0x90];
	[tilespmem:s6+$0x10] =	vst v1  }
0x25b: {  	v1 =	vmul.f32 $1.131370830e+01, v3;
	v3 =	vld [tilespmem:s6+$0xA0];
	[tilespmem:s6+$0x20] =	vst v2;
	v2 =	vmul.f32 $1.131370830e+01, v4  }
0x25c: {  	[tilespmem:s6+$0x60] =	vst v6;
	v6 =	vld [tilespmem:s6+$0xF0]  }
0x25d: {  	v4 =	vld [tilespmem:s6+$0xB0];
	[tilespmem:s6+$0x40] =	vst v2;
	v2 =	vmul.f32 $1.131370830e+01, v8  }
0x25e: {  	[tilespmem:s6+$0x30] =	vst v1;
	v1 =	vmul.f32 $1.131370830e+01, v5;
	v5 =	vld [tilespmem:s6+$0xC0]  }
0x25f: {  	v8 =	vld [tilespmem:s6+$0xD0];
	[tilespmem:s6+$0x80] =	vst v2;
	v2 =	vmul.f32 $1.131370830e+01, v7  }
0x260: {  	[tilespmem:s6+$0x50] =	vst v1;
	v1 =	vld [tilespmem:s6+$0xE0];
	v0 =	vmul.f32 $1.131370830e+01, v0  }
0x261: {  	v7 =	vld [tilespmem:s6+$0x130];
	v6 =	vmul.f32 $1.131370830e+01, v6;
	[tilespmem:s6+$0x70] =	vst v2  }
0x262: {  	v2 =	vmul.f32 $1.131370830e+01, v3;
	v3 =	vld [tilespmem:s6+$0x100];
	[tilespmem:s6+$0x90] =	vst v0  }
0x263: {  	v0 =	vmul.f32 $1.131370830e+01, v4;
	v4 =	vld [tilespmem:s6+$0x110];
	[tilespmem:s6+$0xF0] =	vst v6  }
0x264: {  	[tilespmem:s6+$0xA0] =	vst v2;
	v2 =	vmul.f32 $1.131370830e+01, v5;
	v5 =	vld [tilespmem:s6+$0x120]  }
0x265: {  	v6 =	vld [tilespmem:s6+$0x180];
	[tilespmem:s6+$0xB0] =	vst v0;
	v0 =	vmul.f32 $1.131370830e+01, v8  }
0x266: {  	v1 =	vmul.f32 $1.131370830e+01, v1;
	[tilespmem:s6+$0xC0] =	vst v2;
	v2 =	vld [tilespmem:s6+$0x140]  }
0x267: {  	[tilespmem:s6+$0xD0] =	vst v0;
	v0 =	vmul.f32 $1.131370830e+01, v3  }
0x268: {  	v3 =	vld [tilespmem:s6+$0x150];
	[tilespmem:s6+$0xE0] =	vst v1;
	v4 =	vmul.f32 $1.131370830e+01, v4  }
0x269: {  	v1 =	vld [tilespmem:s6+$0x160];
	[tilespmem:s6+$0x100] =	vst v0;
	v0 =	vmul.f32 $1.131370830e+01, v5  }
0x26a: {  	v6 =	vmul.f32 $1.131370830e+01, v6;
	v5 =	vld [tilespmem:s6+$0x170];
	[tilespmem:s6+$0x110] =	vst v4  }
0x26b: {  	v4 =	vmul.f32 $1.131370830e+01, v7;
	v7 =	vld [tilespmem:s6+$0x190];
	[tilespmem:s6+$0x120] =	vst v0;
	v0 =	vmul.f32 $1.131370830e+01, v2  }
0x26c: {  	v8 =	vld [tilespmem:s6+$0x1A0];
	[tilespmem:s6+$0x180] =	vst v6  }
0x26d: {  	v2 =	vmul.f32 $1.131370830e+01, v3;
	[tilespmem:s6+$0x140] =	vst v0;
	v0 =	vld [tilespmem:s6+$0x1B0]  }
0x26e: {  	[tilespmem:s6+$0x130] =	vst v4;
	v3 =	vmul.f32 $1.131370830e+01, v1;
	v1 =	vld [tilespmem:s6+$0x1C0]  }
0x26f: {  	[tilespmem:s6+$0x150] =	vst v2;
	v4 =	vmul.f32 $1.131370830e+01, v5;
	v2 =	vld [tilespmem:s6+$0x1D0]  }
0x270: {  	[tilespmem:s6+$0x160] =	vst v3;
	v3 =	vld [tilespmem:s6+$0x1E0];
	v5 =	vmul.f32 $1.131370830e+01, v7  }
0x271: {  	s9 =	simm.s32 $0x0;
	s12 =	simm.s32 $0xDE00;
	v6 =	vmul.f32 $1.131370830e+01, v8;
	[tilespmem:s6+$0x170] =	vst v4;
	v4 =	vld [tilespmem:s6+$0x0]  }
.LBB2_18:
0x272: {  	v7 =	vld [tilespmem:s12+$0x1F0];
	s9 =	sadd.s32 $0x4, s9;
	[tilespmem:s6+$0x190] =	vst v5;
	v0 =	vmul.f32 $1.131370830e+01, v0  }
0x273: {  	v5 =	vld [tilespmem:s12+$0x10];
	p0 =	slt.u32 s9, $0x7C;
	[tilespmem:s6+$0x1A0] =	vst v6;
	v1 =	vmul.f32 $1.131370830e+01, v1  }
0x274: {  	v6 =	vld [tilespmem:s12+$0x20];
	[tilespmem:s6+$0x1B0] =	vst v0;
	v0 =	vmul.f32 $1.131370830e+01, v2  }
0x275: {  	v2 =	vld [tilespmem:s12+$0x30];
	[tilespmem:s6+$0x1C0] =	vst v1;
	v1 =	vmul.f32 $1.131370830e+01, v3  }
0x276: {  	v3 =	vld [tilespmem:s12+$0x40];
	v4 =	vmul.f32 $1.131370830e+01, v4;
	[tilespmem:s6+$0x1D0] =	vst v0  }
0x277: {  	v0 =	vld [tilespmem:s12+$0x50];
	v7 =	vmul.f32 $1.131370830e+01, v7;
	[tilespmem:s6+$0x1E0] =	vst v1  }
0x278: {  	v1 =	vmul.f32 $1.131370830e+01, v5;
	v5 =	vld [tilespmem:s12+$0x60];
	[tilespmem:s6+$0x0] =	vst v4;
	s6 =	smov.u32 s12  }
0x279: {  	v4 =	vmul.f32 $1.131370830e+01, v6;
	v6 =	vld [tilespmem:s12+$0x70];
	[tilespmem:s12+$0x1F0] =	vst v7  }
0x27a: {  	[tilespmem:s12+$0x10] =	vst v1;
	v1 =	vmul.f32 $1.131370830e+01, v2;
	v2 =	vld [tilespmem:s12+$0x80]  }
0x27b: {  	[tilespmem:s12+$0x20] =	vst v4;
	v3 =	vmul.f32 $1.131370830e+01, v3;
	v4 =	vld [tilespmem:s12+$0x90]  }
0x27c: {  	[tilespmem:s12+$0x30] =	vst v1;
	v0 =	vmul.f32 $1.131370830e+01, v0;
	v1 =	vld [tilespmem:s12+$0xA0]  }
0x27d: {  	[tilespmem:s12+$0x40] =	vst v3;
	v3 =	vmul.f32 $1.131370830e+01, v5;
	v5 =	vld [tilespmem:s12+$0xB0]  }
0x27e: {  	[tilespmem:s12+$0x50] =	vst v0;
	v0 =	vmul.f32 $1.131370830e+01, v6;
	v6 =	vld [tilespmem:s12+$0xC0]  }
0x27f: {  	[tilespmem:s12+$0x60] =	vst v3;
	v2 =	vmul.f32 $1.131370830e+01, v2;
	v3 =	vld [tilespmem:s12+$0xD0]  }
0x280: {  	[tilespmem:s12+$0x70] =	vst v0;
	v0 =	vmul.f32 $1.131370830e+01, v4;
	v4 =	vld [tilespmem:s12+$0xE0]  }
0x281: {  	[tilespmem:s12+$0x80] =	vst v2;
	v1 =	vmul.f32 $1.131370830e+01, v1;
	v2 =	vld [tilespmem:s12+$0xF0]  }
0x282: {  	[tilespmem:s12+$0x90] =	vst v0;
	v0 =	vmul.f32 $1.131370830e+01, v5;
	v5 =	vld [tilespmem:s12+$0x100]  }
0x283: {  	[tilespmem:s12+$0xA0] =	vst v1;
	v1 =	vmul.f32 $1.131370830e+01, v6;
	v6 =	vld [tilespmem:s12+$0x110]  }
0x284: {  	[tilespmem:s12+$0xB0] =	vst v0;
	v0 =	vmul.f32 $1.131370830e+01, v3;
	v3 =	vld [tilespmem:s12+$0x120]  }
0x285: {  	[tilespmem:s12+$0xC0] =	vst v1;
	v1 =	vmul.f32 $1.131370830e+01, v4;
	v4 =	vld [tilespmem:s12+$0x130]  }
0x286: {  	[tilespmem:s12+$0xD0] =	vst v0;
	v0 =	vmul.f32 $1.131370830e+01, v2;
	v2 =	vld [tilespmem:s12+$0x140]  }
0x287: {  	[tilespmem:s12+$0xE0] =	vst v1;
	v1 =	vmul.f32 $1.131370830e+01, v5;
	v5 =	vld [tilespmem:s12+$0x150]  }
0x288: {  	[tilespmem:s12+$0xF0] =	vst v0;
	v0 =	vmul.f32 $1.131370830e+01, v6;
	v6 =	vld [tilespmem:s12+$0x160]  }
0x289: {  	[tilespmem:s12+$0x100] =	vst v1;
	v1 =	vmul.f32 $1.131370830e+01, v3;
	v3 =	vld [tilespmem:s12+$0x170]  }
0x28a: {  	[tilespmem:s12+$0x110] =	vst v0;
	v0 =	vmul.f32 $1.131370830e+01, v4;
	v4 =	vld [tilespmem:s12+$0x180]  }
0x28b: {  	[tilespmem:s12+$0x120] =	vst v1;
	v1 =	vmul.f32 $1.131370830e+01, v2;
	v7 =	vld [tilespmem:s12+$0x190]  }
0x28c: {  	[tilespmem:s12+$0x130] =	vst v0;
	v2 =	vmul.f32 $1.131370830e+01, v5;
	v8 =	vld [tilespmem:s12+$0x1A0]  }
.Ltmp8:
0x28d: {  	[tilespmem:s12+$0x140] =	vst v1;
	v5 =	vmul.f32 $1.131370830e+01, v6;
	v0 =	vld [tilespmem:s12+$0x1B0];
	(pc) =	sbr.rel @p0 .LBB2_18-.Ltmp8, $4  }
0x28e: {  	[tilespmem:s12+$0x150] =	vst v2;
	v3 =	vmul.f32 $1.131370830e+01, v3;
	v1 =	vld [tilespmem:s12+$0x1C0]  }
0x28f: {  	[tilespmem:s12+$0x160] =	vst v5;
	v6 =	vmul.f32 $1.131370830e+01, v4;
	v2 =	vld [tilespmem:s12+$0x1D0]  }
0x290: {  	[tilespmem:s12+$0x170] =	vst v3;
	v5 =	vmul.f32 $1.131370830e+01, v7;
	v3 =	vld [tilespmem:s12+$0x1E0]  }
0x291: {  	s12 =	sadd.s32 $0x200, s12;
	v4 =	vld [tilespmem:s6+$0x0];
	[tilespmem:s6+$0x180] =	vst v6;
	v6 =	vmul.f32 $1.131370830e+01, v8  }
0x292: {  	[tilespmem:s6+$0x190] =	vst v5;
	v0 =	vmul.f32 $1.131370830e+01, v0  }
0x293: {  	[tilespmem:s6+$0x1A0] =	vst v6;
	v1 =	vmul.f32 $1.131370830e+01, v1  }
0x294: {  	[tilespmem:s6+$0x1B0] =	vst v0;
	v0 =	vmul.f32 $1.131370830e+01, v2  }
0x295: {  	[tilespmem:s6+$0x1C0] =	vst v1;
	v1 =	vmul.f32 $1.131370830e+01, v3  }
0x296: {  	v2 =	vmul.f32 $1.131370830e+01, v4;
	[tilespmem:s6+$0x1D0] =	vst v0  }
0x297: {  	[tilespmem:s6+$0x1E0] =	vst v1  }
0x298: {  	[tilespmem:s6+$0x0] =	vst v2  }
0x299: {  	s6 =	rddreg [dreg:$0x7]  }
0x29a: {  	[hbm4b:s6+s4] =	stream.linear.scatter [tilespmem:s30], [sflag:$0x8], $0x4000, $0x38;
	[tilespmem:$0x11C00] =	vst v63  }
0x29b: {  	_ =	swait.ge [sflag:s18], $0x4000  }
0x29c: {  	[sflag:s18] =	ssyncset.done $0x0  }
0x29d: {  	[sflag:s18] =	ssyncadd.s32 $0xFFFFC000  }
0x29e: {  	_ =	swait.ge [sflag:s24], $0x4000  }
0x29f: {  	[sflag:s24] =	ssyncset.done $0x0  }
0x2a0: {  	s6 =	simm.s32 $0x1D00;
	[sflag:s24] =	ssyncadd.s32 $0xFFFFC000  }
0x2a1: {  	v0 =	vld [tilespmem:s6+$0xF0]  }
0x2a2: {  	v1 =	vld [tilespmem:s6+$0xFFFFFF10]  }
0x2a3: {  	v2 =	vld [tilespmem:s6+$0xFFFFFF20]  }
0x2a4: {  	v3 =	vld [tilespmem:s6+$0xFFFFFF30]  }
0x2a5: {  	v6 =	vld [tilespmem:s6+$0xFFFFFF60]  }
0x2a6: {  	v4 =	vld [tilespmem:s6+$0xFFFFFF40]  }
0x2a7: {  	v5 =	vld [tilespmem:s6+$0xFFFFFF50];
	v0 =	vmul.f32 $1.131370830e+01, v0  }
0x2a8: {  	v8 =	vld [tilespmem:s6+$0xFFFFFF80];
	v1 =	vmul.f32 $1.131370830e+01, v1  }
0x2a9: {  	v7 =	vld [tilespmem:s6+$0xFFFFFF70];
	v2 =	vmul.f32 $1.131370830e+01, v2;
	[tilespmem:s6+$0xF0] =	vst v0  }
0x2aa: {  	v6 =	vmul.f32 $1.131370830e+01, v6;
	v0 =	vld [tilespmem:s6+$0xFFFFFF90];
	[tilespmem:s6+$0xFFFFFF10] =	vst v1  }
0x2ab: {  	v1 =	vmul.f32 $1.131370830e+01, v3;
	v3 =	vld [tilespmem:s6+$0xFFFFFFA0];
	[tilespmem:s6+$0xFFFFFF20] =	vst v2;
	v2 =	vmul.f32 $1.131370830e+01, v4  }
0x2ac: {  	[tilespmem:s6+$0xFFFFFF60] =	vst v6;
	v6 =	vld [tilespmem:s6+$0xFFFFFFF0]  }
0x2ad: {  	v4 =	vld [tilespmem:s6+$0xFFFFFFB0];
	[tilespmem:s6+$0xFFFFFF40] =	vst v2;
	v2 =	vmul.f32 $1.131370830e+01, v8  }
0x2ae: {  	[tilespmem:s6+$0xFFFFFF30] =	vst v1;
	v1 =	vmul.f32 $1.131370830e+01, v5;
	v5 =	vld [tilespmem:s6+$0xFFFFFFC0]  }
0x2af: {  	v8 =	vld [tilespmem:s6+$0xFFFFFFD0];
	[tilespmem:s6+$0xFFFFFF80] =	vst v2;
	v2 =	vmul.f32 $1.131370830e+01, v7  }
0x2b0: {  	[tilespmem:s6+$0xFFFFFF50] =	vst v1;
	v1 =	vld [tilespmem:s6+$0xFFFFFFE0];
	v0 =	vmul.f32 $1.131370830e+01, v0  }
0x2b1: {  	v7 =	vld [tilespmem:s6+$0x30];
	v6 =	vmul.f32 $1.131370830e+01, v6;
	[tilespmem:s6+$0xFFFFFF70] =	vst v2  }
0x2b2: {  	v2 =	vmul.f32 $1.131370830e+01, v3;
	v3 =	vld [tilespmem:s6+$0x0];
	[tilespmem:s6+$0xFFFFFF90] =	vst v0  }
0x2b3: {  	v0 =	vmul.f32 $1.131370830e+01, v4;
	v4 =	vld [tilespmem:s6+$0x10];
	[tilespmem:s6+$0xFFFFFFF0] =	vst v6  }
0x2b4: {  	[tilespmem:s6+$0xFFFFFFA0] =	vst v2;
	v2 =	vmul.f32 $1.131370830e+01, v5;
	v5 =	vld [tilespmem:s6+$0x20]  }
0x2b5: {  	v6 =	vld [tilespmem:s6+$0x80];
	[tilespmem:s6+$0xFFFFFFB0] =	vst v0;
	v0 =	vmul.f32 $1.131370830e+01, v8  }
0x2b6: {  	v1 =	vmul.f32 $1.131370830e+01, v1;
	[tilespmem:s6+$0xFFFFFFC0] =	vst v2;
	v2 =	vld [tilespmem:s6+$0x40]  }
0x2b7: {  	[tilespmem:s6+$0xFFFFFFD0] =	vst v0;
	v0 =	vmul.f32 $1.131370830e+01, v3  }
0x2b8: {  	v3 =	vld [tilespmem:s6+$0x50];
	[tilespmem:s6+$0xFFFFFFE0] =	vst v1;
	v4 =	vmul.f32 $1.131370830e+01, v4  }
0x2b9: {  	v1 =	vld [tilespmem:s6+$0x60];
	[tilespmem:s6+$0x0] =	vst v0;
	v0 =	vmul.f32 $1.131370830e+01, v5  }
0x2ba: {  	v6 =	vmul.f32 $1.131370830e+01, v6;
	v5 =	vld [tilespmem:s6+$0x70];
	[tilespmem:s6+$0x10] =	vst v4  }
0x2bb: {  	v4 =	vmul.f32 $1.131370830e+01, v7;
	v7 =	vld [tilespmem:s6+$0x90];
	[tilespmem:s6+$0x20] =	vst v0;
	v0 =	vmul.f32 $1.131370830e+01, v2  }
0x2bc: {  	v8 =	vld [tilespmem:s6+$0xA0];
	[tilespmem:s6+$0x80] =	vst v6  }
0x2bd: {  	v2 =	vmul.f32 $1.131370830e+01, v3;
	[tilespmem:s6+$0x40] =	vst v0;
	v0 =	vld [tilespmem:s6+$0xB0]  }
0x2be: {  	[tilespmem:s6+$0x30] =	vst v4;
	v3 =	vmul.f32 $1.131370830e+01, v1;
	v1 =	vld [tilespmem:s6+$0xC0]  }
0x2bf: {  	[tilespmem:s6+$0x50] =	vst v2;
	v4 =	vmul.f32 $1.131370830e+01, v5;
	v2 =	vld [tilespmem:s6+$0xD0]  }
0x2c0: {  	[tilespmem:s6+$0x60] =	vst v3;
	v3 =	vld [tilespmem:s6+$0xE0];
	v5 =	vmul.f32 $1.131370830e+01, v7  }
0x2c1: {  	s9 =	simm.s32 $0x0;
	s12 =	simm.s32 $0x1F00;
	v6 =	vmul.f32 $1.131370830e+01, v8;
	[tilespmem:s6+$0x70] =	vst v4;
	v4 =	vld [tilespmem:s6+$0xFFFFFF00]  }
.LBB2_20:
0x2c2: {  	v7 =	vld [tilespmem:s12+$0xF0];
	s9 =	sadd.s32 $0x4, s9;
	[tilespmem:s6+$0x90] =	vst v5;
	v0 =	vmul.f32 $1.131370830e+01, v0  }
0x2c3: {  	v5 =	vld [tilespmem:s12+$0xFFFFFF10];
	p0 =	slt.u32 s9, $0x7C;
	[tilespmem:s6+$0xA0] =	vst v6;
	v1 =	vmul.f32 $1.131370830e+01, v1  }
0x2c4: {  	v6 =	vld [tilespmem:s12+$0xFFFFFF20];
	[tilespmem:s6+$0xB0] =	vst v0;
	v0 =	vmul.f32 $1.131370830e+01, v2  }
0x2c5: {  	v2 =	vld [tilespmem:s12+$0xFFFFFF30];
	[tilespmem:s6+$0xC0] =	vst v1;
	v1 =	vmul.f32 $1.131370830e+01, v3  }
0x2c6: {  	v3 =	vld [tilespmem:s12+$0xFFFFFF40];
	v4 =	vmul.f32 $1.131370830e+01, v4;
	[tilespmem:s6+$0xD0] =	vst v0  }
0x2c7: {  	v0 =	vld [tilespmem:s12+$0xFFFFFF50];
	v7 =	vmul.f32 $1.131370830e+01, v7;
	[tilespmem:s6+$0xE0] =	vst v1  }
0x2c8: {  	v1 =	vmul.f32 $1.131370830e+01, v5;
	v5 =	vld [tilespmem:s12+$0xFFFFFF60];
	[tilespmem:s6+$0xFFFFFF00] =	vst v4;
	s6 =	smov.u32 s12  }
0x2c9: {  	v4 =	vmul.f32 $1.131370830e+01, v6;
	v6 =	vld [tilespmem:s12+$0xFFFFFF70];
	[tilespmem:s12+$0xF0] =	vst v7  }
0x2ca: {  	[tilespmem:s12+$0xFFFFFF10] =	vst v1;
	v1 =	vmul.f32 $1.131370830e+01, v2;
	v2 =	vld [tilespmem:s12+$0xFFFFFF80]  }
0x2cb: {  	[tilespmem:s12+$0xFFFFFF20] =	vst v4;
	v3 =	vmul.f32 $1.131370830e+01, v3;
	v4 =	vld [tilespmem:s12+$0xFFFFFF90]  }
0x2cc: {  	[tilespmem:s12+$0xFFFFFF30] =	vst v1;
	v0 =	vmul.f32 $1.131370830e+01, v0;
	v1 =	vld [tilespmem:s12+$0xFFFFFFA0]  }
0x2cd: {  	[tilespmem:s12+$0xFFFFFF40] =	vst v3;
	v3 =	vmul.f32 $1.131370830e+01, v5;
	v5 =	vld [tilespmem:s12+$0xFFFFFFB0]  }
0x2ce: {  	[tilespmem:s12+$0xFFFFFF50] =	vst v0;
	v0 =	vmul.f32 $1.131370830e+01, v6;
	v6 =	vld [tilespmem:s12+$0xFFFFFFC0]  }
0x2cf: {  	[tilespmem:s12+$0xFFFFFF60] =	vst v3;
	v2 =	vmul.f32 $1.131370830e+01, v2;
	v3 =	vld [tilespmem:s12+$0xFFFFFFD0]  }
0x2d0: {  	[tilespmem:s12+$0xFFFFFF70] =	vst v0;
	v0 =	vmul.f32 $1.131370830e+01, v4;
	v4 =	vld [tilespmem:s12+$0xFFFFFFE0]  }
0x2d1: {  	[tilespmem:s12+$0xFFFFFF80] =	vst v2;
	v1 =	vmul.f32 $1.131370830e+01, v1;
	v2 =	vld [tilespmem:s12+$0xFFFFFFF0]  }
0x2d2: {  	[tilespmem:s12+$0xFFFFFF90] =	vst v0;
	v0 =	vmul.f32 $1.131370830e+01, v5;
	v5 =	vld [tilespmem:s12+$0x0]  }
0x2d3: {  	[tilespmem:s12+$0xFFFFFFA0] =	vst v1;
	v1 =	vmul.f32 $1.131370830e+01, v6;
	v6 =	vld [tilespmem:s12+$0x10]  }
0x2d4: {  	[tilespmem:s12+$0xFFFFFFB0] =	vst v0;
	v0 =	vmul.f32 $1.131370830e+01, v3;
	v3 =	vld [tilespmem:s12+$0x20]  }
0x2d5: {  	[tilespmem:s12+$0xFFFFFFC0] =	vst v1;
	v1 =	vmul.f32 $1.131370830e+01, v4;
	v4 =	vld [tilespmem:s12+$0x30]  }
0x2d6: {  	[tilespmem:s12+$0xFFFFFFD0] =	vst v0;
	v0 =	vmul.f32 $1.131370830e+01, v2;
	v2 =	vld [tilespmem:s12+$0x40]  }
0x2d7: {  	[tilespmem:s12+$0xFFFFFFE0] =	vst v1;
	v1 =	vmul.f32 $1.131370830e+01, v5;
	v5 =	vld [tilespmem:s12+$0x50]  }
0x2d8: {  	[tilespmem:s12+$0xFFFFFFF0] =	vst v0;
	v0 =	vmul.f32 $1.131370830e+01, v6;
	v6 =	vld [tilespmem:s12+$0x60]  }
0x2d9: {  	[tilespmem:s12+$0x0] =	vst v1;
	v1 =	vmul.f32 $1.131370830e+01, v3;
	v3 =	vld [tilespmem:s12+$0x70]  }
0x2da: {  	[tilespmem:s12+$0x10] =	vst v0;
	v0 =	vmul.f32 $1.131370830e+01, v4;
	v4 =	vld [tilespmem:s12+$0x80]  }
0x2db: {  	[tilespmem:s12+$0x20] =	vst v1;
	v1 =	vmul.f32 $1.131370830e+01, v2;
	v7 =	vld [tilespmem:s12+$0x90]  }
0x2dc: {  	[tilespmem:s12+$0x30] =	vst v0;
	v2 =	vmul.f32 $1.131370830e+01, v5;
	v8 =	vld [tilespmem:s12+$0xA0]  }
.Ltmp9:
0x2dd: {  	[tilespmem:s12+$0x40] =	vst v1;
	v5 =	vmul.f32 $1.131370830e+01, v6;
	v0 =	vld [tilespmem:s12+$0xB0];
	(pc) =	sbr.rel @p0 .LBB2_20-.Ltmp9, $4  }
0x2de: {  	[tilespmem:s12+$0x50] =	vst v2;
	v3 =	vmul.f32 $1.131370830e+01, v3;
	v1 =	vld [tilespmem:s12+$0xC0]  }
0x2df: {  	[tilespmem:s12+$0x60] =	vst v5;
	v6 =	vmul.f32 $1.131370830e+01, v4;
	v2 =	vld [tilespmem:s12+$0xD0]  }
0x2e0: {  	[tilespmem:s12+$0x70] =	vst v3;
	v5 =	vmul.f32 $1.131370830e+01, v7;
	v3 =	vld [tilespmem:s12+$0xE0]  }
0x2e1: {  	s12 =	sadd.s32 $0x200, s12;
	v4 =	vld [tilespmem:s6+$0xFFFFFF00];
	[tilespmem:s6+$0x80] =	vst v6;
	v6 =	vmul.f32 $1.131370830e+01, v8  }
0x2e2: {  	[tilespmem:s6+$0x90] =	vst v5;
	v0 =	vmul.f32 $1.131370830e+01, v0  }
0x2e3: {  	[tilespmem:s6+$0xA0] =	vst v6;
	v1 =	vmul.f32 $1.131370830e+01, v1  }
0x2e4: {  	[tilespmem:s6+$0xB0] =	vst v0;
	v0 =	vmul.f32 $1.131370830e+01, v2  }
0x2e5: {  	[tilespmem:s6+$0xC0] =	vst v1;
	v1 =	vmul.f32 $1.131370830e+01, v3  }
0x2e6: {  	v2 =	vmul.f32 $1.131370830e+01, v4;
	[tilespmem:s6+$0xD0] =	vst v0  }
0x2e7: {  	[tilespmem:s6+$0xE0] =	vst v1  }
0x2e8: {  	[tilespmem:s6+$0xFFFFFF00] =	vst v2  }
0x2e9: {  	s6 =	rddreg [dreg:$0x8]  }
0x2ea: {  	[hbm4b:s6+s4] =	stream.linear.scatter [tilespmem:s22], [sflag:$0x5], $0x4000, $0x38;
	[tilespmem:$0x11C00] =	vst v63  }
0x2eb: {  	_ =	swait.ge [sflag:s25], $0x4000  }
0x2ec: {  	[sflag:s25] =	ssyncset.done $0x0  }
0x2ed: {  	[sflag:s25] =	ssyncadd.s32 $0xFFFFC000  }
0x2ee: {  	_ =	swait.ge [sflag:s28], $0x4000  }
0x2ef: {  	[sflag:s28] =	ssyncset.done $0x0  }
0x2f0: {  	s6 =	simm.s32 $0x5C00;
	[sflag:s28] =	ssyncadd.s32 $0xFFFFC000  }
0x2f1: {  	v0 =	vld [tilespmem:s6+$0x1F0]  }
0x2f2: {  	v1 =	vld [tilespmem:s6+$0x10]  }
0x2f3: {  	v2 =	vld [tilespmem:s6+$0x20]  }
0x2f4: {  	v3 =	vld [tilespmem:s6+$0x30]  }
0x2f5: {  	v6 =	vld [tilespmem:s6+$0x60]  }
0x2f6: {  	v4 =	vld [tilespmem:s6+$0x40]  }
0x2f7: {  	v5 =	vld [tilespmem:s6+$0x50];
	v0 =	vmul.f32 $1.131370830e+01, v0  }
0x2f8: {  	v8 =	vld [tilespmem:s6+$0x80];
	v1 =	vmul.f32 $1.131370830e+01, v1  }
0x2f9: {  	v7 =	vld [tilespmem:s6+$0x70];
	v2 =	vmul.f32 $1.131370830e+01, v2;
	[tilespmem:s6+$0x1F0] =	vst v0  }
0x2fa: {  	v6 =	vmul.f32 $1.131370830e+01, v6;
	v0 =	vld [tilespmem:s6+$0x90];
	[tilespmem:s6+$0x10] =	vst v1  }
0x2fb: {  	v1 =	vmul.f32 $1.131370830e+01, v3;
	v3 =	vld [tilespmem:s6+$0xA0];
	[tilespmem:s6+$0x20] =	vst v2;
	v2 =	vmul.f32 $1.131370830e+01, v4  }
0x2fc: {  	[tilespmem:s6+$0x60] =	vst v6;
	v6 =	vld [tilespmem:s6+$0xF0]  }
0x2fd: {  	v4 =	vld [tilespmem:s6+$0xB0];
	[tilespmem:s6+$0x40] =	vst v2;
	v2 =	vmul.f32 $1.131370830e+01, v8  }
0x2fe: {  	[tilespmem:s6+$0x30] =	vst v1;
	v1 =	vmul.f32 $1.131370830e+01, v5;
	v5 =	vld [tilespmem:s6+$0xC0]  }
0x2ff: {  	v8 =	vld [tilespmem:s6+$0xD0];
	[tilespmem:s6+$0x80] =	vst v2;
	v2 =	vmul.f32 $1.131370830e+01, v7  }
0x300: {  	[tilespmem:s6+$0x50] =	vst v1;
	v1 =	vld [tilespmem:s6+$0xE0];
	v0 =	vmul.f32 $1.131370830e+01, v0  }
0x301: {  	v7 =	vld [tilespmem:s6+$0x130];
	v6 =	vmul.f32 $1.131370830e+01, v6;
	[tilespmem:s6+$0x70] =	vst v2  }
0x302: {  	v2 =	vmul.f32 $1.131370830e+01, v3;
	v3 =	vld [tilespmem:s6+$0x100];
	[tilespmem:s6+$0x90] =	vst v0  }
0x303: {  	v0 =	vmul.f32 $1.131370830e+01, v4;
	v4 =	vld [tilespmem:s6+$0x110];
	[tilespmem:s6+$0xF0] =	vst v6  }
0x304: {  	[tilespmem:s6+$0xA0] =	vst v2;
	v2 =	vmul.f32 $1.131370830e+01, v5;
	v5 =	vld [tilespmem:s6+$0x120]  }
0x305: {  	v6 =	vld [tilespmem:s6+$0x180];
	[tilespmem:s6+$0xB0] =	vst v0;
	v0 =	vmul.f32 $1.131370830e+01, v8  }
0x306: {  	v1 =	vmul.f32 $1.131370830e+01, v1;
	[tilespmem:s6+$0xC0] =	vst v2;
	v2 =	vld [tilespmem:s6+$0x140]  }
0x307: {  	[tilespmem:s6+$0xD0] =	vst v0;
	v0 =	vmul.f32 $1.131370830e+01, v3  }
0x308: {  	v3 =	vld [tilespmem:s6+$0x150];
	[tilespmem:s6+$0xE0] =	vst v1;
	v4 =	vmul.f32 $1.131370830e+01, v4  }
0x309: {  	v1 =	vld [tilespmem:s6+$0x160];
	[tilespmem:s6+$0x100] =	vst v0;
	v0 =	vmul.f32 $1.131370830e+01, v5  }
0x30a: {  	v6 =	vmul.f32 $1.131370830e+01, v6;
	v5 =	vld [tilespmem:s6+$0x170];
	[tilespmem:s6+$0x110] =	vst v4  }
0x30b: {  	v4 =	vmul.f32 $1.131370830e+01, v7;
	v7 =	vld [tilespmem:s6+$0x190];
	[tilespmem:s6+$0x120] =	vst v0;
	v0 =	vmul.f32 $1.131370830e+01, v2  }
0x30c: {  	v8 =	vld [tilespmem:s6+$0x1A0];
	[tilespmem:s6+$0x180] =	vst v6  }
0x30d: {  	v2 =	vmul.f32 $1.131370830e+01, v3;
	[tilespmem:s6+$0x140] =	vst v0;
	v0 =	vld [tilespmem:s6+$0x1B0]  }
0x30e: {  	[tilespmem:s6+$0x130] =	vst v4;
	v3 =	vmul.f32 $1.131370830e+01, v1;
	v1 =	vld [tilespmem:s6+$0x1C0]  }
0x30f: {  	[tilespmem:s6+$0x150] =	vst v2;
	v4 =	vmul.f32 $1.131370830e+01, v5;
	v2 =	vld [tilespmem:s6+$0x1D0]  }
0x310: {  	[tilespmem:s6+$0x160] =	vst v3;
	v3 =	vld [tilespmem:s6+$0x1E0];
	v5 =	vmul.f32 $1.131370830e+01, v7  }
0x311: {  	s9 =	simm.s32 $0x0;
	s12 =	simm.s32 $0x5E00;
	v6 =	vmul.f32 $1.131370830e+01, v8;
	[tilespmem:s6+$0x170] =	vst v4;
	v4 =	vld [tilespmem:s6+$0x0]  }
.LBB2_22:
0x312: {  	v7 =	vld [tilespmem:s12+$0x1F0];
	s9 =	sadd.s32 $0x4, s9;
	[tilespmem:s6+$0x190] =	vst v5;
	v0 =	vmul.f32 $1.131370830e+01, v0  }
0x313: {  	v5 =	vld [tilespmem:s12+$0x10];
	p0 =	slt.u32 s9, $0x7C;
	[tilespmem:s6+$0x1A0] =	vst v6;
	v1 =	vmul.f32 $1.131370830e+01, v1  }
0x314: {  	v6 =	vld [tilespmem:s12+$0x20];
	[tilespmem:s6+$0x1B0] =	vst v0;
	v0 =	vmul.f32 $1.131370830e+01, v2  }
0x315: {  	v2 =	vld [tilespmem:s12+$0x30];
	[tilespmem:s6+$0x1C0] =	vst v1;
	v1 =	vmul.f32 $1.131370830e+01, v3  }
0x316: {  	v3 =	vld [tilespmem:s12+$0x40];
	v4 =	vmul.f32 $1.131370830e+01, v4;
	[tilespmem:s6+$0x1D0] =	vst v0  }
0x317: {  	v0 =	vld [tilespmem:s12+$0x50];
	v7 =	vmul.f32 $1.131370830e+01, v7;
	[tilespmem:s6+$0x1E0] =	vst v1  }
0x318: {  	v1 =	vmul.f32 $1.131370830e+01, v5;
	v5 =	vld [tilespmem:s12+$0x60];
	[tilespmem:s6+$0x0] =	vst v4;
	s6 =	smov.u32 s12  }
0x319: {  	v4 =	vmul.f32 $1.131370830e+01, v6;
	v6 =	vld [tilespmem:s12+$0x70];
	[tilespmem:s12+$0x1F0] =	vst v7  }
0x31a: {  	[tilespmem:s12+$0x10] =	vst v1;
	v1 =	vmul.f32 $1.131370830e+01, v2;
	v2 =	vld [tilespmem:s12+$0x80]  }
0x31b: {  	[tilespmem:s12+$0x20] =	vst v4;
	v3 =	vmul.f32 $1.131370830e+01, v3;
	v4 =	vld [tilespmem:s12+$0x90]  }
0x31c: {  	[tilespmem:s12+$0x30] =	vst v1;
	v0 =	vmul.f32 $1.131370830e+01, v0;
	v1 =	vld [tilespmem:s12+$0xA0]  }
0x31d: {  	[tilespmem:s12+$0x40] =	vst v3;
	v3 =	vmul.f32 $1.131370830e+01, v5;
	v5 =	vld [tilespmem:s12+$0xB0]  }
0x31e: {  	[tilespmem:s12+$0x50] =	vst v0;
	v0 =	vmul.f32 $1.131370830e+01, v6;
	v6 =	vld [tilespmem:s12+$0xC0]  }
0x31f: {  	[tilespmem:s12+$0x60] =	vst v3;
	v2 =	vmul.f32 $1.131370830e+01, v2;
	v3 =	vld [tilespmem:s12+$0xD0]  }
0x320: {  	[tilespmem:s12+$0x70] =	vst v0;
	v0 =	vmul.f32 $1.131370830e+01, v4;
	v4 =	vld [tilespmem:s12+$0xE0]  }
0x321: {  	[tilespmem:s12+$0x80] =	vst v2;
	v1 =	vmul.f32 $1.131370830e+01, v1;
	v2 =	vld [tilespmem:s12+$0xF0]  }
0x322: {  	[tilespmem:s12+$0x90] =	vst v0;
	v0 =	vmul.f32 $1.131370830e+01, v5;
	v5 =	vld [tilespmem:s12+$0x100]  }
0x323: {  	[tilespmem:s12+$0xA0] =	vst v1;
	v1 =	vmul.f32 $1.131370830e+01, v6;
	v6 =	vld [tilespmem:s12+$0x110]  }
0x324: {  	[tilespmem:s12+$0xB0] =	vst v0;
	v0 =	vmul.f32 $1.131370830e+01, v3;
	v3 =	vld [tilespmem:s12+$0x120]  }
0x325: {  	[tilespmem:s12+$0xC0] =	vst v1;
	v1 =	vmul.f32 $1.131370830e+01, v4;
	v4 =	vld [tilespmem:s12+$0x130]  }
0x326: {  	[tilespmem:s12+$0xD0] =	vst v0;
	v0 =	vmul.f32 $1.131370830e+01, v2;
	v2 =	vld [tilespmem:s12+$0x140]  }
0x327: {  	[tilespmem:s12+$0xE0] =	vst v1;
	v1 =	vmul.f32 $1.131370830e+01, v5;
	v5 =	vld [tilespmem:s12+$0x150]  }
0x328: {  	[tilespmem:s12+$0xF0] =	vst v0;
	v0 =	vmul.f32 $1.131370830e+01, v6;
	v6 =	vld [tilespmem:s12+$0x160]  }
0x329: {  	[tilespmem:s12+$0x100] =	vst v1;
	v1 =	vmul.f32 $1.131370830e+01, v3;
	v3 =	vld [tilespmem:s12+$0x170]  }
0x32a: {  	[tilespmem:s12+$0x110] =	vst v0;
	v0 =	vmul.f32 $1.131370830e+01, v4;
	v4 =	vld [tilespmem:s12+$0x180]  }
0x32b: {  	[tilespmem:s12+$0x120] =	vst v1;
	v1 =	vmul.f32 $1.131370830e+01, v2;
	v7 =	vld [tilespmem:s12+$0x190]  }
0x32c: {  	[tilespmem:s12+$0x130] =	vst v0;
	v2 =	vmul.f32 $1.131370830e+01, v5;
	v8 =	vld [tilespmem:s12+$0x1A0]  }
.Ltmp10:
0x32d: {  	[tilespmem:s12+$0x140] =	vst v1;
	v5 =	vmul.f32 $1.131370830e+01, v6;
	v0 =	vld [tilespmem:s12+$0x1B0];
	(pc) =	sbr.rel @p0 .LBB2_22-.Ltmp10, $4  }
0x32e: {  	[tilespmem:s12+$0x150] =	vst v2;
	v3 =	vmul.f32 $1.131370830e+01, v3;
	v1 =	vld [tilespmem:s12+$0x1C0]  }
0x32f: {  	[tilespmem:s12+$0x160] =	vst v5;
	v6 =	vmul.f32 $1.131370830e+01, v4;
	v2 =	vld [tilespmem:s12+$0x1D0]  }
0x330: {  	[tilespmem:s12+$0x170] =	vst v3;
	v5 =	vmul.f32 $1.131370830e+01, v7;
	v3 =	vld [tilespmem:s12+$0x1E0]  }
0x331: {  	s12 =	sadd.s32 $0x200, s12;
	v4 =	vld [tilespmem:s6+$0x0];
	[tilespmem:s6+$0x180] =	vst v6;
	v6 =	vmul.f32 $1.131370830e+01, v8  }
0x332: {  	[tilespmem:s6+$0x190] =	vst v5;
	v0 =	vmul.f32 $1.131370830e+01, v0  }
0x333: {  	[tilespmem:s6+$0x1A0] =	vst v6;
	v1 =	vmul.f32 $1.131370830e+01, v1  }
0x334: {  	[tilespmem:s6+$0x1B0] =	vst v0;
	v61 =	vmul.f32 $1.131370830e+01, v2  }
0x335: {  	[tilespmem:s6+$0x1C0] =	vst v1;
	v62 =	vmul.f32 $1.131370830e+01, v3  }
0x336: {  	v63 =	vmul.f32 $1.131370830e+01, v4;
	[tilespmem:s6+$0x1D0] =	vst v61  }
0x337: {  	[tilespmem:s6+$0x1E0] =	vst v62  }
0x338: {  	[tilespmem:s6+$0x0] =	vst v63  }
0x339: {  	s29 =	sadd.s32 $0x1, s29;
	s6 =	rddreg [dreg:$0x9]  }
0x33a: {  	[hbm4b:s6+s4] =	stream.linear.scatter [tilespmem:s23], [sflag:$0x6], $0x4000, $0x38;
	[tilespmem:$0x11C00] =	vst v63  }
0x33b: {  	p0 =	sne.s32 s29, s16;
	_ =	swait.ge [sflag:s31], $0x4000  }
.Ltmp11:
0x33c: {  	[sflag:s31] =	ssyncset.done $0x0;
	(pc) =	sbr.rel @p0 .LBB2_1-.Ltmp11, $4  }
0x33d: {  	[sflag:s31] =	ssyncadd.s32 $0xFFFFC000  }
0x33e: {  	_ =	swait.ge [sflag:s2], $0x4000  }
0x33f: {  	[sflag:s2] =	ssyncset.done $0x0  }
0x340: {  	[sflag:s2] =	ssyncadd.s32 $0xFFFFC000  }
0x341: {  	_ =	sfence.sel $0x180000  }
0x342: {  	[bflag:$0x0] =	sbarrier.arrive $0xFFFF  }
0x343: {  	_ =	strace $0x90000047  }
0x344: {  	s0 =	stileid.u32;
	[bflag:$0x2] =	sbarrier.arrive $0xFFFF  }
0x345: {  	p0 =	sne.s32 s0, $0x0;
	s0 =	rddreg [dreg:$0x3]  }
0x346: {  	s0 =	sadd.s32 @!p0 $0x100000, s0  }
0x347: {  	[sflag:s0] =	ssyncadd.tile.s32 @!p0 $0x1;
	_ =	shalt  }
.Lfunc_end2:
_tile_overlayer_lowered:
.L_overlay_start_2:
0x348: {  	(tag) =	ssettag $0x2  }
0x349: {  	s0 =	rddreg [dreg:$0x0];
	s2 =	stileid.u32  }
0x34a: {  	s1 =	rddreg [dreg:$0x1];
	p0 =	sne.s32 s2, $0x0  }
0x34b: {  	s3 =	rddreg [dreg:$0x2];
	[bflag:$0x3] =	sbarrier.arrive $0xFFFF;
	s2 =	simm.s32 @!p0 $0x1C09  }
0x34c: {  	[timem:s3], [sflag:s2] =	dma.local @!p0 [hbm:s0], s1  }
0x34d: {  	s0 =	simm.s32 @!p0 $0x9  }
0x34e: {  	_ =	swait.ge @!p0 [sflag:s0], s1  }
0x34f: {  	s1 =	ssub.s32 @!p0 $0x0, s1;
	[sflag:s0] =	ssyncset.done @!p0 $0x0  }
0x350: {  	[sflag:s0] =	ssyncadd.s32 @!p0 s1  }
0x351: {  	[bflag:$0x3] =	sbarrier.arrive $0xFFFF  }
0x352: {  	_ =	shalt  }

</sc_bundles>
